<compile_context>
chip_gen: v7x
topology: tpu7x:2x2x1
jax: 0.10.2.dev20260603
libtpu: 0.0.44.dev20260713+nightly
codegen_flags: <defaults>
</compile_context>

<pallas_src>
import functools

import jax
import jax.numpy as jnp
import numpy as np
from jax import lax
from jax.experimental import pallas as pl
from jax.experimental.pallas import tpu as pltpu
from jax.experimental.pallas import tpu_sc as plsc

N = 50000
E = 800000
C = 32
H = 4
HD = 8
NRBF = 16
NT = 15

NC = 2
NS = 16
NW = NC * NS
PER_W = E // NW
CB = 128
NCH = PER_W // CB
TB = PER_W - NCH * CB
SW = 36
CBS = 4000

BN = 2048
BE = 4096

_INV_SQRT_HD = float(1.0 / np.sqrt(HD))


def _sc_gather(tsrc, src_idx, tdst, dst_idx, w1, w2):
    mesh = plsc.VectorSubcoreMesh(core_axis_name="c", subcore_axis_name="s")

    @functools.partial(
        pl.kernel,
        mesh=mesh,
        compiler_params=pltpu.CompilerParams(use_tc_tiling_on_sc=False),
        out_type=[
            jax.ShapeDtypeStruct((E, w1), jnp.float32),
            jax.ShapeDtypeStruct((E, w2), jnp.float32),
        ],
        scratch_types=[
            pltpu.VMEM((CB,), jnp.int32), pltpu.VMEM((CB,), jnp.int32),
            pltpu.VMEM((CB, w1), jnp.float32), pltpu.VMEM((CB, w2), jnp.float32),
            pltpu.VMEM((CB,), jnp.int32), pltpu.VMEM((CB,), jnp.int32),
            pltpu.VMEM((CB, w1), jnp.float32), pltpu.VMEM((CB, w2), jnp.float32),
            pltpu.SemaphoreType.DMA, pltpu.SemaphoreType.DMA,
        ],
    )
    def gather2_k(tsrc_hbm, src_hbm, tdst_hbm, dst_hbm, g1_hbm, g2_hbm,
                  i1a, i2a, r1a, r2a, i1b, i2b, r1b, r2b, sema, semb):
        wid = lax.axis_index("s") * NC + lax.axis_index("c")
        base_w = wid * PER_W

        def stage(base, i1, i2, r1, r2, sem):
            pltpu.sync_copy(src_hbm.at[pl.ds(base, CB)], i1)
            pltpu.sync_copy(dst_hbm.at[pl.ds(base, CB)], i2)
            pltpu.async_copy(tsrc_hbm.at[i1], r1, sem)
            pltpu.async_copy(tdst_hbm.at[i2], r2, sem)

        def finish(base, i1, i2, r1, r2, sem):
            pltpu.make_async_copy(tsrc_hbm.at[i1], r1, sem).wait()
            pltpu.make_async_copy(tdst_hbm.at[i2], r2, sem).wait()
            pltpu.sync_copy(r1, g1_hbm.at[pl.ds(base, CB)])
            pltpu.sync_copy(r2, g2_hbm.at[pl.ds(base, CB)])

        def body(j, carry):
            b0 = base_w + (2 * j) * CB
            b1 = b0 + CB
            stage(b0, i1a, i2a, r1a, r2a, sema)
            stage(b1, i1b, i2b, r1b, r2b, semb)
            finish(b0, i1a, i2a, r1a, r2a, sema)
            finish(b1, i1b, i2b, r1b, r2b, semb)
            return carry

        lax.fori_loop(0, NCH // 2, body, 0)

        def chunk(base, nb, i1, r1, i2, r2):
            pltpu.sync_copy(src_hbm.at[pl.ds(base, nb)], i1)
            pltpu.sync_copy(dst_hbm.at[pl.ds(base, nb)], i2)
            pltpu.async_copy(tsrc_hbm.at[i1], r1, sema)
            pltpu.async_copy(tdst_hbm.at[i2], r2, semb)
            pltpu.make_async_copy(tsrc_hbm.at[i1], r1, sema).wait()
            pltpu.make_async_copy(tdst_hbm.at[i2], r2, semb).wait()
            pltpu.sync_copy(r1, g1_hbm.at[pl.ds(base, nb)])
            pltpu.sync_copy(r2, g2_hbm.at[pl.ds(base, nb)])

        if NCH % 2 == 1:
            chunk(base_w + (NCH - 1) * CB, CB, i1a, r1a, i2a, r2a)
        chunk(base_w + NCH * CB, TB, i1a.at[pl.ds(0, TB)],
              r1a.at[pl.ds(0, TB)], i2a.at[pl.ds(0, TB)],
              r2a.at[pl.ds(0, TB)])

    return gather2_k(tsrc, src_idx, tdst, dst_idx)


def _sc_scatter(sT, dst_idx):
    mesh = plsc.VectorSubcoreMesh(core_axis_name="c", subcore_axis_name="s")
    npair = SW // 2

    @functools.partial(
        pl.kernel,
        mesh=mesh,
        compiler_params=pltpu.CompilerParams(use_tc_tiling_on_sc=False,
                                             needs_layout_passes=False),
        out_type=jax.ShapeDtypeStruct((SW, N), jnp.float32),
        scratch_types=[
            pltpu.VMEM((CBS,), jnp.int32), pltpu.VMEM((CBS,), jnp.float32),
            pltpu.VMEM((CBS,), jnp.float32),
            pltpu.VMEM((CBS,), jnp.int32), pltpu.VMEM((CBS,), jnp.float32),
            pltpu.VMEM((CBS,), jnp.float32),
            pltpu.VMEM((2 * N,), jnp.float32),
            pltpu.SemaphoreType.DMA, pltpu.SemaphoreType.DMA,
        ],
    )
    def scatter_k(s_hbm, dst_hbm, out_hbm, ia, va0, va1, ib, vb0, vb1, acc,
                  sema, semb):
        wid = lax.axis_index("s") * NC + lax.axis_index("c")

        @pl.when(wid < npair)
        def _():
            ch0 = wid * 2
            zv = jnp.zeros((16,), jnp.float32)
            nch2 = E // CBS // 2

            def zb(j, carry):
                acc[pl.ds(j * 16, 16)] = zv
                return carry

            lax.fori_loop(0, (2 * N) // 16, zb, 0)

            def start(i, iv, v0, v1, sem):
                base = i * CBS
                pltpu.async_copy(dst_hbm.at[pl.ds(base, CBS)], iv, sem)
                pltpu.async_copy(s_hbm.at[ch0, pl.ds(base, CBS)], v0, sem)
                pltpu.async_copy(s_hbm.at[ch0 + 1, pl.ds(base, CBS)], v1, sem)

            def drain(i, iv, v0, v1, sem):
                base = i * CBS
                pltpu.make_async_copy(dst_hbm.at[pl.ds(base, CBS)], iv, sem).wait()
                pltpu.make_async_copy(s_hbm.at[ch0, pl.ds(base, CBS)], v0, sem).wait()
                pltpu.make_async_copy(s_hbm.at[ch0 + 1, pl.ds(base, CBS)], v1, sem).wait()

            def proc(iv, v0, v1):
                def inner(k, c2):
                    idx16 = iv[pl.ds(k * 16, 16)]
                    plsc.addupdate_scatter(acc, [idx16], v0[pl.ds(k * 16, 16)])
                    plsc.addupdate_scatter(acc, [idx16 + N], v1[pl.ds(k * 16, 16)])
                    return c2

                lax.fori_loop(0, CBS // 16, inner, 0, unroll=4)

            start(0, ia, va0, va1, sema)

            def body(jj, carry):
                i0 = 2 * jj
                start(i0 + 1, ib, vb0, vb1, semb)
                drain(i0, ia, va0, va1, sema)
                proc(ia, va0, va1)

                @pl.when(i0 + 2 < 2 * nch2)
                def _start_next():
                    start(i0 + 2, ia, va0, va1, sema)

                drain(i0 + 1, ib, vb0, vb1, semb)
                proc(ib, vb0, vb1)
                return carry

            lax.fori_loop(0, nch2, body, 0)
            pltpu.sync_copy(acc.at[pl.ds(0, N)], out_hbm.at[ch0])
            pltpu.sync_copy(acc.at[pl.ds(N, N)], out_hbm.at[ch0 + 1])

    return scatter_k(sT, dst_idx)


def _full(shape):
    return pl.BlockSpec(shape, lambda i: tuple(0 for _ in shape))


def _rows(block_shape):
    return pl.BlockSpec(block_shape, lambda i: (i,) + tuple(0 for _ in block_shape[1:]))


def _prep1_body(h_ref, crp_ref, wq_ref, wkh_ref, wvh_ref, tsrc_ref, tdst_ref):
    h = h_ref[...]
    crp = crp_ref[...]
    q = jnp.dot(h, wq_ref[...], preferred_element_type=jnp.float32)
    ak = jnp.dot(h, wkh_ref[...], preferred_element_type=jnp.float32)
    av = jnp.dot(h, wvh_ref[...], preferred_element_type=jnp.float32)
    tsrc_ref[...] = jnp.concatenate([ak, av, crp], axis=1)
    tdst_ref[...] = jnp.concatenate([q, crp], axis=1)


def _edge1_body(g1_ref, g2_ref, e_ref, wk_ref, wv_ref, mh_ref, m4_ref,
                s_ref, rb_ref):
    g1 = g1_ref[...]
    g2 = g2_ref[...]
    relp = g2[:, C:C + 16] - g1[:, 2 * C:2 * C + 16]
    d = jnp.sqrt(jnp.sum(relp * relp, axis=1, keepdims=True) + 1e-8)
    centers = lax.broadcasted_iota(jnp.int32, (1, NRBF), 1).astype(
        jnp.float32) * (4.0 / (NRBF - 1))
    rb = jnp.exp(-((d - centers) ** 2) * 2.0)
    kin = jnp.concatenate([e_ref[...], rb], axis=1)
    k = g1[:, 0:C] + jnp.dot(kin, wk_ref[...], preferred_element_type=jnp.float32)
    v = g1[:, C:2 * C] + jnp.dot(kin, wv_ref[...], preferred_element_type=jnp.float32)
    prod = g2[:, 0:C] * k
    l32 = jnp.dot(prod, mh_ref[...], preferred_element_type=jnp.float32) * _INV_SQRT_HD
    l4 = jnp.dot(prod, m4_ref[...], preferred_element_type=jnp.float32) * _INV_SQRT_HD
    w32 = jnp.exp(l32)
    w4 = jnp.exp(l4)
    s_ref[...] = jnp.concatenate([w32 * v, w4], axis=1).T
    rb_ref[...] = rb


def _edge2_body(g1_ref, g2_ref, e_ref, rb_ref, wk_ref, wv_ref, mh_ref, m4_ref,
                s_ref):
    g1 = g1_ref[...]
    g2 = g2_ref[...]
    kin = jnp.concatenate([e_ref[...], rb_ref[...]], axis=1)
    k = g1[:, 0:C] + jnp.dot(kin, wk_ref[...], preferred_element_type=jnp.float32)
    v = g1[:, C:2 * C] + jnp.dot(kin, wv_ref[...], preferred_element_type=jnp.float32)
    prod = g2[:, 0:C] * k
    l32 = jnp.dot(prod, mh_ref[...], preferred_element_type=jnp.float32) * _INV_SQRT_HD
    l4 = jnp.dot(prod, m4_ref[...], preferred_element_type=jnp.float32) * _INV_SQRT_HD
    w32 = jnp.exp(l32)
    w4 = jnp.exp(l4)
    s_ref[...] = jnp.concatenate([w32 * v, w4], axis=1).T


def _agg_h(pT, h, rep, wo):
    numerT = pT[0:C, :]
    denT = pT[C:C + H, :]
    den32T = lax.dot_general(rep, denT, (((0,), (0,)), ((), ())),
                             preferred_element_type=jnp.float32)
    aggT = numerT / (den32T + 1e-9)
    upd = lax.dot_general(aggT, wo, (((0,), (0,)), ((), ())),
                          preferred_element_type=jnp.float32)
    return h + jnp.maximum(upd, 0.0)


def _upd1_body(pT_ref, h_ref, rep_ref, wo_ref, wq_ref, wkh_ref, wvh_ref,
               h2_ref, tsrc_ref, tdst_ref):
    h2 = _agg_h(pT_ref[...], h_ref[...], rep_ref[...], wo_ref[...])
    h2_ref[...] = h2
    ak = jnp.dot(h2, wkh_ref[...], preferred_element_type=jnp.float32)
    av = jnp.dot(h2, wvh_ref[...], preferred_element_type=jnp.float32)
    tsrc_ref[...] = jnp.concatenate([ak, av], axis=1)
    tdst_ref[...] = jnp.dot(h2, wq_ref[...], preferred_element_type=jnp.float32)


def _upd2_body(pT_ref, h_ref, rep_ref, wo_ref, wout_ref, wct_ref,
               hs0_ref, cs_ref):
    h2 = _agg_h(pT_ref[...], h_ref[...], rep_ref[...], wo_ref[...])
    hs0 = jnp.dot(h2, wout_ref[...], preferred_element_type=jnp.float32)
    hs0_ref[...] = hs0
    cs_ref[...] = jnp.dot(hs0, wct_ref[...], preferred_element_type=jnp.float32)


def kernel(node_features_0, edge_features_0, coords, edge_index, Wq, Wk, Wv,
           Wo, W_out, W_c):
    f32 = jnp.float32
    h = node_features_0[..., 0]
    e = edge_features_0[..., 0]
    src = edge_index[0]
    dst = edge_index[1]
    crp = jnp.pad(coords, ((0, 0), (0, 16 - 3)))

    lane = np.arange(C)
    mh = jnp.asarray((lane[:, None] // HD == lane[None, :] // HD), f32)
    m4 = jnp.asarray((lane[:, None] // HD == np.arange(H)[None, :]), f32)
    rep = jnp.asarray((np.arange(H)[:, None] == lane[None, :] // HD), f32)
    wct = jnp.pad(W_c.T, ((0, 0), (0, 16 - NT)))

    ngrid = pl.cdiv(N, BN)
    egrid = pl.cdiv(E, BE)

    tsrc1, tdst1 = pl.pallas_call(
        _prep1_body,
        grid=(ngrid,),
        in_specs=[_rows((BN, C)), _rows((BN, 16)), _full((C, C)), _full((C, C)),
                  _full((C, C))],
        out_specs=[_rows((BN, 80)), _rows((BN, 48))],
        out_shape=[jax.ShapeDtypeStruct((N, 80), f32),
                   jax.ShapeDtypeStruct((N, 48), f32)],
    )(h, crp, Wq[0], Wk[0][:C], Wv[0][:C])

    g1, g2 = _sc_gather(tsrc1, src, tdst1, dst, 80, 48)

    s1, rb = pl.pallas_call(
        _edge1_body,
        grid=(egrid,),
        in_specs=[_rows((BE, 80)), _rows((BE, 48)), _rows((BE, C)),
                  _full((C + NRBF, C)), _full((C + NRBF, C)),
                  _full((C, C)), _full((C, H))],
        out_specs=[pl.BlockSpec((SW, BE), lambda i: (0, i)), _rows((BE, NRBF))],
        out_shape=[jax.ShapeDtypeStruct((SW, E), f32),
                   jax.ShapeDtypeStruct((E, NRBF), f32)],
    )(g1, g2, e, Wk[0][C:], Wv[0][C:], mh, m4)

    p1 = _sc_scatter(s1, dst)

    pspec = pl.BlockSpec((SW, BN), lambda i: (0, i))

    h2, tsrc2, tdst2 = pl.pallas_call(
        _upd1_body,
        grid=(ngrid,),
        in_specs=[pspec, _rows((BN, C)), _full((H, C)), _full((C, C)),
                  _full((C, C)), _full((C, C)), _full((C, C))],
        out_specs=[_rows((BN, C)), _rows((BN, 2 * C)), _rows((BN, C))],
        out_shape=[jax.ShapeDtypeStruct((N, C), f32),
                   jax.ShapeDtypeStruct((N, 2 * C), f32),
                   jax.ShapeDtypeStruct((N, C), f32)],
    )(p1, h, rep, Wo[0], Wq[1], Wk[1][:C], Wv[1][:C])

    g1b, g2b = _sc_gather(tsrc2, src, tdst2, dst, 64, 32)

    s2 = pl.pallas_call(
        _edge2_body,
        grid=(egrid,),
        in_specs=[_rows((BE, 64)), _rows((BE, C)), _rows((BE, C)),
                  _rows((BE, NRBF)),
                  _full((C + NRBF, C)), _full((C + NRBF, C)),
                  _full((C, C)), _full((C, H))],
        out_specs=pl.BlockSpec((SW, BE), lambda i: (0, i)),
        out_shape=jax.ShapeDtypeStruct((SW, E), f32),
    )(g1b, g2b, e, rb, Wk[1][C:], Wv[1][C:], mh, m4)

    p2 = _sc_scatter(s2, dst)

    hs0, cs16 = pl.pallas_call(
        _upd2_body,
        grid=(ngrid,),
        in_specs=[pspec, _rows((BN, C)), _full((H, C)), _full((C, C)),
                  _full((C, C)), _full((C, 16))],
        out_specs=[_rows((BN, C)), _rows((BN, 16))],
        out_shape=[jax.ShapeDtypeStruct((N, C), f32),
                   jax.ShapeDtypeStruct((N, 16), f32)],
    )(p2, h2, rep, Wo[1], W_out, wct)

    return (hs0, cs16[:, :NT])

# --- scband reference (transcript-rebuilt; emitter-appended) ---
"""Pipeline reference for scband-se3-transformer-wrapper-84215718740202 (READ-ONLY COPY).

The authoritative reference and input builder live on the scoring server;
editing this copy changes nothing except your own understanding.
"""

import jax, jax.numpy as jnp
import numpy as np

N = 50000
E = 800000
D0 = 32
DE = 32
C = 32
H = 4
HD = C // H
L = 2
NRBF = 16
NT = 15


def _rbf(d):
    centers = jnp.linspace(0.0, 4.0, NRBF)
    return jnp.exp(-((d[:, None] - centers[None, :]) ** 2) / 0.5)


def setup_inputs(seed: int = 0) -> dict:
    key = jax.random.key(seed)
    ks = jax.random.split(key, 12)
    coords = jax.random.normal(ks[0], (N, 3), dtype=jnp.float32) * 3.0
    node_features_0 = jax.random.normal(ks[1], (N, D0, 1), dtype=jnp.float32)
    edge_index = jax.random.randint(ks[2], (2, E), 0, N, dtype=jnp.int32)
    edge_features_0 = jax.random.normal(ks[3], (E, DE, 1), dtype=jnp.float32)
    s = 0.1
    Wq = jax.random.normal(ks[4], (L, C, C), dtype=jnp.float32) * s
    Wk = jax.random.normal(ks[5], (L, C + DE + NRBF, C), dtype=jnp.float32) * s
    Wv = jax.random.normal(ks[6], (L, C + DE + NRBF, C), dtype=jnp.float32) * s
    Wo = jax.random.normal(ks[7], (L, C, C), dtype=jnp.float32) * s
    W_out = jax.random.normal(ks[8], (C, D0), dtype=jnp.float32) * s
    W_c = jax.random.normal(ks[9], (NT, D0), dtype=jnp.float32) * s
    return {
        'node_features_0': node_features_0,
        'edge_features_0': edge_features_0,
        'coords': coords,
        'edge_index': edge_index,
        'Wq': Wq, 'Wk': Wk, 'Wv': Wv, 'Wo': Wo,
        'W_out': W_out, 'W_c': W_c,
    }


def reference(node_features_0, edge_features_0, coords, edge_index, Wq, Wk, Wv, Wo, W_out, W_c):
    # SE(3)-equivariant graph attention on the degree-0 (scalar) channel.
    # Rotation invariance of scalar outputs is preserved by conditioning
    # messages only on invariant geometry (radial basis of edge lengths),
    # matching the degree-0 pathway of the SE3Transformer.
    src = edge_index[0]
    dst = edge_index[1]
    rel = coords[dst] - coords[src]
    dist = jnp.sqrt(jnp.sum(rel * rel, axis=-1) + 1e-8)
    rb = _rbf(dist)                      # [E, NRBF] invariant edge geometry
    h = node_features_0[..., 0]          # [N, 32] degree-0 fiber
    e = edge_features_0[..., 0]          # [E, 32] degree-0 edge fiber
    for l in range(L):
        q = h @ Wq[l]                                          # [N, C]
        kin = jnp.concatenate([h[src], e, rb], axis=-1)        # gather: [E, 80]
        k = kin @ Wk[l]
        v = kin @ Wv[l]
        qh = q.reshape(N, H, HD)
        kh = k.reshape(E, H, HD)
        vh = v.reshape(E, H, HD)
        logits = jnp.sum(qh[dst] * kh, axis=-1) / np.sqrt(HD)  # [E, H]
        m = jax.ops.segment_max(logits, dst, num_segments=N)
        m = jnp.where(jnp.isfinite(m), m, 0.0)
        w = jnp.exp(logits - m[dst])
        denom = jax.ops.segment_sum(w, dst, num_segments=N) + 1e-9
        alpha = w / denom[dst]                                 # segment softmax
        msg = (alpha[..., None] * vh).reshape(E, C)
        agg = jax.ops.segment_sum(msg, dst, num_segments=N)    # scatter-add
        h = h + jax.nn.relu(agg @ Wo[l])
    hs0 = h @ W_out                      # hs['0'].squeeze(2) -> [N, 32]
    cs = hs0 @ W_c.T                     # 15 per-type linear heads -> [N, 15]
    return (hs0, cs)

if __name__ == "__main__":
    import jax
    _d = setup_inputs()
    print(jax.jit(kernel)(*tuple(_d.values())))

</pallas_src>

<mosaic_0001>
#map = affine_map<(d0, d1) -> (0, 0)>
#map1 = affine_map<(d0, d1) -> (0)>
module attributes {stable_mosaic.version = 14 : i64} {
  func.func @gather2_k(%arg0: i32, %arg1: i32, %arg2: memref<50000x80xf32, #tpu.memory_space<hbm>>, %arg3: memref<800000xi32, #tpu.memory_space<hbm>>, %arg4: memref<50000x48xf32, #tpu.memory_space<hbm>>, %arg5: memref<800000xi32, #tpu.memory_space<hbm>>, %arg6: memref<800000x80xf32, #tpu.memory_space<hbm>>, %arg7: memref<800000x48xf32, #tpu.memory_space<hbm>>, %arg8: memref<128xi32, #tpu.memory_space<vmem>>, %arg9: memref<128xi32, #tpu.memory_space<vmem>>, %arg10: memref<128x80xf32, #tpu.memory_space<vmem>>, %arg11: memref<128x48xf32, #tpu.memory_space<vmem>>, %arg12: memref<128xi32, #tpu.memory_space<vmem>>, %arg13: memref<128xi32, #tpu.memory_space<vmem>>, %arg14: memref<128x80xf32, #tpu.memory_space<vmem>>, %arg15: memref<128x48xf32, #tpu.memory_space<vmem>>, %arg16: memref<!tpu.dma_semaphore, #tpu.memory_space<semaphore_mem>>, %arg17: memref<!tpu.dma_semaphore, #tpu.memory_space<semaphore_mem>>) attributes {dimension_semantics = [#tpu.dimension_semantics<core_parallel>, #tpu.dimension_semantics<subcore_parallel>], iteration_bounds = array<i64: 2, 16>, scalar_prefetch = 0 : i64, scratch_operands = 10 : i64, tpu.core_type = #tpu.core_type<sc_vector_subcore>, window_params = [{transform_indices = #map}, {transform_indices = #map1}, {transform_indices = #map}, {transform_indices = #map1}, {transform_indices = #map}, {transform_indices = #map}]} {
    %mul3A = arith.constant 2 : i32
    %mul3A_0 = arith.muli %arg1, %mul3A : i32
    %add3A = arith.addi %mul3A_0, %arg0 : i32
    %mul3A_1 = arith.constant 25000 : i32
    %mul3A_2 = arith.muli %add3A, %mul3A_1 : i32
    %scan3A = arith.constant 0 : i32
    %scan3A_3 = arith.constant 0 : i32
    %scan3A_4 = arith.constant 97 : i32
    %scan3A_5 = arith.addi %scan3A_3, %scan3A_4 : i32
    %scan3A_6 = arith.constant 1 : i32
    scf.for %scan3A_54 = %scan3A_3 to %scan3A_5 step %scan3A_6  : i32 {
      %mul3A_55 = arith.constant 2 : i32
      %mul3A_56 = arith.muli %mul3A_55, %scan3A_54 : i32
      %mul3A_57 = arith.constant 128 : i32
      %mul3A_58 = arith.muli %mul3A_56, %mul3A_57 : i32
      %add3A_59 = arith.addi %mul3A_2, %mul3A_58 : i32
      %add3A_60 = arith.constant 128 : i32
      %add3A_61 = arith.addi %add3A_59, %add3A_60 : i32
      "tpu.region"() ({
        %run_scoped3A = tpu.sem_alloc : memref<!tpu.dma_semaphore, #tpu.memory_space<semaphore_mem>>
        %dma_start3A_86 = tpu.memref_slice %arg3[%add3A_59] : memref<800000xi32, #tpu.memory_space<hbm>> -> memref<128xi32, #tpu.memory_space<hbm>>
        %dma_start3A_87 = tpu.memref_slice %arg3[%add3A_59] : memref<800000xi32, #tpu.memory_space<hbm>> -> memref<128xi32, #tpu.memory_space<hbm>>
        tpu.enqueue_dma source(%dma_start3A_87 : memref<128xi32, #tpu.memory_space<hbm>>) target(%arg8 : memref<128xi32, #tpu.memory_space<vmem>>) target_semaphore(%run_scoped3A : memref<!tpu.dma_semaphore, #tpu.memory_space<semaphore_mem>>)
        %dma_wait3A_88 = tpu.memref_slice %arg3[%add3A_59] : memref<800000xi32, #tpu.memory_space<hbm>> -> memref<128xi32, #tpu.memory_space<hbm>>
        %dma_wait3A_89 = tpu.memref_slice %arg3[%add3A_59] : memref<800000xi32, #tpu.memory_space<hbm>> -> memref<128xi32, #tpu.memory_space<hbm>>
        tpu.wait_dma2 semaphore(%run_scoped3A : memref<!tpu.dma_semaphore, #tpu.memory_space<semaphore_mem>>) src(%dma_wait3A_89 : memref<128xi32, #tpu.memory_space<hbm>>) dst(%arg8 : memref<128xi32, #tpu.memory_space<vmem>>)
        tpu.yield
      }) : () -> ()
      "tpu.region"() ({
        %run_scoped3A = tpu.sem_alloc : memref<!tpu.dma_semaphore, #tpu.memory_space<semaphore_mem>>
        %dma_start3A_86 = tpu.memref_slice %arg5[%add3A_59] : memref<800000xi32, #tpu.memory_space<hbm>> -> memref<128xi32, #tpu.memory_space<hbm>>
        %dma_start3A_87 = tpu.memref_slice %arg5[%add3A_59] : memref<800000xi32, #tpu.memory_space<hbm>> -> memref<128xi32, #tpu.memory_space<hbm>>
        tpu.enqueue_dma source(%dma_start3A_87 : memref<128xi32, #tpu.memory_space<hbm>>) target(%arg9 : memref<128xi32, #tpu.memory_space<vmem>>) target_semaphore(%run_scoped3A : memref<!tpu.dma_semaphore, #tpu.memory_space<semaphore_mem>>)
        %dma_wait3A_88 = tpu.memref_slice %arg5[%add3A_59] : memref<800000xi32, #tpu.memory_space<hbm>> -> memref<128xi32, #tpu.memory_space<hbm>>
        %dma_wait3A_89 = tpu.memref_slice %arg5[%add3A_59] : memref<800000xi32, #tpu.memory_space<hbm>> -> memref<128xi32, #tpu.memory_space<hbm>>
        tpu.wait_dma2 semaphore(%run_scoped3A : memref<!tpu.dma_semaphore, #tpu.memory_space<semaphore_mem>>) src(%dma_wait3A_89 : memref<128xi32, #tpu.memory_space<hbm>>) dst(%arg9 : memref<128xi32, #tpu.memory_space<vmem>>)
        tpu.yield
      }) : () -> ()
      %dma_start3A_62 = arith.constant 0 : i32
      %dma_start3A_63 = arith.constant 0 : i32
      %dma_start3A_64 = tpu.memref_slice %arg2[%dma_start3A_62, %dma_start3A_63] : memref<50000x80xf32, #tpu.memory_space<hbm>> -> memref<50000x80xf32, #tpu.memory_space<hbm>>
      tpu.enqueue_indirect_dma source(%dma_start3A_64 : memref<50000x80xf32, #tpu.memory_space<hbm>>) target(%arg10 : memref<128x80xf32, #tpu.memory_space<vmem>>) offsets(%arg8 : memref<128xi32, #tpu.memory_space<vmem>>) semaphore(%arg16 : memref<!tpu.dma_semaphore, #tpu.memory_space<semaphore_mem>>)
      %dma_start3A_65 = arith.constant 0 : i32
      %dma_start3A_66 = arith.constant 0 : i32
      %dma_start3A_67 = tpu.memref_slice %arg4[%dma_start3A_65, %dma_start3A_66] : memref<50000x48xf32, #tpu.memory_space<hbm>> -> memref<50000x48xf32, #tpu.memory_space<hbm>>
      tpu.enqueue_indirect_dma source(%dma_start3A_67 : memref<50000x48xf32, #tpu.memory_space<hbm>>) target(%arg11 : memref<128x48xf32, #tpu.memory_space<vmem>>) offsets(%arg9 : memref<128xi32, #tpu.memory_space<vmem>>) semaphore(%arg16 : memref<!tpu.dma_semaphore, #tpu.memory_space<semaphore_mem>>)
      "tpu.region"() ({
        %run_scoped3A = tpu.sem_alloc : memref<!tpu.dma_semaphore, #tpu.memory_space<semaphore_mem>>
        %dma_start3A_86 = tpu.memref_slice %arg3[%add3A_61] : memref<800000xi32, #tpu.memory_space<hbm>> -> memref<128xi32, #tpu.memory_space<hbm>>
        %dma_start3A_87 = tpu.memref_slice %arg3[%add3A_61] : memref<800000xi32, #tpu.memory_space<hbm>> -> memref<128xi32, #tpu.memory_space<hbm>>
        tpu.enqueue_dma source(%dma_start3A_87 : memref<128xi32, #tpu.memory_space<hbm>>) target(%arg12 : memref<128xi32, #tpu.memory_space<vmem>>) target_semaphore(%run_scoped3A : memref<!tpu.dma_semaphore, #tpu.memory_space<semaphore_mem>>)
        %dma_wait3A_88 = tpu.memref_slice %arg3[%add3A_61] : memref<800000xi32, #tpu.memory_space<hbm>> -> memref<128xi32, #tpu.memory_space<hbm>>
        %dma_wait3A_89 = tpu.memref_slice %arg3[%add3A_61] : memref<800000xi32, #tpu.memory_space<hbm>> -> memref<128xi32, #tpu.memory_space<hbm>>
        tpu.wait_dma2 semaphore(%run_scoped3A : memref<!tpu.dma_semaphore, #tpu.memory_space<semaphore_mem>>) src(%dma_wait3A_89 : memref<128xi32, #tpu.memory_space<hbm>>) dst(%arg12 : memref<128xi32, #tpu.memory_space<vmem>>)
        tpu.yield
      }) : () -> ()
      "tpu.region"() ({
        %run_scoped3A = tpu.sem_alloc : memref<!tpu.dma_semaphore, #tpu.memory_space<semaphore_mem>>
        %dma_start3A_86 = tpu.memref_slice %arg5[%add3A_61] : memref<800000xi32, #tpu.memory_space<hbm>> -> memref<128xi32, #tpu.memory_space<hbm>>
        %dma_start3A_87 = tpu.memref_slice %arg5[%add3A_61] : memref<800000xi32, #tpu.memory_space<hbm>> -> memref<128xi32, #tpu.memory_space<hbm>>
        tpu.enqueue_dma source(%dma_start3A_87 : memref<128xi32, #tpu.memory_space<hbm>>) target(%arg13 : memref<128xi32, #tpu.memory_space<vmem>>) target_semaphore(%run_scoped3A : memref<!tpu.dma_semaphore, #tpu.memory_space<semaphore_mem>>)
        %dma_wait3A_88 = tpu.memref_slice %arg5[%add3A_61] : memref<800000xi32, #tpu.memory_space<hbm>> -> memref<128xi32, #tpu.memory_space<hbm>>
        %dma_wait3A_89 = tpu.memref_slice %arg5[%add3A_61] : memref<800000xi32, #tpu.memory_space<hbm>> -> memref<128xi32, #tpu.memory_space<hbm>>
        tpu.wait_dma2 semaphore(%run_scoped3A : memref<!tpu.dma_semaphore, #tpu.memory_space<semaphore_mem>>) src(%dma_wait3A_89 : memref<128xi32, #tpu.memory_space<hbm>>) dst(%arg13 : memref<128xi32, #tpu.memory_space<vmem>>)
        tpu.yield
      }) : () -> ()
      %dma_start3A_68 = arith.constant 0 : i32
      %dma_start3A_69 = arith.constant 0 : i32
      %dma_start3A_70 = tpu.memref_slice %arg2[%dma_start3A_68, %dma_start3A_69] : memref<50000x80xf32, #tpu.memory_space<hbm>> -> memref<50000x80xf32, #tpu.memory_space<hbm>>
      tpu.enqueue_indirect_dma source(%dma_start3A_70 : memref<50000x80xf32, #tpu.memory_space<hbm>>) target(%arg14 : memref<128x80xf32, #tpu.memory_space<vmem>>) offsets(%arg12 : memref<128xi32, #tpu.memory_space<vmem>>) semaphore(%arg17 : memref<!tpu.dma_semaphore, #tpu.memory_space<semaphore_mem>>)
      %dma_start3A_71 = arith.constant 0 : i32
      %dma_start3A_72 = arith.constant 0 : i32
      %dma_start3A_73 = tpu.memref_slice %arg4[%dma_start3A_71, %dma_start3A_72] : memref<50000x48xf32, #tpu.memory_space<hbm>> -> memref<50000x48xf32, #tpu.memory_space<hbm>>
      tpu.enqueue_indirect_dma source(%dma_start3A_73 : memref<50000x48xf32, #tpu.memory_space<hbm>>) target(%arg15 : memref<128x48xf32, #tpu.memory_space<vmem>>) offsets(%arg13 : memref<128xi32, #tpu.memory_space<vmem>>) semaphore(%arg17 : memref<!tpu.dma_semaphore, #tpu.memory_space<semaphore_mem>>)
      %dma_wait3A_74 = arith.constant 0 : i32
      %dma_wait3A_75 = arith.constant 0 : i32
      %dma_wait3A_76 = tpu.memref_slice %arg2[%dma_wait3A_74, %dma_wait3A_75] : memref<50000x80xf32, #tpu.memory_space<hbm>> -> memref<50000x80xf32, #tpu.memory_space<hbm>>
      tpu.wait_indirect_dma semaphore(%arg16 : memref<!tpu.dma_semaphore, #tpu.memory_space<semaphore_mem>>) src(%dma_wait3A_76 : memref<50000x80xf32, #tpu.memory_space<hbm>>) dst(%arg10 : memref<128x80xf32, #tpu.memory_space<vmem>>)
      %dma_wait3A_77 = arith.constant 0 : i32
      %dma_wait3A_78 = arith.constant 0 : i32
      %dma_wait3A_79 = tpu.memref_slice %arg4[%dma_wait3A_77, %dma_wait3A_78] : memref<50000x48xf32, #tpu.memory_space<hbm>> -> memref<50000x48xf32, #tpu.memory_space<hbm>>
      tpu.wait_indirect_dma semaphore(%arg16 : memref<!tpu.dma_semaphore, #tpu.memory_space<semaphore_mem>>) src(%dma_wait3A_79 : memref<50000x48xf32, #tpu.memory_space<hbm>>) dst(%arg11 : memref<128x48xf32, #tpu.memory_space<vmem>>)
      "tpu.region"() ({
        %run_scoped3A = tpu.sem_alloc : memref<!tpu.dma_semaphore, #tpu.memory_space<semaphore_mem>>
        %dma_start3A_86 = arith.constant 0 : i32
        %dma_start3A_87 = tpu.memref_slice %arg6[%add3A_59, %dma_start3A_86] : memref<800000x80xf32, #tpu.memory_space<hbm>> -> memref<128x80xf32, #tpu.memory_space<hbm>>
        %dma_start3A_88 = arith.constant 0 : i32
        %dma_start3A_89 = tpu.memref_slice %arg6[%add3A_59, %dma_start3A_88] : memref<800000x80xf32, #tpu.memory_space<hbm>> -> memref<128x80xf32, #tpu.memory_space<hbm>>
        tpu.enqueue_dma source(%arg10 : memref<128x80xf32, #tpu.memory_space<vmem>>) target(%dma_start3A_89 : memref<128x80xf32, #tpu.memory_space<hbm>>) target_semaphore(%run_scoped3A : memref<!tpu.dma_semaphore, #tpu.memory_space<semaphore_mem>>)
        %dma_wait3A_90 = arith.constant 0 : i32
        %dma_wait3A_91 = tpu.memref_slice %arg6[%add3A_59, %dma_wait3A_90] : memref<800000x80xf32, #tpu.memory_space<hbm>> -> memref<128x80xf32, #tpu.memory_space<hbm>>
        %dma_wait3A_92 = arith.constant 0 : i32
        %dma_wait3A_93 = tpu.memref_slice %arg6[%add3A_59, %dma_wait3A_92] : memref<800000x80xf32, #tpu.memory_space<hbm>> -> memref<128x80xf32, #tpu.memory_space<hbm>>
        tpu.wait_dma2 semaphore(%run_scoped3A : memref<!tpu.dma_semaphore, #tpu.memory_space<semaphore_mem>>) src(%arg10 : memref<128x80xf32, #tpu.memory_space<vmem>>) dst(%dma_wait3A_93 : memref<128x80xf32, #tpu.memory_space<hbm>>)
        tpu.yield
      }) : () -> ()
      "tpu.region"() ({
        %run_scoped3A = tpu.sem_alloc : memref<!tpu.dma_semaphore, #tpu.memory_space<semaphore_mem>>
        %dma_start3A_86 = arith.constant 0 : i32
        %dma_start3A_87 = tpu.memref_slice %arg7[%add3A_59, %dma_start3A_86] : memref<800000x48xf32, #tpu.memory_space<hbm>> -> memref<128x48xf32, #tpu.memory_space<hbm>>
        %dma_start3A_88 = arith.constant 0 : i32
        %dma_start3A_89 = tpu.memref_slice %arg7[%add3A_59, %dma_start3A_88] : memref<800000x48xf32, #tpu.memory_space<hbm>> -> memref<128x48xf32, #tpu.memory_space<hbm>>
        tpu.enqueue_dma source(%arg11 : memref<128x48xf32, #tpu.memory_space<vmem>>) target(%dma_start3A_89 : memref<128x48xf32, #tpu.memory_space<hbm>>) target_semaphore(%run_scoped3A : memref<!tpu.dma_semaphore, #tpu.memory_space<semaphore_mem>>)
        %dma_wait3A_90 = arith.constant 0 : i32
        %dma_wait3A_91 = tpu.memref_slice %arg7[%add3A_59, %dma_wait3A_90] : memref<800000x48xf32, #tpu.memory_space<hbm>> -> memref<128x48xf32, #tpu.memory_space<hbm>>
        %dma_wait3A_92 = arith.constant 0 : i32
        %dma_wait3A_93 = tpu.memref_slice %arg7[%add3A_59, %dma_wait3A_92] : memref<800000x48xf32, #tpu.memory_space<hbm>> -> memref<128x48xf32, #tpu.memory_space<hbm>>
        tpu.wait_dma2 semaphore(%run_scoped3A : memref<!tpu.dma_semaphore, #tpu.memory_space<semaphore_mem>>) src(%arg11 : memref<128x48xf32, #tpu.memory_space<vmem>>) dst(%dma_wait3A_93 : memref<128x48xf32, #tpu.memory_space<hbm>>)
        tpu.yield
      }) : () -> ()
      %dma_wait3A_80 = arith.constant 0 : i32
      %dma_wait3A_81 = arith.constant 0 : i32
      %dma_wait3A_82 = tpu.memref_slice %arg2[%dma_wait3A_80, %dma_wait3A_81] : memref<50000x80xf32, #tpu.memory_space<hbm>> -> memref<50000x80xf32, #tpu.memory_space<hbm>>
      tpu.wait_indirect_dma semaphore(%arg17 : memref<!tpu.dma_semaphore, #tpu.memory_space<semaphore_mem>>) src(%dma_wait3A_82 : memref<50000x80xf32, #tpu.memory_space<hbm>>) dst(%arg14 : memref<128x80xf32, #tpu.memory_space<vmem>>)
      %dma_wait3A_83 = arith.constant 0 : i32
      %dma_wait3A_84 = arith.constant 0 : i32
      %dma_wait3A_85 = tpu.memref_slice %arg4[%dma_wait3A_83, %dma_wait3A_84] : memref<50000x48xf32, #tpu.memory_space<hbm>> -> memref<50000x48xf32, #tpu.memory_space<hbm>>
      tpu.wait_indirect_dma semaphore(%arg17 : memref<!tpu.dma_semaphore, #tpu.memory_space<semaphore_mem>>) src(%dma_wait3A_85 : memref<50000x48xf32, #tpu.memory_space<hbm>>) dst(%arg15 : memref<128x48xf32, #tpu.memory_space<vmem>>)
      "tpu.region"() ({
        %run_scoped3A = tpu.sem_alloc : memref<!tpu.dma_semaphore, #tpu.memory_space<semaphore_mem>>
        %dma_start3A_86 = arith.constant 0 : i32
        %dma_start3A_87 = tpu.memref_slice %arg6[%add3A_61, %dma_start3A_86] : memref<800000x80xf32, #tpu.memory_space<hbm>> -> memref<128x80xf32, #tpu.memory_space<hbm>>
        %dma_start3A_88 = arith.constant 0 : i32
        %dma_start3A_89 = tpu.memref_slice %arg6[%add3A_61, %dma_start3A_88] : memref<800000x80xf32, #tpu.memory_space<hbm>> -> memref<128x80xf32, #tpu.memory_space<hbm>>
        tpu.enqueue_dma source(%arg14 : memref<128x80xf32, #tpu.memory_space<vmem>>) target(%dma_start3A_89 : memref<128x80xf32, #tpu.memory_space<hbm>>) target_semaphore(%run_scoped3A : memref<!tpu.dma_semaphore, #tpu.memory_space<semaphore_mem>>)
        %dma_wait3A_90 = arith.constant 0 : i32
        %dma_wait3A_91 = tpu.memref_slice %arg6[%add3A_61, %dma_wait3A_90] : memref<800000x80xf32, #tpu.memory_space<hbm>> -> memref<128x80xf32, #tpu.memory_space<hbm>>
        %dma_wait3A_92 = arith.constant 0 : i32
        %dma_wait3A_93 = tpu.memref_slice %arg6[%add3A_61, %dma_wait3A_92] : memref<800000x80xf32, #tpu.memory_space<hbm>> -> memref<128x80xf32, #tpu.memory_space<hbm>>
        tpu.wait_dma2 semaphore(%run_scoped3A : memref<!tpu.dma_semaphore, #tpu.memory_space<semaphore_mem>>) src(%arg14 : memref<128x80xf32, #tpu.memory_space<vmem>>) dst(%dma_wait3A_93 : memref<128x80xf32, #tpu.memory_space<hbm>>)
        tpu.yield
      }) : () -> ()
      "tpu.region"() ({
        %run_scoped3A = tpu.sem_alloc : memref<!tpu.dma_semaphore, #tpu.memory_space<semaphore_mem>>
        %dma_start3A_86 = arith.constant 0 : i32
        %dma_start3A_87 = tpu.memref_slice %arg7[%add3A_61, %dma_start3A_86] : memref<800000x48xf32, #tpu.memory_space<hbm>> -> memref<128x48xf32, #tpu.memory_space<hbm>>
        %dma_start3A_88 = arith.constant 0 : i32
        %dma_start3A_89 = tpu.memref_slice %arg7[%add3A_61, %dma_start3A_88] : memref<800000x48xf32, #tpu.memory_space<hbm>> -> memref<128x48xf32, #tpu.memory_space<hbm>>
        tpu.enqueue_dma source(%arg15 : memref<128x48xf32, #tpu.memory_space<vmem>>) target(%dma_start3A_89 : memref<128x48xf32, #tpu.memory_space<hbm>>) target_semaphore(%run_scoped3A : memref<!tpu.dma_semaphore, #tpu.memory_space<semaphore_mem>>)
        %dma_wait3A_90 = arith.constant 0 : i32
        %dma_wait3A_91 = tpu.memref_slice %arg7[%add3A_61, %dma_wait3A_90] : memref<800000x48xf32, #tpu.memory_space<hbm>> -> memref<128x48xf32, #tpu.memory_space<hbm>>
        %dma_wait3A_92 = arith.constant 0 : i32
        %dma_wait3A_93 = tpu.memref_slice %arg7[%add3A_61, %dma_wait3A_92] : memref<800000x48xf32, #tpu.memory_space<hbm>> -> memref<128x48xf32, #tpu.memory_space<hbm>>
        tpu.wait_dma2 semaphore(%run_scoped3A : memref<!tpu.dma_semaphore, #tpu.memory_space<semaphore_mem>>) src(%arg15 : memref<128x48xf32, #tpu.memory_space<vmem>>) dst(%dma_wait3A_93 : memref<128x48xf32, #tpu.memory_space<hbm>>)
        tpu.yield
      }) : () -> ()
    }
    %scan3A_7 = arith.constant 97 : i32
    %add3A_8 = arith.constant 24832 : i32
    %add3A_9 = arith.addi %mul3A_2, %add3A_8 : i32
    "tpu.region"() ({
      %run_scoped3A = tpu.sem_alloc : memref<!tpu.dma_semaphore, #tpu.memory_space<semaphore_mem>>
      %dma_start3A_54 = tpu.memref_slice %arg3[%add3A_9] : memref<800000xi32, #tpu.memory_space<hbm>> -> memref<128xi32, #tpu.memory_space<hbm>>
      %dma_start3A_55 = tpu.memref_slice %arg3[%add3A_9] : memref<800000xi32, #tpu.memory_space<hbm>> -> memref<128xi32, #tpu.memory_space<hbm>>
      tpu.enqueue_dma source(%dma_start3A_55 : memref<128xi32, #tpu.memory_space<hbm>>) target(%arg8 : memref<128xi32, #tpu.memory_space<vmem>>) target_semaphore(%run_scoped3A : memref<!tpu.dma_semaphore, #tpu.memory_space<semaphore_mem>>)
      %dma_wait3A_56 = tpu.memref_slice %arg3[%add3A_9] : memref<800000xi32, #tpu.memory_space<hbm>> -> memref<128xi32, #tpu.memory_space<hbm>>
      %dma_wait3A_57 = tpu.memref_slice %arg3[%add3A_9] : memref<800000xi32, #tpu.memory_space<hbm>> -> memref<128xi32, #tpu.memory_space<hbm>>
      tpu.wait_dma2 semaphore(%run_scoped3A : memref<!tpu.dma_semaphore, #tpu.memory_space<semaphore_mem>>) src(%dma_wait3A_57 : memref<128xi32, #tpu.memory_space<hbm>>) dst(%arg8 : memref<128xi32, #tpu.memory_space<vmem>>)
      tpu.yield
    }) : () -> ()
    "tpu.region"() ({
      %run_scoped3A = tpu.sem_alloc : memref<!tpu.dma_semaphore, #tpu.memory_space<semaphore_mem>>
      %dma_start3A_54 = tpu.memref_slice %arg5[%add3A_9] : memref<800000xi32, #tpu.memory_space<hbm>> -> memref<128xi32, #tpu.memory_space<hbm>>
      %dma_start3A_55 = tpu.memref_slice %arg5[%add3A_9] : memref<800000xi32, #tpu.memory_space<hbm>> -> memref<128xi32, #tpu.memory_space<hbm>>
      tpu.enqueue_dma source(%dma_start3A_55 : memref<128xi32, #tpu.memory_space<hbm>>) target(%arg9 : memref<128xi32, #tpu.memory_space<vmem>>) target_semaphore(%run_scoped3A : memref<!tpu.dma_semaphore, #tpu.memory_space<semaphore_mem>>)
      %dma_wait3A_56 = tpu.memref_slice %arg5[%add3A_9] : memref<800000xi32, #tpu.memory_space<hbm>> -> memref<128xi32, #tpu.memory_space<hbm>>
      %dma_wait3A_57 = tpu.memref_slice %arg5[%add3A_9] : memref<800000xi32, #tpu.memory_space<hbm>> -> memref<128xi32, #tpu.memory_space<hbm>>
      tpu.wait_dma2 semaphore(%run_scoped3A : memref<!tpu.dma_semaphore, #tpu.memory_space<semaphore_mem>>) src(%dma_wait3A_57 : memref<128xi32, #tpu.memory_space<hbm>>) dst(%arg9 : memref<128xi32, #tpu.memory_space<vmem>>)
      tpu.yield
    }) : () -> ()
    %dma_start3A = arith.constant 0 : i32
    %dma_start3A_10 = arith.constant 0 : i32
    %dma_start3A_11 = tpu.memref_slice %arg2[%dma_start3A, %dma_start3A_10] : memref<50000x80xf32, #tpu.memory_space<hbm>> -> memref<50000x80xf32, #tpu.memory_space<hbm>>
    tpu.enqueue_indirect_dma source(%dma_start3A_11 : memref<50000x80xf32, #tpu.memory_space<hbm>>) target(%arg10 : memref<128x80xf32, #tpu.memory_space<vmem>>) offsets(%arg8 : memref<128xi32, #tpu.memory_space<vmem>>) semaphore(%arg16 : memref<!tpu.dma_semaphore, #tpu.memory_space<semaphore_mem>>)
    %dma_start3A_12 = arith.constant 0 : i32
    %dma_start3A_13 = arith.constant 0 : i32
    %dma_start3A_14 = tpu.memref_slice %arg4[%dma_start3A_12, %dma_start3A_13] : memref<50000x48xf32, #tpu.memory_space<hbm>> -> memref<50000x48xf32, #tpu.memory_space<hbm>>
    tpu.enqueue_indirect_dma source(%dma_start3A_14 : memref<50000x48xf32, #tpu.memory_space<hbm>>) target(%arg11 : memref<128x48xf32, #tpu.memory_space<vmem>>) offsets(%arg9 : memref<128xi32, #tpu.memory_space<vmem>>) semaphore(%arg17 : memref<!tpu.dma_semaphore, #tpu.memory_space<semaphore_mem>>)
    %dma_wait3A = arith.constant 0 : i32
    %dma_wait3A_15 = arith.constant 0 : i32
    %dma_wait3A_16 = tpu.memref_slice %arg2[%dma_wait3A, %dma_wait3A_15] : memref<50000x80xf32, #tpu.memory_space<hbm>> -> memref<50000x80xf32, #tpu.memory_space<hbm>>
    tpu.wait_indirect_dma semaphore(%arg16 : memref<!tpu.dma_semaphore, #tpu.memory_space<semaphore_mem>>) src(%dma_wait3A_16 : memref<50000x80xf32, #tpu.memory_space<hbm>>) dst(%arg10 : memref<128x80xf32, #tpu.memory_space<vmem>>)
    %dma_wait3A_17 = arith.constant 0 : i32
    %dma_wait3A_18 = arith.constant 0 : i32
    %dma_wait3A_19 = tpu.memref_slice %arg4[%dma_wait3A_17, %dma_wait3A_18] : memref<50000x48xf32, #tpu.memory_space<hbm>> -> memref<50000x48xf32, #tpu.memory_space<hbm>>
    tpu.wait_indirect_dma semaphore(%arg17 : memref<!tpu.dma_semaphore, #tpu.memory_space<semaphore_mem>>) src(%dma_wait3A_19 : memref<50000x48xf32, #tpu.memory_space<hbm>>) dst(%arg11 : memref<128x48xf32, #tpu.memory_space<vmem>>)
    "tpu.region"() ({
      %run_scoped3A = tpu.sem_alloc : memref<!tpu.dma_semaphore, #tpu.memory_space<semaphore_mem>>
      %dma_start3A_54 = arith.constant 0 : i32
      %dma_start3A_55 = tpu.memref_slice %arg6[%add3A_9, %dma_start3A_54] : memref<800000x80xf32, #tpu.memory_space<hbm>> -> memref<128x80xf32, #tpu.memory_space<hbm>>
      %dma_start3A_56 = arith.constant 0 : i32
      %dma_start3A_57 = tpu.memref_slice %arg6[%add3A_9, %dma_start3A_56] : memref<800000x80xf32, #tpu.memory_space<hbm>> -> memref<128x80xf32, #tpu.memory_space<hbm>>
      tpu.enqueue_dma source(%arg10 : memref<128x80xf32, #tpu.memory_space<vmem>>) target(%dma_start3A_57 : memref<128x80xf32, #tpu.memory_space<hbm>>) target_semaphore(%run_scoped3A : memref<!tpu.dma_semaphore, #tpu.memory_space<semaphore_mem>>)
      %dma_wait3A_58 = arith.constant 0 : i32
      %dma_wait3A_59 = tpu.memref_slice %arg6[%add3A_9, %dma_wait3A_58] : memref<800000x80xf32, #tpu.memory_space<hbm>> -> memref<128x80xf32, #tpu.memory_space<hbm>>
      %dma_wait3A_60 = arith.constant 0 : i32
      %dma_wait3A_61 = tpu.memref_slice %arg6[%add3A_9, %dma_wait3A_60] : memref<800000x80xf32, #tpu.memory_space<hbm>> -> memref<128x80xf32, #tpu.memory_space<hbm>>
      tpu.wait_dma2 semaphore(%run_scoped3A : memref<!tpu.dma_semaphore, #tpu.memory_space<semaphore_mem>>) src(%arg10 : memref<128x80xf32, #tpu.memory_space<vmem>>) dst(%dma_wait3A_61 : memref<128x80xf32, #tpu.memory_space<hbm>>)
      tpu.yield
    }) : () -> ()
    "tpu.region"() ({
      %run_scoped3A = tpu.sem_alloc : memref<!tpu.dma_semaphore, #tpu.memory_space<semaphore_mem>>
      %dma_start3A_54 = arith.constant 0 : i32
      %dma_start3A_55 = tpu.memref_slice %arg7[%add3A_9, %dma_start3A_54] : memref<800000x48xf32, #tpu.memory_space<hbm>> -> memref<128x48xf32, #tpu.memory_space<hbm>>
      %dma_start3A_56 = arith.constant 0 : i32
      %dma_start3A_57 = tpu.memref_slice %arg7[%add3A_9, %dma_start3A_56] : memref<800000x48xf32, #tpu.memory_space<hbm>> -> memref<128x48xf32, #tpu.memory_space<hbm>>
      tpu.enqueue_dma source(%arg11 : memref<128x48xf32, #tpu.memory_space<vmem>>) target(%dma_start3A_57 : memref<128x48xf32, #tpu.memory_space<hbm>>) target_semaphore(%run_scoped3A : memref<!tpu.dma_semaphore, #tpu.memory_space<semaphore_mem>>)
      %dma_wait3A_58 = arith.constant 0 : i32
      %dma_wait3A_59 = tpu.memref_slice %arg7[%add3A_9, %dma_wait3A_58] : memref<800000x48xf32, #tpu.memory_space<hbm>> -> memref<128x48xf32, #tpu.memory_space<hbm>>
      %dma_wait3A_60 = arith.constant 0 : i32
      %dma_wait3A_61 = tpu.memref_slice %arg7[%add3A_9, %dma_wait3A_60] : memref<800000x48xf32, #tpu.memory_space<hbm>> -> memref<128x48xf32, #tpu.memory_space<hbm>>
      tpu.wait_dma2 semaphore(%run_scoped3A : memref<!tpu.dma_semaphore, #tpu.memory_space<semaphore_mem>>) src(%arg11 : memref<128x48xf32, #tpu.memory_space<vmem>>) dst(%dma_wait3A_61 : memref<128x48xf32, #tpu.memory_space<hbm>>)
      tpu.yield
    }) : () -> ()
    %add3A_20 = arith.constant 24960 : i32
    %add3A_21 = arith.addi %mul3A_2, %add3A_20 : i32
    "tpu.region"() ({
      %run_scoped3A = tpu.sem_alloc : memref<!tpu.dma_semaphore, #tpu.memory_space<semaphore_mem>>
      %dma_start3A_54 = arith.constant 0 : i32
      %dma_start3A_55 = tpu.memref_slice %arg8[%dma_start3A_54] : memref<128xi32, #tpu.memory_space<vmem>> -> memref<40xi32, #tpu.memory_space<vmem>>
      %dma_start3A_56 = tpu.memref_slice %arg3[%add3A_21] : memref<800000xi32, #tpu.memory_space<hbm>> -> memref<40xi32, #tpu.memory_space<hbm>>
      %dma_start3A_57 = arith.constant 0 : i32
      %dma_start3A_58 = tpu.memref_slice %arg8[%dma_start3A_57] : memref<128xi32, #tpu.memory_space<vmem>> -> memref<40xi32, #tpu.memory_space<vmem>>
      %dma_start3A_59 = tpu.memref_slice %arg3[%add3A_21] : memref<800000xi32, #tpu.memory_space<hbm>> -> memref<40xi32, #tpu.memory_space<hbm>>
      tpu.enqueue_dma source(%dma_start3A_59 : memref<40xi32, #tpu.memory_space<hbm>>) target(%dma_start3A_58 : memref<40xi32, #tpu.memory_space<vmem>>) target_semaphore(%run_scoped3A : memref<!tpu.dma_semaphore, #tpu.memory_space<semaphore_mem>>)
      %dma_wait3A_60 = arith.constant 0 : i32
      %dma_wait3A_61 = tpu.memref_slice %arg8[%dma_wait3A_60] : memref<128xi32, #tpu.memory_space<vmem>> -> memref<40xi32, #tpu.memory_space<vmem>>
      %dma_wait3A_62 = tpu.memref_slice %arg3[%add3A_21] : memref<800000xi32, #tpu.memory_space<hbm>> -> memref<40xi32, #tpu.memory_space<hbm>>
      %dma_wait3A_63 = arith.constant 0 : i32
      %dma_wait3A_64 = tpu.memref_slice %arg8[%dma_wait3A_63] : memref<128xi32, #tpu.memory_space<vmem>> -> memref<40xi32, #tpu.memory_space<vmem>>
      %dma_wait3A_65 = tpu.memref_slice %arg3[%add3A_21] : memref<800000xi32, #tpu.memory_space<hbm>> -> memref<40xi32, #tpu.memory_space<hbm>>
      tpu.wait_dma2 semaphore(%run_scoped3A : memref<!tpu.dma_semaphore, #tpu.memory_space<semaphore_mem>>) src(%dma_wait3A_65 : memref<40xi32, #tpu.memory_space<hbm>>) dst(%dma_wait3A_64 : memref<40xi32, #tpu.memory_space<vmem>>)
      tpu.yield
    }) : () -> ()
    "tpu.region"() ({
      %run_scoped3A = tpu.sem_alloc : memref<!tpu.dma_semaphore, #tpu.memory_space<semaphore_mem>>
      %dma_start3A_54 = arith.constant 0 : i32
      %dma_start3A_55 = tpu.memref_slice %arg9[%dma_start3A_54] : memref<128xi32, #tpu.memory_space<vmem>> -> memref<40xi32, #tpu.memory_space<vmem>>
      %dma_start3A_56 = tpu.memref_slice %arg5[%add3A_21] : memref<800000xi32, #tpu.memory_space<hbm>> -> memref<40xi32, #tpu.memory_space<hbm>>
      %dma_start3A_57 = arith.constant 0 : i32
      %dma_start3A_58 = tpu.memref_slice %arg9[%dma_start3A_57] : memref<128xi32, #tpu.memory_space<vmem>> -> memref<40xi32, #tpu.memory_space<vmem>>
      %dma_start3A_59 = tpu.memref_slice %arg5[%add3A_21] : memref<800000xi32, #tpu.memory_space<hbm>> -> memref<40xi32, #tpu.memory_space<hbm>>
      tpu.enqueue_dma source(%dma_start3A_59 : memref<40xi32, #tpu.memory_space<hbm>>) target(%dma_start3A_58 : memref<40xi32, #tpu.memory_space<vmem>>) target_semaphore(%run_scoped3A : memref<!tpu.dma_semaphore, #tpu.memory_space<semaphore_mem>>)
      %dma_wait3A_60 = arith.constant 0 : i32
      %dma_wait3A_61 = tpu.memref_slice %arg9[%dma_wait3A_60] : memref<128xi32, #tpu.memory_space<vmem>> -> memref<40xi32, #tpu.memory_space<vmem>>
      %dma_wait3A_62 = tpu.memref_slice %arg5[%add3A_21] : memref<800000xi32, #tpu.memory_space<hbm>> -> memref<40xi32, #tpu.memory_space<hbm>>
      %dma_wait3A_63 = arith.constant 0 : i32
      %dma_wait3A_64 = tpu.memref_slice %arg9[%dma_wait3A_63] : memref<128xi32, #tpu.memory_space<vmem>> -> memref<40xi32, #tpu.memory_space<vmem>>
      %dma_wait3A_65 = tpu.memref_slice %arg5[%add3A_21] : memref<800000xi32, #tpu.memory_space<hbm>> -> memref<40xi32, #tpu.memory_space<hbm>>
      tpu.wait_dma2 semaphore(%run_scoped3A : memref<!tpu.dma_semaphore, #tpu.memory_space<semaphore_mem>>) src(%dma_wait3A_65 : memref<40xi32, #tpu.memory_space<hbm>>) dst(%dma_wait3A_64 : memref<40xi32, #tpu.memory_space<vmem>>)
      tpu.yield
    }) : () -> ()
    %dma_start3A_22 = arith.constant 0 : i32
    %dma_start3A_23 = arith.constant 0 : i32
    %dma_start3A_24 = tpu.memref_slice %arg10[%dma_start3A_22, %dma_start3A_23] : memref<128x80xf32, #tpu.memory_space<vmem>> -> memref<40x80xf32, #tpu.memory_space<vmem>>
    %dma_start3A_25 = arith.constant 0 : i32
    %dma_start3A_26 = tpu.memref_slice %arg8[%dma_start3A_25] : memref<128xi32, #tpu.memory_space<vmem>> -> memref<40xi32, #tpu.memory_space<vmem>>
    %dma_start3A_27 = arith.constant 0 : i32
    %dma_start3A_28 = arith.constant 0 : i32
    %dma_start3A_29 = tpu.memref_slice %arg2[%dma_start3A_27, %dma_start3A_28] : memref<50000x80xf32, #tpu.memory_space<hbm>> -> memref<50000x80xf32, #tpu.memory_space<hbm>>
    tpu.enqueue_indirect_dma source(%dma_start3A_29 : memref<50000x80xf32, #tpu.memory_space<hbm>>) target(%dma_start3A_24 : memref<40x80xf32, #tpu.memory_space<vmem>>) offsets(%dma_start3A_26 : memref<40xi32, #tpu.memory_space<vmem>>) semaphore(%arg16 : memref<!tpu.dma_semaphore, #tpu.memory_space<semaphore_mem>>)
    %dma_start3A_30 = arith.constant 0 : i32
    %dma_start3A_31 = arith.constant 0 : i32
    %dma_start3A_32 = tpu.memref_slice %arg11[%dma_start3A_30, %dma_start3A_31] : memref<128x48xf32, #tpu.memory_space<vmem>> -> memref<40x48xf32, #tpu.memory_space<vmem>>
    %dma_start3A_33 = arith.constant 0 : i32
    %dma_start3A_34 = tpu.memref_slice %arg9[%dma_start3A_33] : memref<128xi32, #tpu.memory_space<vmem>> -> memref<40xi32, #tpu.memory_space<vmem>>
    %dma_start3A_35 = arith.constant 0 : i32
    %dma_start3A_36 = arith.constant 0 : i32
    %dma_start3A_37 = tpu.memref_slice %arg4[%dma_start3A_35, %dma_start3A_36] : memref<50000x48xf32, #tpu.memory_space<hbm>> -> memref<50000x48xf32, #tpu.memory_space<hbm>>
    tpu.enqueue_indirect_dma source(%dma_start3A_37 : memref<50000x48xf32, #tpu.memory_space<hbm>>) target(%dma_start3A_32 : memref<40x48xf32, #tpu.memory_space<vmem>>) offsets(%dma_start3A_34 : memref<40xi32, #tpu.memory_space<vmem>>) semaphore(%arg17 : memref<!tpu.dma_semaphore, #tpu.memory_space<semaphore_mem>>)
    %dma_wait3A_38 = arith.constant 0 : i32
    %dma_wait3A_39 = arith.constant 0 : i32
    %dma_wait3A_40 = tpu.memref_slice %arg10[%dma_wait3A_38, %dma_wait3A_39] : memref<128x80xf32, #tpu.memory_space<vmem>> -> memref<40x80xf32, #tpu.memory_space<vmem>>
    %dma_wait3A_41 = arith.constant 0 : i32
    %dma_wait3A_42 = tpu.memref_slice %arg8[%dma_wait3A_41] : memref<128xi32, #tpu.memory_space<vmem>> -> memref<40xi32, #tpu.memory_space<vmem>>
    %dma_wait3A_43 = arith.constant 0 : i32
    %dma_wait3A_44 = arith.constant 0 : i32
    %dma_wait3A_45 = tpu.memref_slice %arg2[%dma_wait3A_43, %dma_wait3A_44] : memref<50000x80xf32, #tpu.memory_space<hbm>> -> memref<50000x80xf32, #tpu.memory_space<hbm>>
    tpu.wait_indirect_dma semaphore(%arg16 : memref<!tpu.dma_semaphore, #tpu.memory_space<semaphore_mem>>) src(%dma_wait3A_45 : memref<50000x80xf32, #tpu.memory_space<hbm>>) dst(%dma_wait3A_40 : memref<40x80xf32, #tpu.memory_space<vmem>>)
    %dma_wait3A_46 = arith.constant 0 : i32
    %dma_wait3A_47 = arith.constant 0 : i32
    %dma_wait3A_48 = tpu.memref_slice %arg11[%dma_wait3A_46, %dma_wait3A_47] : memref<128x48xf32, #tpu.memory_space<vmem>> -> memref<40x48xf32, #tpu.memory_space<vmem>>
    %dma_wait3A_49 = arith.constant 0 : i32
    %dma_wait3A_50 = tpu.memref_slice %arg9[%dma_wait3A_49] : memref<128xi32, #tpu.memory_space<vmem>> -> memref<40xi32, #tpu.memory_space<vmem>>
    %dma_wait3A_51 = arith.constant 0 : i32
    %dma_wait3A_52 = arith.constant 0 : i32
    %dma_wait3A_53 = tpu.memref_slice %arg4[%dma_wait3A_51, %dma_wait3A_52] : memref<50000x48xf32, #tpu.memory_space<hbm>> -> memref<50000x48xf32, #tpu.memory_space<hbm>>
    tpu.wait_indirect_dma semaphore(%arg17 : memref<!tpu.dma_semaphore, #tpu.memory_space<semaphore_mem>>) src(%dma_wait3A_53 : memref<50000x48xf32, #tpu.memory_space<hbm>>) dst(%dma_wait3A_48 : memref<40x48xf32, #tpu.memory_space<vmem>>)
    "tpu.region"() ({
      %run_scoped3A = tpu.sem_alloc : memref<!tpu.dma_semaphore, #tpu.memory_space<semaphore_mem>>
      %dma_start3A_54 = arith.constant 0 : i32
      %dma_start3A_55 = arith.constant 0 : i32
      %dma_start3A_56 = tpu.memref_slice %arg10[%dma_start3A_54, %dma_start3A_55] : memref<128x80xf32, #tpu.memory_space<vmem>> -> memref<40x80xf32, #tpu.memory_space<vmem>>
      %dma_start3A_57 = arith.constant 0 : i32
      %dma_start3A_58 = tpu.memref_slice %arg6[%add3A_21, %dma_start3A_57] : memref<800000x80xf32, #tpu.memory_space<hbm>> -> memref<40x80xf32, #tpu.memory_space<hbm>>
      %dma_start3A_59 = arith.constant 0 : i32
      %dma_start3A_60 = tpu.memref_slice %arg6[%add3A_21, %dma_start3A_59] : memref<800000x80xf32, #tpu.memory_space<hbm>> -> memref<40x80xf32, #tpu.memory_space<hbm>>
      %dma_start3A_61 = arith.constant 0 : i32
      %dma_start3A_62 = arith.constant 0 : i32
      %dma_start3A_63 = tpu.memref_slice %arg10[%dma_start3A_61, %dma_start3A_62] : memref<128x80xf32, #tpu.memory_space<vmem>> -> memref<40x80xf32, #tpu.memory_space<vmem>>
      tpu.enqueue_dma source(%dma_start3A_63 : memref<40x80xf32, #tpu.memory_space<vmem>>) target(%dma_start3A_60 : memref<40x80xf32, #tpu.memory_space<hbm>>) target_semaphore(%run_scoped3A : memref<!tpu.dma_semaphore, #tpu.memory_space<semaphore_mem>>)
      %dma_wait3A_64 = arith.constant 0 : i32
      %dma_wait3A_65 = arith.constant 0 : i32
      %dma_wait3A_66 = tpu.memref_slice %arg10[%dma_wait3A_64, %dma_wait3A_65] : memref<128x80xf32, #tpu.memory_space<vmem>> -> memref<40x80xf32, #tpu.memory_space<vmem>>
      %dma_wait3A_67 = arith.constant 0 : i32
      %dma_wait3A_68 = tpu.memref_slice %arg6[%add3A_21, %dma_wait3A_67] : memref<800000x80xf32, #tpu.memory_space<hbm>> -> memref<40x80xf32, #tpu.memory_space<hbm>>
      %dma_wait3A_69 = arith.constant 0 : i32
      %dma_wait3A_70 = tpu.memref_slice %arg6[%add3A_21, %dma_wait3A_69] : memref<800000x80xf32, #tpu.memory_space<hbm>> -> memref<40x80xf32, #tpu.memory_space<hbm>>
      %dma_wait3A_71 = arith.constant 0 : i32
      %dma_wait3A_72 = arith.constant 0 : i32
      %dma_wait3A_73 = tpu.memref_slice %arg10[%dma_wait3A_71, %dma_wait3A_72] : memref<128x80xf32, #tpu.memory_space<vmem>> -> memref<40x80xf32, #tpu.memory_space<vmem>>
      tpu.wait_dma2 semaphore(%run_scoped3A : memref<!tpu.dma_semaphore, #tpu.memory_space<semaphore_mem>>) src(%dma_wait3A_73 : memref<40x80xf32, #tpu.memory_space<vmem>>) dst(%dma_wait3A_70 : memref<40x80xf32, #tpu.memory_space<hbm>>)
      tpu.yield
    }) : () -> ()
    "tpu.region"() ({
      %run_scoped3A = tpu.sem_alloc : memref<!tpu.dma_semaphore, #tpu.memory_space<semaphore_mem>>
      %dma_start3A_54 = arith.constant 0 : i32
      %dma_start3A_55 = arith.constant 0 : i32
      %dma_start3A_56 = tpu.memref_slice %arg11[%dma_start3A_54, %dma_start3A_55] : memref<128x48xf32, #tpu.memory_space<vmem>> -> memref<40x48xf32, #tpu.memory_space<vmem>>
      %dma_start3A_57 = arith.constant 0 : i32
      %dma_start3A_58 = tpu.memref_slice %arg7[%add3A_21, %dma_start3A_57] : memref<800000x48xf32, #tpu.memory_space<hbm>> -> memref<40x48xf32, #tpu.memory_space<hbm>>
      %dma_start3A_59 = arith.constant 0 : i32
      %dma_start3A_60 = tpu.memref_slice %arg7[%add3A_21, %dma_start3A_59] : memref<800000x48xf32, #tpu.memory_space<hbm>> -> memref<40x48xf32, #tpu.memory_space<hbm>>
      %dma_start3A_61 = arith.constant 0 : i32
      %dma_start3A_62 = arith.constant 0 : i32
      %dma_start3A_63 = tpu.memref_slice %arg11[%dma_start3A_61, %dma_start3A_62] : memref<128x48xf32, #tpu.memory_space<vmem>> -> memref<40x48xf32, #tpu.memory_space<vmem>>
      tpu.enqueue_dma source(%dma_start3A_63 : memref<40x48xf32, #tpu.memory_space<vmem>>) target(%dma_start3A_60 : memref<40x48xf32, #tpu.memory_space<hbm>>) target_semaphore(%run_scoped3A : memref<!tpu.dma_semaphore, #tpu.memory_space<semaphore_mem>>)
      %dma_wait3A_64 = arith.constant 0 : i32
      %dma_wait3A_65 = arith.constant 0 : i32
      %dma_wait3A_66 = tpu.memref_slice %arg11[%dma_wait3A_64, %dma_wait3A_65] : memref<128x48xf32, #tpu.memory_space<vmem>> -> memref<40x48xf32, #tpu.memory_space<vmem>>
      %dma_wait3A_67 = arith.constant 0 : i32
      %dma_wait3A_68 = tpu.memref_slice %arg7[%add3A_21, %dma_wait3A_67] : memref<800000x48xf32, #tpu.memory_space<hbm>> -> memref<40x48xf32, #tpu.memory_space<hbm>>
      %dma_wait3A_69 = arith.constant 0 : i32
      %dma_wait3A_70 = tpu.memref_slice %arg7[%add3A_21, %dma_wait3A_69] : memref<800000x48xf32, #tpu.memory_space<hbm>> -> memref<40x48xf32, #tpu.memory_space<hbm>>
      %dma_wait3A_71 = arith.constant 0 : i32
      %dma_wait3A_72 = arith.constant 0 : i32
      %dma_wait3A_73 = tpu.memref_slice %arg11[%dma_wait3A_71, %dma_wait3A_72] : memref<128x48xf32, #tpu.memory_space<vmem>> -> memref<40x48xf32, #tpu.memory_space<vmem>>
      tpu.wait_dma2 semaphore(%run_scoped3A : memref<!tpu.dma_semaphore, #tpu.memory_space<semaphore_mem>>) src(%dma_wait3A_73 : memref<40x48xf32, #tpu.memory_space<vmem>>) dst(%dma_wait3A_70 : memref<40x48xf32, #tpu.memory_space<hbm>>)
      tpu.yield
    }) : () -> ()
    return
  }
}

#map = affine_map<(d0, d1) -> (0, 0)>
#map1 = affine_map<(d0, d1) -> (0)>
module attributes {stable_mosaic.version = 14 : i64} {
  func.func @scatter_k(%arg0: i32, %arg1: i32, %arg2: memref<36x800000xf32, #tpu.memory_space<hbm>>, %arg3: memref<800000xi32, #tpu.memory_space<hbm>>, %arg4: memref<36x50000xf32, #tpu.memory_space<hbm>>, %arg5: memref<4000xi32, #tpu.memory_space<vmem>>, %arg6: memref<4000xf32, #tpu.memory_space<vmem>>, %arg7: memref<4000xf32, #tpu.memory_space<vmem>>, %arg8: memref<4000xi32, #tpu.memory_space<vmem>>, %arg9: memref<4000xf32, #tpu.memory_space<vmem>>, %arg10: memref<4000xf32, #tpu.memory_space<vmem>>, %arg11: memref<100000xf32, #tpu.memory_space<vmem>>, %arg12: memref<!tpu.dma_semaphore, #tpu.memory_space<semaphore_mem>>, %arg13: memref<!tpu.dma_semaphore, #tpu.memory_space<semaphore_mem>>) attributes {dimension_semantics = [#tpu.dimension_semantics<core_parallel>, #tpu.dimension_semantics<subcore_parallel>], iteration_bounds = array<i64: 2, 16>, scalar_prefetch = 0 : i64, scratch_operands = 9 : i64, tpu.core_type = #tpu.core_type<sc_vector_subcore>, window_params = [{transform_indices = #map}, {transform_indices = #map1}, {transform_indices = #map}]} {
    %mul3A = arith.constant 2 : i32
    %mul3A_0 = arith.muli %arg1, %mul3A : i32
    %add3A = arith.addi %mul3A_0, %arg0 : i32
    %lt3A = arith.constant 18 : i32
    %lt3A_1 = arith.cmpi slt, %add3A, %lt3A : i32
    %convert_element_type3A = arith.extui %lt3A_1 : i1 to i32
    %cond3A = arith.constant 0 : i32
    %cond3A_2 = arith.cmpi ne, %convert_element_type3A, %cond3A : i32
    scf.if %cond3A_2 {
      %mul3A_3 = arith.constant 2 : i32
      %mul3A_4 = arith.muli %add3A, %mul3A_3 : i32
      %broadcast_in_dim3A = arith.constant 0.000000e+00 : f32
      %broadcast_in_dim3A_5 = vector.broadcast %broadcast_in_dim3A : f32 to vector<16xf32>
      %scan3A = arith.constant 0 : i32
      %scan3A_6 = arith.constant 0 : i32
      %scan3A_7 = arith.constant 6250 : i32
      %scan3A_8 = arith.addi %scan3A_6, %scan3A_7 : i32
      %scan3A_9 = arith.constant 1 : i32
      scf.for %scan3A_36 = %scan3A_6 to %scan3A_8 step %scan3A_9  : i32 {
        %mul3A_37 = arith.constant 16 : i32
        %mul3A_38 = arith.muli %scan3A_36, %mul3A_37 : i32
        %swap3A = arith.index_cast %mul3A_38 : i32 to index
        %swap3A_39 = tpu.vector_load %arg11[%swap3A] {strides = array<i32>} : memref<100000xf32, #tpu.memory_space<vmem>>, vector<16xf32>,
        tpu.vector_store %arg11[%swap3A], %broadcast_in_dim3A_5 {strides = array<i32>} : memref<100000xf32, #tpu.memory_space<vmem>>, vector<16xf32>,
      }
      %scan3A_10 = arith.constant 6250 : i32
      %dma_start3A = arith.constant 0 : i32
      %dma_start3A_11 = tpu.memref_slice %arg3[%dma_start3A] : memref<800000xi32, #tpu.memory_space<hbm>> -> memref<4000xi32, #tpu.memory_space<hbm>>
      %dma_start3A_12 = arith.constant 0 : i32
      %dma_start3A_13 = tpu.memref_slice %arg3[%dma_start3A_12] : memref<800000xi32, #tpu.memory_space<hbm>> -> memref<4000xi32, #tpu.memory_space<hbm>>
      tpu.enqueue_dma source(%dma_start3A_13 : memref<4000xi32, #tpu.memory_space<hbm>>) target(%arg5 : memref<4000xi32, #tpu.memory_space<vmem>>) target_semaphore(%arg12 : memref<!tpu.dma_semaphore, #tpu.memory_space<semaphore_mem>>)
      %dma_start3A_14 = arith.constant 0 : i32
      %dma_start3A_15 = tpu.memref_slice %arg2[%mul3A_4, %dma_start3A_14] : memref<36x800000xf32, #tpu.memory_space<hbm>> -> memref<1x4000xf32, #tpu.memory_space<hbm>>
      %dma_start3A_16 = tpu.memref_squeeze %dma_start3A_15 : memref<1x4000xf32, #tpu.memory_space<hbm>> -> memref<4000xf32, #tpu.memory_space<hbm>>
      %dma_start3A_17 = arith.constant 0 : i32
      %dma_start3A_18 = tpu.memref_slice %arg2[%mul3A_4, %dma_start3A_17] : memref<36x800000xf32, #tpu.memory_space<hbm>> -> memref<1x4000xf32, #tpu.memory_space<hbm>>
      %dma_start3A_19 = tpu.memref_squeeze %dma_start3A_18 : memref<1x4000xf32, #tpu.memory_space<hbm>> -> memref<4000xf32, #tpu.memory_space<hbm>>
      tpu.enqueue_dma source(%dma_start3A_19 : memref<4000xf32, #tpu.memory_space<hbm>>) target(%arg6 : memref<4000xf32, #tpu.memory_space<vmem>>) target_semaphore(%arg12 : memref<!tpu.dma_semaphore, #tpu.memory_space<semaphore_mem>>)
      %add3A_20 = arith.constant 1 : i32
      %add3A_21 = arith.addi %mul3A_4, %add3A_20 : i32
      %dma_start3A_22 = arith.constant 0 : i32
      %dma_start3A_23 = tpu.memref_slice %arg2[%add3A_21, %dma_start3A_22] : memref<36x800000xf32, #tpu.memory_space<hbm>> -> memref<1x4000xf32, #tpu.memory_space<hbm>>
      %dma_start3A_24 = tpu.memref_squeeze %dma_start3A_23 : memref<1x4000xf32, #tpu.memory_space<hbm>> -> memref<4000xf32, #tpu.memory_space<hbm>>
      %dma_start3A_25 = arith.constant 0 : i32
      %dma_start3A_26 = tpu.memref_slice %arg2[%add3A_21, %dma_start3A_25] : memref<36x800000xf32, #tpu.memory_space<hbm>> -> memref<1x4000xf32, #tpu.memory_space<hbm>>
      %dma_start3A_27 = tpu.memref_squeeze %dma_start3A_26 : memref<1x4000xf32, #tpu.memory_space<hbm>> -> memref<4000xf32, #tpu.memory_space<hbm>>
      tpu.enqueue_dma source(%dma_start3A_27 : memref<4000xf32, #tpu.memory_space<hbm>>) target(%arg7 : memref<4000xf32, #tpu.memory_space<vmem>>) target_semaphore(%arg12 : memref<!tpu.dma_semaphore, #tpu.memory_space<semaphore_mem>>)
      %scan3A_28 = arith.constant 0 : i32
      %scan3A_29 = arith.constant 0 : i32
      %scan3A_30 = arith.constant 100 : i32
      %scan3A_31 = arith.addi %scan3A_29, %scan3A_30 : i32
      %scan3A_32 = arith.constant 1 : i32
      scf.for %scan3A_36 = %scan3A_29 to %scan3A_31 step %scan3A_32  : i32 {
        %mul3A_37 = arith.constant 2 : i32
        %mul3A_38 = arith.muli %mul3A_37, %scan3A_36 : i32
        %add3A_39 = arith.constant 1 : i32
        %add3A_40 = arith.addi %mul3A_38, %add3A_39 : i32
        %mul3A_41 = arith.constant 4000 : i32
        %mul3A_42 = arith.muli %add3A_40, %mul3A_41 : i32
        %dma_start3A_43 = tpu.memref_slice %arg3[%mul3A_42] : memref<800000xi32, #tpu.memory_space<hbm>> -> memref<4000xi32, #tpu.memory_space<hbm>>
        %dma_start3A_44 = tpu.memref_slice %arg3[%mul3A_42] : memref<800000xi32, #tpu.memory_space<hbm>> -> memref<4000xi32, #tpu.memory_space<hbm>>
        tpu.enqueue_dma source(%dma_start3A_44 : memref<4000xi32, #tpu.memory_space<hbm>>) target(%arg8 : memref<4000xi32, #tpu.memory_space<vmem>>) target_semaphore(%arg13 : memref<!tpu.dma_semaphore, #tpu.memory_space<semaphore_mem>>)
        %dma_start3A_45 = tpu.memref_slice %arg2[%mul3A_4, %mul3A_42] : memref<36x800000xf32, #tpu.memory_space<hbm>> -> memref<1x4000xf32, #tpu.memory_space<hbm>>
        %dma_start3A_46 = tpu.memref_squeeze %dma_start3A_45 : memref<1x4000xf32, #tpu.memory_space<hbm>> -> memref<4000xf32, #tpu.memory_space<hbm>>
        %dma_start3A_47 = tpu.memref_slice %arg2[%mul3A_4, %mul3A_42] : memref<36x800000xf32, #tpu.memory_space<hbm>> -> memref<1x4000xf32, #tpu.memory_space<hbm>>
        %dma_start3A_48 = tpu.memref_squeeze %dma_start3A_47 : memref<1x4000xf32, #tpu.memory_space<hbm>> -> memref<4000xf32, #tpu.memory_space<hbm>>
        tpu.enqueue_dma source(%dma_start3A_48 : memref<4000xf32, #tpu.memory_space<hbm>>) target(%arg9 : memref<4000xf32, #tpu.memory_space<vmem>>) target_semaphore(%arg13 : memref<!tpu.dma_semaphore, #tpu.memory_space<semaphore_mem>>)
        %add3A_49 = arith.constant 1 : i32
        %add3A_50 = arith.addi %mul3A_4, %add3A_49 : i32
        %dma_start3A_51 = tpu.memref_slice %arg2[%add3A_50, %mul3A_42] : memref<36x800000xf32, #tpu.memory_space<hbm>> -> memref<1x4000xf32, #tpu.memory_space<hbm>>
        %dma_start3A_52 = tpu.memref_squeeze %dma_start3A_51 : memref<1x4000xf32, #tpu.memory_space<hbm>> -> memref<4000xf32, #tpu.memory_space<hbm>>
        %dma_start3A_53 = tpu.memref_slice %arg2[%add3A_50, %mul3A_42] : memref<36x800000xf32, #tpu.memory_space<hbm>> -> memref<1x4000xf32, #tpu.memory_space<hbm>>
        %dma_start3A_54 = tpu.memref_squeeze %dma_start3A_53 : memref<1x4000xf32, #tpu.memory_space<hbm>> -> memref<4000xf32, #tpu.memory_space<hbm>>
        tpu.enqueue_dma source(%dma_start3A_54 : memref<4000xf32, #tpu.memory_space<hbm>>) target(%arg10 : memref<4000xf32, #tpu.memory_space<vmem>>) target_semaphore(%arg13 : memref<!tpu.dma_semaphore, #tpu.memory_space<semaphore_mem>>)
        %mul3A_55 = arith.constant 4000 : i32
        %mul3A_56 = arith.muli %mul3A_38, %mul3A_55 : i32
        %dma_wait3A = tpu.memref_slice %arg3[%mul3A_56] : memref<800000xi32, #tpu.memory_space<hbm>> -> memref<4000xi32, #tpu.memory_space<hbm>>
        %dma_wait3A_57 = tpu.memref_slice %arg3[%mul3A_56] : memref<800000xi32, #tpu.memory_space<hbm>> -> memref<4000xi32, #tpu.memory_space<hbm>>
        tpu.wait_dma2 semaphore(%arg12 : memref<!tpu.dma_semaphore, #tpu.memory_space<semaphore_mem>>) src(%dma_wait3A_57 : memref<4000xi32, #tpu.memory_space<hbm>>) dst(%arg5 : memref<4000xi32, #tpu.memory_space<vmem>>)
        %dma_wait3A_58 = tpu.memref_slice %arg2[%mul3A_4, %mul3A_56] : memref<36x800000xf32, #tpu.memory_space<hbm>> -> memref<1x4000xf32, #tpu.memory_space<hbm>>
        %dma_wait3A_59 = tpu.memref_squeeze %dma_wait3A_58 : memref<1x4000xf32, #tpu.memory_space<hbm>> -> memref<4000xf32, #tpu.memory_space<hbm>>
        %dma_wait3A_60 = tpu.memref_slice %arg2[%mul3A_4, %mul3A_56] : memref<36x800000xf32, #tpu.memory_space<hbm>> -> memref<1x4000xf32, #tpu.memory_space<hbm>>
        %dma_wait3A_61 = tpu.memref_squeeze %dma_wait3A_60 : memref<1x4000xf32, #tpu.memory_space<hbm>> -> memref<4000xf32, #tpu.memory_space<hbm>>
        tpu.wait_dma2 semaphore(%arg12 : memref<!tpu.dma_semaphore, #tpu.memory_space<semaphore_mem>>) src(%dma_wait3A_61 : memref<4000xf32, #tpu.memory_space<hbm>>) dst(%arg6 : memref<4000xf32, #tpu.memory_space<vmem>>)
        %add3A_62 = arith.constant 1 : i32
        %add3A_63 = arith.addi %mul3A_4, %add3A_62 : i32
        %dma_wait3A_64 = tpu.memref_slice %arg2[%add3A_63, %mul3A_56] : memref<36x800000xf32, #tpu.memory_space<hbm>> -> memref<1x4000xf32, #tpu.memory_space<hbm>>
        %dma_wait3A_65 = tpu.memref_squeeze %dma_wait3A_64 : memref<1x4000xf32, #tpu.memory_space<hbm>> -> memref<4000xf32, #tpu.memory_space<hbm>>
        %dma_wait3A_66 = tpu.memref_slice %arg2[%add3A_63, %mul3A_56] : memref<36x800000xf32, #tpu.memory_space<hbm>> -> memref<1x4000xf32, #tpu.memory_space<hbm>>
        %dma_wait3A_67 = tpu.memref_squeeze %dma_wait3A_66 : memref<1x4000xf32, #tpu.memory_space<hbm>> -> memref<4000xf32, #tpu.memory_space<hbm>>
        tpu.wait_dma2 semaphore(%arg12 : memref<!tpu.dma_semaphore, #tpu.memory_space<semaphore_mem>>) src(%dma_wait3A_67 : memref<4000xf32, #tpu.memory_space<hbm>>) dst(%arg7 : memref<4000xf32, #tpu.memory_space<vmem>>)
        %scan3A_68 = arith.constant 0 : i32
        %scan3A_69 = arith.constant 0 : i32
        %scan3A_70 = arith.constant 248 : i32
        %scan3A_71 = arith.addi %scan3A_69, %scan3A_70 : i32
        %scan3A_72 = arith.constant 4 : i32
        scf.for %scan3A_170 = %scan3A_69 to %scan3A_71 step %scan3A_72  : i32 {
          %mul3A_171 = arith.constant 16 : i32
          %mul3A_172 = arith.muli %scan3A_170, %mul3A_171 : i32
          %get3A_173 = arith.index_cast %mul3A_172 : i32 to index
          %get3A_174 = tpu.vector_load %arg5[%get3A_173] {strides = array<i32>} : memref<4000xi32, #tpu.memory_space<vmem>>, vector<16xi32>,
          %mul3A_175 = arith.constant 16 : i32
          %mul3A_176 = arith.muli %scan3A_170, %mul3A_175 : i32
          %get3A_177 = arith.index_cast %mul3A_176 : i32 to index
          %get3A_178 = tpu.vector_load %arg6[%get3A_177] {strides = array<i32>} : memref<4000xf32, #tpu.memory_space<vmem>>, vector<16xf32>,
          tpu.vector_store_idx %arg11[%get3A_174], %get3A_178 {add = true} : memref<100000xf32, #tpu.memory_space<vmem>>[vector<16xi32>], vector<16xf32>,
          %add3A_179 = arith.constant 50000 : i32
          %add3A_180 = vector.broadcast %add3A_179 : i32 to vector<16xi32>
          %add3A_181 = arith.addi %get3A_174, %add3A_180 : vector<16xi32>
          %mul3A_182 = arith.constant 16 : i32
          %mul3A_183 = arith.muli %scan3A_170, %mul3A_182 : i32
          %get3A_184 = arith.index_cast %mul3A_183 : i32 to index
          %get3A_185 = tpu.vector_load %arg7[%get3A_184] {strides = array<i32>} : memref<4000xf32, #tpu.memory_space<vmem>>, vector<16xf32>,
          tpu.vector_store_idx %arg11[%add3A_181], %get3A_185 {add = true} : memref<100000xf32, #tpu.memory_space<vmem>>[vector<16xi32>], vector<16xf32>,
          %scan3A_186 = arith.constant 1 : i32
          %scan3A_187 = arith.addi %scan3A_170, %scan3A_186 : i32
          %mul3A_188 = arith.constant 16 : i32
          %mul3A_189 = arith.muli %scan3A_187, %mul3A_188 : i32
          %get3A_190 = arith.index_cast %mul3A_189 : i32 to index
          %get3A_191 = tpu.vector_load %arg5[%get3A_190] {strides = array<i32>} : memref<4000xi32, #tpu.memory_space<vmem>>, vector<16xi32>,
          %mul3A_192 = arith.constant 16 : i32
          %mul3A_193 = arith.muli %scan3A_187, %mul3A_192 : i32
          %get3A_194 = arith.index_cast %mul3A_193 : i32 to index
          %get3A_195 = tpu.vector_load %arg6[%get3A_194] {strides = array<i32>} : memref<4000xf32, #tpu.memory_space<vmem>>, vector<16xf32>,
          tpu.vector_store_idx %arg11[%get3A_191], %get3A_195 {add = true} : memref<100000xf32, #tpu.memory_space<vmem>>[vector<16xi32>], vector<16xf32>,
          %add3A_196 = arith.constant 50000 : i32
          %add3A_197 = vector.broadcast %add3A_196 : i32 to vector<16xi32>
          %add3A_198 = arith.addi %get3A_191, %add3A_197 : vector<16xi32>
          %mul3A_199 = arith.constant 16 : i32
          %mul3A_200 = arith.muli %scan3A_187, %mul3A_199 : i32
          %get3A_201 = arith.index_cast %mul3A_200 : i32 to index
          %get3A_202 = tpu.vector_load %arg7[%get3A_201] {strides = array<i32>} : memref<4000xf32, #tpu.memory_space<vmem>>, vector<16xf32>,
          tpu.vector_store_idx %arg11[%add3A_198], %get3A_202 {add = true} : memref<100000xf32, #tpu.memory_space<vmem>>[vector<16xi32>], vector<16xf32>,
          %scan3A_203 = arith.constant 2 : i32
          %scan3A_204 = arith.addi %scan3A_170, %scan3A_203 : i32
          %mul3A_205 = arith.constant 16 : i32
          %mul3A_206 = arith.muli %scan3A_204, %mul3A_205 : i32
          %get3A_207 = arith.index_cast %mul3A_206 : i32 to index
          %get3A_208 = tpu.vector_load %arg5[%get3A_207] {strides = array<i32>} : memref<4000xi32, #tpu.memory_space<vmem>>, vector<16xi32>,
          %mul3A_209 = arith.constant 16 : i32
          %mul3A_210 = arith.muli %scan3A_204, %mul3A_209 : i32
          %get3A_211 = arith.index_cast %mul3A_210 : i32 to index
          %get3A_212 = tpu.vector_load %arg6[%get3A_211] {strides = array<i32>} : memref<4000xf32, #tpu.memory_space<vmem>>, vector<16xf32>,
          tpu.vector_store_idx %arg11[%get3A_208], %get3A_212 {add = true} : memref<100000xf32, #tpu.memory_space<vmem>>[vector<16xi32>], vector<16xf32>,
          %add3A_213 = arith.constant 50000 : i32
          %add3A_214 = vector.broadcast %add3A_213 : i32 to vector<16xi32>
          %add3A_215 = arith.addi %get3A_208, %add3A_214 : vector<16xi32>
          %mul3A_216 = arith.constant 16 : i32
          %mul3A_217 = arith.muli %scan3A_204, %mul3A_216 : i32
          %get3A_218 = arith.index_cast %mul3A_217 : i32 to index
          %get3A_219 = tpu.vector_load %arg7[%get3A_218] {strides = array<i32>} : memref<4000xf32, #tpu.memory_space<vmem>>, vector<16xf32>,
          tpu.vector_store_idx %arg11[%add3A_215], %get3A_219 {add = true} : memref<100000xf32, #tpu.memory_space<vmem>>[vector<16xi32>], vector<16xf32>,
          %scan3A_220 = arith.constant 3 : i32
          %scan3A_221 = arith.addi %scan3A_170, %scan3A_220 : i32
          %mul3A_222 = arith.constant 16 : i32
          %mul3A_223 = arith.muli %scan3A_221, %mul3A_222 : i32
          %get3A_224 = arith.index_cast %mul3A_223 : i32 to index
          %get3A_225 = tpu.vector_load %arg5[%get3A_224] {strides = array<i32>} : memref<4000xi32, #tpu.memory_space<vmem>>, vector<16xi32>,
          %mul3A_226 = arith.constant 16 : i32
          %mul3A_227 = arith.muli %scan3A_221, %mul3A_226 : i32
          %get3A_228 = arith.index_cast %mul3A_227 : i32 to index
          %get3A_229 = tpu.vector_load %arg6[%get3A_228] {strides = array<i32>} : memref<4000xf32, #tpu.memory_space<vmem>>, vector<16xf32>,
          tpu.vector_store_idx %arg11[%get3A_225], %get3A_229 {add = true} : memref<100000xf32, #tpu.memory_space<vmem>>[vector<16xi32>], vector<16xf32>,
          %add3A_230 = arith.constant 50000 : i32
          %add3A_231 = vector.broadcast %add3A_230 : i32 to vector<16xi32>
          %add3A_232 = arith.addi %get3A_225, %add3A_231 : vector<16xi32>
          %mul3A_233 = arith.constant 16 : i32
          %mul3A_234 = arith.muli %scan3A_221, %mul3A_233 : i32
          %get3A_235 = arith.index_cast %mul3A_234 : i32 to index
          %get3A_236 = tpu.vector_load %arg7[%get3A_235] {strides = array<i32>} : memref<4000xf32, #tpu.memory_space<vmem>>, vector<16xf32>,
          tpu.vector_store_idx %arg11[%add3A_232], %get3A_236 {add = true} : memref<100000xf32, #tpu.memory_space<vmem>>[vector<16xi32>], vector<16xf32>,
        }
        %scan3A_73 = arith.constant 248 : i32
        %scan3A_74 = arith.addi %scan3A_69, %scan3A_73 : i32
        %mul3A_75 = arith.constant 16 : i32
        %mul3A_76 = arith.muli %scan3A_74, %mul3A_75 : i32
        %get3A = arith.index_cast %mul3A_76 : i32 to index
        %get3A_77 = tpu.vector_load %arg5[%get3A] {strides = array<i32>} : memref<4000xi32, #tpu.memory_space<vmem>>, vector<16xi32>,
        %mul3A_78 = arith.constant 16 : i32
        %mul3A_79 = arith.muli %scan3A_74, %mul3A_78 : i32
        %get3A_80 = arith.index_cast %mul3A_79 : i32 to index
        %get3A_81 = tpu.vector_load %arg6[%get3A_80] {strides = array<i32>} : memref<4000xf32, #tpu.memory_space<vmem>>, vector<16xf32>,
        tpu.vector_store_idx %arg11[%get3A_77], %get3A_81 {add = true} : memref<100000xf32, #tpu.memory_space<vmem>>[vector<16xi32>], vector<16xf32>,
        %add3A_82 = arith.constant 50000 : i32
        %add3A_83 = vector.broadcast %add3A_82 : i32 to vector<16xi32>
        %add3A_84 = arith.addi %get3A_77, %add3A_83 : vector<16xi32>
        %mul3A_85 = arith.constant 16 : i32
        %mul3A_86 = arith.muli %scan3A_74, %mul3A_85 : i32
        %get3A_87 = arith.index_cast %mul3A_86 : i32 to index
        %get3A_88 = tpu.vector_load %arg7[%get3A_87] {strides = array<i32>} : memref<4000xf32, #tpu.memory_space<vmem>>, vector<16xf32>,
        tpu.vector_store_idx %arg11[%add3A_84], %get3A_88 {add = true} : memref<100000xf32, #tpu.memory_space<vmem>>[vector<16xi32>], vector<16xf32>,
        %scan3A_89 = arith.constant 249 : i32
        %scan3A_90 = arith.addi %scan3A_69, %scan3A_89 : i32
        %mul3A_91 = arith.constant 16 : i32
        %mul3A_92 = arith.muli %scan3A_90, %mul3A_91 : i32
        %get3A_93 = arith.index_cast %mul3A_92 : i32 to index
        %get3A_94 = tpu.vector_load %arg5[%get3A_93] {strides = array<i32>} : memref<4000xi32, #tpu.memory_space<vmem>>, vector<16xi32>,
        %mul3A_95 = arith.constant 16 : i32
        %mul3A_96 = arith.muli %scan3A_90, %mul3A_95 : i32
        %get3A_97 = arith.index_cast %mul3A_96 : i32 to index
        %get3A_98 = tpu.vector_load %arg6[%get3A_97] {strides = array<i32>} : memref<4000xf32, #tpu.memory_space<vmem>>, vector<16xf32>,
        tpu.vector_store_idx %arg11[%get3A_94], %get3A_98 {add = true} : memref<100000xf32, #tpu.memory_space<vmem>>[vector<16xi32>], vector<16xf32>,
        %add3A_99 = arith.constant 50000 : i32
        %add3A_100 = vector.broadcast %add3A_99 : i32 to vector<16xi32>
        %add3A_101 = arith.addi %get3A_94, %add3A_100 : vector<16xi32>
        %mul3A_102 = arith.constant 16 : i32
        %mul3A_103 = arith.muli %scan3A_90, %mul3A_102 : i32
        %get3A_104 = arith.index_cast %mul3A_103 : i32 to index
        %get3A_105 = tpu.vector_load %arg7[%get3A_104] {strides = array<i32>} : memref<4000xf32, #tpu.memory_space<vmem>>, vector<16xf32>,
        tpu.vector_store_idx %arg11[%add3A_101], %get3A_105 {add = true} : memref<100000xf32, #tpu.memory_space<vmem>>[vector<16xi32>], vector<16xf32>,
        %scan3A_106 = arith.constant 250 : i32
        %add3A_107 = arith.constant 2 : i32
        %add3A_108 = arith.addi %mul3A_38, %add3A_107 : i32
        %lt3A_109 = arith.constant 200 : i32
        %lt3A_110 = arith.cmpi slt, %add3A_108, %lt3A_109 : i32
        %convert_element_type3A_111 = arith.extui %lt3A_110 : i1 to i32
        %cond3A_112 = arith.constant 0 : i32
        %cond3A_113 = arith.cmpi ne, %convert_element_type3A_111, %cond3A_112 : i32
        scf.if %cond3A_113 {
          %add3A_170 = arith.constant 2 : i32
          %add3A_171 = arith.addi %mul3A_38, %add3A_170 : i32
          %mul3A_172 = arith.constant 4000 : i32
          %mul3A_173 = arith.muli %add3A_171, %mul3A_172 : i32
          %dma_start3A_174 = tpu.memref_slice %arg3[%mul3A_173] : memref<800000xi32, #tpu.memory_space<hbm>> -> memref<4000xi32, #tpu.memory_space<hbm>>
          %dma_start3A_175 = tpu.memref_slice %arg3[%mul3A_173] : memref<800000xi32, #tpu.memory_space<hbm>> -> memref<4000xi32, #tpu.memory_space<hbm>>
          tpu.enqueue_dma source(%dma_start3A_175 : memref<4000xi32, #tpu.memory_space<hbm>>) target(%arg5 : memref<4000xi32, #tpu.memory_space<vmem>>) target_semaphore(%arg12 : memref<!tpu.dma_semaphore, #tpu.memory_space<semaphore_mem>>)
          %dma_start3A_176 = tpu.memref_slice %arg2[%mul3A_4, %mul3A_173] : memref<36x800000xf32, #tpu.memory_space<hbm>> -> memref<1x4000xf32, #tpu.memory_space<hbm>>
          %dma_start3A_177 = tpu.memref_squeeze %dma_start3A_176 : memref<1x4000xf32, #tpu.memory_space<hbm>> -> memref<4000xf32, #tpu.memory_space<hbm>>
          %dma_start3A_178 = tpu.memref_slice %arg2[%mul3A_4, %mul3A_173] : memref<36x800000xf32, #tpu.memory_space<hbm>> -> memref<1x4000xf32, #tpu.memory_space<hbm>>
          %dma_start3A_179 = tpu.memref_squeeze %dma_start3A_178 : memref<1x4000xf32, #tpu.memory_space<hbm>> -> memref<4000xf32, #tpu.memory_space<hbm>>
          tpu.enqueue_dma source(%dma_start3A_179 : memref<4000xf32, #tpu.memory_space<hbm>>) target(%arg6 : memref<4000xf32, #tpu.memory_space<vmem>>) target_semaphore(%arg12 : memref<!tpu.dma_semaphore, #tpu.memory_space<semaphore_mem>>)
          %add3A_180 = arith.constant 1 : i32
          %add3A_181 = arith.addi %mul3A_4, %add3A_180 : i32
          %dma_start3A_182 = tpu.memref_slice %arg2[%add3A_181, %mul3A_173] : memref<36x800000xf32, #tpu.memory_space<hbm>> -> memref<1x4000xf32, #tpu.memory_space<hbm>>
          %dma_start3A_183 = tpu.memref_squeeze %dma_start3A_182 : memref<1x4000xf32, #tpu.memory_space<hbm>> -> memref<4000xf32, #tpu.memory_space<hbm>>
          %dma_start3A_184 = tpu.memref_slice %arg2[%add3A_181, %mul3A_173] : memref<36x800000xf32, #tpu.memory_space<hbm>> -> memref<1x4000xf32, #tpu.memory_space<hbm>>
          %dma_start3A_185 = tpu.memref_squeeze %dma_start3A_184 : memref<1x4000xf32, #tpu.memory_space<hbm>> -> memref<4000xf32, #tpu.memory_space<hbm>>
          tpu.enqueue_dma source(%dma_start3A_185 : memref<4000xf32, #tpu.memory_space<hbm>>) target(%arg7 : memref<4000xf32, #tpu.memory_space<vmem>>) target_semaphore(%arg12 : memref<!tpu.dma_semaphore, #tpu.memory_space<semaphore_mem>>)
        } else {
        }
        %add3A_114 = arith.constant 1 : i32
        %add3A_115 = arith.addi %mul3A_38, %add3A_114 : i32
        %mul3A_116 = arith.constant 4000 : i32
        %mul3A_117 = arith.muli %add3A_115, %mul3A_116 : i32
        %dma_wait3A_118 = tpu.memref_slice %arg3[%mul3A_117] : memref<800000xi32, #tpu.memory_space<hbm>> -> memref<4000xi32, #tpu.memory_space<hbm>>
        %dma_wait3A_119 = tpu.memref_slice %arg3[%mul3A_117] : memref<800000xi32, #tpu.memory_space<hbm>> -> memref<4000xi32, #tpu.memory_space<hbm>>
        tpu.wait_dma2 semaphore(%arg13 : memref<!tpu.dma_semaphore, #tpu.memory_space<semaphore_mem>>) src(%dma_wait3A_119 : memref<4000xi32, #tpu.memory_space<hbm>>) dst(%arg8 : memref<4000xi32, #tpu.memory_space<vmem>>)
        %dma_wait3A_120 = tpu.memref_slice %arg2[%mul3A_4, %mul3A_117] : memref<36x800000xf32, #tpu.memory_space<hbm>> -> memref<1x4000xf32, #tpu.memory_space<hbm>>
        %dma_wait3A_121 = tpu.memref_squeeze %dma_wait3A_120 : memref<1x4000xf32, #tpu.memory_space<hbm>> -> memref<4000xf32, #tpu.memory_space<hbm>>
        %dma_wait3A_122 = tpu.memref_slice %arg2[%mul3A_4, %mul3A_117] : memref<36x800000xf32, #tpu.memory_space<hbm>> -> memref<1x4000xf32, #tpu.memory_space<hbm>>
        %dma_wait3A_123 = tpu.memref_squeeze %dma_wait3A_122 : memref<1x4000xf32, #tpu.memory_space<hbm>> -> memref<4000xf32, #tpu.memory_space<hbm>>
        tpu.wait_dma2 semaphore(%arg13 : memref<!tpu.dma_semaphore, #tpu.memory_space<semaphore_mem>>) src(%dma_wait3A_123 : memref<4000xf32, #tpu.memory_space<hbm>>) dst(%arg9 : memref<4000xf32, #tpu.memory_space<vmem>>)
        %add3A_124 = arith.constant 1 : i32
        %add3A_125 = arith.addi %mul3A_4, %add3A_124 : i32
        %dma_wait3A_126 = tpu.memref_slice %arg2[%add3A_125, %mul3A_117] : memref<36x800000xf32, #tpu.memory_space<hbm>> -> memref<1x4000xf32, #tpu.memory_space<hbm>>
        %dma_wait3A_127 = tpu.memref_squeeze %dma_wait3A_126 : memref<1x4000xf32, #tpu.memory_space<hbm>> -> memref<4000xf32, #tpu.memory_space<hbm>>
        %dma_wait3A_128 = tpu.memref_slice %arg2[%add3A_125, %mul3A_117] : memref<36x800000xf32, #tpu.memory_space<hbm>> -> memref<1x4000xf32, #tpu.memory_space<hbm>>
        %dma_wait3A_129 = tpu.memref_squeeze %dma_wait3A_128 : memref<1x4000xf32, #tpu.memory_space<hbm>> -> memref<4000xf32, #tpu.memory_space<hbm>>
        tpu.wait_dma2 semaphore(%arg13 : memref<!tpu.dma_semaphore, #tpu.memory_space<semaphore_mem>>) src(%dma_wait3A_129 : memref<4000xf32, #tpu.memory_space<hbm>>) dst(%arg10 : memref<4000xf32, #tpu.memory_space<vmem>>)
        %scan3A_130 = arith.constant 0 : i32
        %scan3A_131 = arith.constant 0 : i32
        %scan3A_132 = arith.constant 248 : i32
        %scan3A_133 = arith.addi %scan3A_131, %scan3A_132 : i32
        %scan3A_134 = arith.constant 4 : i32
        scf.for %scan3A_170 = %scan3A_131 to %scan3A_133 step %scan3A_134  : i32 {
          %mul3A_171 = arith.constant 16 : i32
          %mul3A_172 = arith.muli %scan3A_170, %mul3A_171 : i32
          %get3A_173 = arith.index_cast %mul3A_172 : i32 to index
          %get3A_174 = tpu.vector_load %arg8[%get3A_173] {strides = array<i32>} : memref<4000xi32, #tpu.memory_space<vmem>>, vector<16xi32>,
          %mul3A_175 = arith.constant 16 : i32
          %mul3A_176 = arith.muli %scan3A_170, %mul3A_175 : i32
          %get3A_177 = arith.index_cast %mul3A_176 : i32 to index
          %get3A_178 = tpu.vector_load %arg9[%get3A_177] {strides = array<i32>} : memref<4000xf32, #tpu.memory_space<vmem>>, vector<16xf32>,
          tpu.vector_store_idx %arg11[%get3A_174], %get3A_178 {add = true} : memref<100000xf32, #tpu.memory_space<vmem>>[vector<16xi32>], vector<16xf32>,
          %add3A_179 = arith.constant 50000 : i32
          %add3A_180 = vector.broadcast %add3A_179 : i32 to vector<16xi32>
          %add3A_181 = arith.addi %get3A_174, %add3A_180 : vector<16xi32>
          %mul3A_182 = arith.constant 16 : i32
          %mul3A_183 = arith.muli %scan3A_170, %mul3A_182 : i32
          %get3A_184 = arith.index_cast %mul3A_183 : i32 to index
          %get3A_185 = tpu.vector_load %arg10[%get3A_184] {strides = array<i32>} : memref<4000xf32, #tpu.memory_space<vmem>>, vector<16xf32>,
          tpu.vector_store_idx %arg11[%add3A_181], %get3A_185 {add = true} : memref<100000xf32, #tpu.memory_space<vmem>>[vector<16xi32>], vector<16xf32>,
          %scan3A_186 = arith.constant 1 : i32
          %scan3A_187 = arith.addi %scan3A_170, %scan3A_186 : i32
          %mul3A_188 = arith.constant 16 : i32
          %mul3A_189 = arith.muli %scan3A_187, %mul3A_188 : i32
          %get3A_190 = arith.index_cast %mul3A_189 : i32 to index
          %get3A_191 = tpu.vector_load %arg8[%get3A_190] {strides = array<i32>} : memref<4000xi32, #tpu.memory_space<vmem>>, vector<16xi32>,
          %mul3A_192 = arith.constant 16 : i32
          %mul3A_193 = arith.muli %scan3A_187, %mul3A_192 : i32
          %get3A_194 = arith.index_cast %mul3A_193 : i32 to index
          %get3A_195 = tpu.vector_load %arg9[%get3A_194] {strides = array<i32>} : memref<4000xf32, #tpu.memory_space<vmem>>, vector<16xf32>,
          tpu.vector_store_idx %arg11[%get3A_191], %get3A_195 {add = true} : memref<100000xf32, #tpu.memory_space<vmem>>[vector<16xi32>], vector<16xf32>,
          %add3A_196 = arith.constant 50000 : i32
          %add3A_197 = vector.broadcast %add3A_196 : i32 to vector<16xi32>
          %add3A_198 = arith.addi %get3A_191, %add3A_197 : vector<16xi32>
          %mul3A_199 = arith.constant 16 : i32
          %mul3A_200 = arith.muli %scan3A_187, %mul3A_199 : i32
          %get3A_201 = arith.index_cast %mul3A_200 : i32 to index
          %get3A_202 = tpu.vector_load %arg10[%get3A_201] {strides = array<i32>} : memref<4000xf32, #tpu.memory_space<vmem>>, vector<16xf32>,
          tpu.vector_store_idx %arg11[%add3A_198], %get3A_202 {add = true} : memref<100000xf32, #tpu.memory_space<vmem>>[vector<16xi32>], vector<16xf32>,
          %scan3A_203 = arith.constant 2 : i32
          %scan3A_204 = arith.addi %scan3A_170, %scan3A_203 : i32
          %mul3A_205 = arith.constant 16 : i32
          %mul3A_206 = arith.muli %scan3A_204, %mul3A_205 : i32
          %get3A_207 = arith.index_cast %mul3A_206 : i32 to index
          %get3A_208 = tpu.vector_load %arg8[%get3A_207] {strides = array<i32>} : memref<4000xi32, #tpu.memory_space<vmem>>, vector<16xi32>,
          %mul3A_209 = arith.constant 16 : i32
          %mul3A_210 = arith.muli %scan3A_204, %mul3A_209 : i32
          %get3A_211 = arith.index_cast %mul3A_210 : i32 to index
          %get3A_212 = tpu.vector_load %arg9[%get3A_211] {strides = array<i32>} : memref<4000xf32, #tpu.memory_space<vmem>>, vector<16xf32>,
          tpu.vector_store_idx %arg11[%get3A_208], %get3A_212 {add = true} : memref<100000xf32, #tpu.memory_space<vmem>>[vector<16xi32>], vector<16xf32>,
          %add3A_213 = arith.constant 50000 : i32
          %add3A_214 = vector.broadcast %add3A_213 : i32 to vector<16xi32>
          %add3A_215 = arith.addi %get3A_208, %add3A_214 : vector<16xi32>
          %mul3A_216 = arith.constant 16 : i32
          %mul3A_217 = arith.muli %scan3A_204, %mul3A_216 : i32
          %get3A_218 = arith.index_cast %mul3A_217 : i32 to index
          %get3A_219 = tpu.vector_load %arg10[%get3A_218] {strides = array<i32>} : memref<4000xf32, #tpu.memory_space<vmem>>, vector<16xf32>,
          tpu.vector_store_idx %arg11[%add3A_215], %get3A_219 {add = true} : memref<100000xf32, #tpu.memory_space<vmem>>[vector<16xi32>], vector<16xf32>,
          %scan3A_220 = arith.constant 3 : i32
          %scan3A_221 = arith.addi %scan3A_170, %scan3A_220 : i32
          %mul3A_222 = arith.constant 16 : i32
          %mul3A_223 = arith.muli %scan3A_221, %mul3A_222 : i32
          %get3A_224 = arith.index_cast %mul3A_223 : i32 to index
          %get3A_225 = tpu.vector_load %arg8[%get3A_224] {strides = array<i32>} : memref<4000xi32, #tpu.memory_space<vmem>>, vector<16xi32>,
          %mul3A_226 = arith.constant 16 : i32
          %mul3A_227 = arith.muli %scan3A_221, %mul3A_226 : i32
          %get3A_228 = arith.index_cast %mul3A_227 : i32 to index
          %get3A_229 = tpu.vector_load %arg9[%get3A_228] {strides = array<i32>} : memref<4000xf32, #tpu.memory_space<vmem>>, vector<16xf32>,
          tpu.vector_store_idx %arg11[%get3A_225], %get3A_229 {add = true} : memref<100000xf32, #tpu.memory_space<vmem>>[vector<16xi32>], vector<16xf32>,
          %add3A_230 = arith.constant 50000 : i32
          %add3A_231 = vector.broadcast %add3A_230 : i32 to vector<16xi32>
          %add3A_232 = arith.addi %get3A_225, %add3A_231 : vector<16xi32>
          %mul3A_233 = arith.constant 16 : i32
          %mul3A_234 = arith.muli %scan3A_221, %mul3A_233 : i32
          %get3A_235 = arith.index_cast %mul3A_234 : i32 to index
          %get3A_236 = tpu.vector_load %arg10[%get3A_235] {strides = array<i32>} : memref<4000xf32, #tpu.memory_space<vmem>>, vector<16xf32>,
          tpu.vector_store_idx %arg11[%add3A_232], %get3A_236 {add = true} : memref<100000xf32, #tpu.memory_space<vmem>>[vector<16xi32>], vector<16xf32>,
        }
        %scan3A_135 = arith.constant 248 : i32
        %scan3A_136 = arith.addi %scan3A_131, %scan3A_135 : i32
        %mul3A_137 = arith.constant 16 : i32
        %mul3A_138 = arith.muli %scan3A_136, %mul3A_137 : i32
        %get3A_139 = arith.index_cast %mul3A_138 : i32 to index
        %get3A_140 = tpu.vector_load %arg8[%get3A_139] {strides = array<i32>} : memref<4000xi32, #tpu.memory_space<vmem>>, vector<16xi32>,
        %mul3A_141 = arith.constant 16 : i32
        %mul3A_142 = arith.muli %scan3A_136, %mul3A_141 : i32
        %get3A_143 = arith.index_cast %mul3A_142 : i32 to index
        %get3A_144 = tpu.vector_load %arg9[%get3A_143] {strides = array<i32>} : memref<4000xf32, #tpu.memory_space<vmem>>, vector<16xf32>,
        tpu.vector_store_idx %arg11[%get3A_140], %get3A_144 {add = true} : memref<100000xf32, #tpu.memory_space<vmem>>[vector<16xi32>], vector<16xf32>,
        %add3A_145 = arith.constant 50000 : i32
        %add3A_146 = vector.broadcast %add3A_145 : i32 to vector<16xi32>
        %add3A_147 = arith.addi %get3A_140, %add3A_146 : vector<16xi32>
        %mul3A_148 = arith.constant 16 : i32
        %mul3A_149 = arith.muli %scan3A_136, %mul3A_148 : i32
        %get3A_150 = arith.index_cast %mul3A_149 : i32 to index
        %get3A_151 = tpu.vector_load %arg10[%get3A_150] {strides = array<i32>} : memref<4000xf32, #tpu.memory_space<vmem>>, vector<16xf32>,
        tpu.vector_store_idx %arg11[%add3A_147], %get3A_151 {add = true} : memref<100000xf32, #tpu.memory_space<vmem>>[vector<16xi32>], vector<16xf32>,
        %scan3A_152 = arith.constant 249 : i32
        %scan3A_153 = arith.addi %scan3A_131, %scan3A_152 : i32
        %mul3A_154 = arith.constant 16 : i32
        %mul3A_155 = arith.muli %scan3A_153, %mul3A_154 : i32
        %get3A_156 = arith.index_cast %mul3A_155 : i32 to index
        %get3A_157 = tpu.vector_load %arg8[%get3A_156] {strides = array<i32>} : memref<4000xi32, #tpu.memory_space<vmem>>, vector<16xi32>,
        %mul3A_158 = arith.constant 16 : i32
        %mul3A_159 = arith.muli %scan3A_153, %mul3A_158 : i32
        %get3A_160 = arith.index_cast %mul3A_159 : i32 to index
        %get3A_161 = tpu.vector_load %arg9[%get3A_160] {strides = array<i32>} : memref<4000xf32, #tpu.memory_space<vmem>>, vector<16xf32>,
        tpu.vector_store_idx %arg11[%get3A_157], %get3A_161 {add = true} : memref<100000xf32, #tpu.memory_space<vmem>>[vector<16xi32>], vector<16xf32>,
        %add3A_162 = arith.constant 50000 : i32
        %add3A_163 = vector.broadcast %add3A_162 : i32 to vector<16xi32>
        %add3A_164 = arith.addi %get3A_157, %add3A_163 : vector<16xi32>
        %mul3A_165 = arith.constant 16 : i32
        %mul3A_166 = arith.muli %scan3A_153, %mul3A_165 : i32
        %get3A_167 = arith.index_cast %mul3A_166 : i32 to index
        %get3A_168 = tpu.vector_load %arg10[%get3A_167] {strides = array<i32>} : memref<4000xf32, #tpu.memory_space<vmem>>, vector<16xf32>,
        tpu.vector_store_idx %arg11[%add3A_164], %get3A_168 {add = true} : memref<100000xf32, #tpu.memory_space<vmem>>[vector<16xi32>], vector<16xf32>,
        %scan3A_169 = arith.constant 250 : i32
      }
      %scan3A_33 = arith.constant 100 : i32
      "tpu.region"() ({
        %run_scoped3A = tpu.sem_alloc : memref<!tpu.dma_semaphore, #tpu.memory_space<semaphore_mem>>
        %dma_start3A_36 = arith.constant 0 : i32
        %dma_start3A_37 = tpu.memref_slice %arg11[%dma_start3A_36] : memref<100000xf32, #tpu.memory_space<vmem>> -> memref<50000xf32, #tpu.memory_space<vmem>>
        %dma_start3A_38 = arith.constant 0 : i32
        %dma_start3A_39 = tpu.memref_slice %arg4[%mul3A_4, %dma_start3A_38] : memref<36x50000xf32, #tpu.memory_space<hbm>> -> memref<1x50000xf32, #tpu.memory_space<hbm>>
        %dma_start3A_40 = tpu.memref_squeeze %dma_start3A_39 : memref<1x50000xf32, #tpu.memory_space<hbm>> -> memref<50000xf32, #tpu.memory_space<hbm>>
        %dma_start3A_41 = arith.constant 0 : i32
        %dma_start3A_42 = tpu.memref_slice %arg4[%mul3A_4, %dma_start3A_41] : memref<36x50000xf32, #tpu.memory_space<hbm>> -> memref<1x50000xf32, #tpu.memory_space<hbm>>
        %dma_start3A_43 = tpu.memref_squeeze %dma_start3A_42 : memref<1x50000xf32, #tpu.memory_space<hbm>> -> memref<50000xf32, #tpu.memory_space<hbm>>
        %dma_start3A_44 = arith.constant 0 : i32
        %dma_start3A_45 = tpu.memref_slice %arg11[%dma_start3A_44] : memref<100000xf32, #tpu.memory_space<vmem>> -> memref<50000xf32, #tpu.memory_space<vmem>>
        tpu.enqueue_dma source(%dma_start3A_45 : memref<50000xf32, #tpu.memory_space<vmem>>) target(%dma_start3A_43 : memref<50000xf32, #tpu.memory_space<hbm>>) target_semaphore(%run_scoped3A : memref<!tpu.dma_semaphore, #tpu.memory_space<semaphore_mem>>)
        %dma_wait3A = arith.constant 0 : i32
        %dma_wait3A_46 = tpu.memref_slice %arg11[%dma_wait3A] : memref<100000xf32, #tpu.memory_space<vmem>> -> memref<50000xf32, #tpu.memory_space<vmem>>
        %dma_wait3A_47 = arith.constant 0 : i32
        %dma_wait3A_48 = tpu.memref_slice %arg4[%mul3A_4, %dma_wait3A_47] : memref<36x50000xf32, #tpu.memory_space<hbm>> -> memref<1x50000xf32, #tpu.memory_space<hbm>>
        %dma_wait3A_49 = tpu.memref_squeeze %dma_wait3A_48 : memref<1x50000xf32, #tpu.memory_space<hbm>> -> memref<50000xf32, #tpu.memory_space<hbm>>
        %dma_wait3A_50 = arith.constant 0 : i32
        %dma_wait3A_51 = tpu.memref_slice %arg4[%mul3A_4, %dma_wait3A_50] : memref<36x50000xf32, #tpu.memory_space<hbm>> -> memref<1x50000xf32, #tpu.memory_space<hbm>>
        %dma_wait3A_52 = tpu.memref_squeeze %dma_wait3A_51 : memref<1x50000xf32, #tpu.memory_space<hbm>> -> memref<50000xf32, #tpu.memory_space<hbm>>
        %dma_wait3A_53 = arith.constant 0 : i32
        %dma_wait3A_54 = tpu.memref_slice %arg11[%dma_wait3A_53] : memref<100000xf32, #tpu.memory_space<vmem>> -> memref<50000xf32, #tpu.memory_space<vmem>>
        tpu.wait_dma2 semaphore(%run_scoped3A : memref<!tpu.dma_semaphore, #tpu.memory_space<semaphore_mem>>) src(%dma_wait3A_54 : memref<50000xf32, #tpu.memory_space<vmem>>) dst(%dma_wait3A_52 : memref<50000xf32, #tpu.memory_space<hbm>>)
        tpu.yield
      }) : () -> ()
      %add3A_34 = arith.constant 1 : i32
      %add3A_35 = arith.addi %mul3A_4, %add3A_34 : i32
      "tpu.region"() ({
        %run_scoped3A = tpu.sem_alloc : memref<!tpu.dma_semaphore, #tpu.memory_space<semaphore_mem>>
        %dma_start3A_36 = arith.constant 50000 : i32
        %dma_start3A_37 = tpu.memref_slice %arg11[%dma_start3A_36] : memref<100000xf32, #tpu.memory_space<vmem>> -> memref<50000xf32, #tpu.memory_space<vmem>>
        %dma_start3A_38 = arith.constant 0 : i32
        %dma_start3A_39 = tpu.memref_slice %arg4[%add3A_35, %dma_start3A_38] : memref<36x50000xf32, #tpu.memory_space<hbm>> -> memref<1x50000xf32, #tpu.memory_space<hbm>>
        %dma_start3A_40 = tpu.memref_squeeze %dma_start3A_39 : memref<1x50000xf32, #tpu.memory_space<hbm>> -> memref<50000xf32, #tpu.memory_space<hbm>>
        %dma_start3A_41 = arith.constant 0 : i32
        %dma_start3A_42 = tpu.memref_slice %arg4[%add3A_35, %dma_start3A_41] : memref<36x50000xf32, #tpu.memory_space<hbm>> -> memref<1x50000xf32, #tpu.memory_space<hbm>>
        %dma_start3A_43 = tpu.memref_squeeze %dma_start3A_42 : memref<1x50000xf32, #tpu.memory_space<hbm>> -> memref<50000xf32, #tpu.memory_space<hbm>>
        %dma_start3A_44 = arith.constant 50000 : i32
        %dma_start3A_45 = tpu.memref_slice %arg11[%dma_start3A_44] : memref<100000xf32, #tpu.memory_space<vmem>> -> memref<50000xf32, #tpu.memory_space<vmem>>
        tpu.enqueue_dma source(%dma_start3A_45 : memref<50000xf32, #tpu.memory_space<vmem>>) target(%dma_start3A_43 : memref<50000xf32, #tpu.memory_space<hbm>>) target_semaphore(%run_scoped3A : memref<!tpu.dma_semaphore, #tpu.memory_space<semaphore_mem>>)
        %dma_wait3A = arith.constant 50000 : i32
        %dma_wait3A_46 = tpu.memref_slice %arg11[%dma_wait3A] : memref<100000xf32, #tpu.memory_space<vmem>> -> memref<50000xf32, #tpu.memory_space<vmem>>
        %dma_wait3A_47 = arith.constant 0 : i32
        %dma_wait3A_48 = tpu.memref_slice %arg4[%add3A_35, %dma_wait3A_47] : memref<36x50000xf32, #tpu.memory_space<hbm>> -> memref<1x50000xf32, #tpu.memory_space<hbm>>
        %dma_wait3A_49 = tpu.memref_squeeze %dma_wait3A_48 : memref<1x50000xf32, #tpu.memory_space<hbm>> -> memref<50000xf32, #tpu.memory_space<hbm>>
        %dma_wait3A_50 = arith.constant 0 : i32
        %dma_wait3A_51 = tpu.memref_slice %arg4[%add3A_35, %dma_wait3A_50] : memref<36x50000xf32, #tpu.memory_space<hbm>> -> memref<1x50000xf32, #tpu.memory_space<hbm>>
        %dma_wait3A_52 = tpu.memref_squeeze %dma_wait3A_51 : memref<1x50000xf32, #tpu.memory_space<hbm>> -> memref<50000xf32, #tpu.memory_space<hbm>>
        %dma_wait3A_53 = arith.constant 50000 : i32
        %dma_wait3A_54 = tpu.memref_slice %arg11[%dma_wait3A_53] : memref<100000xf32, #tpu.memory_space<vmem>> -> memref<50000xf32, #tpu.memory_space<vmem>>
        tpu.wait_dma2 semaphore(%run_scoped3A : memref<!tpu.dma_semaphore, #tpu.memory_space<semaphore_mem>>) src(%dma_wait3A_54 : memref<50000xf32, #tpu.memory_space<vmem>>) dst(%dma_wait3A_52 : memref<50000xf32, #tpu.memory_space<hbm>>)
        tpu.yield
      }) : () -> ()
    } else {
    }
    return
  }
}

#map = affine_map<(d0, d1) -> (0, 0)>
#map1 = affine_map<(d0, d1) -> (0)>
module attributes {stable_mosaic.version = 14 : i64} {
  func.func @gather2_k(%arg0: i32, %arg1: i32, %arg2: memref<50000x64xf32, #tpu.memory_space<hbm>>, %arg3: memref<800000xi32, #tpu.memory_space<hbm>>, %arg4: memref<50000x32xf32, #tpu.memory_space<hbm>>, %arg5: memref<800000xi32, #tpu.memory_space<hbm>>, %arg6: memref<800000x64xf32, #tpu.memory_space<hbm>>, %arg7: memref<800000x32xf32, #tpu.memory_space<hbm>>, %arg8: memref<128xi32, #tpu.memory_space<vmem>>, %arg9: memref<128xi32, #tpu.memory_space<vmem>>, %arg10: memref<128x64xf32, #tpu.memory_space<vmem>>, %arg11: memref<128x32xf32, #tpu.memory_space<vmem>>, %arg12: memref<128xi32, #tpu.memory_space<vmem>>, %arg13: memref<128xi32, #tpu.memory_space<vmem>>, %arg14: memref<128x64xf32, #tpu.memory_space<vmem>>, %arg15: memref<128x32xf32, #tpu.memory_space<vmem>>, %arg16: memref<!tpu.dma_semaphore, #tpu.memory_space<semaphore_mem>>, %arg17: memref<!tpu.dma_semaphore, #tpu.memory_space<semaphore_mem>>) attributes {dimension_semantics = [#tpu.dimension_semantics<core_parallel>, #tpu.dimension_semantics<subcore_parallel>], iteration_bounds = array<i64: 2, 16>, scalar_prefetch = 0 : i64, scratch_operands = 10 : i64, tpu.core_type = #tpu.core_type<sc_vector_subcore>, window_params = [{transform_indices = #map}, {transform_indices = #map1}, {transform_indices = #map}, {transform_indices = #map1}, {transform_indices = #map}, {transform_indices = #map}]} {
    %mul3A = arith.constant 2 : i32
    %mul3A_0 = arith.muli %arg1, %mul3A : i32
    %add3A = arith.addi %mul3A_0, %arg0 : i32
    %mul3A_1 = arith.constant 25000 : i32
    %mul3A_2 = arith.muli %add3A, %mul3A_1 : i32
    %scan3A = arith.constant 0 : i32
    %scan3A_3 = arith.constant 0 : i32
    %scan3A_4 = arith.constant 97 : i32
    %scan3A_5 = arith.addi %scan3A_3, %scan3A_4 : i32
    %scan3A_6 = arith.constant 1 : i32
    scf.for %scan3A_54 = %scan3A_3 to %scan3A_5 step %scan3A_6  : i32 {
      %mul3A_55 = arith.constant 2 : i32
      %mul3A_56 = arith.muli %mul3A_55, %scan3A_54 : i32
      %mul3A_57 = arith.constant 128 : i32
      %mul3A_58 = arith.muli %mul3A_56, %mul3A_57 : i32
      %add3A_59 = arith.addi %mul3A_2, %mul3A_58 : i32
      %add3A_60 = arith.constant 128 : i32
      %add3A_61 = arith.addi %add3A_59, %add3A_60 : i32
      "tpu.region"() ({
        %run_scoped3A = tpu.sem_alloc : memref<!tpu.dma_semaphore, #tpu.memory_space<semaphore_mem>>
        %dma_start3A_86 = tpu.memref_slice %arg3[%add3A_59] : memref<800000xi32, #tpu.memory_space<hbm>> -> memref<128xi32, #tpu.memory_space<hbm>>
        %dma_start3A_87 = tpu.memref_slice %arg3[%add3A_59] : memref<800000xi32, #tpu.memory_space<hbm>> -> memref<128xi32, #tpu.memory_space<hbm>>
        tpu.enqueue_dma source(%dma_start3A_87 : memref<128xi32, #tpu.memory_space<hbm>>) target(%arg8 : memref<128xi32, #tpu.memory_space<vmem>>) target_semaphore(%run_scoped3A : memref<!tpu.dma_semaphore, #tpu.memory_space<semaphore_mem>>)
        %dma_wait3A_88 = tpu.memref_slice %arg3[%add3A_59] : memref<800000xi32, #tpu.memory_space<hbm>> -> memref<128xi32, #tpu.memory_space<hbm>>
        %dma_wait3A_89 = tpu.memref_slice %arg3[%add3A_59] : memref<800000xi32, #tpu.memory_space<hbm>> -> memref<128xi32, #tpu.memory_space<hbm>>
        tpu.wait_dma2 semaphore(%run_scoped3A : memref<!tpu.dma_semaphore, #tpu.memory_space<semaphore_mem>>) src(%dma_wait3A_89 : memref<128xi32, #tpu.memory_space<hbm>>) dst(%arg8 : memref<128xi32, #tpu.memory_space<vmem>>)
        tpu.yield
      }) : () -> ()
      "tpu.region"() ({
        %run_scoped3A = tpu.sem_alloc : memref<!tpu.dma_semaphore, #tpu.memory_space<semaphore_mem>>
        %dma_start3A_86 = tpu.memref_slice %arg5[%add3A_59] : memref<800000xi32, #tpu.memory_space<hbm>> -> memref<128xi32, #tpu.memory_space<hbm>>
        %dma_start3A_87 = tpu.memref_slice %arg5[%add3A_59] : memref<800000xi32, #tpu.memory_space<hbm>> -> memref<128xi32, #tpu.memory_space<hbm>>
        tpu.enqueue_dma source(%dma_start3A_87 : memref<128xi32, #tpu.memory_space<hbm>>) target(%arg9 : memref<128xi32, #tpu.memory_space<vmem>>) target_semaphore(%run_scoped3A : memref<!tpu.dma_semaphore, #tpu.memory_space<semaphore_mem>>)
        %dma_wait3A_88 = tpu.memref_slice %arg5[%add3A_59] : memref<800000xi32, #tpu.memory_space<hbm>> -> memref<128xi32, #tpu.memory_space<hbm>>
        %dma_wait3A_89 = tpu.memref_slice %arg5[%add3A_59] : memref<800000xi32, #tpu.memory_space<hbm>> -> memref<128xi32, #tpu.memory_space<hbm>>
        tpu.wait_dma2 semaphore(%run_scoped3A : memref<!tpu.dma_semaphore, #tpu.memory_space<semaphore_mem>>) src(%dma_wait3A_89 : memref<128xi32, #tpu.memory_space<hbm>>) dst(%arg9 : memref<128xi32, #tpu.memory_space<vmem>>)
        tpu.yield
      }) : () -> ()
      %dma_start3A_62 = arith.constant 0 : i32
      %dma_start3A_63 = arith.constant 0 : i32
      %dma_start3A_64 = tpu.memref_slice %arg2[%dma_start3A_62, %dma_start3A_63] : memref<50000x64xf32, #tpu.memory_space<hbm>> -> memref<50000x64xf32, #tpu.memory_space<hbm>>
      tpu.enqueue_indirect_dma source(%dma_start3A_64 : memref<50000x64xf32, #tpu.memory_space<hbm>>) target(%arg10 : memref<128x64xf32, #tpu.memory_space<vmem>>) offsets(%arg8 : memref<128xi32, #tpu.memory_space<vmem>>) semaphore(%arg16 : memref<!tpu.dma_semaphore, #tpu.memory_space<semaphore_mem>>)
      %dma_start3A_65 = arith.constant 0 : i32
      %dma_start3A_66 = arith.constant 0 : i32
      %dma_start3A_67 = tpu.memref_slice %arg4[%dma_start3A_65, %dma_start3A_66] : memref<50000x32xf32, #tpu.memory_space<hbm>> -> memref<50000x32xf32, #tpu.memory_space<hbm>>
      tpu.enqueue_indirect_dma source(%dma_start3A_67 : memref<50000x32xf32, #tpu.memory_space<hbm>>) target(%arg11 : memref<128x32xf32, #tpu.memory_space<vmem>>) offsets(%arg9 : memref<128xi32, #tpu.memory_space<vmem>>) semaphore(%arg16 : memref<!tpu.dma_semaphore, #tpu.memory_space<semaphore_mem>>)
      "tpu.region"() ({
        %run_scoped3A = tpu.sem_alloc : memref<!tpu.dma_semaphore, #tpu.memory_space<semaphore_mem>>
        %dma_start3A_86 = tpu.memref_slice %arg3[%add3A_61] : memref<800000xi32, #tpu.memory_space<hbm>> -> memref<128xi32, #tpu.memory_space<hbm>>
        %dma_start3A_87 = tpu.memref_slice %arg3[%add3A_61] : memref<800000xi32, #tpu.memory_space<hbm>> -> memref<128xi32, #tpu.memory_space<hbm>>
        tpu.enqueue_dma source(%dma_start3A_87 : memref<128xi32, #tpu.memory_space<hbm>>) target(%arg12 : memref<128xi32, #tpu.memory_space<vmem>>) target_semaphore(%run_scoped3A : memref<!tpu.dma_semaphore, #tpu.memory_space<semaphore_mem>>)
        %dma_wait3A_88 = tpu.memref_slice %arg3[%add3A_61] : memref<800000xi32, #tpu.memory_space<hbm>> -> memref<128xi32, #tpu.memory_space<hbm>>
        %dma_wait3A_89 = tpu.memref_slice %arg3[%add3A_61] : memref<800000xi32, #tpu.memory_space<hbm>> -> memref<128xi32, #tpu.memory_space<hbm>>
        tpu.wait_dma2 semaphore(%run_scoped3A : memref<!tpu.dma_semaphore, #tpu.memory_space<semaphore_mem>>) src(%dma_wait3A_89 : memref<128xi32, #tpu.memory_space<hbm>>) dst(%arg12 : memref<128xi32, #tpu.memory_space<vmem>>)
        tpu.yield
      }) : () -> ()
      "tpu.region"() ({
        %run_scoped3A = tpu.sem_alloc : memref<!tpu.dma_semaphore, #tpu.memory_space<semaphore_mem>>
        %dma_start3A_86 = tpu.memref_slice %arg5[%add3A_61] : memref<800000xi32, #tpu.memory_space<hbm>> -> memref<128xi32, #tpu.memory_space<hbm>>
        %dma_start3A_87 = tpu.memref_slice %arg5[%add3A_61] : memref<800000xi32, #tpu.memory_space<hbm>> -> memref<128xi32, #tpu.memory_space<hbm>>
        tpu.enqueue_dma source(%dma_start3A_87 : memref<128xi32, #tpu.memory_space<hbm>>) target(%arg13 : memref<128xi32, #tpu.memory_space<vmem>>) target_semaphore(%run_scoped3A : memref<!tpu.dma_semaphore, #tpu.memory_space<semaphore_mem>>)
        %dma_wait3A_88 = tpu.memref_slice %arg5[%add3A_61] : memref<800000xi32, #tpu.memory_space<hbm>> -> memref<128xi32, #tpu.memory_space<hbm>>
        %dma_wait3A_89 = tpu.memref_slice %arg5[%add3A_61] : memref<800000xi32, #tpu.memory_space<hbm>> -> memref<128xi32, #tpu.memory_space<hbm>>
        tpu.wait_dma2 semaphore(%run_scoped3A : memref<!tpu.dma_semaphore, #tpu.memory_space<semaphore_mem>>) src(%dma_wait3A_89 : memref<128xi32, #tpu.memory_space<hbm>>) dst(%arg13 : memref<128xi32, #tpu.memory_space<vmem>>)
        tpu.yield
      }) : () -> ()
      %dma_start3A_68 = arith.constant 0 : i32
      %dma_start3A_69 = arith.constant 0 : i32
      %dma_start3A_70 = tpu.memref_slice %arg2[%dma_start3A_68, %dma_start3A_69] : memref<50000x64xf32, #tpu.memory_space<hbm>> -> memref<50000x64xf32, #tpu.memory_space<hbm>>
      tpu.enqueue_indirect_dma source(%dma_start3A_70 : memref<50000x64xf32, #tpu.memory_space<hbm>>) target(%arg14 : memref<128x64xf32, #tpu.memory_space<vmem>>) offsets(%arg12 : memref<128xi32, #tpu.memory_space<vmem>>) semaphore(%arg17 : memref<!tpu.dma_semaphore, #tpu.memory_space<semaphore_mem>>)
      %dma_start3A_71 = arith.constant 0 : i32
      %dma_start3A_72 = arith.constant 0 : i32
      %dma_start3A_73 = tpu.memref_slice %arg4[%dma_start3A_71, %dma_start3A_72] : memref<50000x32xf32, #tpu.memory_space<hbm>> -> memref<50000x32xf32, #tpu.memory_space<hbm>>
      tpu.enqueue_indirect_dma source(%dma_start3A_73 : memref<50000x32xf32, #tpu.memory_space<hbm>>) target(%arg15 : memref<128x32xf32, #tpu.memory_space<vmem>>) offsets(%arg13 : memref<128xi32, #tpu.memory_space<vmem>>) semaphore(%arg17 : memref<!tpu.dma_semaphore, #tpu.memory_space<semaphore_mem>>)
      %dma_wait3A_74 = arith.constant 0 : i32
      %dma_wait3A_75 = arith.constant 0 : i32
      %dma_wait3A_76 = tpu.memref_slice %arg2[%dma_wait3A_74, %dma_wait3A_75] : memref<50000x64xf32, #tpu.memory_space<hbm>> -> memref<50000x64xf32, #tpu.memory_space<hbm>>
      tpu.wait_indirect_dma semaphore(%arg16 : memref<!tpu.dma_semaphore, #tpu.memory_space<semaphore_mem>>) src(%dma_wait3A_76 : memref<50000x64xf32, #tpu.memory_space<hbm>>) dst(%arg10 : memref<128x64xf32, #tpu.memory_space<vmem>>)
      %dma_wait3A_77 = arith.constant 0 : i32
      %dma_wait3A_78 = arith.constant 0 : i32
      %dma_wait3A_79 = tpu.memref_slice %arg4[%dma_wait3A_77, %dma_wait3A_78] : memref<50000x32xf32, #tpu.memory_space<hbm>> -> memref<50000x32xf32, #tpu.memory_space<hbm>>
      tpu.wait_indirect_dma semaphore(%arg16 : memref<!tpu.dma_semaphore, #tpu.memory_space<semaphore_mem>>) src(%dma_wait3A_79 : memref<50000x32xf32, #tpu.memory_space<hbm>>) dst(%arg11 : memref<128x32xf32, #tpu.memory_space<vmem>>)
      "tpu.region"() ({
        %run_scoped3A = tpu.sem_alloc : memref<!tpu.dma_semaphore, #tpu.memory_space<semaphore_mem>>
        %dma_start3A_86 = arith.constant 0 : i32
        %dma_start3A_87 = tpu.memref_slice %arg6[%add3A_59, %dma_start3A_86] : memref<800000x64xf32, #tpu.memory_space<hbm>> -> memref<128x64xf32, #tpu.memory_space<hbm>>
        %dma_start3A_88 = arith.constant 0 : i32
        %dma_start3A_89 = tpu.memref_slice %arg6[%add3A_59, %dma_start3A_88] : memref<800000x64xf32, #tpu.memory_space<hbm>> -> memref<128x64xf32, #tpu.memory_space<hbm>>
        tpu.enqueue_dma source(%arg10 : memref<128x64xf32, #tpu.memory_space<vmem>>) target(%dma_start3A_89 : memref<128x64xf32, #tpu.memory_space<hbm>>) target_semaphore(%run_scoped3A : memref<!tpu.dma_semaphore, #tpu.memory_space<semaphore_mem>>)
        %dma_wait3A_90 = arith.constant 0 : i32
        %dma_wait3A_91 = tpu.memref_slice %arg6[%add3A_59, %dma_wait3A_90] : memref<800000x64xf32, #tpu.memory_space<hbm>> -> memref<128x64xf32, #tpu.memory_space<hbm>>
        %dma_wait3A_92 = arith.constant 0 : i32
        %dma_wait3A_93 = tpu.memref_slice %arg6[%add3A_59, %dma_wait3A_92] : memref<800000x64xf32, #tpu.memory_space<hbm>> -> memref<128x64xf32, #tpu.memory_space<hbm>>
        tpu.wait_dma2 semaphore(%run_scoped3A : memref<!tpu.dma_semaphore, #tpu.memory_space<semaphore_mem>>) src(%arg10 : memref<128x64xf32, #tpu.memory_space<vmem>>) dst(%dma_wait3A_93 : memref<128x64xf32, #tpu.memory_space<hbm>>)
        tpu.yield
      }) : () -> ()
      "tpu.region"() ({
        %run_scoped3A = tpu.sem_alloc : memref<!tpu.dma_semaphore, #tpu.memory_space<semaphore_mem>>
        %dma_start3A_86 = arith.constant 0 : i32
        %dma_start3A_87 = tpu.memref_slice %arg7[%add3A_59, %dma_start3A_86] : memref<800000x32xf32, #tpu.memory_space<hbm>> -> memref<128x32xf32, #tpu.memory_space<hbm>>
        %dma_start3A_88 = arith.constant 0 : i32
        %dma_start3A_89 = tpu.memref_slice %arg7[%add3A_59, %dma_start3A_88] : memref<800000x32xf32, #tpu.memory_space<hbm>> -> memref<128x32xf32, #tpu.memory_space<hbm>>
        tpu.enqueue_dma source(%arg11 : memref<128x32xf32, #tpu.memory_space<vmem>>) target(%dma_start3A_89 : memref<128x32xf32, #tpu.memory_space<hbm>>) target_semaphore(%run_scoped3A : memref<!tpu.dma_semaphore, #tpu.memory_space<semaphore_mem>>)
        %dma_wait3A_90 = arith.constant 0 : i32
        %dma_wait3A_91 = tpu.memref_slice %arg7[%add3A_59, %dma_wait3A_90] : memref<800000x32xf32, #tpu.memory_space<hbm>> -> memref<128x32xf32, #tpu.memory_space<hbm>>
        %dma_wait3A_92 = arith.constant 0 : i32
        %dma_wait3A_93 = tpu.memref_slice %arg7[%add3A_59, %dma_wait3A_92] : memref<800000x32xf32, #tpu.memory_space<hbm>> -> memref<128x32xf32, #tpu.memory_space<hbm>>
        tpu.wait_dma2 semaphore(%run_scoped3A : memref<!tpu.dma_semaphore, #tpu.memory_space<semaphore_mem>>) src(%arg11 : memref<128x32xf32, #tpu.memory_space<vmem>>) dst(%dma_wait3A_93 : memref<128x32xf32, #tpu.memory_space<hbm>>)
        tpu.yield
      }) : () -> ()
      %dma_wait3A_80 = arith.constant 0 : i32
      %dma_wait3A_81 = arith.constant 0 : i32
      %dma_wait3A_82 = tpu.memref_slice %arg2[%dma_wait3A_80, %dma_wait3A_81] : memref<50000x64xf32, #tpu.memory_space<hbm>> -> memref<50000x64xf32, #tpu.memory_space<hbm>>
      tpu.wait_indirect_dma semaphore(%arg17 : memref<!tpu.dma_semaphore, #tpu.memory_space<semaphore_mem>>) src(%dma_wait3A_82 : memref<50000x64xf32, #tpu.memory_space<hbm>>) dst(%arg14 : memref<128x64xf32, #tpu.memory_space<vmem>>)
      %dma_wait3A_83 = arith.constant 0 : i32
      %dma_wait3A_84 = arith.constant 0 : i32
      %dma_wait3A_85 = tpu.memref_slice %arg4[%dma_wait3A_83, %dma_wait3A_84] : memref<50000x32xf32, #tpu.memory_space<hbm>> -> memref<50000x32xf32, #tpu.memory_space<hbm>>
      tpu.wait_indirect_dma semaphore(%arg17 : memref<!tpu.dma_semaphore, #tpu.memory_space<semaphore_mem>>) src(%dma_wait3A_85 : memref<50000x32xf32, #tpu.memory_space<hbm>>) dst(%arg15 : memref<128x32xf32, #tpu.memory_space<vmem>>)
      "tpu.region"() ({
        %run_scoped3A = tpu.sem_alloc : memref<!tpu.dma_semaphore, #tpu.memory_space<semaphore_mem>>
        %dma_start3A_86 = arith.constant 0 : i32
        %dma_start3A_87 = tpu.memref_slice %arg6[%add3A_61, %dma_start3A_86] : memref<800000x64xf32, #tpu.memory_space<hbm>> -> memref<128x64xf32, #tpu.memory_space<hbm>>
        %dma_start3A_88 = arith.constant 0 : i32
        %dma_start3A_89 = tpu.memref_slice %arg6[%add3A_61, %dma_start3A_88] : memref<800000x64xf32, #tpu.memory_space<hbm>> -> memref<128x64xf32, #tpu.memory_space<hbm>>
        tpu.enqueue_dma source(%arg14 : memref<128x64xf32, #tpu.memory_space<vmem>>) target(%dma_start3A_89 : memref<128x64xf32, #tpu.memory_space<hbm>>) target_semaphore(%run_scoped3A : memref<!tpu.dma_semaphore, #tpu.memory_space<semaphore_mem>>)
        %dma_wait3A_90 = arith.constant 0 : i32
        %dma_wait3A_91 = tpu.memref_slice %arg6[%add3A_61, %dma_wait3A_90] : memref<800000x64xf32, #tpu.memory_space<hbm>> -> memref<128x64xf32, #tpu.memory_space<hbm>>
        %dma_wait3A_92 = arith.constant 0 : i32
        %dma_wait3A_93 = tpu.memref_slice %arg6[%add3A_61, %dma_wait3A_92] : memref<800000x64xf32, #tpu.memory_space<hbm>> -> memref<128x64xf32, #tpu.memory_space<hbm>>
        tpu.wait_dma2 semaphore(%run_scoped3A : memref<!tpu.dma_semaphore, #tpu.memory_space<semaphore_mem>>) src(%arg14 : memref<128x64xf32, #tpu.memory_space<vmem>>) dst(%dma_wait3A_93 : memref<128x64xf32, #tpu.memory_space<hbm>>)
        tpu.yield
      }) : () -> ()
      "tpu.region"() ({
        %run_scoped3A = tpu.sem_alloc : memref<!tpu.dma_semaphore, #tpu.memory_space<semaphore_mem>>
        %dma_start3A_86 = arith.constant 0 : i32
        %dma_start3A_87 = tpu.memref_slice %arg7[%add3A_61, %dma_start3A_86] : memref<800000x32xf32, #tpu.memory_space<hbm>> -> memref<128x32xf32, #tpu.memory_space<hbm>>
        %dma_start3A_88 = arith.constant 0 : i32
        %dma_start3A_89 = tpu.memref_slice %arg7[%add3A_61, %dma_start3A_88] : memref<800000x32xf32, #tpu.memory_space<hbm>> -> memref<128x32xf32, #tpu.memory_space<hbm>>
        tpu.enqueue_dma source(%arg15 : memref<128x32xf32, #tpu.memory_space<vmem>>) target(%dma_start3A_89 : memref<128x32xf32, #tpu.memory_space<hbm>>) target_semaphore(%run_scoped3A : memref<!tpu.dma_semaphore, #tpu.memory_space<semaphore_mem>>)
        %dma_wait3A_90 = arith.constant 0 : i32
        %dma_wait3A_91 = tpu.memref_slice %arg7[%add3A_61, %dma_wait3A_90] : memref<800000x32xf32, #tpu.memory_space<hbm>> -> memref<128x32xf32, #tpu.memory_space<hbm>>
        %dma_wait3A_92 = arith.constant 0 : i32
        %dma_wait3A_93 = tpu.memref_slice %arg7[%add3A_61, %dma_wait3A_92] : memref<800000x32xf32, #tpu.memory_space<hbm>> -> memref<128x32xf32, #tpu.memory_space<hbm>>
        tpu.wait_dma2 semaphore(%run_scoped3A : memref<!tpu.dma_semaphore, #tpu.memory_space<semaphore_mem>>) src(%arg15 : memref<128x32xf32, #tpu.memory_space<vmem>>) dst(%dma_wait3A_93 : memref<128x32xf32, #tpu.memory_space<hbm>>)
        tpu.yield
      }) : () -> ()
    }
    %scan3A_7 = arith.constant 97 : i32
    %add3A_8 = arith.constant 24832 : i32
    %add3A_9 = arith.addi %mul3A_2, %add3A_8 : i32
    "tpu.region"() ({
      %run_scoped3A = tpu.sem_alloc : memref<!tpu.dma_semaphore, #tpu.memory_space<semaphore_mem>>
      %dma_start3A_54 = tpu.memref_slice %arg3[%add3A_9] : memref<800000xi32, #tpu.memory_space<hbm>> -> memref<128xi32, #tpu.memory_space<hbm>>
      %dma_start3A_55 = tpu.memref_slice %arg3[%add3A_9] : memref<800000xi32, #tpu.memory_space<hbm>> -> memref<128xi32, #tpu.memory_space<hbm>>
      tpu.enqueue_dma source(%dma_start3A_55 : memref<128xi32, #tpu.memory_space<hbm>>) target(%arg8 : memref<128xi32, #tpu.memory_space<vmem>>) target_semaphore(%run_scoped3A : memref<!tpu.dma_semaphore, #tpu.memory_space<semaphore_mem>>)
      %dma_wait3A_56 = tpu.memref_slice %arg3[%add3A_9] : memref<800000xi32, #tpu.memory_space<hbm>> -> memref<128xi32, #tpu.memory_space<hbm>>
      %dma_wait3A_57 = tpu.memref_slice %arg3[%add3A_9] : memref<800000xi32, #tpu.memory_space<hbm>> -> memref<128xi32, #tpu.memory_space<hbm>>
      tpu.wait_dma2 semaphore(%run_scoped3A : memref<!tpu.dma_semaphore, #tpu.memory_space<semaphore_mem>>) src(%dma_wait3A_57 : memref<128xi32, #tpu.memory_space<hbm>>) dst(%arg8 : memref<128xi32, #tpu.memory_space<vmem>>)
      tpu.yield
    }) : () -> ()
    "tpu.region"() ({
      %run_scoped3A = tpu.sem_alloc : memref<!tpu.dma_semaphore, #tpu.memory_space<semaphore_mem>>
      %dma_start3A_54 = tpu.memref_slice %arg5[%add3A_9] : memref<800000xi32, #tpu.memory_space<hbm>> -> memref<128xi32, #tpu.memory_space<hbm>>
      %dma_start3A_55 = tpu.memref_slice %arg5[%add3A_9] : memref<800000xi32, #tpu.memory_space<hbm>> -> memref<128xi32, #tpu.memory_space<hbm>>
      tpu.enqueue_dma source(%dma_start3A_55 : memref<128xi32, #tpu.memory_space<hbm>>) target(%arg9 : memref<128xi32, #tpu.memory_space<vmem>>) target_semaphore(%run_scoped3A : memref<!tpu.dma_semaphore, #tpu.memory_space<semaphore_mem>>)
      %dma_wait3A_56 = tpu.memref_slice %arg5[%add3A_9] : memref<800000xi32, #tpu.memory_space<hbm>> -> memref<128xi32, #tpu.memory_space<hbm>>
      %dma_wait3A_57 = tpu.memref_slice %arg5[%add3A_9] : memref<800000xi32, #tpu.memory_space<hbm>> -> memref<128xi32, #tpu.memory_space<hbm>>
      tpu.wait_dma2 semaphore(%run_scoped3A : memref<!tpu.dma_semaphore, #tpu.memory_space<semaphore_mem>>) src(%dma_wait3A_57 : memref<128xi32, #tpu.memory_space<hbm>>) dst(%arg9 : memref<128xi32, #tpu.memory_space<vmem>>)
      tpu.yield
    }) : () -> ()
    %dma_start3A = arith.constant 0 : i32
    %dma_start3A_10 = arith.constant 0 : i32
    %dma_start3A_11 = tpu.memref_slice %arg2[%dma_start3A, %dma_start3A_10] : memref<50000x64xf32, #tpu.memory_space<hbm>> -> memref<50000x64xf32, #tpu.memory_space<hbm>>
    tpu.enqueue_indirect_dma source(%dma_start3A_11 : memref<50000x64xf32, #tpu.memory_space<hbm>>) target(%arg10 : memref<128x64xf32, #tpu.memory_space<vmem>>) offsets(%arg8 : memref<128xi32, #tpu.memory_space<vmem>>) semaphore(%arg16 : memref<!tpu.dma_semaphore, #tpu.memory_space<semaphore_mem>>)
    %dma_start3A_12 = arith.constant 0 : i32
    %dma_start3A_13 = arith.constant 0 : i32
    %dma_start3A_14 = tpu.memref_slice %arg4[%dma_start3A_12, %dma_start3A_13] : memref<50000x32xf32, #tpu.memory_space<hbm>> -> memref<50000x32xf32, #tpu.memory_space<hbm>>
    tpu.enqueue_indirect_dma source(%dma_start3A_14 : memref<50000x32xf32, #tpu.memory_space<hbm>>) target(%arg11 : memref<128x32xf32, #tpu.memory_space<vmem>>) offsets(%arg9 : memref<128xi32, #tpu.memory_space<vmem>>) semaphore(%arg17 : memref<!tpu.dma_semaphore, #tpu.memory_space<semaphore_mem>>)
    %dma_wait3A = arith.constant 0 : i32
    %dma_wait3A_15 = arith.constant 0 : i32
    %dma_wait3A_16 = tpu.memref_slice %arg2[%dma_wait3A, %dma_wait3A_15] : memref<50000x64xf32, #tpu.memory_space<hbm>> -> memref<50000x64xf32, #tpu.memory_space<hbm>>
    tpu.wait_indirect_dma semaphore(%arg16 : memref<!tpu.dma_semaphore, #tpu.memory_space<semaphore_mem>>) src(%dma_wait3A_16 : memref<50000x64xf32, #tpu.memory_space<hbm>>) dst(%arg10 : memref<128x64xf32, #tpu.memory_space<vmem>>)
    %dma_wait3A_17 = arith.constant 0 : i32
    %dma_wait3A_18 = arith.constant 0 : i32
    %dma_wait3A_19 = tpu.memref_slice %arg4[%dma_wait3A_17, %dma_wait3A_18] : memref<50000x32xf32, #tpu.memory_space<hbm>> -> memref<50000x32xf32, #tpu.memory_space<hbm>>
    tpu.wait_indirect_dma semaphore(%arg17 : memref<!tpu.dma_semaphore, #tpu.memory_space<semaphore_mem>>) src(%dma_wait3A_19 : memref<50000x32xf32, #tpu.memory_space<hbm>>) dst(%arg11 : memref<128x32xf32, #tpu.memory_space<vmem>>)
    "tpu.region"() ({
      %run_scoped3A = tpu.sem_alloc : memref<!tpu.dma_semaphore, #tpu.memory_space<semaphore_mem>>
      %dma_start3A_54 = arith.constant 0 : i32
      %dma_start3A_55 = tpu.memref_slice %arg6[%add3A_9, %dma_start3A_54] : memref<800000x64xf32, #tpu.memory_space<hbm>> -> memref<128x64xf32, #tpu.memory_space<hbm>>
      %dma_start3A_56 = arith.constant 0 : i32
      %dma_start3A_57 = tpu.memref_slice %arg6[%add3A_9, %dma_start3A_56] : memref<800000x64xf32, #tpu.memory_space<hbm>> -> memref<128x64xf32, #tpu.memory_space<hbm>>
      tpu.enqueue_dma source(%arg10 : memref<128x64xf32, #tpu.memory_space<vmem>>) target(%dma_start3A_57 : memref<128x64xf32, #tpu.memory_space<hbm>>) target_semaphore(%run_scoped3A : memref<!tpu.dma_semaphore, #tpu.memory_space<semaphore_mem>>)
      %dma_wait3A_58 = arith.constant 0 : i32
      %dma_wait3A_59 = tpu.memref_slice %arg6[%add3A_9, %dma_wait3A_58] : memref<800000x64xf32, #tpu.memory_space<hbm>> -> memref<128x64xf32, #tpu.memory_space<hbm>>
      %dma_wait3A_60 = arith.constant 0 : i32
      %dma_wait3A_61 = tpu.memref_slice %arg6[%add3A_9, %dma_wait3A_60] : memref<800000x64xf32, #tpu.memory_space<hbm>> -> memref<128x64xf32, #tpu.memory_space<hbm>>
      tpu.wait_dma2 semaphore(%run_scoped3A : memref<!tpu.dma_semaphore, #tpu.memory_space<semaphore_mem>>) src(%arg10 : memref<128x64xf32, #tpu.memory_space<vmem>>) dst(%dma_wait3A_61 : memref<128x64xf32, #tpu.memory_space<hbm>>)
      tpu.yield
    }) : () -> ()
    "tpu.region"() ({
      %run_scoped3A = tpu.sem_alloc : memref<!tpu.dma_semaphore, #tpu.memory_space<semaphore_mem>>
      %dma_start3A_54 = arith.constant 0 : i32
      %dma_start3A_55 = tpu.memref_slice %arg7[%add3A_9, %dma_start3A_54] : memref<800000x32xf32, #tpu.memory_space<hbm>> -> memref<128x32xf32, #tpu.memory_space<hbm>>
      %dma_start3A_56 = arith.constant 0 : i32
      %dma_start3A_57 = tpu.memref_slice %arg7[%add3A_9, %dma_start3A_56] : memref<800000x32xf32, #tpu.memory_space<hbm>> -> memref<128x32xf32, #tpu.memory_space<hbm>>
      tpu.enqueue_dma source(%arg11 : memref<128x32xf32, #tpu.memory_space<vmem>>) target(%dma_start3A_57 : memref<128x32xf32, #tpu.memory_space<hbm>>) target_semaphore(%run_scoped3A : memref<!tpu.dma_semaphore, #tpu.memory_space<semaphore_mem>>)
      %dma_wait3A_58 = arith.constant 0 : i32
      %dma_wait3A_59 = tpu.memref_slice %arg7[%add3A_9, %dma_wait3A_58] : memref<800000x32xf32, #tpu.memory_space<hbm>> -> memref<128x32xf32, #tpu.memory_space<hbm>>
      %dma_wait3A_60 = arith.constant 0 : i32
      %dma_wait3A_61 = tpu.memref_slice %arg7[%add3A_9, %dma_wait3A_60] : memref<800000x32xf32, #tpu.memory_space<hbm>> -> memref<128x32xf32, #tpu.memory_space<hbm>>
      tpu.wait_dma2 semaphore(%run_scoped3A : memref<!tpu.dma_semaphore, #tpu.memory_space<semaphore_mem>>) src(%arg11 : memref<128x32xf32, #tpu.memory_space<vmem>>) dst(%dma_wait3A_61 : memref<128x32xf32, #tpu.memory_space<hbm>>)
      tpu.yield
    }) : () -> ()
    %add3A_20 = arith.constant 24960 : i32
    %add3A_21 = arith.addi %mul3A_2, %add3A_20 : i32
    "tpu.region"() ({
      %run_scoped3A = tpu.sem_alloc : memref<!tpu.dma_semaphore, #tpu.memory_space<semaphore_mem>>
      %dma_start3A_54 = arith.constant 0 : i32
      %dma_start3A_55 = tpu.memref_slice %arg8[%dma_start3A_54] : memref<128xi32, #tpu.memory_space<vmem>> -> memref<40xi32, #tpu.memory_space<vmem>>
      %dma_start3A_56 = tpu.memref_slice %arg3[%add3A_21] : memref<800000xi32, #tpu.memory_space<hbm>> -> memref<40xi32, #tpu.memory_space<hbm>>
      %dma_start3A_57 = arith.constant 0 : i32
      %dma_start3A_58 = tpu.memref_slice %arg8[%dma_start3A_57] : memref<128xi32, #tpu.memory_space<vmem>> -> memref<40xi32, #tpu.memory_space<vmem>>
      %dma_start3A_59 = tpu.memref_slice %arg3[%add3A_21] : memref<800000xi32, #tpu.memory_space<hbm>> -> memref<40xi32, #tpu.memory_space<hbm>>
      tpu.enqueue_dma source(%dma_start3A_59 : memref<40xi32, #tpu.memory_space<hbm>>) target(%dma_start3A_58 : memref<40xi32, #tpu.memory_space<vmem>>) target_semaphore(%run_scoped3A : memref<!tpu.dma_semaphore, #tpu.memory_space<semaphore_mem>>)
      %dma_wait3A_60 = arith.constant 0 : i32
      %dma_wait3A_61 = tpu.memref_slice %arg8[%dma_wait3A_60] : memref<128xi32, #tpu.memory_space<vmem>> -> memref<40xi32, #tpu.memory_space<vmem>>
      %dma_wait3A_62 = tpu.memref_slice %arg3[%add3A_21] : memref<800000xi32, #tpu.memory_space<hbm>> -> memref<40xi32, #tpu.memory_space<hbm>>
      %dma_wait3A_63 = arith.constant 0 : i32
      %dma_wait3A_64 = tpu.memref_slice %arg8[%dma_wait3A_63] : memref<128xi32, #tpu.memory_space<vmem>> -> memref<40xi32, #tpu.memory_space<vmem>>
      %dma_wait3A_65 = tpu.memref_slice %arg3[%add3A_21] : memref<800000xi32, #tpu.memory_space<hbm>> -> memref<40xi32, #tpu.memory_space<hbm>>
      tpu.wait_dma2 semaphore(%run_scoped3A : memref<!tpu.dma_semaphore, #tpu.memory_space<semaphore_mem>>) src(%dma_wait3A_65 : memref<40xi32, #tpu.memory_space<hbm>>) dst(%dma_wait3A_64 : memref<40xi32, #tpu.memory_space<vmem>>)
      tpu.yield
    }) : () -> ()
    "tpu.region"() ({
      %run_scoped3A = tpu.sem_alloc : memref<!tpu.dma_semaphore, #tpu.memory_space<semaphore_mem>>
      %dma_start3A_54 = arith.constant 0 : i32
      %dma_start3A_55 = tpu.memref_slice %arg9[%dma_start3A_54] : memref<128xi32, #tpu.memory_space<vmem>> -> memref<40xi32, #tpu.memory_space<vmem>>
      %dma_start3A_56 = tpu.memref_slice %arg5[%add3A_21] : memref<800000xi32, #tpu.memory_space<hbm>> -> memref<40xi32, #tpu.memory_space<hbm>>
      %dma_start3A_57 = arith.constant 0 : i32
      %dma_start3A_58 = tpu.memref_slice %arg9[%dma_start3A_57] : memref<128xi32, #tpu.memory_space<vmem>> -> memref<40xi32, #tpu.memory_space<vmem>>
      %dma_start3A_59 = tpu.memref_slice %arg5[%add3A_21] : memref<800000xi32, #tpu.memory_space<hbm>> -> memref<40xi32, #tpu.memory_space<hbm>>
      tpu.enqueue_dma source(%dma_start3A_59 : memref<40xi32, #tpu.memory_space<hbm>>) target(%dma_start3A_58 : memref<40xi32, #tpu.memory_space<vmem>>) target_semaphore(%run_scoped3A : memref<!tpu.dma_semaphore, #tpu.memory_space<semaphore_mem>>)
      %dma_wait3A_60 = arith.constant 0 : i32
      %dma_wait3A_61 = tpu.memref_slice %arg9[%dma_wait3A_60] : memref<128xi32, #tpu.memory_space<vmem>> -> memref<40xi32, #tpu.memory_space<vmem>>
      %dma_wait3A_62 = tpu.memref_slice %arg5[%add3A_21] : memref<800000xi32, #tpu.memory_space<hbm>> -> memref<40xi32, #tpu.memory_space<hbm>>
      %dma_wait3A_63 = arith.constant 0 : i32
      %dma_wait3A_64 = tpu.memref_slice %arg9[%dma_wait3A_63] : memref<128xi32, #tpu.memory_space<vmem>> -> memref<40xi32, #tpu.memory_space<vmem>>
      %dma_wait3A_65 = tpu.memref_slice %arg5[%add3A_21] : memref<800000xi32, #tpu.memory_space<hbm>> -> memref<40xi32, #tpu.memory_space<hbm>>
      tpu.wait_dma2 semaphore(%run_scoped3A : memref<!tpu.dma_semaphore, #tpu.memory_space<semaphore_mem>>) src(%dma_wait3A_65 : memref<40xi32, #tpu.memory_space<hbm>>) dst(%dma_wait3A_64 : memref<40xi32, #tpu.memory_space<vmem>>)
      tpu.yield
    }) : () -> ()
    %dma_start3A_22 = arith.constant 0 : i32
    %dma_start3A_23 = arith.constant 0 : i32
    %dma_start3A_24 = tpu.memref_slice %arg10[%dma_start3A_22, %dma_start3A_23] : memref<128x64xf32, #tpu.memory_space<vmem>> -> memref<40x64xf32, #tpu.memory_space<vmem>>
    %dma_start3A_25 = arith.constant 0 : i32
    %dma_start3A_26 = tpu.memref_slice %arg8[%dma_start3A_25] : memref<128xi32, #tpu.memory_space<vmem>> -> memref<40xi32, #tpu.memory_space<vmem>>
    %dma_start3A_27 = arith.constant 0 : i32
    %dma_start3A_28 = arith.constant 0 : i32
    %dma_start3A_29 = tpu.memref_slice %arg2[%dma_start3A_27, %dma_start3A_28] : memref<50000x64xf32, #tpu.memory_space<hbm>> -> memref<50000x64xf32, #tpu.memory_space<hbm>>
    tpu.enqueue_indirect_dma source(%dma_start3A_29 : memref<50000x64xf32, #tpu.memory_space<hbm>>) target(%dma_start3A_24 : memref<40x64xf32, #tpu.memory_space<vmem>>) offsets(%dma_start3A_26 : memref<40xi32, #tpu.memory_space<vmem>>) semaphore(%arg16 : memref<!tpu.dma_semaphore, #tpu.memory_space<semaphore_mem>>)
    %dma_start3A_30 = arith.constant 0 : i32
    %dma_start3A_31 = arith.constant 0 : i32
    %dma_start3A_32 = tpu.memref_slice %arg11[%dma_start3A_30, %dma_start3A_31] : memref<128x32xf32, #tpu.memory_space<vmem>> -> memref<40x32xf32, #tpu.memory_space<vmem>>
    %dma_start3A_33 = arith.constant 0 : i32
    %dma_start3A_34 = tpu.memref_slice %arg9[%dma_start3A_33] : memref<128xi32, #tpu.memory_space<vmem>> -> memref<40xi32, #tpu.memory_space<vmem>>
    %dma_start3A_35 = arith.constant 0 : i32
    %dma_start3A_36 = arith.constant 0 : i32
    %dma_start3A_37 = tpu.memref_slice %arg4[%dma_start3A_35, %dma_start3A_36] : memref<50000x32xf32, #tpu.memory_space<hbm>> -> memref<50000x32xf32, #tpu.memory_space<hbm>>
    tpu.enqueue_indirect_dma source(%dma_start3A_37 : memref<50000x32xf32, #tpu.memory_space<hbm>>) target(%dma_start3A_32 : memref<40x32xf32, #tpu.memory_space<vmem>>) offsets(%dma_start3A_34 : memref<40xi32, #tpu.memory_space<vmem>>) semaphore(%arg17 : memref<!tpu.dma_semaphore, #tpu.memory_space<semaphore_mem>>)
    %dma_wait3A_38 = arith.constant 0 : i32
    %dma_wait3A_39 = arith.constant 0 : i32
    %dma_wait3A_40 = tpu.memref_slice %arg10[%dma_wait3A_38, %dma_wait3A_39] : memref<128x64xf32, #tpu.memory_space<vmem>> -> memref<40x64xf32, #tpu.memory_space<vmem>>
    %dma_wait3A_41 = arith.constant 0 : i32
    %dma_wait3A_42 = tpu.memref_slice %arg8[%dma_wait3A_41] : memref<128xi32, #tpu.memory_space<vmem>> -> memref<40xi32, #tpu.memory_space<vmem>>
    %dma_wait3A_43 = arith.constant 0 : i32
    %dma_wait3A_44 = arith.constant 0 : i32
    %dma_wait3A_45 = tpu.memref_slice %arg2[%dma_wait3A_43, %dma_wait3A_44] : memref<50000x64xf32, #tpu.memory_space<hbm>> -> memref<50000x64xf32, #tpu.memory_space<hbm>>
    tpu.wait_indirect_dma semaphore(%arg16 : memref<!tpu.dma_semaphore, #tpu.memory_space<semaphore_mem>>) src(%dma_wait3A_45 : memref<50000x64xf32, #tpu.memory_space<hbm>>) dst(%dma_wait3A_40 : memref<40x64xf32, #tpu.memory_space<vmem>>)
    %dma_wait3A_46 = arith.constant 0 : i32
    %dma_wait3A_47 = arith.constant 0 : i32
    %dma_wait3A_48 = tpu.memref_slice %arg11[%dma_wait3A_46, %dma_wait3A_47] : memref<128x32xf32, #tpu.memory_space<vmem>> -> memref<40x32xf32, #tpu.memory_space<vmem>>
    %dma_wait3A_49 = arith.constant 0 : i32
    %dma_wait3A_50 = tpu.memref_slice %arg9[%dma_wait3A_49] : memref<128xi32, #tpu.memory_space<vmem>> -> memref<40xi32, #tpu.memory_space<vmem>>
    %dma_wait3A_51 = arith.constant 0 : i32
    %dma_wait3A_52 = arith.constant 0 : i32
    %dma_wait3A_53 = tpu.memref_slice %arg4[%dma_wait3A_51, %dma_wait3A_52] : memref<50000x32xf32, #tpu.memory_space<hbm>> -> memref<50000x32xf32, #tpu.memory_space<hbm>>
    tpu.wait_indirect_dma semaphore(%arg17 : memref<!tpu.dma_semaphore, #tpu.memory_space<semaphore_mem>>) src(%dma_wait3A_53 : memref<50000x32xf32, #tpu.memory_space<hbm>>) dst(%dma_wait3A_48 : memref<40x32xf32, #tpu.memory_space<vmem>>)
    "tpu.region"() ({
      %run_scoped3A = tpu.sem_alloc : memref<!tpu.dma_semaphore, #tpu.memory_space<semaphore_mem>>
      %dma_start3A_54 = arith.constant 0 : i32
      %dma_start3A_55 = arith.constant 0 : i32
      %dma_start3A_56 = tpu.memref_slice %arg10[%dma_start3A_54, %dma_start3A_55] : memref<128x64xf32, #tpu.memory_space<vmem>> -> memref<40x64xf32, #tpu.memory_space<vmem>>
      %dma_start3A_57 = arith.constant 0 : i32
      %dma_start3A_58 = tpu.memref_slice %arg6[%add3A_21, %dma_start3A_57] : memref<800000x64xf32, #tpu.memory_space<hbm>> -> memref<40x64xf32, #tpu.memory_space<hbm>>
      %dma_start3A_59 = arith.constant 0 : i32
      %dma_start3A_60 = tpu.memref_slice %arg6[%add3A_21, %dma_start3A_59] : memref<800000x64xf32, #tpu.memory_space<hbm>> -> memref<40x64xf32, #tpu.memory_space<hbm>>
      %dma_start3A_61 = arith.constant 0 : i32
      %dma_start3A_62 = arith.constant 0 : i32
      %dma_start3A_63 = tpu.memref_slice %arg10[%dma_start3A_61, %dma_start3A_62] : memref<128x64xf32, #tpu.memory_space<vmem>> -> memref<40x64xf32, #tpu.memory_space<vmem>>
      tpu.enqueue_dma source(%dma_start3A_63 : memref<40x64xf32, #tpu.memory_space<vmem>>) target(%dma_start3A_60 : memref<40x64xf32, #tpu.memory_space<hbm>>) target_semaphore(%run_scoped3A : memref<!tpu.dma_semaphore, #tpu.memory_space<semaphore_mem>>)
      %dma_wait3A_64 = arith.constant 0 : i32
      %dma_wait3A_65 = arith.constant 0 : i32
      %dma_wait3A_66 = tpu.memref_slice %arg10[%dma_wait3A_64, %dma_wait3A_65] : memref<128x64xf32, #tpu.memory_space<vmem>> -> memref<40x64xf32, #tpu.memory_space<vmem>>
      %dma_wait3A_67 = arith.constant 0 : i32
      %dma_wait3A_68 = tpu.memref_slice %arg6[%add3A_21, %dma_wait3A_67] : memref<800000x64xf32, #tpu.memory_space<hbm>> -> memref<40x64xf32, #tpu.memory_space<hbm>>
      %dma_wait3A_69 = arith.constant 0 : i32
      %dma_wait3A_70 = tpu.memref_slice %arg6[%add3A_21, %dma_wait3A_69] : memref<800000x64xf32, #tpu.memory_space<hbm>> -> memref<40x64xf32, #tpu.memory_space<hbm>>
      %dma_wait3A_71 = arith.constant 0 : i32
      %dma_wait3A_72 = arith.constant 0 : i32
      %dma_wait3A_73 = tpu.memref_slice %arg10[%dma_wait3A_71, %dma_wait3A_72] : memref<128x64xf32, #tpu.memory_space<vmem>> -> memref<40x64xf32, #tpu.memory_space<vmem>>
      tpu.wait_dma2 semaphore(%run_scoped3A : memref<!tpu.dma_semaphore, #tpu.memory_space<semaphore_mem>>) src(%dma_wait3A_73 : memref<40x64xf32, #tpu.memory_space<vmem>>) dst(%dma_wait3A_70 : memref<40x64xf32, #tpu.memory_space<hbm>>)
      tpu.yield
    }) : () -> ()
    "tpu.region"() ({
      %run_scoped3A = tpu.sem_alloc : memref<!tpu.dma_semaphore, #tpu.memory_space<semaphore_mem>>
      %dma_start3A_54 = arith.constant 0 : i32
      %dma_start3A_55 = arith.constant 0 : i32
      %dma_start3A_56 = tpu.memref_slice %arg11[%dma_start3A_54, %dma_start3A_55] : memref<128x32xf32, #tpu.memory_space<vmem>> -> memref<40x32xf32, #tpu.memory_space<vmem>>
      %dma_start3A_57 = arith.constant 0 : i32
      %dma_start3A_58 = tpu.memref_slice %arg7[%add3A_21, %dma_start3A_57] : memref<800000x32xf32, #tpu.memory_space<hbm>> -> memref<40x32xf32, #tpu.memory_space<hbm>>
      %dma_start3A_59 = arith.constant 0 : i32
      %dma_start3A_60 = tpu.memref_slice %arg7[%add3A_21, %dma_start3A_59] : memref<800000x32xf32, #tpu.memory_space<hbm>> -> memref<40x32xf32, #tpu.memory_space<hbm>>
      %dma_start3A_61 = arith.constant 0 : i32
      %dma_start3A_62 = arith.constant 0 : i32
      %dma_start3A_63 = tpu.memref_slice %arg11[%dma_start3A_61, %dma_start3A_62] : memref<128x32xf32, #tpu.memory_space<vmem>> -> memref<40x32xf32, #tpu.memory_space<vmem>>
      tpu.enqueue_dma source(%dma_start3A_63 : memref<40x32xf32, #tpu.memory_space<vmem>>) target(%dma_start3A_60 : memref<40x32xf32, #tpu.memory_space<hbm>>) target_semaphore(%run_scoped3A : memref<!tpu.dma_semaphore, #tpu.memory_space<semaphore_mem>>)
      %dma_wait3A_64 = arith.constant 0 : i32
      %dma_wait3A_65 = arith.constant 0 : i32
      %dma_wait3A_66 = tpu.memref_slice %arg11[%dma_wait3A_64, %dma_wait3A_65] : memref<128x32xf32, #tpu.memory_space<vmem>> -> memref<40x32xf32, #tpu.memory_space<vmem>>
      %dma_wait3A_67 = arith.constant 0 : i32
      %dma_wait3A_68 = tpu.memref_slice %arg7[%add3A_21, %dma_wait3A_67] : memref<800000x32xf32, #tpu.memory_space<hbm>> -> memref<40x32xf32, #tpu.memory_space<hbm>>
      %dma_wait3A_69 = arith.constant 0 : i32
      %dma_wait3A_70 = tpu.memref_slice %arg7[%add3A_21, %dma_wait3A_69] : memref<800000x32xf32, #tpu.memory_space<hbm>> -> memref<40x32xf32, #tpu.memory_space<hbm>>
      %dma_wait3A_71 = arith.constant 0 : i32
      %dma_wait3A_72 = arith.constant 0 : i32
      %dma_wait3A_73 = tpu.memref_slice %arg11[%dma_wait3A_71, %dma_wait3A_72] : memref<128x32xf32, #tpu.memory_space<vmem>> -> memref<40x32xf32, #tpu.memory_space<vmem>>
      tpu.wait_dma2 semaphore(%run_scoped3A : memref<!tpu.dma_semaphore, #tpu.memory_space<semaphore_mem>>) src(%dma_wait3A_73 : memref<40x32xf32, #tpu.memory_space<vmem>>) dst(%dma_wait3A_70 : memref<40x32xf32, #tpu.memory_space<hbm>>)
      tpu.yield
    }) : () -> ()
    return
  }
}

#map = affine_map<(d0, d1) -> (0, 0)>
#map1 = affine_map<(d0, d1) -> (0)>
module attributes {stable_mosaic.version = 14 : i64} {
  func.func @scatter_k(%arg0: i32, %arg1: i32, %arg2: memref<36x800000xf32, #tpu.memory_space<hbm>>, %arg3: memref<800000xi32, #tpu.memory_space<hbm>>, %arg4: memref<36x50000xf32, #tpu.memory_space<hbm>>, %arg5: memref<4000xi32, #tpu.memory_space<vmem>>, %arg6: memref<4000xf32, #tpu.memory_space<vmem>>, %arg7: memref<4000xf32, #tpu.memory_space<vmem>>, %arg8: memref<4000xi32, #tpu.memory_space<vmem>>, %arg9: memref<4000xf32, #tpu.memory_space<vmem>>, %arg10: memref<4000xf32, #tpu.memory_space<vmem>>, %arg11: memref<100000xf32, #tpu.memory_space<vmem>>, %arg12: memref<!tpu.dma_semaphore, #tpu.memory_space<semaphore_mem>>, %arg13: memref<!tpu.dma_semaphore, #tpu.memory_space<semaphore_mem>>) attributes {dimension_semantics = [#tpu.dimension_semantics<core_parallel>, #tpu.dimension_semantics<subcore_parallel>], iteration_bounds = array<i64: 2, 16>, scalar_prefetch = 0 : i64, scratch_operands = 9 : i64, tpu.core_type = #tpu.core_type<sc_vector_subcore>, window_params = [{transform_indices = #map}, {transform_indices = #map1}, {transform_indices = #map}]} {
    %mul3A = arith.constant 2 : i32
    %mul3A_0 = arith.muli %arg1, %mul3A : i32
    %add3A = arith.addi %mul3A_0, %arg0 : i32
    %lt3A = arith.constant 18 : i32
    %lt3A_1 = arith.cmpi slt, %add3A, %lt3A : i32
    %convert_element_type3A = arith.extui %lt3A_1 : i1 to i32
    %cond3A = arith.constant 0 : i32
    %cond3A_2 = arith.cmpi ne, %convert_element_type3A, %cond3A : i32
    scf.if %cond3A_2 {
      %mul3A_3 = arith.constant 2 : i32
      %mul3A_4 = arith.muli %add3A, %mul3A_3 : i32
      %broadcast_in_dim3A = arith.constant 0.000000e+00 : f32
      %broadcast_in_dim3A_5 = vector.broadcast %broadcast_in_dim3A : f32 to vector<16xf32>
      %scan3A = arith.constant 0 : i32
      %scan3A_6 = arith.constant 0 : i32
      %scan3A_7 = arith.constant 6250 : i32
      %scan3A_8 = arith.addi %scan3A_6, %scan3A_7 : i32
      %scan3A_9 = arith.constant 1 : i32
      scf.for %scan3A_36 = %scan3A_6 to %scan3A_8 step %scan3A_9  : i32 {
        %mul3A_37 = arith.constant 16 : i32
        %mul3A_38 = arith.muli %scan3A_36, %mul3A_37 : i32
        %swap3A = arith.index_cast %mul3A_38 : i32 to index
        %swap3A_39 = tpu.vector_load %arg11[%swap3A] {strides = array<i32>} : memref<100000xf32, #tpu.memory_space<vmem>>, vector<16xf32>,
        tpu.vector_store %arg11[%swap3A], %broadcast_in_dim3A_5 {strides = array<i32>} : memref<100000xf32, #tpu.memory_space<vmem>>, vector<16xf32>,
      }
      %scan3A_10 = arith.constant 6250 : i32
      %dma_start3A = arith.constant 0 : i32
      %dma_start3A_11 = tpu.memref_slice %arg3[%dma_start3A] : memref<800000xi32, #tpu.memory_space<hbm>> -> memref<4000xi32, #tpu.memory_space<hbm>>
      %dma_start3A_12 = arith.constant 0 : i32
      %dma_start3A_13 = tpu.memref_slice %arg3[%dma_start3A_12] : memref<800000xi32, #tpu.memory_space<hbm>> -> memref<4000xi32, #tpu.memory_space<hbm>>
      tpu.enqueue_dma source(%dma_start3A_13 : memref<4000xi32, #tpu.memory_space<hbm>>) target(%arg5 : memref<4000xi32, #tpu.memory_space<vmem>>) target_semaphore(%arg12 : memref<!tpu.dma_semaphore, #tpu.memory_space<semaphore_mem>>)
      %dma_start3A_14 = arith.constant 0 : i32
      %dma_start3A_15 = tpu.memref_slice %arg2[%mul3A_4, %dma_start3A_14] : memref<36x800000xf32, #tpu.memory_space<hbm>> -> memref<1x4000xf32, #tpu.memory_space<hbm>>
      %dma_start3A_16 = tpu.memref_squeeze %dma_start3A_15 : memref<1x4000xf32, #tpu.memory_space<hbm>> -> memref<4000xf32, #tpu.memory_space<hbm>>
      %dma_start3A_17 = arith.constant 0 : i32
      %dma_start3A_18 = tpu.memref_slice %arg2[%mul3A_4, %dma_start3A_17] : memref<36x800000xf32, #tpu.memory_space<hbm>> -> memref<1x4000xf32, #tpu.memory_space<hbm>>
      %dma_start3A_19 = tpu.memref_squeeze %dma_start3A_18 : memref<1x4000xf32, #tpu.memory_space<hbm>> -> memref<4000xf32, #tpu.memory_space<hbm>>
      tpu.enqueue_dma source(%dma_start3A_19 : memref<4000xf32, #tpu.memory_space<hbm>>) target(%arg6 : memref<4000xf32, #tpu.memory_space<vmem>>) target_semaphore(%arg12 : memref<!tpu.dma_semaphore, #tpu.memory_space<semaphore_mem>>)
      %add3A_20 = arith.constant 1 : i32
      %add3A_21 = arith.addi %mul3A_4, %add3A_20 : i32
      %dma_start3A_22 = arith.constant 0 : i32
      %dma_start3A_23 = tpu.memref_slice %arg2[%add3A_21, %dma_start3A_22] : memref<36x800000xf32, #tpu.memory_space<hbm>> -> memref<1x4000xf32, #tpu.memory_space<hbm>>
      %dma_start3A_24 = tpu.memref_squeeze %dma_start3A_23 : memref<1x4000xf32, #tpu.memory_space<hbm>> -> memref<4000xf32, #tpu.memory_space<hbm>>
      %dma_start3A_25 = arith.constant 0 : i32
      %dma_start3A_26 = tpu.memref_slice %arg2[%add3A_21, %dma_start3A_25] : memref<36x800000xf32, #tpu.memory_space<hbm>> -> memref<1x4000xf32, #tpu.memory_space<hbm>>
      %dma_start3A_27 = tpu.memref_squeeze %dma_start3A_26 : memref<1x4000xf32, #tpu.memory_space<hbm>> -> memref<4000xf32, #tpu.memory_space<hbm>>
      tpu.enqueue_dma source(%dma_start3A_27 : memref<4000xf32, #tpu.memory_space<hbm>>) target(%arg7 : memref<4000xf32, #tpu.memory_space<vmem>>) target_semaphore(%arg12 : memref<!tpu.dma_semaphore, #tpu.memory_space<semaphore_mem>>)
      %scan3A_28 = arith.constant 0 : i32
      %scan3A_29 = arith.constant 0 : i32
      %scan3A_30 = arith.constant 100 : i32
      %scan3A_31 = arith.addi %scan3A_29, %scan3A_30 : i32
      %scan3A_32 = arith.constant 1 : i32
      scf.for %scan3A_36 = %scan3A_29 to %scan3A_31 step %scan3A_32  : i32 {
        %mul3A_37 = arith.constant 2 : i32
        %mul3A_38 = arith.muli %mul3A_37, %scan3A_36 : i32
        %add3A_39 = arith.constant 1 : i32
        %add3A_40 = arith.addi %mul3A_38, %add3A_39 : i32
        %mul3A_41 = arith.constant 4000 : i32
        %mul3A_42 = arith.muli %add3A_40, %mul3A_41 : i32
        %dma_start3A_43 = tpu.memref_slice %arg3[%mul3A_42] : memref<800000xi32, #tpu.memory_space<hbm>> -> memref<4000xi32, #tpu.memory_space<hbm>>
        %dma_start3A_44 = tpu.memref_slice %arg3[%mul3A_42] : memref<800000xi32, #tpu.memory_space<hbm>> -> memref<4000xi32, #tpu.memory_space<hbm>>
        tpu.enqueue_dma source(%dma_start3A_44 : memref<4000xi32, #tpu.memory_space<hbm>>) target(%arg8 : memref<4000xi32, #tpu.memory_space<vmem>>) target_semaphore(%arg13 : memref<!tpu.dma_semaphore, #tpu.memory_space<semaphore_mem>>)
        %dma_start3A_45 = tpu.memref_slice %arg2[%mul3A_4, %mul3A_42] : memref<36x800000xf32, #tpu.memory_space<hbm>> -> memref<1x4000xf32, #tpu.memory_space<hbm>>
        %dma_start3A_46 = tpu.memref_squeeze %dma_start3A_45 : memref<1x4000xf32, #tpu.memory_space<hbm>> -> memref<4000xf32, #tpu.memory_space<hbm>>
        %dma_start3A_47 = tpu.memref_slice %arg2[%mul3A_4, %mul3A_42] : memref<36x800000xf32, #tpu.memory_space<hbm>> -> memref<1x4000xf32, #tpu.memory_space<hbm>>
        %dma_start3A_48 = tpu.memref_squeeze %dma_start3A_47 : memref<1x4000xf32, #tpu.memory_space<hbm>> -> memref<4000xf32, #tpu.memory_space<hbm>>
        tpu.enqueue_dma source(%dma_start3A_48 : memref<4000xf32, #tpu.memory_space<hbm>>) target(%arg9 : memref<4000xf32, #tpu.memory_space<vmem>>) target_semaphore(%arg13 : memref<!tpu.dma_semaphore, #tpu.memory_space<semaphore_mem>>)
        %add3A_49 = arith.constant 1 : i32
        %add3A_50 = arith.addi %mul3A_4, %add3A_49 : i32
        %dma_start3A_51 = tpu.memref_slice %arg2[%add3A_50, %mul3A_42] : memref<36x800000xf32, #tpu.memory_space<hbm>> -> memref<1x4000xf32, #tpu.memory_space<hbm>>
        %dma_start3A_52 = tpu.memref_squeeze %dma_start3A_51 : memref<1x4000xf32, #tpu.memory_space<hbm>> -> memref<4000xf32, #tpu.memory_space<hbm>>
        %dma_start3A_53 = tpu.memref_slice %arg2[%add3A_50, %mul3A_42] : memref<36x800000xf32, #tpu.memory_space<hbm>> -> memref<1x4000xf32, #tpu.memory_space<hbm>>
        %dma_start3A_54 = tpu.memref_squeeze %dma_start3A_53 : memref<1x4000xf32, #tpu.memory_space<hbm>> -> memref<4000xf32, #tpu.memory_space<hbm>>
        tpu.enqueue_dma source(%dma_start3A_54 : memref<4000xf32, #tpu.memory_space<hbm>>) target(%arg10 : memref<4000xf32, #tpu.memory_space<vmem>>) target_semaphore(%arg13 : memref<!tpu.dma_semaphore, #tpu.memory_space<semaphore_mem>>)
        %mul3A_55 = arith.constant 4000 : i32
        %mul3A_56 = arith.muli %mul3A_38, %mul3A_55 : i32
        %dma_wait3A = tpu.memref_slice %arg3[%mul3A_56] : memref<800000xi32, #tpu.memory_space<hbm>> -> memref<4000xi32, #tpu.memory_space<hbm>>
        %dma_wait3A_57 = tpu.memref_slice %arg3[%mul3A_56] : memref<800000xi32, #tpu.memory_space<hbm>> -> memref<4000xi32, #tpu.memory_space<hbm>>
        tpu.wait_dma2 semaphore(%arg12 : memref<!tpu.dma_semaphore, #tpu.memory_space<semaphore_mem>>) src(%dma_wait3A_57 : memref<4000xi32, #tpu.memory_space<hbm>>) dst(%arg5 : memref<4000xi32, #tpu.memory_space<vmem>>)
        %dma_wait3A_58 = tpu.memref_slice %arg2[%mul3A_4, %mul3A_56] : memref<36x800000xf32, #tpu.memory_space<hbm>> -> memref<1x4000xf32, #tpu.memory_space<hbm>>
        %dma_wait3A_59 = tpu.memref_squeeze %dma_wait3A_58 : memref<1x4000xf32, #tpu.memory_space<hbm>> -> memref<4000xf32, #tpu.memory_space<hbm>>
        %dma_wait3A_60 = tpu.memref_slice %arg2[%mul3A_4, %mul3A_56] : memref<36x800000xf32, #tpu.memory_space<hbm>> -> memref<1x4000xf32, #tpu.memory_space<hbm>>
        %dma_wait3A_61 = tpu.memref_squeeze %dma_wait3A_60 : memref<1x4000xf32, #tpu.memory_space<hbm>> -> memref<4000xf32, #tpu.memory_space<hbm>>
        tpu.wait_dma2 semaphore(%arg12 : memref<!tpu.dma_semaphore, #tpu.memory_space<semaphore_mem>>) src(%dma_wait3A_61 : memref<4000xf32, #tpu.memory_space<hbm>>) dst(%arg6 : memref<4000xf32, #tpu.memory_space<vmem>>)
        %add3A_62 = arith.constant 1 : i32
        %add3A_63 = arith.addi %mul3A_4, %add3A_62 : i32
        %dma_wait3A_64 = tpu.memref_slice %arg2[%add3A_63, %mul3A_56] : memref<36x800000xf32, #tpu.memory_space<hbm>> -> memref<1x4000xf32, #tpu.memory_space<hbm>>
        %dma_wait3A_65 = tpu.memref_squeeze %dma_wait3A_64 : memref<1x4000xf32, #tpu.memory_space<hbm>> -> memref<4000xf32, #tpu.memory_space<hbm>>
        %dma_wait3A_66 = tpu.memref_slice %arg2[%add3A_63, %mul3A_56] : memref<36x800000xf32, #tpu.memory_space<hbm>> -> memref<1x4000xf32, #tpu.memory_space<hbm>>
        %dma_wait3A_67 = tpu.memref_squeeze %dma_wait3A_66 : memref<1x4000xf32, #tpu.memory_space<hbm>> -> memref<4000xf32, #tpu.memory_space<hbm>>
        tpu.wait_dma2 semaphore(%arg12 : memref<!tpu.dma_semaphore, #tpu.memory_space<semaphore_mem>>) src(%dma_wait3A_67 : memref<4000xf32, #tpu.memory_space<hbm>>) dst(%arg7 : memref<4000xf32, #tpu.memory_space<vmem>>)
        %scan3A_68 = arith.constant 0 : i32
        %scan3A_69 = arith.constant 0 : i32
        %scan3A_70 = arith.constant 248 : i32
        %scan3A_71 = arith.addi %scan3A_69, %scan3A_70 : i32
        %scan3A_72 = arith.constant 4 : i32
        scf.for %scan3A_170 = %scan3A_69 to %scan3A_71 step %scan3A_72  : i32 {
          %mul3A_171 = arith.constant 16 : i32
          %mul3A_172 = arith.muli %scan3A_170, %mul3A_171 : i32
          %get3A_173 = arith.index_cast %mul3A_172 : i32 to index
          %get3A_174 = tpu.vector_load %arg5[%get3A_173] {strides = array<i32>} : memref<4000xi32, #tpu.memory_space<vmem>>, vector<16xi32>,
          %mul3A_175 = arith.constant 16 : i32
          %mul3A_176 = arith.muli %scan3A_170, %mul3A_175 : i32
          %get3A_177 = arith.index_cast %mul3A_176 : i32 to index
          %get3A_178 = tpu.vector_load %arg6[%get3A_177] {strides = array<i32>} : memref<4000xf32, #tpu.memory_space<vmem>>, vector<16xf32>,
          tpu.vector_store_idx %arg11[%get3A_174], %get3A_178 {add = true} : memref<100000xf32, #tpu.memory_space<vmem>>[vector<16xi32>], vector<16xf32>,
          %add3A_179 = arith.constant 50000 : i32
          %add3A_180 = vector.broadcast %add3A_179 : i32 to vector<16xi32>
          %add3A_181 = arith.addi %get3A_174, %add3A_180 : vector<16xi32>
          %mul3A_182 = arith.constant 16 : i32
          %mul3A_183 = arith.muli %scan3A_170, %mul3A_182 : i32
          %get3A_184 = arith.index_cast %mul3A_183 : i32 to index
          %get3A_185 = tpu.vector_load %arg7[%get3A_184] {strides = array<i32>} : memref<4000xf32, #tpu.memory_space<vmem>>, vector<16xf32>,
          tpu.vector_store_idx %arg11[%add3A_181], %get3A_185 {add = true} : memref<100000xf32, #tpu.memory_space<vmem>>[vector<16xi32>], vector<16xf32>,
          %scan3A_186 = arith.constant 1 : i32
          %scan3A_187 = arith.addi %scan3A_170, %scan3A_186 : i32
          %mul3A_188 = arith.constant 16 : i32
          %mul3A_189 = arith.muli %scan3A_187, %mul3A_188 : i32
          %get3A_190 = arith.index_cast %mul3A_189 : i32 to index
          %get3A_191 = tpu.vector_load %arg5[%get3A_190] {strides = array<i32>} : memref<4000xi32, #tpu.memory_space<vmem>>, vector<16xi32>,
          %mul3A_192 = arith.constant 16 : i32
          %mul3A_193 = arith.muli %scan3A_187, %mul3A_192 : i32
          %get3A_194 = arith.index_cast %mul3A_193 : i32 to index
          %get3A_195 = tpu.vector_load %arg6[%get3A_194] {strides = array<i32>} : memref<4000xf32, #tpu.memory_space<vmem>>, vector<16xf32>,
          tpu.vector_store_idx %arg11[%get3A_191], %get3A_195 {add = true} : memref<100000xf32, #tpu.memory_space<vmem>>[vector<16xi32>], vector<16xf32>,
          %add3A_196 = arith.constant 50000 : i32
          %add3A_197 = vector.broadcast %add3A_196 : i32 to vector<16xi32>
          %add3A_198 = arith.addi %get3A_191, %add3A_197 : vector<16xi32>
          %mul3A_199 = arith.constant 16 : i32
          %mul3A_200 = arith.muli %scan3A_187, %mul3A_199 : i32
          %get3A_201 = arith.index_cast %mul3A_200 : i32 to index
          %get3A_202 = tpu.vector_load %arg7[%get3A_201] {strides = array<i32>} : memref<4000xf32, #tpu.memory_space<vmem>>, vector<16xf32>,
          tpu.vector_store_idx %arg11[%add3A_198], %get3A_202 {add = true} : memref<100000xf32, #tpu.memory_space<vmem>>[vector<16xi32>], vector<16xf32>,
          %scan3A_203 = arith.constant 2 : i32
          %scan3A_204 = arith.addi %scan3A_170, %scan3A_203 : i32
          %mul3A_205 = arith.constant 16 : i32
          %mul3A_206 = arith.muli %scan3A_204, %mul3A_205 : i32
          %get3A_207 = arith.index_cast %mul3A_206 : i32 to index
          %get3A_208 = tpu.vector_load %arg5[%get3A_207] {strides = array<i32>} : memref<4000xi32, #tpu.memory_space<vmem>>, vector<16xi32>,
          %mul3A_209 = arith.constant 16 : i32
          %mul3A_210 = arith.muli %scan3A_204, %mul3A_209 : i32
          %get3A_211 = arith.index_cast %mul3A_210 : i32 to index
          %get3A_212 = tpu.vector_load %arg6[%get3A_211] {strides = array<i32>} : memref<4000xf32, #tpu.memory_space<vmem>>, vector<16xf32>,
          tpu.vector_store_idx %arg11[%get3A_208], %get3A_212 {add = true} : memref<100000xf32, #tpu.memory_space<vmem>>[vector<16xi32>], vector<16xf32>,
          %add3A_213 = arith.constant 50000 : i32
          %add3A_214 = vector.broadcast %add3A_213 : i32 to vector<16xi32>
          %add3A_215 = arith.addi %get3A_208, %add3A_214 : vector<16xi32>
          %mul3A_216 = arith.constant 16 : i32
          %mul3A_217 = arith.muli %scan3A_204, %mul3A_216 : i32
          %get3A_218 = arith.index_cast %mul3A_217 : i32 to index
          %get3A_219 = tpu.vector_load %arg7[%get3A_218] {strides = array<i32>} : memref<4000xf32, #tpu.memory_space<vmem>>, vector<16xf32>,
          tpu.vector_store_idx %arg11[%add3A_215], %get3A_219 {add = true} : memref<100000xf32, #tpu.memory_space<vmem>>[vector<16xi32>], vector<16xf32>,
          %scan3A_220 = arith.constant 3 : i32
          %scan3A_221 = arith.addi %scan3A_170, %scan3A_220 : i32
          %mul3A_222 = arith.constant 16 : i32
          %mul3A_223 = arith.muli %scan3A_221, %mul3A_222 : i32
          %get3A_224 = arith.index_cast %mul3A_223 : i32 to index
          %get3A_225 = tpu.vector_load %arg5[%get3A_224] {strides = array<i32>} : memref<4000xi32, #tpu.memory_space<vmem>>, vector<16xi32>,
          %mul3A_226 = arith.constant 16 : i32
          %mul3A_227 = arith.muli %scan3A_221, %mul3A_226 : i32
          %get3A_228 = arith.index_cast %mul3A_227 : i32 to index
          %get3A_229 = tpu.vector_load %arg6[%get3A_228] {strides = array<i32>} : memref<4000xf32, #tpu.memory_space<vmem>>, vector<16xf32>,
          tpu.vector_store_idx %arg11[%get3A_225], %get3A_229 {add = true} : memref<100000xf32, #tpu.memory_space<vmem>>[vector<16xi32>], vector<16xf32>,
          %add3A_230 = arith.constant 50000 : i32
          %add3A_231 = vector.broadcast %add3A_230 : i32 to vector<16xi32>
          %add3A_232 = arith.addi %get3A_225, %add3A_231 : vector<16xi32>
          %mul3A_233 = arith.constant 16 : i32
          %mul3A_234 = arith.muli %scan3A_221, %mul3A_233 : i32
          %get3A_235 = arith.index_cast %mul3A_234 : i32 to index
          %get3A_236 = tpu.vector_load %arg7[%get3A_235] {strides = array<i32>} : memref<4000xf32, #tpu.memory_space<vmem>>, vector<16xf32>,
          tpu.vector_store_idx %arg11[%add3A_232], %get3A_236 {add = true} : memref<100000xf32, #tpu.memory_space<vmem>>[vector<16xi32>], vector<16xf32>,
        }
        %scan3A_73 = arith.constant 248 : i32
        %scan3A_74 = arith.addi %scan3A_69, %scan3A_73 : i32
        %mul3A_75 = arith.constant 16 : i32
        %mul3A_76 = arith.muli %scan3A_74, %mul3A_75 : i32
        %get3A = arith.index_cast %mul3A_76 : i32 to index
        %get3A_77 = tpu.vector_load %arg5[%get3A] {strides = array<i32>} : memref<4000xi32, #tpu.memory_space<vmem>>, vector<16xi32>,
        %mul3A_78 = arith.constant 16 : i32
        %mul3A_79 = arith.muli %scan3A_74, %mul3A_78 : i32
        %get3A_80 = arith.index_cast %mul3A_79 : i32 to index
        %get3A_81 = tpu.vector_load %arg6[%get3A_80] {strides = array<i32>} : memref<4000xf32, #tpu.memory_space<vmem>>, vector<16xf32>,
        tpu.vector_store_idx %arg11[%get3A_77], %get3A_81 {add = true} : memref<100000xf32, #tpu.memory_space<vmem>>[vector<16xi32>], vector<16xf32>,
        %add3A_82 = arith.constant 50000 : i32
        %add3A_83 = vector.broadcast %add3A_82 : i32 to vector<16xi32>
        %add3A_84 = arith.addi %get3A_77, %add3A_83 : vector<16xi32>
        %mul3A_85 = arith.constant 16 : i32
        %mul3A_86 = arith.muli %scan3A_74, %mul3A_85 : i32
        %get3A_87 = arith.index_cast %mul3A_86 : i32 to index
        %get3A_88 = tpu.vector_load %arg7[%get3A_87] {strides = array<i32>} : memref<4000xf32, #tpu.memory_space<vmem>>, vector<16xf32>,
        tpu.vector_store_idx %arg11[%add3A_84], %get3A_88 {add = true} : memref<100000xf32, #tpu.memory_space<vmem>>[vector<16xi32>], vector<16xf32>,
        %scan3A_89 = arith.constant 249 : i32
        %scan3A_90 = arith.addi %scan3A_69, %scan3A_89 : i32
        %mul3A_91 = arith.constant 16 : i32
        %mul3A_92 = arith.muli %scan3A_90, %mul3A_91 : i32
        %get3A_93 = arith.index_cast %mul3A_92 : i32 to index
        %get3A_94 = tpu.vector_load %arg5[%get3A_93] {strides = array<i32>} : memref<4000xi32, #tpu.memory_space<vmem>>, vector<16xi32>,
        %mul3A_95 = arith.constant 16 : i32
        %mul3A_96 = arith.muli %scan3A_90, %mul3A_95 : i32
        %get3A_97 = arith.index_cast %mul3A_96 : i32 to index
        %get3A_98 = tpu.vector_load %arg6[%get3A_97] {strides = array<i32>} : memref<4000xf32, #tpu.memory_space<vmem>>, vector<16xf32>,
        tpu.vector_store_idx %arg11[%get3A_94], %get3A_98 {add = true} : memref<100000xf32, #tpu.memory_space<vmem>>[vector<16xi32>], vector<16xf32>,
        %add3A_99 = arith.constant 50000 : i32
        %add3A_100 = vector.broadcast %add3A_99 : i32 to vector<16xi32>
        %add3A_101 = arith.addi %get3A_94, %add3A_100 : vector<16xi32>
        %mul3A_102 = arith.constant 16 : i32
        %mul3A_103 = arith.muli %scan3A_90, %mul3A_102 : i32
        %get3A_104 = arith.index_cast %mul3A_103 : i32 to index
        %get3A_105 = tpu.vector_load %arg7[%get3A_104] {strides = array<i32>} : memref<4000xf32, #tpu.memory_space<vmem>>, vector<16xf32>,
        tpu.vector_store_idx %arg11[%add3A_101], %get3A_105 {add = true} : memref<100000xf32, #tpu.memory_space<vmem>>[vector<16xi32>], vector<16xf32>,
        %scan3A_106 = arith.constant 250 : i32
        %add3A_107 = arith.constant 2 : i32
        %add3A_108 = arith.addi %mul3A_38, %add3A_107 : i32
        %lt3A_109 = arith.constant 200 : i32
        %lt3A_110 = arith.cmpi slt, %add3A_108, %lt3A_109 : i32
        %convert_element_type3A_111 = arith.extui %lt3A_110 : i1 to i32
        %cond3A_112 = arith.constant 0 : i32
        %cond3A_113 = arith.cmpi ne, %convert_element_type3A_111, %cond3A_112 : i32
        scf.if %cond3A_113 {
          %add3A_170 = arith.constant 2 : i32
          %add3A_171 = arith.addi %mul3A_38, %add3A_170 : i32
          %mul3A_172 = arith.constant 4000 : i32
          %mul3A_173 = arith.muli %add3A_171, %mul3A_172 : i32
          %dma_start3A_174 = tpu.memref_slice %arg3[%mul3A_173] : memref<800000xi32, #tpu.memory_space<hbm>> -> memref<4000xi32, #tpu.memory_space<hbm>>
          %dma_start3A_175 = tpu.memref_slice %arg3[%mul3A_173] : memref<800000xi32, #tpu.memory_space<hbm>> -> memref<4000xi32, #tpu.memory_space<hbm>>
          tpu.enqueue_dma source(%dma_start3A_175 : memref<4000xi32, #tpu.memory_space<hbm>>) target(%arg5 : memref<4000xi32, #tpu.memory_space<vmem>>) target_semaphore(%arg12 : memref<!tpu.dma_semaphore, #tpu.memory_space<semaphore_mem>>)
          %dma_start3A_176 = tpu.memref_slice %arg2[%mul3A_4, %mul3A_173] : memref<36x800000xf32, #tpu.memory_space<hbm>> -> memref<1x4000xf32, #tpu.memory_space<hbm>>
          %dma_start3A_177 = tpu.memref_squeeze %dma_start3A_176 : memref<1x4000xf32, #tpu.memory_space<hbm>> -> memref<4000xf32, #tpu.memory_space<hbm>>
          %dma_start3A_178 = tpu.memref_slice %arg2[%mul3A_4, %mul3A_173] : memref<36x800000xf32, #tpu.memory_space<hbm>> -> memref<1x4000xf32, #tpu.memory_space<hbm>>
          %dma_start3A_179 = tpu.memref_squeeze %dma_start3A_178 : memref<1x4000xf32, #tpu.memory_space<hbm>> -> memref<4000xf32, #tpu.memory_space<hbm>>
          tpu.enqueue_dma source(%dma_start3A_179 : memref<4000xf32, #tpu.memory_space<hbm>>) target(%arg6 : memref<4000xf32, #tpu.memory_space<vmem>>) target_semaphore(%arg12 : memref<!tpu.dma_semaphore, #tpu.memory_space<semaphore_mem>>)
          %add3A_180 = arith.constant 1 : i32
          %add3A_181 = arith.addi %mul3A_4, %add3A_180 : i32
          %dma_start3A_182 = tpu.memref_slice %arg2[%add3A_181, %mul3A_173] : memref<36x800000xf32, #tpu.memory_space<hbm>> -> memref<1x4000xf32, #tpu.memory_space<hbm>>
          %dma_start3A_183 = tpu.memref_squeeze %dma_start3A_182 : memref<1x4000xf32, #tpu.memory_space<hbm>> -> memref<4000xf32, #tpu.memory_space<hbm>>
          %dma_start3A_184 = tpu.memref_slice %arg2[%add3A_181, %mul3A_173] : memref<36x800000xf32, #tpu.memory_space<hbm>> -> memref<1x4000xf32, #tpu.memory_space<hbm>>
          %dma_start3A_185 = tpu.memref_squeeze %dma_start3A_184 : memref<1x4000xf32, #tpu.memory_space<hbm>> -> memref<4000xf32, #tpu.memory_space<hbm>>
          tpu.enqueue_dma source(%dma_start3A_185 : memref<4000xf32, #tpu.memory_space<hbm>>) target(%arg7 : memref<4000xf32, #tpu.memory_space<vmem>>) target_semaphore(%arg12 : memref<!tpu.dma_semaphore, #tpu.memory_space<semaphore_mem>>)
        } else {
        }
        %add3A_114 = arith.constant 1 : i32
        %add3A_115 = arith.addi %mul3A_38, %add3A_114 : i32
        %mul3A_116 = arith.constant 4000 : i32
        %mul3A_117 = arith.muli %add3A_115, %mul3A_116 : i32
        %dma_wait3A_118 = tpu.memref_slice %arg3[%mul3A_117] : memref<800000xi32, #tpu.memory_space<hbm>> -> memref<4000xi32, #tpu.memory_space<hbm>>
        %dma_wait3A_119 = tpu.memref_slice %arg3[%mul3A_117] : memref<800000xi32, #tpu.memory_space<hbm>> -> memref<4000xi32, #tpu.memory_space<hbm>>
        tpu.wait_dma2 semaphore(%arg13 : memref<!tpu.dma_semaphore, #tpu.memory_space<semaphore_mem>>) src(%dma_wait3A_119 : memref<4000xi32, #tpu.memory_space<hbm>>) dst(%arg8 : memref<4000xi32, #tpu.memory_space<vmem>>)
        %dma_wait3A_120 = tpu.memref_slice %arg2[%mul3A_4, %mul3A_117] : memref<36x800000xf32, #tpu.memory_space<hbm>> -> memref<1x4000xf32, #tpu.memory_space<hbm>>
        %dma_wait3A_121 = tpu.memref_squeeze %dma_wait3A_120 : memref<1x4000xf32, #tpu.memory_space<hbm>> -> memref<4000xf32, #tpu.memory_space<hbm>>
        %dma_wait3A_122 = tpu.memref_slice %arg2[%mul3A_4, %mul3A_117] : memref<36x800000xf32, #tpu.memory_space<hbm>> -> memref<1x4000xf32, #tpu.memory_space<hbm>>
        %dma_wait3A_123 = tpu.memref_squeeze %dma_wait3A_122 : memref<1x4000xf32, #tpu.memory_space<hbm>> -> memref<4000xf32, #tpu.memory_space<hbm>>
        tpu.wait_dma2 semaphore(%arg13 : memref<!tpu.dma_semaphore, #tpu.memory_space<semaphore_mem>>) src(%dma_wait3A_123 : memref<4000xf32, #tpu.memory_space<hbm>>) dst(%arg9 : memref<4000xf32, #tpu.memory_space<vmem>>)
        %add3A_124 = arith.constant 1 : i32
        %add3A_125 = arith.addi %mul3A_4, %add3A_124 : i32
        %dma_wait3A_126 = tpu.memref_slice %arg2[%add3A_125, %mul3A_117] : memref<36x800000xf32, #tpu.memory_space<hbm>> -> memref<1x4000xf32, #tpu.memory_space<hbm>>
        %dma_wait3A_127 = tpu.memref_squeeze %dma_wait3A_126 : memref<1x4000xf32, #tpu.memory_space<hbm>> -> memref<4000xf32, #tpu.memory_space<hbm>>
        %dma_wait3A_128 = tpu.memref_slice %arg2[%add3A_125, %mul3A_117] : memref<36x800000xf32, #tpu.memory_space<hbm>> -> memref<1x4000xf32, #tpu.memory_space<hbm>>
        %dma_wait3A_129 = tpu.memref_squeeze %dma_wait3A_128 : memref<1x4000xf32, #tpu.memory_space<hbm>> -> memref<4000xf32, #tpu.memory_space<hbm>>
        tpu.wait_dma2 semaphore(%arg13 : memref<!tpu.dma_semaphore, #tpu.memory_space<semaphore_mem>>) src(%dma_wait3A_129 : memref<4000xf32, #tpu.memory_space<hbm>>) dst(%arg10 : memref<4000xf32, #tpu.memory_space<vmem>>)
        %scan3A_130 = arith.constant 0 : i32
        %scan3A_131 = arith.constant 0 : i32
        %scan3A_132 = arith.constant 248 : i32
        %scan3A_133 = arith.addi %scan3A_131, %scan3A_132 : i32
        %scan3A_134 = arith.constant 4 : i32
        scf.for %scan3A_170 = %scan3A_131 to %scan3A_133 step %scan3A_134  : i32 {
          %mul3A_171 = arith.constant 16 : i32
          %mul3A_172 = arith.muli %scan3A_170, %mul3A_171 : i32
          %get3A_173 = arith.index_cast %mul3A_172 : i32 to index
          %get3A_174 = tpu.vector_load %arg8[%get3A_173] {strides = array<i32>} : memref<4000xi32, #tpu.memory_space<vmem>>, vector<16xi32>,
          %mul3A_175 = arith.constant 16 : i32
          %mul3A_176 = arith.muli %scan3A_170, %mul3A_175 : i32
          %get3A_177 = arith.index_cast %mul3A_176 : i32 to index
          %get3A_178 = tpu.vector_load %arg9[%get3A_177] {strides = array<i32>} : memref<4000xf32, #tpu.memory_space<vmem>>, vector<16xf32>,
          tpu.vector_store_idx %arg11[%get3A_174], %get3A_178 {add = true} : memref<100000xf32, #tpu.memory_space<vmem>>[vector<16xi32>], vector<16xf32>,
          %add3A_179 = arith.constant 50000 : i32
          %add3A_180 = vector.broadcast %add3A_179 : i32 to vector<16xi32>
          %add3A_181 = arith.addi %get3A_174, %add3A_180 : vector<16xi32>
          %mul3A_182 = arith.constant 16 : i32
          %mul3A_183 = arith.muli %scan3A_170, %mul3A_182 : i32
          %get3A_184 = arith.index_cast %mul3A_183 : i32 to index
          %get3A_185 = tpu.vector_load %arg10[%get3A_184] {strides = array<i32>} : memref<4000xf32, #tpu.memory_space<vmem>>, vector<16xf32>,
          tpu.vector_store_idx %arg11[%add3A_181], %get3A_185 {add = true} : memref<100000xf32, #tpu.memory_space<vmem>>[vector<16xi32>], vector<16xf32>,
          %scan3A_186 = arith.constant 1 : i32
          %scan3A_187 = arith.addi %scan3A_170, %scan3A_186 : i32
          %mul3A_188 = arith.constant 16 : i32
          %mul3A_189 = arith.muli %scan3A_187, %mul3A_188 : i32
          %get3A_190 = arith.index_cast %mul3A_189 : i32 to index
          %get3A_191 = tpu.vector_load %arg8[%get3A_190] {strides = array<i32>} : memref<4000xi32, #tpu.memory_space<vmem>>, vector<16xi32>,
          %mul3A_192 = arith.constant 16 : i32
          %mul3A_193 = arith.muli %scan3A_187, %mul3A_192 : i32
          %get3A_194 = arith.index_cast %mul3A_193 : i32 to index
          %get3A_195 = tpu.vector_load %arg9[%get3A_194] {strides = array<i32>} : memref<4000xf32, #tpu.memory_space<vmem>>, vector<16xf32>,
          tpu.vector_store_idx %arg11[%get3A_191], %get3A_195 {add = true} : memref<100000xf32, #tpu.memory_space<vmem>>[vector<16xi32>], vector<16xf32>,
          %add3A_196 = arith.constant 50000 : i32
          %add3A_197 = vector.broadcast %add3A_196 : i32 to vector<16xi32>
          %add3A_198 = arith.addi %get3A_191, %add3A_197 : vector<16xi32>
          %mul3A_199 = arith.constant 16 : i32
          %mul3A_200 = arith.muli %scan3A_187, %mul3A_199 : i32
          %get3A_201 = arith.index_cast %mul3A_200 : i32 to index
          %get3A_202 = tpu.vector_load %arg10[%get3A_201] {strides = array<i32>} : memref<4000xf32, #tpu.memory_space<vmem>>, vector<16xf32>,
          tpu.vector_store_idx %arg11[%add3A_198], %get3A_202 {add = true} : memref<100000xf32, #tpu.memory_space<vmem>>[vector<16xi32>], vector<16xf32>,
          %scan3A_203 = arith.constant 2 : i32
          %scan3A_204 = arith.addi %scan3A_170, %scan3A_203 : i32
          %mul3A_205 = arith.constant 16 : i32
          %mul3A_206 = arith.muli %scan3A_204, %mul3A_205 : i32
          %get3A_207 = arith.index_cast %mul3A_206 : i32 to index
          %get3A_208 = tpu.vector_load %arg8[%get3A_207] {strides = array<i32>} : memref<4000xi32, #tpu.memory_space<vmem>>, vector<16xi32>,
          %mul3A_209 = arith.constant 16 : i32
          %mul3A_210 = arith.muli %scan3A_204, %mul3A_209 : i32
          %get3A_211 = arith.index_cast %mul3A_210 : i32 to index
          %get3A_212 = tpu.vector_load %arg9[%get3A_211] {strides = array<i32>} : memref<4000xf32, #tpu.memory_space<vmem>>, vector<16xf32>,
          tpu.vector_store_idx %arg11[%get3A_208], %get3A_212 {add = true} : memref<100000xf32, #tpu.memory_space<vmem>>[vector<16xi32>], vector<16xf32>,
          %add3A_213 = arith.constant 50000 : i32
          %add3A_214 = vector.broadcast %add3A_213 : i32 to vector<16xi32>
          %add3A_215 = arith.addi %get3A_208, %add3A_214 : vector<16xi32>
          %mul3A_216 = arith.constant 16 : i32
          %mul3A_217 = arith.muli %scan3A_204, %mul3A_216 : i32
          %get3A_218 = arith.index_cast %mul3A_217 : i32 to index
          %get3A_219 = tpu.vector_load %arg10[%get3A_218] {strides = array<i32>} : memref<4000xf32, #tpu.memory_space<vmem>>, vector<16xf32>,
          tpu.vector_store_idx %arg11[%add3A_215], %get3A_219 {add = true} : memref<100000xf32, #tpu.memory_space<vmem>>[vector<16xi32>], vector<16xf32>,
          %scan3A_220 = arith.constant 3 : i32
          %scan3A_221 = arith.addi %scan3A_170, %scan3A_220 : i32
          %mul3A_222 = arith.constant 16 : i32
          %mul3A_223 = arith.muli %scan3A_221, %mul3A_222 : i32
          %get3A_224 = arith.index_cast %mul3A_223 : i32 to index
          %get3A_225 = tpu.vector_load %arg8[%get3A_224] {strides = array<i32>} : memref<4000xi32, #tpu.memory_space<vmem>>, vector<16xi32>,
          %mul3A_226 = arith.constant 16 : i32
          %mul3A_227 = arith.muli %scan3A_221, %mul3A_226 : i32
          %get3A_228 = arith.index_cast %mul3A_227 : i32 to index
          %get3A_229 = tpu.vector_load %arg9[%get3A_228] {strides = array<i32>} : memref<4000xf32, #tpu.memory_space<vmem>>, vector<16xf32>,
          tpu.vector_store_idx %arg11[%get3A_225], %get3A_229 {add = true} : memref<100000xf32, #tpu.memory_space<vmem>>[vector<16xi32>], vector<16xf32>,
          %add3A_230 = arith.constant 50000 : i32
          %add3A_231 = vector.broadcast %add3A_230 : i32 to vector<16xi32>
          %add3A_232 = arith.addi %get3A_225, %add3A_231 : vector<16xi32>
          %mul3A_233 = arith.constant 16 : i32
          %mul3A_234 = arith.muli %scan3A_221, %mul3A_233 : i32
          %get3A_235 = arith.index_cast %mul3A_234 : i32 to index
          %get3A_236 = tpu.vector_load %arg10[%get3A_235] {strides = array<i32>} : memref<4000xf32, #tpu.memory_space<vmem>>, vector<16xf32>,
          tpu.vector_store_idx %arg11[%add3A_232], %get3A_236 {add = true} : memref<100000xf32, #tpu.memory_space<vmem>>[vector<16xi32>], vector<16xf32>,
        }
        %scan3A_135 = arith.constant 248 : i32
        %scan3A_136 = arith.addi %scan3A_131, %scan3A_135 : i32
        %mul3A_137 = arith.constant 16 : i32
        %mul3A_138 = arith.muli %scan3A_136, %mul3A_137 : i32
        %get3A_139 = arith.index_cast %mul3A_138 : i32 to index
        %get3A_140 = tpu.vector_load %arg8[%get3A_139] {strides = array<i32>} : memref<4000xi32, #tpu.memory_space<vmem>>, vector<16xi32>,
        %mul3A_141 = arith.constant 16 : i32
        %mul3A_142 = arith.muli %scan3A_136, %mul3A_141 : i32
        %get3A_143 = arith.index_cast %mul3A_142 : i32 to index
        %get3A_144 = tpu.vector_load %arg9[%get3A_143] {strides = array<i32>} : memref<4000xf32, #tpu.memory_space<vmem>>, vector<16xf32>,
        tpu.vector_store_idx %arg11[%get3A_140], %get3A_144 {add = true} : memref<100000xf32, #tpu.memory_space<vmem>>[vector<16xi32>], vector<16xf32>,
        %add3A_145 = arith.constant 50000 : i32
        %add3A_146 = vector.broadcast %add3A_145 : i32 to vector<16xi32>
        %add3A_147 = arith.addi %get3A_140, %add3A_146 : vector<16xi32>
        %mul3A_148 = arith.constant 16 : i32
        %mul3A_149 = arith.muli %scan3A_136, %mul3A_148 : i32
        %get3A_150 = arith.index_cast %mul3A_149 : i32 to index
        %get3A_151 = tpu.vector_load %arg10[%get3A_150] {strides = array<i32>} : memref<4000xf32, #tpu.memory_space<vmem>>, vector<16xf32>,
        tpu.vector_store_idx %arg11[%add3A_147], %get3A_151 {add = true} : memref<100000xf32, #tpu.memory_space<vmem>>[vector<16xi32>], vector<16xf32>,
        %scan3A_152 = arith.constant 249 : i32
        %scan3A_153 = arith.addi %scan3A_131, %scan3A_152 : i32
        %mul3A_154 = arith.constant 16 : i32
        %mul3A_155 = arith.muli %scan3A_153, %mul3A_154 : i32
        %get3A_156 = arith.index_cast %mul3A_155 : i32 to index
        %get3A_157 = tpu.vector_load %arg8[%get3A_156] {strides = array<i32>} : memref<4000xi32, #tpu.memory_space<vmem>>, vector<16xi32>,
        %mul3A_158 = arith.constant 16 : i32
        %mul3A_159 = arith.muli %scan3A_153, %mul3A_158 : i32
        %get3A_160 = arith.index_cast %mul3A_159 : i32 to index
        %get3A_161 = tpu.vector_load %arg9[%get3A_160] {strides = array<i32>} : memref<4000xf32, #tpu.memory_space<vmem>>, vector<16xf32>,
        tpu.vector_store_idx %arg11[%get3A_157], %get3A_161 {add = true} : memref<100000xf32, #tpu.memory_space<vmem>>[vector<16xi32>], vector<16xf32>,
        %add3A_162 = arith.constant 50000 : i32
        %add3A_163 = vector.broadcast %add3A_162 : i32 to vector<16xi32>
        %add3A_164 = arith.addi %get3A_157, %add3A_163 : vector<16xi32>
        %mul3A_165 = arith.constant 16 : i32
        %mul3A_166 = arith.muli %scan3A_153, %mul3A_165 : i32
        %get3A_167 = arith.index_cast %mul3A_166 : i32 to index
        %get3A_168 = tpu.vector_load %arg10[%get3A_167] {strides = array<i32>} : memref<4000xf32, #tpu.memory_space<vmem>>, vector<16xf32>,
        tpu.vector_store_idx %arg11[%add3A_164], %get3A_168 {add = true} : memref<100000xf32, #tpu.memory_space<vmem>>[vector<16xi32>], vector<16xf32>,
        %scan3A_169 = arith.constant 250 : i32
      }
      %scan3A_33 = arith.constant 100 : i32
      "tpu.region"() ({
        %run_scoped3A = tpu.sem_alloc : memref<!tpu.dma_semaphore, #tpu.memory_space<semaphore_mem>>
        %dma_start3A_36 = arith.constant 0 : i32
        %dma_start3A_37 = tpu.memref_slice %arg11[%dma_start3A_36] : memref<100000xf32, #tpu.memory_space<vmem>> -> memref<50000xf32, #tpu.memory_space<vmem>>
        %dma_start3A_38 = arith.constant 0 : i32
        %dma_start3A_39 = tpu.memref_slice %arg4[%mul3A_4, %dma_start3A_38] : memref<36x50000xf32, #tpu.memory_space<hbm>> -> memref<1x50000xf32, #tpu.memory_space<hbm>>
        %dma_start3A_40 = tpu.memref_squeeze %dma_start3A_39 : memref<1x50000xf32, #tpu.memory_space<hbm>> -> memref<50000xf32, #tpu.memory_space<hbm>>
        %dma_start3A_41 = arith.constant 0 : i32
        %dma_start3A_42 = tpu.memref_slice %arg4[%mul3A_4, %dma_start3A_41] : memref<36x50000xf32, #tpu.memory_space<hbm>> -> memref<1x50000xf32, #tpu.memory_space<hbm>>
        %dma_start3A_43 = tpu.memref_squeeze %dma_start3A_42 : memref<1x50000xf32, #tpu.memory_space<hbm>> -> memref<50000xf32, #tpu.memory_space<hbm>>
        %dma_start3A_44 = arith.constant 0 : i32
        %dma_start3A_45 = tpu.memref_slice %arg11[%dma_start3A_44] : memref<100000xf32, #tpu.memory_space<vmem>> -> memref<50000xf32, #tpu.memory_space<vmem>>
        tpu.enqueue_dma source(%dma_start3A_45 : memref<50000xf32, #tpu.memory_space<vmem>>) target(%dma_start3A_43 : memref<50000xf32, #tpu.memory_space<hbm>>) target_semaphore(%run_scoped3A : memref<!tpu.dma_semaphore, #tpu.memory_space<semaphore_mem>>)
        %dma_wait3A = arith.constant 0 : i32
        %dma_wait3A_46 = tpu.memref_slice %arg11[%dma_wait3A] : memref<100000xf32, #tpu.memory_space<vmem>> -> memref<50000xf32, #tpu.memory_space<vmem>>
        %dma_wait3A_47 = arith.constant 0 : i32
        %dma_wait3A_48 = tpu.memref_slice %arg4[%mul3A_4, %dma_wait3A_47] : memref<36x50000xf32, #tpu.memory_space<hbm>> -> memref<1x50000xf32, #tpu.memory_space<hbm>>
        %dma_wait3A_49 = tpu.memref_squeeze %dma_wait3A_48 : memref<1x50000xf32, #tpu.memory_space<hbm>> -> memref<50000xf32, #tpu.memory_space<hbm>>
        %dma_wait3A_50 = arith.constant 0 : i32
        %dma_wait3A_51 = tpu.memref_slice %arg4[%mul3A_4, %dma_wait3A_50] : memref<36x50000xf32, #tpu.memory_space<hbm>> -> memref<1x50000xf32, #tpu.memory_space<hbm>>
        %dma_wait3A_52 = tpu.memref_squeeze %dma_wait3A_51 : memref<1x50000xf32, #tpu.memory_space<hbm>> -> memref<50000xf32, #tpu.memory_space<hbm>>
        %dma_wait3A_53 = arith.constant 0 : i32
        %dma_wait3A_54 = tpu.memref_slice %arg11[%dma_wait3A_53] : memref<100000xf32, #tpu.memory_space<vmem>> -> memref<50000xf32, #tpu.memory_space<vmem>>
        tpu.wait_dma2 semaphore(%run_scoped3A : memref<!tpu.dma_semaphore, #tpu.memory_space<semaphore_mem>>) src(%dma_wait3A_54 : memref<50000xf32, #tpu.memory_space<vmem>>) dst(%dma_wait3A_52 : memref<50000xf32, #tpu.memory_space<hbm>>)
        tpu.yield
      }) : () -> ()
      %add3A_34 = arith.constant 1 : i32
      %add3A_35 = arith.addi %mul3A_4, %add3A_34 : i32
      "tpu.region"() ({
        %run_scoped3A = tpu.sem_alloc : memref<!tpu.dma_semaphore, #tpu.memory_space<semaphore_mem>>
        %dma_start3A_36 = arith.constant 50000 : i32
        %dma_start3A_37 = tpu.memref_slice %arg11[%dma_start3A_36] : memref<100000xf32, #tpu.memory_space<vmem>> -> memref<50000xf32, #tpu.memory_space<vmem>>
        %dma_start3A_38 = arith.constant 0 : i32
        %dma_start3A_39 = tpu.memref_slice %arg4[%add3A_35, %dma_start3A_38] : memref<36x50000xf32, #tpu.memory_space<hbm>> -> memref<1x50000xf32, #tpu.memory_space<hbm>>
        %dma_start3A_40 = tpu.memref_squeeze %dma_start3A_39 : memref<1x50000xf32, #tpu.memory_space<hbm>> -> memref<50000xf32, #tpu.memory_space<hbm>>
        %dma_start3A_41 = arith.constant 0 : i32
        %dma_start3A_42 = tpu.memref_slice %arg4[%add3A_35, %dma_start3A_41] : memref<36x50000xf32, #tpu.memory_space<hbm>> -> memref<1x50000xf32, #tpu.memory_space<hbm>>
        %dma_start3A_43 = tpu.memref_squeeze %dma_start3A_42 : memref<1x50000xf32, #tpu.memory_space<hbm>> -> memref<50000xf32, #tpu.memory_space<hbm>>
        %dma_start3A_44 = arith.constant 50000 : i32
        %dma_start3A_45 = tpu.memref_slice %arg11[%dma_start3A_44] : memref<100000xf32, #tpu.memory_space<vmem>> -> memref<50000xf32, #tpu.memory_space<vmem>>
        tpu.enqueue_dma source(%dma_start3A_45 : memref<50000xf32, #tpu.memory_space<vmem>>) target(%dma_start3A_43 : memref<50000xf32, #tpu.memory_space<hbm>>) target_semaphore(%run_scoped3A : memref<!tpu.dma_semaphore, #tpu.memory_space<semaphore_mem>>)
        %dma_wait3A = arith.constant 50000 : i32
        %dma_wait3A_46 = tpu.memref_slice %arg11[%dma_wait3A] : memref<100000xf32, #tpu.memory_space<vmem>> -> memref<50000xf32, #tpu.memory_space<vmem>>
        %dma_wait3A_47 = arith.constant 0 : i32
        %dma_wait3A_48 = tpu.memref_slice %arg4[%add3A_35, %dma_wait3A_47] : memref<36x50000xf32, #tpu.memory_space<hbm>> -> memref<1x50000xf32, #tpu.memory_space<hbm>>
        %dma_wait3A_49 = tpu.memref_squeeze %dma_wait3A_48 : memref<1x50000xf32, #tpu.memory_space<hbm>> -> memref<50000xf32, #tpu.memory_space<hbm>>
        %dma_wait3A_50 = arith.constant 0 : i32
        %dma_wait3A_51 = tpu.memref_slice %arg4[%add3A_35, %dma_wait3A_50] : memref<36x50000xf32, #tpu.memory_space<hbm>> -> memref<1x50000xf32, #tpu.memory_space<hbm>>
        %dma_wait3A_52 = tpu.memref_squeeze %dma_wait3A_51 : memref<1x50000xf32, #tpu.memory_space<hbm>> -> memref<50000xf32, #tpu.memory_space<hbm>>
        %dma_wait3A_53 = arith.constant 50000 : i32
        %dma_wait3A_54 = tpu.memref_slice %arg11[%dma_wait3A_53] : memref<100000xf32, #tpu.memory_space<vmem>> -> memref<50000xf32, #tpu.memory_space<vmem>>
        tpu.wait_dma2 semaphore(%run_scoped3A : memref<!tpu.dma_semaphore, #tpu.memory_space<semaphore_mem>>) src(%dma_wait3A_54 : memref<50000xf32, #tpu.memory_space<vmem>>) dst(%dma_wait3A_52 : memref<50000xf32, #tpu.memory_space<hbm>>)
        tpu.yield
      }) : () -> ()
    } else {
    }
    return
  }
}

module attributes {stable_mosaic.version = 14 : i64} {
  func.func @_prep1_body(%arg0: i32, %arg1: memref<2048x32xf32, #tpu.memory_space<vmem>>, %arg2: memref<2048x16xf32, #tpu.memory_space<vmem>>, %arg3: memref<32x32xf32, #tpu.memory_space<vmem>>, %arg4: memref<32x32xf32, #tpu.memory_space<vmem>>, %arg5: memref<32x32xf32, #tpu.memory_space<vmem>>, %arg6: memref<2048x80xf32, #tpu.memory_space<vmem>>, %arg7: memref<2048x48xf32, #tpu.memory_space<vmem>>) attributes {dimension_semantics = [#tpu.dimension_semantics<arbitrary>], iteration_bounds = array<i64: 25>, scalar_prefetch = 0 : i64, scratch_operands = 0 : i64, tpu.core_type = #tpu.core_type<tc>, window_params = [{transform_indices = @transform_0, window_bounds = array<i64: 2048, 32>}, {transform_indices = @transform_1, window_bounds = array<i64: 2048, 16>}, {pipeline_mode = #tpu.pipeline_mode<synchronous>, transform_indices = @transform_2, window_bounds = array<i64: 32, 32>}, {pipeline_mode = #tpu.pipeline_mode<synchronous>, transform_indices = @transform_3, window_bounds = array<i64: 32, 32>}, {pipeline_mode = #tpu.pipeline_mode<synchronous>, transform_indices = @transform_4, window_bounds = array<i64: 32, 32>}, {transform_indices = @transform_5, window_bounds = array<i64: 2048, 80>}, {transform_indices = @transform_6, window_bounds = array<i64: 2048, 48>}]} {
    %get3A = arith.constant 0 : index
    %get3A_0 = arith.constant 0 : index
    %get3A_1 = vector.load %arg1[%get3A, %get3A_0] : memref<2048x32xf32, #tpu.memory_space<vmem>>, vector<2048x32xf32>
    %get3A_2 = arith.constant 0 : index
    %get3A_3 = arith.constant 0 : index
    %get3A_4 = vector.load %arg2[%get3A_2, %get3A_3] : memref<2048x16xf32, #tpu.memory_space<vmem>>, vector<2048x16xf32>
    %get3A_5 = arith.constant 0 : index
    %get3A_6 = arith.constant 0 : index
    %get3A_7 = vector.load %arg3[%get3A_5, %get3A_6] : memref<32x32xf32, #tpu.memory_space<vmem>>, vector<32x32xf32>
    %dot_general3A = arith.constant dense<0.000000e+00> : vector<2048x32xf32>
    %dot_general3A_8 = tpu.matmul %get3A_1, %get3A_7, %dot_general3A {dimension_numbers = #tpu.dot_dimension_numbers<[1], [0], [0], [1], [0, 0, 1, 1], [], []>, transpose_lhs_hint = false} : vector<2048x32xf32>, vector<32x32xf32>, vector<2048x32xf32> -> vector<2048x32xf32>
    %get3A_9 = arith.constant 0 : index
    %get3A_10 = arith.constant 0 : index
    %get3A_11 = vector.load %arg4[%get3A_9, %get3A_10] : memref<32x32xf32, #tpu.memory_space<vmem>>, vector<32x32xf32>
    %dot_general3A_12 = arith.constant dense<0.000000e+00> : vector<2048x32xf32>
    %dot_general3A_13 = tpu.matmul %get3A_1, %get3A_11, %dot_general3A_12 {dimension_numbers = #tpu.dot_dimension_numbers<[1], [0], [0], [1], [0, 0, 1, 1], [], []>, transpose_lhs_hint = false} : vector<2048x32xf32>, vector<32x32xf32>, vector<2048x32xf32> -> vector<2048x32xf32>
    %get3A_14 = arith.constant 0 : index
    %get3A_15 = arith.constant 0 : index
    %get3A_16 = vector.load %arg5[%get3A_14, %get3A_15] : memref<32x32xf32, #tpu.memory_space<vmem>>, vector<32x32xf32>
    %dot_general3A_17 = arith.constant dense<0.000000e+00> : vector<2048x32xf32>
    %dot_general3A_18 = tpu.matmul %get3A_1, %get3A_16, %dot_general3A_17 {dimension_numbers = #tpu.dot_dimension_numbers<[1], [0], [0], [1], [0, 0, 1, 1], [], []>, transpose_lhs_hint = false} : vector<2048x32xf32>, vector<32x32xf32>, vector<2048x32xf32> -> vector<2048x32xf32>
    %concatenate3A = tpu.concatenate %dot_general3A_13, %dot_general3A_18, %get3A_4 in 1 : vector<2048x32xf32>, vector<2048x32xf32>, vector<2048x16xf32> -> vector<2048x80xf32>
    %swap3A = arith.constant 0 : index
    %swap3A_19 = arith.constant 0 : index
    %swap3A_20 = vector.load %arg6[%swap3A, %swap3A_19] : memref<2048x80xf32, #tpu.memory_space<vmem>>, vector<2048x80xf32>
    tpu.vector_store %arg6[%swap3A, %swap3A_19], %concatenate3A {strides = array<i32>} : memref<2048x80xf32, #tpu.memory_space<vmem>>, vector<2048x80xf32>,
    %concatenate3A_21 = tpu.concatenate %dot_general3A_8, %get3A_4 in 1 : vector<2048x32xf32>, vector<2048x16xf32> -> vector<2048x48xf32>
    %swap3A_22 = arith.constant 0 : index
    %swap3A_23 = arith.constant 0 : index
    %swap3A_24 = vector.load %arg7[%swap3A_22, %swap3A_23] : memref<2048x48xf32, #tpu.memory_space<vmem>>, vector<2048x48xf32>
    tpu.vector_store %arg7[%swap3A_22, %swap3A_23], %concatenate3A_21 {strides = array<i32>} : memref<2048x48xf32, #tpu.memory_space<vmem>>, vector<2048x48xf32>,
    return
  }
  func.func @transform_0(%arg0: i32) -> (i32, i32) {
    %c0_i32 = arith.constant 0 : i32
    %c0_i32_0 = arith.constant 0 : i32
    return %arg0, %c0_i32 : i32, i32
  }
  func.func @transform_1(%arg0: i32) -> (i32, i32) {
    %c0_i32 = arith.constant 0 : i32
    %c0_i32_0 = arith.constant 0 : i32
    return %arg0, %c0_i32 : i32, i32
  }
  func.func @transform_2(%arg0: i32) -> (i32, i32) {
    %c0_i32 = arith.constant 0 : i32
    %c0_i32_0 = arith.constant 0 : i32
    %c0_i32_1 = arith.constant 0 : i32
    return %c0_i32, %c0_i32_0 : i32, i32
  }
  func.func @transform_3(%arg0: i32) -> (i32, i32) {
    %c0_i32 = arith.constant 0 : i32
    %c0_i32_0 = arith.constant 0 : i32
    %c0_i32_1 = arith.constant 0 : i32
    return %c0_i32, %c0_i32_0 : i32, i32
  }
  func.func @transform_4(%arg0: i32) -> (i32, i32) {
    %c0_i32 = arith.constant 0 : i32
    %c0_i32_0 = arith.constant 0 : i32
    %c0_i32_1 = arith.constant 0 : i32
    return %c0_i32, %c0_i32_0 : i32, i32
  }
  func.func @transform_5(%arg0: i32) -> (i32, i32) {
    %c0_i32 = arith.constant 0 : i32
    %c0_i32_0 = arith.constant 0 : i32
    return %arg0, %c0_i32 : i32, i32
  }
  func.func @transform_6(%arg0: i32) -> (i32, i32) {
    %c0_i32 = arith.constant 0 : i32
    %c0_i32_0 = arith.constant 0 : i32
    return %arg0, %c0_i32 : i32, i32
  }
}

module attributes {stable_mosaic.version = 14 : i64} {
  func.func @_edge1_body(%arg0: i32, %arg1: memref<4096x80xf32, #tpu.memory_space<vmem>>, %arg2: memref<4096x48xf32, #tpu.memory_space<vmem>>, %arg3: memref<4096x32xf32, #tpu.memory_space<vmem>>, %arg4: memref<48x32xf32, #tpu.memory_space<vmem>>, %arg5: memref<48x32xf32, #tpu.memory_space<vmem>>, %arg6: memref<32x32xf32, #tpu.memory_space<vmem>>, %arg7: memref<32x4xf32, #tpu.memory_space<vmem>>, %arg8: memref<36x4096xf32, #tpu.memory_space<vmem>>, %arg9: memref<4096x16xf32, #tpu.memory_space<vmem>>) attributes {dimension_semantics = [#tpu.dimension_semantics<arbitrary>], iteration_bounds = array<i64: 196>, scalar_prefetch = 0 : i64, scratch_operands = 0 : i64, tpu.core_type = #tpu.core_type<tc>, window_params = [{transform_indices = @transform_0, window_bounds = array<i64: 4096, 80>}, {transform_indices = @transform_1, window_bounds = array<i64: 4096, 48>}, {transform_indices = @transform_2, window_bounds = array<i64: 4096, 32>}, {pipeline_mode = #tpu.pipeline_mode<synchronous>, transform_indices = @transform_3, window_bounds = array<i64: 48, 32>}, {pipeline_mode = #tpu.pipeline_mode<synchronous>, transform_indices = @transform_4, window_bounds = array<i64: 48, 32>}, {pipeline_mode = #tpu.pipeline_mode<synchronous>, transform_indices = @transform_5, window_bounds = array<i64: 32, 32>}, {pipeline_mode = #tpu.pipeline_mode<synchronous>, transform_indices = @transform_6, window_bounds = array<i64: 32, 4>}, {transform_indices = @transform_7, window_bounds = array<i64: 36, 4096>}, {transform_indices = @transform_8, window_bounds = array<i64: 4096, 16>}]} {
    %get3A = arith.constant 0 : index
    %get3A_0 = arith.constant 0 : index
    %get3A_1 = vector.load %arg1[%get3A, %get3A_0] : memref<4096x80xf32, #tpu.memory_space<vmem>>, vector<4096x80xf32>
    %get3A_2 = arith.constant 0 : index
    %get3A_3 = arith.constant 0 : index
    %get3A_4 = vector.load %arg2[%get3A_2, %get3A_3] : memref<4096x48xf32, #tpu.memory_space<vmem>>, vector<4096x48xf32>
    %slice3A = vector.extract_strided_slice %get3A_4 {offsets = [0, 32], sizes = [4096, 16], strides = [1, 1]} : vector<4096x48xf32> to vector<4096x16xf32>
    %slice3A_5 = vector.extract_strided_slice %get3A_1 {offsets = [0, 64], sizes = [4096, 16], strides = [1, 1]} : vector<4096x80xf32> to vector<4096x16xf32>
    %sub3A = arith.subf %slice3A, %slice3A_5 : vector<4096x16xf32>
    %mul3A = arith.mulf %sub3A, %sub3A : vector<4096x16xf32>
    %reduce_sum3A = arith.constant dense<0.000000e+00> : vector<4096xf32>
    %reduce_sum3A_6 = vector.multi_reduction <add>, %mul3A, %reduce_sum3A [1] : vector<4096x16xf32> to vector<4096xf32>
    %broadcast_in_dim3A = vector.shape_cast %reduce_sum3A_6 : vector<4096xf32> to vector<4096x1xf32>
    %add3A = arith.constant 9.99999993E-9 : f32
    %add3A_7 = vector.broadcast %add3A : f32 to vector<4096x1xf32>
    %add3A_8 = arith.addf %broadcast_in_dim3A, %add3A_7 : vector<4096x1xf32>
    %sqrt3A = math.sqrt %add3A_8 : vector<4096x1xf32>
    %iota3A = tpu.iota {dimensions = array<i32: 1>} : vector<1x16xi32>
    %convert_element_type3A = arith.sitofp %iota3A : vector<1x16xi32> to vector<1x16xf32>
    %mul3A_9 = arith.constant 0.266666681 : f32
    %mul3A_10 = vector.broadcast %mul3A_9 : f32 to vector<1x16xf32>
    %mul3A_11 = arith.mulf %convert_element_type3A, %mul3A_10 : vector<1x16xf32>
    %sub3A_12 = vector.broadcast %sqrt3A : vector<4096x1xf32> to vector<4096x16xf32>
    %sub3A_13 = vector.broadcast %mul3A_11 : vector<1x16xf32> to vector<4096x16xf32>
    %sub3A_14 = arith.subf %sub3A_12, %sub3A_13 : vector<4096x16xf32>
    %integer_pow3A = arith.mulf %sub3A_14, %sub3A_14 : vector<4096x16xf32>
    %neg3A = arith.constant 0.000000e+00 : f32
    %neg3A_15 = vector.broadcast %neg3A : f32 to vector<4096x16xf32>
    %neg3A_16 = arith.subf %neg3A_15, %integer_pow3A : vector<4096x16xf32>
    %mul3A_17 = arith.constant 2.000000e+00 : f32
    %mul3A_18 = vector.broadcast %mul3A_17 : f32 to vector<4096x16xf32>
    %mul3A_19 = arith.mulf %neg3A_16, %mul3A_18 : vector<4096x16xf32>
    %exp3A = math.exp %mul3A_19 : vector<4096x16xf32>
    %get3A_20 = arith.constant 0 : index
    %get3A_21 = arith.constant 0 : index
    %get3A_22 = vector.load %arg3[%get3A_20, %get3A_21] : memref<4096x32xf32, #tpu.memory_space<vmem>>, vector<4096x32xf32>
    %concatenate3A = tpu.concatenate %get3A_22, %exp3A in 1 : vector<4096x32xf32>, vector<4096x16xf32> -> vector<4096x48xf32>
    %slice3A_23 = vector.extract_strided_slice %get3A_1 {offsets = [0, 0], sizes = [4096, 32], strides = [1, 1]} : vector<4096x80xf32> to vector<4096x32xf32>
    %get3A_24 = arith.constant 0 : index
    %get3A_25 = arith.constant 0 : index
    %get3A_26 = vector.load %arg4[%get3A_24, %get3A_25] : memref<48x32xf32, #tpu.memory_space<vmem>>, vector<48x32xf32>
    %dot_general3A = arith.constant dense<0.000000e+00> : vector<4096x32xf32>
    %dot_general3A_27 = tpu.matmul %concatenate3A, %get3A_26, %dot_general3A {dimension_numbers = #tpu.dot_dimension_numbers<[1], [0], [0], [1], [0, 0, 1, 1], [], []>, transpose_lhs_hint = false} : vector<4096x48xf32>, vector<48x32xf32>, vector<4096x32xf32> -> vector<4096x32xf32>
    %add3A_28 = arith.addf %slice3A_23, %dot_general3A_27 : vector<4096x32xf32>
    %slice3A_29 = vector.extract_strided_slice %get3A_1 {offsets = [0, 32], sizes = [4096, 32], strides = [1, 1]} : vector<4096x80xf32> to vector<4096x32xf32>
    %get3A_30 = arith.constant 0 : index
    %get3A_31 = arith.constant 0 : index
    %get3A_32 = vector.load %arg5[%get3A_30, %get3A_31] : memref<48x32xf32, #tpu.memory_space<vmem>>, vector<48x32xf32>
    %dot_general3A_33 = arith.constant dense<0.000000e+00> : vector<4096x32xf32>
    %dot_general3A_34 = tpu.matmul %concatenate3A, %get3A_32, %dot_general3A_33 {dimension_numbers = #tpu.dot_dimension_numbers<[1], [0], [0], [1], [0, 0, 1, 1], [], []>, transpose_lhs_hint = false} : vector<4096x48xf32>, vector<48x32xf32>, vector<4096x32xf32> -> vector<4096x32xf32>
    %add3A_35 = arith.addf %slice3A_29, %dot_general3A_34 : vector<4096x32xf32>
    %slice3A_36 = vector.extract_strided_slice %get3A_4 {offsets = [0, 0], sizes = [4096, 32], strides = [1, 1]} : vector<4096x48xf32> to vector<4096x32xf32>
    %mul3A_37 = arith.mulf %slice3A_36, %add3A_28 : vector<4096x32xf32>
    %get3A_38 = arith.constant 0 : index
    %get3A_39 = arith.constant 0 : index
    %get3A_40 = vector.load %arg6[%get3A_38, %get3A_39] : memref<32x32xf32, #tpu.memory_space<vmem>>, vector<32x32xf32>
    %dot_general3A_41 = arith.constant dense<0.000000e+00> : vector<4096x32xf32>
    %dot_general3A_42 = tpu.matmul %mul3A_37, %get3A_40, %dot_general3A_41 {dimension_numbers = #tpu.dot_dimension_numbers<[1], [0], [0], [1], [0, 0, 1, 1], [], []>, transpose_lhs_hint = false} : vector<4096x32xf32>, vector<32x32xf32>, vector<4096x32xf32> -> vector<4096x32xf32>
    %mul3A_43 = arith.constant 0.353553385 : f32
    %mul3A_44 = vector.broadcast %mul3A_43 : f32 to vector<4096x32xf32>
    %mul3A_45 = arith.mulf %dot_general3A_42, %mul3A_44 : vector<4096x32xf32>
    %get3A_46 = arith.constant 0 : index
    %get3A_47 = arith.constant 0 : index
    %get3A_48 = vector.load %arg7[%get3A_46, %get3A_47] : memref<32x4xf32, #tpu.memory_space<vmem>>, vector<32x4xf32>
    %dot_general3A_49 = arith.constant dense<0.000000e+00> : vector<4096x4xf32>
    %dot_general3A_50 = tpu.matmul %mul3A_37, %get3A_48, %dot_general3A_49 {dimension_numbers = #tpu.dot_dimension_numbers<[1], [0], [0], [1], [0, 0, 1, 1], [], []>, transpose_lhs_hint = false} : vector<4096x32xf32>, vector<32x4xf32>, vector<4096x4xf32> -> vector<4096x4xf32>
    %mul3A_51 = arith.constant 0.353553385 : f32
    %mul3A_52 = vector.broadcast %mul3A_51 : f32 to vector<4096x4xf32>
    %mul3A_53 = arith.mulf %dot_general3A_50, %mul3A_52 : vector<4096x4xf32>
    %exp3A_54 = math.exp %mul3A_45 : vector<4096x32xf32>
    %exp3A_55 = math.exp %mul3A_53 : vector<4096x4xf32>
    %mul3A_56 = arith.mulf %exp3A_54, %add3A_35 : vector<4096x32xf32>
    %concatenate3A_57 = tpu.concatenate %mul3A_56, %exp3A_55 in 1 : vector<4096x32xf32>, vector<4096x4xf32> -> vector<4096x36xf32>
    %transpose3A = tpu.transpose %concatenate3A_57, [1, 0] : vector<4096x36xf32> -> vector<36x4096xf32>
    %swap3A = arith.constant 0 : index
    %swap3A_58 = arith.constant 0 : index
    %swap3A_59 = vector.load %arg8[%swap3A, %swap3A_58] : memref<36x4096xf32, #tpu.memory_space<vmem>>, vector<36x4096xf32>
    tpu.vector_store %arg8[%swap3A, %swap3A_58], %transpose3A {strides = array<i32>} : memref<36x4096xf32, #tpu.memory_space<vmem>>, vector<36x4096xf32>,
    %swap3A_60 = arith.constant 0 : index
    %swap3A_61 = arith.constant 0 : index
    %swap3A_62 = vector.load %arg9[%swap3A_60, %swap3A_61] : memref<4096x16xf32, #tpu.memory_space<vmem>>, vector<4096x16xf32>
    tpu.vector_store %arg9[%swap3A_60, %swap3A_61], %exp3A {strides = array<i32>} : memref<4096x16xf32, #tpu.memory_space<vmem>>, vector<4096x16xf32>,
    return
  }
  func.func @transform_0(%arg0: i32) -> (i32, i32) {
    %c0_i32 = arith.constant 0 : i32
    %c0_i32_0 = arith.constant 0 : i32
    return %arg0, %c0_i32 : i32, i32
  }
  func.func @transform_1(%arg0: i32) -> (i32, i32) {
    %c0_i32 = arith.constant 0 : i32
    %c0_i32_0 = arith.constant 0 : i32
    return %arg0, %c0_i32 : i32, i32
  }
  func.func @transform_2(%arg0: i32) -> (i32, i32) {
    %c0_i32 = arith.constant 0 : i32
    %c0_i32_0 = arith.constant 0 : i32
    return %arg0, %c0_i32 : i32, i32
  }
  func.func @transform_3(%arg0: i32) -> (i32, i32) {
    %c0_i32 = arith.constant 0 : i32
    %c0_i32_0 = arith.constant 0 : i32
    %c0_i32_1 = arith.constant 0 : i32
    return %c0_i32, %c0_i32_0 : i32, i32
  }
  func.func @transform_4(%arg0: i32) -> (i32, i32) {
    %c0_i32 = arith.constant 0 : i32
    %c0_i32_0 = arith.constant 0 : i32
    %c0_i32_1 = arith.constant 0 : i32
    return %c0_i32, %c0_i32_0 : i32, i32
  }
  func.func @transform_5(%arg0: i32) -> (i32, i32) {
    %c0_i32 = arith.constant 0 : i32
    %c0_i32_0 = arith.constant 0 : i32
    %c0_i32_1 = arith.constant 0 : i32
    return %c0_i32, %c0_i32_0 : i32, i32
  }
  func.func @transform_6(%arg0: i32) -> (i32, i32) {
    %c0_i32 = arith.constant 0 : i32
    %c0_i32_0 = arith.constant 0 : i32
    %c0_i32_1 = arith.constant 0 : i32
    return %c0_i32, %c0_i32_0 : i32, i32
  }
  func.func @transform_7(%arg0: i32) -> (i32, i32) {
    %c0_i32 = arith.constant 0 : i32
    %c0_i32_0 = arith.constant 0 : i32
    return %c0_i32, %arg0 : i32, i32
  }
  func.func @transform_8(%arg0: i32) -> (i32, i32) {
    %c0_i32 = arith.constant 0 : i32
    %c0_i32_0 = arith.constant 0 : i32
    return %arg0, %c0_i32 : i32, i32
  }
}

module attributes {stable_mosaic.version = 14 : i64} {
  func.func @_upd1_body(%arg0: i32, %arg1: memref<36x2048xf32, #tpu.memory_space<vmem>>, %arg2: memref<2048x32xf32, #tpu.memory_space<vmem>>, %arg3: memref<4x32xf32, #tpu.memory_space<vmem>>, %arg4: memref<32x32xf32, #tpu.memory_space<vmem>>, %arg5: memref<32x32xf32, #tpu.memory_space<vmem>>, %arg6: memref<32x32xf32, #tpu.memory_space<vmem>>, %arg7: memref<32x32xf32, #tpu.memory_space<vmem>>, %arg8: memref<2048x32xf32, #tpu.memory_space<vmem>>, %arg9: memref<2048x64xf32, #tpu.memory_space<vmem>>, %arg10: memref<2048x32xf32, #tpu.memory_space<vmem>>) attributes {dimension_semantics = [#tpu.dimension_semantics<arbitrary>], iteration_bounds = array<i64: 25>, scalar_prefetch = 0 : i64, scratch_operands = 0 : i64, tpu.core_type = #tpu.core_type<tc>, window_params = [{transform_indices = @transform_0, window_bounds = array<i64: 36, 2048>}, {transform_indices = @transform_1, window_bounds = array<i64: 2048, 32>}, {pipeline_mode = #tpu.pipeline_mode<synchronous>, transform_indices = @transform_2, window_bounds = array<i64: 4, 32>}, {pipeline_mode = #tpu.pipeline_mode<synchronous>, transform_indices = @transform_3, window_bounds = array<i64: 32, 32>}, {pipeline_mode = #tpu.pipeline_mode<synchronous>, transform_indices = @transform_4, window_bounds = array<i64: 32, 32>}, {pipeline_mode = #tpu.pipeline_mode<synchronous>, transform_indices = @transform_5, window_bounds = array<i64: 32, 32>}, {pipeline_mode = #tpu.pipeline_mode<synchronous>, transform_indices = @transform_6, window_bounds = array<i64: 32, 32>}, {transform_indices = @transform_7, window_bounds = array<i64: 2048, 32>}, {transform_indices = @transform_8, window_bounds = array<i64: 2048, 64>}, {transform_indices = @transform_9, window_bounds = array<i64: 2048, 32>}]} {
    %get3A = arith.constant 0 : index
    %get3A_0 = arith.constant 0 : index
    %get3A_1 = vector.load %arg1[%get3A, %get3A_0] : memref<36x2048xf32, #tpu.memory_space<vmem>>, vector<36x2048xf32>
    %get3A_2 = arith.constant 0 : index
    %get3A_3 = arith.constant 0 : index
    %get3A_4 = vector.load %arg2[%get3A_2, %get3A_3] : memref<2048x32xf32, #tpu.memory_space<vmem>>, vector<2048x32xf32>
    %get3A_5 = arith.constant 0 : index
    %get3A_6 = arith.constant 0 : index
    %get3A_7 = vector.load %arg3[%get3A_5, %get3A_6] : memref<4x32xf32, #tpu.memory_space<vmem>>, vector<4x32xf32>
    %get3A_8 = arith.constant 0 : index
    %get3A_9 = arith.constant 0 : index
    %get3A_10 = vector.load %arg4[%get3A_8, %get3A_9] : memref<32x32xf32, #tpu.memory_space<vmem>>, vector<32x32xf32>
    %slice3A = vector.extract_strided_slice %get3A_1 {offsets = [0, 0], sizes = [32, 2048], strides = [1, 1]} : vector<36x2048xf32> to vector<32x2048xf32>
    %slice3A_11 = vector.extract_strided_slice %get3A_1 {offsets = [32, 0], sizes = [4, 2048], strides = [1, 1]} : vector<36x2048xf32> to vector<4x2048xf32>
    %dot_general3A = arith.constant dense<0.000000e+00> : vector<32x2048xf32>
    %dot_general3A_12 = tpu.matmul %get3A_7, %slice3A_11, %dot_general3A {dimension_numbers = #tpu.dot_dimension_numbers<[0], [0], [1], [1], [0, 1, 1, 1], [], []>, transpose_lhs_hint = false} : vector<4x32xf32>, vector<4x2048xf32>, vector<32x2048xf32> -> vector<32x2048xf32>
    %add3A = arith.constant 9.99999971E-10 : f32
    %add3A_13 = vector.broadcast %add3A : f32 to vector<32x2048xf32>
    %add3A_14 = arith.addf %dot_general3A_12, %add3A_13 : vector<32x2048xf32>
    %div3A = arith.divf %slice3A, %add3A_14 : vector<32x2048xf32>
    %dot_general3A_15 = arith.constant dense<0.000000e+00> : vector<2048x32xf32>
    %dot_general3A_16 = tpu.matmul %div3A, %get3A_10, %dot_general3A_15 {dimension_numbers = #tpu.dot_dimension_numbers<[0], [0], [1], [1], [0, 1, 1, 1], [], []>, transpose_lhs_hint = false} : vector<32x2048xf32>, vector<32x32xf32>, vector<2048x32xf32> -> vector<2048x32xf32>
    %max3A = arith.constant 0.000000e+00 : f32
    %max3A_17 = vector.broadcast %max3A : f32 to vector<2048x32xf32>
    %max3A_18 = arith.maximumf %dot_general3A_16, %max3A_17 : vector<2048x32xf32>
    %add3A_19 = arith.addf %get3A_4, %max3A_18 : vector<2048x32xf32>
    %swap3A = arith.constant 0 : index
    %swap3A_20 = arith.constant 0 : index
    %swap3A_21 = vector.load %arg8[%swap3A, %swap3A_20] : memref<2048x32xf32, #tpu.memory_space<vmem>>, vector<2048x32xf32>
    tpu.vector_store %arg8[%swap3A, %swap3A_20], %add3A_19 {strides = array<i32>} : memref<2048x32xf32, #tpu.memory_space<vmem>>, vector<2048x32xf32>,
    %get3A_22 = arith.constant 0 : index
    %get3A_23 = arith.constant 0 : index
    %get3A_24 = vector.load %arg6[%get3A_22, %get3A_23] : memref<32x32xf32, #tpu.memory_space<vmem>>, vector<32x32xf32>
    %dot_general3A_25 = arith.constant dense<0.000000e+00> : vector<2048x32xf32>
    %dot_general3A_26 = tpu.matmul %add3A_19, %get3A_24, %dot_general3A_25 {dimension_numbers = #tpu.dot_dimension_numbers<[1], [0], [0], [1], [0, 0, 1, 1], [], []>, transpose_lhs_hint = false} : vector<2048x32xf32>, vector<32x32xf32>, vector<2048x32xf32> -> vector<2048x32xf32>
    %get3A_27 = arith.constant 0 : index
    %get3A_28 = arith.constant 0 : index
    %get3A_29 = vector.load %arg7[%get3A_27, %get3A_28] : memref<32x32xf32, #tpu.memory_space<vmem>>, vector<32x32xf32>
    %dot_general3A_30 = arith.constant dense<0.000000e+00> : vector<2048x32xf32>
    %dot_general3A_31 = tpu.matmul %add3A_19, %get3A_29, %dot_general3A_30 {dimension_numbers = #tpu.dot_dimension_numbers<[1], [0], [0], [1], [0, 0, 1, 1], [], []>, transpose_lhs_hint = false} : vector<2048x32xf32>, vector<32x32xf32>, vector<2048x32xf32> -> vector<2048x32xf32>
    %concatenate3A = tpu.concatenate %dot_general3A_26, %dot_general3A_31 in 1 : vector<2048x32xf32>, vector<2048x32xf32> -> vector<2048x64xf32>
    %swap3A_32 = arith.constant 0 : index
    %swap3A_33 = arith.constant 0 : index
    %swap3A_34 = vector.load %arg9[%swap3A_32, %swap3A_33] : memref<2048x64xf32, #tpu.memory_space<vmem>>, vector<2048x64xf32>
    tpu.vector_store %arg9[%swap3A_32, %swap3A_33], %concatenate3A {strides = array<i32>} : memref<2048x64xf32, #tpu.memory_space<vmem>>, vector<2048x64xf32>,
    %get3A_35 = arith.constant 0 : index
    %get3A_36 = arith.constant 0 : index
    %get3A_37 = vector.load %arg5[%get3A_35, %get3A_36] : memref<32x32xf32, #tpu.memory_space<vmem>>, vector<32x32xf32>
    %dot_general3A_38 = arith.constant dense<0.000000e+00> : vector<2048x32xf32>
    %dot_general3A_39 = tpu.matmul %add3A_19, %get3A_37, %dot_general3A_38 {dimension_numbers = #tpu.dot_dimension_numbers<[1], [0], [0], [1], [0, 0, 1, 1], [], []>, transpose_lhs_hint = false} : vector<2048x32xf32>, vector<32x32xf32>, vector<2048x32xf32> -> vector<2048x32xf32>
    %swap3A_40 = arith.constant 0 : index
    %swap3A_41 = arith.constant 0 : index
    %swap3A_42 = vector.load %arg10[%swap3A_40, %swap3A_41] : memref<2048x32xf32, #tpu.memory_space<vmem>>, vector<2048x32xf32>
    tpu.vector_store %arg10[%swap3A_40, %swap3A_41], %dot_general3A_39 {strides = array<i32>} : memref<2048x32xf32, #tpu.memory_space<vmem>>, vector<2048x32xf32>,
    return
  }
  func.func @transform_0(%arg0: i32) -> (i32, i32) {
    %c0_i32 = arith.constant 0 : i32
    %c0_i32_0 = arith.constant 0 : i32
    return %c0_i32, %arg0 : i32, i32
  }
  func.func @transform_1(%arg0: i32) -> (i32, i32) {
    %c0_i32 = arith.constant 0 : i32
    %c0_i32_0 = arith.constant 0 : i32
    return %arg0, %c0_i32 : i32, i32
  }
  func.func @transform_2(%arg0: i32) -> (i32, i32) {
    %c0_i32 = arith.constant 0 : i32
    %c0_i32_0 = arith.constant 0 : i32
    %c0_i32_1 = arith.constant 0 : i32
    return %c0_i32, %c0_i32_0 : i32, i32
  }
  func.func @transform_3(%arg0: i32) -> (i32, i32) {
    %c0_i32 = arith.constant 0 : i32
    %c0_i32_0 = arith.constant 0 : i32
    %c0_i32_1 = arith.constant 0 : i32
    return %c0_i32, %c0_i32_0 : i32, i32
  }
  func.func @transform_4(%arg0: i32) -> (i32, i32) {
    %c0_i32 = arith.constant 0 : i32
    %c0_i32_0 = arith.constant 0 : i32
    %c0_i32_1 = arith.constant 0 : i32
    return %c0_i32, %c0_i32_0 : i32, i32
  }
  func.func @transform_5(%arg0: i32) -> (i32, i32) {
    %c0_i32 = arith.constant 0 : i32
    %c0_i32_0 = arith.constant 0 : i32
    %c0_i32_1 = arith.constant 0 : i32
    return %c0_i32, %c0_i32_0 : i32, i32
  }
  func.func @transform_6(%arg0: i32) -> (i32, i32) {
    %c0_i32 = arith.constant 0 : i32
    %c0_i32_0 = arith.constant 0 : i32
    %c0_i32_1 = arith.constant 0 : i32
    return %c0_i32, %c0_i32_0 : i32, i32
  }
  func.func @transform_7(%arg0: i32) -> (i32, i32) {
    %c0_i32 = arith.constant 0 : i32
    %c0_i32_0 = arith.constant 0 : i32
    return %arg0, %c0_i32 : i32, i32
  }
  func.func @transform_8(%arg0: i32) -> (i32, i32) {
    %c0_i32 = arith.constant 0 : i32
    %c0_i32_0 = arith.constant 0 : i32
    return %arg0, %c0_i32 : i32, i32
  }
  func.func @transform_9(%arg0: i32) -> (i32, i32) {
    %c0_i32 = arith.constant 0 : i32
    %c0_i32_0 = arith.constant 0 : i32
    return %arg0, %c0_i32 : i32, i32
  }
}

module attributes {stable_mosaic.version = 14 : i64} {
  func.func @_edge2_body(%arg0: i32, %arg1: memref<4096x64xf32, #tpu.memory_space<vmem>>, %arg2: memref<4096x32xf32, #tpu.memory_space<vmem>>, %arg3: memref<4096x32xf32, #tpu.memory_space<vmem>>, %arg4: memref<4096x16xf32, #tpu.memory_space<vmem>>, %arg5: memref<48x32xf32, #tpu.memory_space<vmem>>, %arg6: memref<48x32xf32, #tpu.memory_space<vmem>>, %arg7: memref<32x32xf32, #tpu.memory_space<vmem>>, %arg8: memref<32x4xf32, #tpu.memory_space<vmem>>, %arg9: memref<36x4096xf32, #tpu.memory_space<vmem>>) attributes {dimension_semantics = [#tpu.dimension_semantics<arbitrary>], iteration_bounds = array<i64: 196>, scalar_prefetch = 0 : i64, scratch_operands = 0 : i64, tpu.core_type = #tpu.core_type<tc>, window_params = [{transform_indices = @transform_0, window_bounds = array<i64: 4096, 64>}, {transform_indices = @transform_1, window_bounds = array<i64: 4096, 32>}, {transform_indices = @transform_2, window_bounds = array<i64: 4096, 32>}, {transform_indices = @transform_3, window_bounds = array<i64: 4096, 16>}, {pipeline_mode = #tpu.pipeline_mode<synchronous>, transform_indices = @transform_4, window_bounds = array<i64: 48, 32>}, {pipeline_mode = #tpu.pipeline_mode<synchronous>, transform_indices = @transform_5, window_bounds = array<i64: 48, 32>}, {pipeline_mode = #tpu.pipeline_mode<synchronous>, transform_indices = @transform_6, window_bounds = array<i64: 32, 32>}, {pipeline_mode = #tpu.pipeline_mode<synchronous>, transform_indices = @transform_7, window_bounds = array<i64: 32, 4>}, {transform_indices = @transform_8, window_bounds = array<i64: 36, 4096>}]} {
    %get3A = arith.constant 0 : index
    %get3A_0 = arith.constant 0 : index
    %get3A_1 = vector.load %arg1[%get3A, %get3A_0] : memref<4096x64xf32, #tpu.memory_space<vmem>>, vector<4096x64xf32>
    %get3A_2 = arith.constant 0 : index
    %get3A_3 = arith.constant 0 : index
    %get3A_4 = vector.load %arg2[%get3A_2, %get3A_3] : memref<4096x32xf32, #tpu.memory_space<vmem>>, vector<4096x32xf32>
    %get3A_5 = arith.constant 0 : index
    %get3A_6 = arith.constant 0 : index
    %get3A_7 = vector.load %arg3[%get3A_5, %get3A_6] : memref<4096x32xf32, #tpu.memory_space<vmem>>, vector<4096x32xf32>
    %get3A_8 = arith.constant 0 : index
    %get3A_9 = arith.constant 0 : index
    %get3A_10 = vector.load %arg4[%get3A_8, %get3A_9] : memref<4096x16xf32, #tpu.memory_space<vmem>>, vector<4096x16xf32>
    %concatenate3A = tpu.concatenate %get3A_7, %get3A_10 in 1 : vector<4096x32xf32>, vector<4096x16xf32> -> vector<4096x48xf32>
    %slice3A = vector.extract_strided_slice %get3A_1 {offsets = [0, 0], sizes = [4096, 32], strides = [1, 1]} : vector<4096x64xf32> to vector<4096x32xf32>
    %get3A_11 = arith.constant 0 : index
    %get3A_12 = arith.constant 0 : index
    %get3A_13 = vector.load %arg5[%get3A_11, %get3A_12] : memref<48x32xf32, #tpu.memory_space<vmem>>, vector<48x32xf32>
    %dot_general3A = arith.constant dense<0.000000e+00> : vector<4096x32xf32>
    %dot_general3A_14 = tpu.matmul %concatenate3A, %get3A_13, %dot_general3A {dimension_numbers = #tpu.dot_dimension_numbers<[1], [0], [0], [1], [0, 0, 1, 1], [], []>, transpose_lhs_hint = false} : vector<4096x48xf32>, vector<48x32xf32>, vector<4096x32xf32> -> vector<4096x32xf32>
    %add3A = arith.addf %slice3A, %dot_general3A_14 : vector<4096x32xf32>
    %slice3A_15 = vector.extract_strided_slice %get3A_1 {offsets = [0, 32], sizes = [4096, 32], strides = [1, 1]} : vector<4096x64xf32> to vector<4096x32xf32>
    %get3A_16 = arith.constant 0 : index
    %get3A_17 = arith.constant 0 : index
    %get3A_18 = vector.load %arg6[%get3A_16, %get3A_17] : memref<48x32xf32, #tpu.memory_space<vmem>>, vector<48x32xf32>
    %dot_general3A_19 = arith.constant dense<0.000000e+00> : vector<4096x32xf32>
    %dot_general3A_20 = tpu.matmul %concatenate3A, %get3A_18, %dot_general3A_19 {dimension_numbers = #tpu.dot_dimension_numbers<[1], [0], [0], [1], [0, 0, 1, 1], [], []>, transpose_lhs_hint = false} : vector<4096x48xf32>, vector<48x32xf32>, vector<4096x32xf32> -> vector<4096x32xf32>
    %add3A_21 = arith.addf %slice3A_15, %dot_general3A_20 : vector<4096x32xf32>
    %mul3A = arith.mulf %get3A_4, %add3A : vector<4096x32xf32>
    %get3A_22 = arith.constant 0 : index
    %get3A_23 = arith.constant 0 : index
    %get3A_24 = vector.load %arg7[%get3A_22, %get3A_23] : memref<32x32xf32, #tpu.memory_space<vmem>>, vector<32x32xf32>
    %dot_general3A_25 = arith.constant dense<0.000000e+00> : vector<4096x32xf32>
    %dot_general3A_26 = tpu.matmul %mul3A, %get3A_24, %dot_general3A_25 {dimension_numbers = #tpu.dot_dimension_numbers<[1], [0], [0], [1], [0, 0, 1, 1], [], []>, transpose_lhs_hint = false} : vector<4096x32xf32>, vector<32x32xf32>, vector<4096x32xf32> -> vector<4096x32xf32>
    %mul3A_27 = arith.constant 0.353553385 : f32
    %mul3A_28 = vector.broadcast %mul3A_27 : f32 to vector<4096x32xf32>
    %mul3A_29 = arith.mulf %dot_general3A_26, %mul3A_28 : vector<4096x32xf32>
    %get3A_30 = arith.constant 0 : index
    %get3A_31 = arith.constant 0 : index
    %get3A_32 = vector.load %arg8[%get3A_30, %get3A_31] : memref<32x4xf32, #tpu.memory_space<vmem>>, vector<32x4xf32>
    %dot_general3A_33 = arith.constant dense<0.000000e+00> : vector<4096x4xf32>
    %dot_general3A_34 = tpu.matmul %mul3A, %get3A_32, %dot_general3A_33 {dimension_numbers = #tpu.dot_dimension_numbers<[1], [0], [0], [1], [0, 0, 1, 1], [], []>, transpose_lhs_hint = false} : vector<4096x32xf32>, vector<32x4xf32>, vector<4096x4xf32> -> vector<4096x4xf32>
    %mul3A_35 = arith.constant 0.353553385 : f32
    %mul3A_36 = vector.broadcast %mul3A_35 : f32 to vector<4096x4xf32>
    %mul3A_37 = arith.mulf %dot_general3A_34, %mul3A_36 : vector<4096x4xf32>
    %exp3A = math.exp %mul3A_29 : vector<4096x32xf32>
    %exp3A_38 = math.exp %mul3A_37 : vector<4096x4xf32>
    %mul3A_39 = arith.mulf %exp3A, %add3A_21 : vector<4096x32xf32>
    %concatenate3A_40 = tpu.concatenate %mul3A_39, %exp3A_38 in 1 : vector<4096x32xf32>, vector<4096x4xf32> -> vector<4096x36xf32>
    %transpose3A = tpu.transpose %concatenate3A_40, [1, 0] : vector<4096x36xf32> -> vector<36x4096xf32>
    %swap3A = arith.constant 0 : index
    %swap3A_41 = arith.constant 0 : index
    %swap3A_42 = vector.load %arg9[%swap3A, %swap3A_41] : memref<36x4096xf32, #tpu.memory_space<vmem>>, vector<36x4096xf32>
    tpu.vector_store %arg9[%swap3A, %swap3A_41], %transpose3A {strides = array<i32>} : memref<36x4096xf32, #tpu.memory_space<vmem>>, vector<36x4096xf32>,
    return
  }
  func.func @transform_0(%arg0: i32) -> (i32, i32) {
    %c0_i32 = arith.constant 0 : i32
    %c0_i32_0 = arith.constant 0 : i32
    return %arg0, %c0_i32 : i32, i32
  }
  func.func @transform_1(%arg0: i32) -> (i32, i32) {
    %c0_i32 = arith.constant 0 : i32
    %c0_i32_0 = arith.constant 0 : i32
    return %arg0, %c0_i32 : i32, i32
  }
  func.func @transform_2(%arg0: i32) -> (i32, i32) {
    %c0_i32 = arith.constant 0 : i32
    %c0_i32_0 = arith.constant 0 : i32
    return %arg0, %c0_i32 : i32, i32
  }
  func.func @transform_3(%arg0: i32) -> (i32, i32) {
    %c0_i32 = arith.constant 0 : i32
    %c0_i32_0 = arith.constant 0 : i32
    return %arg0, %c0_i32 : i32, i32
  }
  func.func @transform_4(%arg0: i32) -> (i32, i32) {
    %c0_i32 = arith.constant 0 : i32
    %c0_i32_0 = arith.constant 0 : i32
    %c0_i32_1 = arith.constant 0 : i32
    return %c0_i32, %c0_i32_0 : i32, i32
  }
  func.func @transform_5(%arg0: i32) -> (i32, i32) {
    %c0_i32 = arith.constant 0 : i32
    %c0_i32_0 = arith.constant 0 : i32
    %c0_i32_1 = arith.constant 0 : i32
    return %c0_i32, %c0_i32_0 : i32, i32
  }
  func.func @transform_6(%arg0: i32) -> (i32, i32) {
    %c0_i32 = arith.constant 0 : i32
    %c0_i32_0 = arith.constant 0 : i32
    %c0_i32_1 = arith.constant 0 : i32
    return %c0_i32, %c0_i32_0 : i32, i32
  }
  func.func @transform_7(%arg0: i32) -> (i32, i32) {
    %c0_i32 = arith.constant 0 : i32
    %c0_i32_0 = arith.constant 0 : i32
    %c0_i32_1 = arith.constant 0 : i32
    return %c0_i32, %c0_i32_0 : i32, i32
  }
  func.func @transform_8(%arg0: i32) -> (i32, i32) {
    %c0_i32 = arith.constant 0 : i32
    %c0_i32_0 = arith.constant 0 : i32
    return %c0_i32, %arg0 : i32, i32
  }
}

module attributes {stable_mosaic.version = 14 : i64} {
  func.func @_upd2_body(%arg0: i32, %arg1: memref<36x2048xf32, #tpu.memory_space<vmem>>, %arg2: memref<2048x32xf32, #tpu.memory_space<vmem>>, %arg3: memref<4x32xf32, #tpu.memory_space<vmem>>, %arg4: memref<32x32xf32, #tpu.memory_space<vmem>>, %arg5: memref<32x32xf32, #tpu.memory_space<vmem>>, %arg6: memref<32x16xf32, #tpu.memory_space<vmem>>, %arg7: memref<2048x32xf32, #tpu.memory_space<vmem>>, %arg8: memref<2048x16xf32, #tpu.memory_space<vmem>>) attributes {dimension_semantics = [#tpu.dimension_semantics<arbitrary>], iteration_bounds = array<i64: 25>, scalar_prefetch = 0 : i64, scratch_operands = 0 : i64, tpu.core_type = #tpu.core_type<tc>, window_params = [{transform_indices = @transform_0, window_bounds = array<i64: 36, 2048>}, {transform_indices = @transform_1, window_bounds = array<i64: 2048, 32>}, {pipeline_mode = #tpu.pipeline_mode<synchronous>, transform_indices = @transform_2, window_bounds = array<i64: 4, 32>}, {pipeline_mode = #tpu.pipeline_mode<synchronous>, transform_indices = @transform_3, window_bounds = array<i64: 32, 32>}, {pipeline_mode = #tpu.pipeline_mode<synchronous>, transform_indices = @transform_4, window_bounds = array<i64: 32, 32>}, {pipeline_mode = #tpu.pipeline_mode<synchronous>, transform_indices = @transform_5, window_bounds = array<i64: 32, 16>}, {transform_indices = @transform_6, window_bounds = array<i64: 2048, 32>}, {transform_indices = @transform_7, window_bounds = array<i64: 2048, 16>}]} {
    %get3A = arith.constant 0 : index
    %get3A_0 = arith.constant 0 : index
    %get3A_1 = vector.load %arg1[%get3A, %get3A_0] : memref<36x2048xf32, #tpu.memory_space<vmem>>, vector<36x2048xf32>
    %get3A_2 = arith.constant 0 : index
    %get3A_3 = arith.constant 0 : index
    %get3A_4 = vector.load %arg2[%get3A_2, %get3A_3] : memref<2048x32xf32, #tpu.memory_space<vmem>>, vector<2048x32xf32>
    %get3A_5 = arith.constant 0 : index
    %get3A_6 = arith.constant 0 : index
    %get3A_7 = vector.load %arg3[%get3A_5, %get3A_6] : memref<4x32xf32, #tpu.memory_space<vmem>>, vector<4x32xf32>
    %get3A_8 = arith.constant 0 : index
    %get3A_9 = arith.constant 0 : index
    %get3A_10 = vector.load %arg4[%get3A_8, %get3A_9] : memref<32x32xf32, #tpu.memory_space<vmem>>, vector<32x32xf32>
    %slice3A = vector.extract_strided_slice %get3A_1 {offsets = [0, 0], sizes = [32, 2048], strides = [1, 1]} : vector<36x2048xf32> to vector<32x2048xf32>
    %slice3A_11 = vector.extract_strided_slice %get3A_1 {offsets = [32, 0], sizes = [4, 2048], strides = [1, 1]} : vector<36x2048xf32> to vector<4x2048xf32>
    %dot_general3A = arith.constant dense<0.000000e+00> : vector<32x2048xf32>
    %dot_general3A_12 = tpu.matmul %get3A_7, %slice3A_11, %dot_general3A {dimension_numbers = #tpu.dot_dimension_numbers<[0], [0], [1], [1], [0, 1, 1, 1], [], []>, transpose_lhs_hint = false} : vector<4x32xf32>, vector<4x2048xf32>, vector<32x2048xf32> -> vector<32x2048xf32>
    %add3A = arith.constant 9.99999971E-10 : f32
    %add3A_13 = vector.broadcast %add3A : f32 to vector<32x2048xf32>
    %add3A_14 = arith.addf %dot_general3A_12, %add3A_13 : vector<32x2048xf32>
    %div3A = arith.divf %slice3A, %add3A_14 : vector<32x2048xf32>
    %dot_general3A_15 = arith.constant dense<0.000000e+00> : vector<2048x32xf32>
    %dot_general3A_16 = tpu.matmul %div3A, %get3A_10, %dot_general3A_15 {dimension_numbers = #tpu.dot_dimension_numbers<[0], [0], [1], [1], [0, 1, 1, 1], [], []>, transpose_lhs_hint = false} : vector<32x2048xf32>, vector<32x32xf32>, vector<2048x32xf32> -> vector<2048x32xf32>
    %max3A = arith.constant 0.000000e+00 : f32
    %max3A_17 = vector.broadcast %max3A : f32 to vector<2048x32xf32>
    %max3A_18 = arith.maximumf %dot_general3A_16, %max3A_17 : vector<2048x32xf32>
    %add3A_19 = arith.addf %get3A_4, %max3A_18 : vector<2048x32xf32>
    %get3A_20 = arith.constant 0 : index
    %get3A_21 = arith.constant 0 : index
    %get3A_22 = vector.load %arg5[%get3A_20, %get3A_21] : memref<32x32xf32, #tpu.memory_space<vmem>>, vector<32x32xf32>
    %dot_general3A_23 = arith.constant dense<0.000000e+00> : vector<2048x32xf32>
    %dot_general3A_24 = tpu.matmul %add3A_19, %get3A_22, %dot_general3A_23 {dimension_numbers = #tpu.dot_dimension_numbers<[1], [0], [0], [1], [0, 0, 1, 1], [], []>, transpose_lhs_hint = false} : vector<2048x32xf32>, vector<32x32xf32>, vector<2048x32xf32> -> vector<2048x32xf32>
    %swap3A = arith.constant 0 : index
    %swap3A_25 = arith.constant 0 : index
    %swap3A_26 = vector.load %arg7[%swap3A, %swap3A_25] : memref<2048x32xf32, #tpu.memory_space<vmem>>, vector<2048x32xf32>
    tpu.vector_store %arg7[%swap3A, %swap3A_25], %dot_general3A_24 {strides = array<i32>} : memref<2048x32xf32, #tpu.memory_space<vmem>>, vector<2048x32xf32>,
    %get3A_27 = arith.constant 0 : index
    %get3A_28 = arith.constant 0 : index
    %get3A_29 = vector.load %arg6[%get3A_27, %get3A_28] : memref<32x16xf32, #tpu.memory_space<vmem>>, vector<32x16xf32>
    %dot_general3A_30 = arith.constant dense<0.000000e+00> : vector<2048x16xf32>
    %dot_general3A_31 = tpu.matmul %dot_general3A_24, %get3A_29, %dot_general3A_30 {dimension_numbers = #tpu.dot_dimension_numbers<[1], [0], [0], [1], [0, 0, 1, 1], [], []>, transpose_lhs_hint = false} : vector<2048x32xf32>, vector<32x16xf32>, vector<2048x16xf32> -> vector<2048x16xf32>
    %swap3A_32 = arith.constant 0 : index
    %swap3A_33 = arith.constant 0 : index
    %swap3A_34 = vector.load %arg8[%swap3A_32, %swap3A_33] : memref<2048x16xf32, #tpu.memory_space<vmem>>, vector<2048x16xf32>
    tpu.vector_store %arg8[%swap3A_32, %swap3A_33], %dot_general3A_31 {strides = array<i32>} : memref<2048x16xf32, #tpu.memory_space<vmem>>, vector<2048x16xf32>,
    return
  }
  func.func @transform_0(%arg0: i32) -> (i32, i32) {
    %c0_i32 = arith.constant 0 : i32
    %c0_i32_0 = arith.constant 0 : i32
    return %c0_i32, %arg0 : i32, i32
  }
  func.func @transform_1(%arg0: i32) -> (i32, i32) {
    %c0_i32 = arith.constant 0 : i32
    %c0_i32_0 = arith.constant 0 : i32
    return %arg0, %c0_i32 : i32, i32
  }
  func.func @transform_2(%arg0: i32) -> (i32, i32) {
    %c0_i32 = arith.constant 0 : i32
    %c0_i32_0 = arith.constant 0 : i32
    %c0_i32_1 = arith.constant 0 : i32
    return %c0_i32, %c0_i32_0 : i32, i32
  }
  func.func @transform_3(%arg0: i32) -> (i32, i32) {
    %c0_i32 = arith.constant 0 : i32
    %c0_i32_0 = arith.constant 0 : i32
    %c0_i32_1 = arith.constant 0 : i32
    return %c0_i32, %c0_i32_0 : i32, i32
  }
  func.func @transform_4(%arg0: i32) -> (i32, i32) {
    %c0_i32 = arith.constant 0 : i32
    %c0_i32_0 = arith.constant 0 : i32
    %c0_i32_1 = arith.constant 0 : i32
    return %c0_i32, %c0_i32_0 : i32, i32
  }
  func.func @transform_5(%arg0: i32) -> (i32, i32) {
    %c0_i32 = arith.constant 0 : i32
    %c0_i32_0 = arith.constant 0 : i32
    %c0_i32_1 = arith.constant 0 : i32
    return %c0_i32, %c0_i32_0 : i32, i32
  }
  func.func @transform_6(%arg0: i32) -> (i32, i32) {
    %c0_i32 = arith.constant 0 : i32
    %c0_i32_0 = arith.constant 0 : i32
    return %arg0, %c0_i32 : i32, i32
  }
  func.func @transform_7(%arg0: i32) -> (i32, i32) {
    %c0_i32 = arith.constant 0 : i32
    %c0_i32_0 = arith.constant 0 : i32
    return %arg0, %c0_i32 : i32, i32
  }
}

</mosaic_0001>

<sc_bundles>
// kernel: kernel.11.cloned.1.call-start
scs
__scs_entry_jumppad:
0x0: {  	(pc) =	sbr.rel $0x88, $3  }
0x1: {  	(tag) =	ssettag $0x0;
	lr =	simm.s32 $0x1  }
0x2: {  	[smem:$0x3F97] =	sst lr;
	_ =	strace $0xD0000000  }
0x3: {  	_ = 	snop  }
0x4: {  	_ = 	snop  }
0x5: {  	_ = 	snop  }
0x6: {  	_ = 	snop  }
0x7: {  	_ = 	snop  }
__scs_overlays_trampoline_lowered:
0x8: {  	[smem:$0x3FA6] =	sst s0  }
0x9: {  	[smem:$0x3FA7] =	sst s1  }
0xa: {  	[smem:$0x3FA8] =	sst s2  }
0xb: {  	[smem:$0x3FA9] =	sst s3  }
0xc: {  	[smem:$0x3FAA] =	sst s4  }
0xd: {  	[smem:$0x3FAB] =	sst s5  }
0xe: {  	[smem:$0x3FAC] =	sst s6  }
0xf: {  	[smem:$0x3FAD] =	sst s7  }
0x10: {  	[smem:$0x3FAE] =	sst s8  }
0x11: {  	[smem:$0x3FAF] =	sst s9;
	s0 =	simm.s32 @!p0 $0x0  }
0x12: {  	s1 =	sld [smem:$0x3F95];
	s0 =	simm.s32 @p0 $0x1  }
0x13: {  	[smem:$0x3FB0] =	sst s0;
	s0 =	simm.s32 @!p1 $0x0  }
0x14: {  	s2 =	sld [smem:$0x3F94];
	s0 =	simm.s32 @p1 $0x1  }
0x15: {  	[smem:$0x3FB1] =	sst s0;
	s0 =	simm.s32 @!p2 $0x0  }
0x16: {  	s3 =	sld [smem:$0x3FDB];
	s0 =	simm.s32 @p2 $0x1  }
0x17: {  	s4 =	simm.s32 $0x1BF5;
	[smem:$0x3FB3] =	sst s0  }
0x18: {  	s0 =	sld [smem:$0x3F96];
	_ =	swait.ge [sflag:s4], $0x0  }
0x19: {  	s7 =	sld [smem:$0x3F97]  }
0x1a: {  	s8 =	sadd.s32 $0xFFFFE003, lr  }
0x1b: {  	s9 =	sadd.s32 $0xFFFFFEF7, lr;
	s5 =	simm.s32 $0xFFFFFFFF;
	p2 =	slt.u32 s8, $0xFFFFF086  }
0x1c: {  	p1 =	slt.u32 s9, $0xF7A;
	s5 =	simm.s32 @!p2 $0x0  }
0x1d: {  	s5 =	simm.s32 @p1 $0x1;
	p0 =	seq.s32 s7, s2  }
0x1e: {  	s7 =	smul.u32 @!p0 $0xF7A, s2;
	p2 =	seq.s32 @!p0 s5, $0x0  }
0x1f: {  	s9 =	smul.u32 $0xF7A, s1;
	s8 =	simm.s32 @!p0 $0x1BF5;
	p2 =	por !p2, p0  }
0x20: {  	[sflag:s8] =	ssyncset.s32 @!p0 $0xFFFFF086;
	s6 =	sadd.s32 @!p0 s3, s7;
	s7 =	simm.s32 @!p0 $0x108  }
0x21: {  	s3 =	sadd.s32 s3, s9;
	s6 =	sadd.s32 @!p0 $0x88, s6;
	s7 =	simm.s32 @p2 $0x1082  }
0x22: {  	[simem:s7], [sflag:s8] =	dma.local @!p0 [hbm:s6], $0xF7A  }
0x23: {  	s9 =	sor.u32 $0xD0000000, s2;
	s6 =	simm.s32 $0x108;
	_ =	swait.ge @!p0 [sflag:s8], $0x0  }
0x24: {  	s3 =	sadd.s32 $0x88, s3;
	s6 =	simm.s32 @!p1 $0x1082;
	[sflag:s4] =	ssyncset.s32 $0xFFFFF086  }
0x25: {  	[simem:s6], [sflag:s4] =	dma.local [hbm:s3], $0xF7A  }
0x26: {  	[smem:$0x3F97] =	sst s1;
	(tag) =	ssettag s2;
	_ =	strace s9  }
0x27: {  	s1 =	sld [smem:$0x3FA7]  }
0x28: {  	s2 =	sld [smem:$0x3FA8]  }
0x29: {  	s4 =	sld [smem:$0x3FAA]  }
0x2a: {  	p0 =	seq.s32 s5, $0x0;
	s5 =	sld [smem:$0x3FAB]  }
0x2b: {  	s6 =	sld [smem:$0x3FAC]  }
0x2c: {  	s7 =	sld [smem:$0x3FAD]  }
0x2d: {  	s3 =	simm.s32 $0x108;
	s8 =	sld [smem:$0x3FAE]  }
0x2e: {  	s3 =	simm.s32 @!p0 $0x1082;
	s9 =	sld [smem:$0x3FAF]  }
0x2f: {  	lr =	sadd.s32 s0, s3;
	s0 =	sld [smem:$0x3FA6]  }
0x30: {  	s3 =	sld [smem:$0x3FA9]  }
0x31: {  	[smem:$0x3FB2] =	sst s10  }
0x32: {  	s10 =	sld [smem:$0x3FB0];
	_ =	sdelay $0x3  }
0x33: {  	p0 =	seq.s32 s10, $0x1;
	s10 =	sld [smem:$0x3FB2];
	_ =	sdelay $0x3  }
0x34: {  	[smem:$0x3FB2] =	sst s10  }
0x35: {  	s10 =	sld [smem:$0x3FB1];
	_ =	sdelay $0x3  }
0x36: {  	p1 =	seq.s32 s10, $0x1;
	s10 =	sld [smem:$0x3FB2];
	_ =	sdelay $0x3  }
0x37: {  	[smem:$0x3FB2] =	sst s10  }
0x38: {  	s10 =	sld [smem:$0x3FB3]  }
0x39: {  	_ = 	snop;
	(pc) =	sbr.ind lr, $3  }
0x3a: {  	_ = 	snop  }
0x3b: {  	_ = 	snop  }
0x3c: {  	p2 =	seq.s32 s10, $0x1;
	s10 =	sld [smem:$0x3FB2]  }
0x3d: {  	_ =	shalt  }
0x3e: {  	_ =	shalt  }
0x3f: {  	_ =	shalt  }
0x40: {  	_ =	shalt  }
0x41: {  	_ =	shalt  }
0x42: {  	_ =	shalt  }
0x43: {  	_ =	shalt  }
0x44: {  	_ =	shalt  }
0x45: {  	_ =	shalt  }
0x46: {  	_ =	shalt  }
0x47: {  	_ =	shalt  }
0x48: {  	_ =	shalt  }
0x49: {  	_ =	shalt  }
0x4a: {  	_ =	shalt  }
0x4b: {  	_ =	shalt  }
0x4c: {  	_ =	shalt  }
0x4d: {  	_ =	shalt  }
0x4e: {  	_ =	shalt  }
0x4f: {  	_ =	shalt  }
0x50: {  	_ =	shalt  }
0x51: {  	_ =	shalt  }
0x52: {  	_ =	shalt  }
0x53: {  	_ =	shalt  }
0x54: {  	_ =	shalt  }
0x55: {  	_ =	shalt  }
0x56: {  	_ =	shalt  }
0x57: {  	_ =	shalt  }
0x58: {  	_ =	shalt  }
0x59: {  	_ =	shalt  }
0x5a: {  	_ =	shalt  }
0x5b: {  	_ =	shalt  }
0x5c: {  	_ =	shalt  }
0x5d: {  	_ =	shalt  }
0x5e: {  	_ =	shalt  }
0x5f: {  	_ =	shalt  }
0x60: {  	_ =	shalt  }
0x61: {  	_ =	shalt  }
0x62: {  	_ =	shalt  }
0x63: {  	_ =	shalt  }
0x64: {  	_ =	shalt  }
0x65: {  	_ =	shalt  }
0x66: {  	_ =	shalt  }
0x67: {  	_ =	shalt  }
0x68: {  	_ =	shalt  }
0x69: {  	_ =	shalt  }
0x6a: {  	_ =	shalt  }
0x6b: {  	_ =	shalt  }
0x6c: {  	_ =	shalt  }
0x6d: {  	_ =	shalt  }
0x6e: {  	_ =	shalt  }
0x6f: {  	_ =	shalt  }
0x70: {  	_ =	shalt  }
0x71: {  	_ =	shalt  }
0x72: {  	_ =	shalt  }
0x73: {  	_ =	shalt  }
0x74: {  	_ =	shalt  }
0x75: {  	_ =	shalt  }
0x76: {  	_ =	shalt  }
0x77: {  	_ =	shalt  }
0x78: {  	_ =	shalt  }
0x79: {  	_ =	shalt  }
0x7a: {  	_ =	shalt  }
0x7b: {  	_ =	shalt  }
0x7c: {  	_ =	shalt  }
0x7d: {  	_ =	shalt  }
0x7e: {  	_ =	shalt  }
0x7f: {  	_ =	shalt  }
0x80: {  	_ =	shalt  }
0x81: {  	_ =	shalt  }
0x82: {  	_ =	shalt  }
0x83: {  	_ =	shalt  }
0x84: {  	_ =	shalt  }
0x85: {  	_ =	shalt  }
0x86: {  	_ =	shalt  }
0x87: {  	_ =	shalt  }
.Lfunc_end0:
.L_simem_size_0:
called_computation_lowered:
.L_overlay_start_0:
0x88: {  	s2 =	sld [smem:$0x3FD9]  }
0x89: {  	s3 =	sld [smem:$0x3FFE];
	_ =	sdelay $0x1  }
0x8a: {  	s1 =	srdreg.scid  }
0x8b: {  	s0 =	sand.u32 $0x1, s1  }
0x8c: {  	s14 =	sshll.u32 s0, $0xA;
	s2 =	sadd.s32 s3, s2  }
0x8d: {  	s2 =	sadd.s32 s2, s14  }
0x8e: {  	[smem:$0x3FBE] =	sst s2  }
0x8f: {  	_ = 	snop  }
0x90: {  	s2 =	sld [smem:$0x3FD0];
	_ =	sdelay $0x2  }
0x91: {  	s15 =	simm.s32 $0xA;
	s4 =	simm.s32 $0x10  }
0x92: {  	[smem:s4], [sflag:s15] =	dma.local [hbm:s2], $0x1  }
0x93: {  	_ =	swait.eq [sflag:s15], $0x1  }
0x94: {  	[sflag:s15] =	ssyncset.done $0x0  }
0x95: {  	[sflag:s15] =	ssyncadd.s32 $0xFFFFFFFF  }
0x96: {  	s16 =	sld [smem:$0x11];
	(tm) =	ssettm $0x1  }
0x97: {  	s17 =	sld [smem:$0x3FFB];
	_ =	sdelay $0x3  }
0x98: {  	_ =	strace s17  }
0x99: {  	s3 =	sld [smem:$0x3FFC];
	_ =	sdelay $0x3  }
0x9a: {  	_ =	strace s3  }
0x9b: {  	s3 =	sld [smem:$0x3FFD];
	_ =	sdelay $0x3  }
0x9c: {  	_ =	strace s3  }
0x9d: {  	_ =	strace $0x8FFFFFFF  }
0x9e: {  	s18 =	sld [smem:$0x3FDB];
	_ =	sdelay $0x1  }
0x9f: {  	s19 =	simm.s32 $_scs_section_size  }
0xa0: {  	s5 =	simm.s32 $_size__tile_overlayer_lowered;
	s6 =	simm.s32 $_tile_overlayer_lowered  }
0xa1: {  	s22 =	simm.s32 $0x1BFF;
	s21 =	sshll.u32 s6, $0x1;
	s3 =	sadd.s32 s19, s18  }
0xa2: {  	s7 =	simm.s32 $0x0;
	s20 =	sshll.u32 s5, $0x1;
	s5 =	sadd.s32 s21, s3  }
0xa3: {  	[timem:s7], [sflag:s22] =	dma.local [hbm:s5], s20  }
0xa4: {  	_ =	swait.ge [sflag:s22], s20  }
0xa5: {  	s4 =	ssub.s32 $0x0, s20;
	[sflag:s22] =	ssyncset.done $0x0  }
0xa6: {  	[sflag:s22] =	ssyncadd.s32 s4;
	_ =	sdelay $0x1  }
0xa7: {  	s23 =	simm.s32 $0x1B8B  }
0xa8: {  	_ =	swait.ge [sflag:s23], $0x1  }
0xa9: {  	[sflag:s23] =	ssyncset.done $0x0  }
0xaa: {  	s25 =	simm.s32 $0x1B8E;
	s24 =	sld [smem:$0x3FFE];
	[sflag:s23] =	ssyncadd.s32 $0xFFFFFFFF  }
0xab: {  	s26 =	simm.s32 $execute0_lowered;
	[smem:$0x3FD2] =	sst s25  }
0xac: {  	s5 =	sshll.u32 s26, $0x1;
	_ =	strace $0x80000046;
	[dreg:$0x1] =	wrdreg $0xFFFFFFFF  }
0xad: {  	s28 =	simm.s32 $_size_execute0_lowered;
	s3 =	sadd.s32 s3, s5;
	[dreg:$0x0] =	wrdreg $0x0  }
0xae: {  	s5 =	sshll.u32 s28, $0x1;
	[dreg:$0x2] =	wrdreg s3  }
0xaf: {  	[dreg:$0x3] =	wrdreg s5  }
0xb0: {  	[dreg:$0x4] =	wrdreg $0xC0  }
0xb1: {  	_ =	task [dreg:s7], $0x5FFFF  }
0xb2: {  	[dreg:$0x1] =	wrdreg $0xFFFFFFFF  }
0xb3: {  	[dreg:$0x0] =	wrdreg $0x60  }
0xb4: {  	[dreg:$0x2] =	wrdreg s24  }
0xb5: {  	[dreg:$0x3] =	wrdreg s16  }
0xb6: {  	[dreg:$0x4] =	wrdreg $0x9  }
0xb7: {  	_ =	task.clear_ibuf [dreg:s7], $0x5FFFF;
	_ =	strace $0x90000046  }
0xb8: {  	s29 =	simm.s32 $0x9;
	_ =	strace $0x80000048  }
0xb9: {  	_ =	swait.ge [sflag:s29], $0x1  }
0xba: {  	[sflag:s29] =	ssyncadd.s32 $0xFFFFFFFF  }
0xbb: {  	_ =	strace $0x90000048  }
0xbc: {  	_ =	sfence  }
0xbd: {  	s30 =	sld [smem:$0x0];
	_ =	sdelay $0x2  }
0xbe: {  	s31 =	sshll.u32 s1, $0xD;
	s1 =	sshrl.u32 s1, $0x2  }
0xbf: {  	s3 =	sand.u32 $0x4000, s31;
	s1 =	sadd.s32 s1, s30  }
0xc0: {  	s0 =	sor.u32 s3, s0;
	s1 =	sshll.u32 s1, $0x11  }
0xc1: {  	s0 =	sor.u32 s1, s0  }
0xc2: {  	s0 =	sadd.s32 $0x8F2B, s0  }
0xc3: {  	[sflag:s0] =	ssyncadd.remote.s32 $0x1  }
0xc4: {  	_ =	sfence.sel $0xFFFF  }
0xc5: {  	[dreg:$0x0] =	wrdreg $0xFFFFFFFF;
	(pc) =	sbr.abs _section_cstart, $3  }
0xc6: {  	[dreg:$0x1] =	wrdreg $0xFFFFFFFF  }
0xc7: {  	_ =	task.clear_ibuf [dreg:s7], $0x2FFFF;
	_ =	strace $0x9FFFFFFF  }
0xc8: {  	(tm) =	ssettm $0x7FFFFFFF  }
0xc9: {  	_ =	shalt  }
tec
execute0_lowered:
.L_overlay_start_1:
0x0: {  	(tag) =	ssettag $0x1  }
0x1: {  	s0 =	rddreg [dreg:$0x0]  }
0x2: {  	s1 =	rddreg [dreg:$0x1]  }
0x3: {  	s3 =	srdreg.scid;
	s17 =	stileid.u32;
	s2 =	simm.s32 $0x0  }
0x4: {  	s28 =	simm.s32 $0x6A00;
	s29 =	simm.s32 $0x1;
	s30 =	simm.s32 $0x2  }
0x5: {  	s31 =	simm.s32 $0x28;
	s5 =	sand.u32 $0x1, s3;
	s23 =	sshll.u32 s17, $0x1  }
0x6: {  	[smem:$0x7FF] =	sst s2;
	s3 =	sadd.s32 $0xCB000, s0;
	s19 =	smul.u32 $0x249F0, s5  }
0x7: {  	s8 =	sadd.s32 $0x145200, s0;
	s6 =	sor.u32 s5, s23;
	s21 =	smul.u32 $0x61A8, s5  }
0x8: {  	s4 =	sadd.s32 $0x18EC00, s0;
	s15 =	sadd.s32 $0x1D8000, s0;
	s7 =	smul.u32 $0x61A8, s6  }
0x9: {  	s0 =	sadd.s32 $0x979200, s0;
	s9 =	ssub.s32 $0x2, s5;
	s26 =	smul.u32 $0x249F0, s6  }
0xa: {  	_ =	strace $0x80000047;
	s11 =	sshrl.u32 s9, $0x1;
	s6 =	smul.u32 $0x3D090, s6  }
0xb: {  	s22 =	smul.u32 $0x3D090, s5;
	s13 =	ssub.s32 s9, s11;
	s10 =	sadd.s32 $0x6100, s7  }
0xc: {  	s7 =	sshrl.u32 s7, $0x3;
	s6 =	sadd.s32 s15, s6;
	s24 =	sshrl.u32 s10, $0x3  }
0xd: {  	s20 =	sadd.s32 s0, s26;
	s12 =	smul.u32 $0xA, s10;
	s25 =	sadd.s32 s8, s24  }
0xe: {  	s7 =	sadd.s32 $0xC30, s7;
	s9 =	sadd.s32 s1, s24;
	[dreg:$0x3] =	wrdreg s25  }
0xf: {  	s10 =	smul.u32 $0x6, s10;
	s18 =	sadd.s32 s8, s7;
	[dreg:$0x4] =	wrdreg s9  }
0x10: {  	s13 =	smax.u32 s13, $0x1;
	s14 =	sadd.s32 s15, s12;
	[dreg:$0x7] =	wrdreg s18  }
0x11: {  	s16 =	sadd.s32 s0, s10;
	[dreg:$0x5] =	wrdreg s14;
	s14 =	smul.u32 $0x493E0, s17  }
0x12: {  	s7 =	sadd.s32 s1, s7;
	[dreg:$0x6] =	wrdreg s16;
	s16 =	smul.u32 $0xC350, s17  }
0x13: {  	s11 =	sadd.s32 $0x3CF00, s6;
	[dreg:$0x8] =	wrdreg s7;
	s17 =	smul.u32 $0x7A120, s17  }
0x14: {  	s12 =	sadd.s32 $0x24900, s20;
	s20 =	simm.s32 $0x3;
	s0 =	sadd.s32 s14, s0  }
0x15: {  	s23 =	sadd.s32 s21, s16;
	s24 =	sadd.s32 s17, s15;
	s21 =	simm.s32 $0x80  }
0x16: {  	s14 =	sadd.s32 s19, s0;
	s25 =	sshrl.u32 s23, $0x3;
	s5 =	sadd.s32 $0x80, s23  }
0x17: {  	s15 =	sadd.s32 s22, s24;
	s22 =	simm.s32 $0x100;
	s23 =	simm.s32 $0x2900  }
0x18: {  	s24 =	simm.s32 $0x4100;
	s0 =	simm.s32 $0x0;
	s16 =	sadd.s32 s25, s1  }
0x19: {  	s26 =	sshrl.u32 s5, $0x3;
	s17 =	sadd.s32 s25, s8;
	s25 =	simm.s32 $0x4180  }
0x1a: {  	s18 =	sadd.s32 s26, s1;
	s19 =	sadd.s32 s26, s8;
	s26 =	simm.s32 $0x4200  }
.LBB2_1:
0x1b: {  	s1 =	sadd.s32 $0x0, s17  }
0x1c: {  	[tilespmem:s2], [sflag:$0x3] =	stream.linear.gather [hbm4b:s1+s2], $0x80, $0x38;
	[tilespmem:$0x8200] =	vst v63  }
0x1d: {  	_ =	swait.ge [sflag:s20], $0x80  }
0x1e: {  	[sflag:s20] =	ssyncset.done $0x0  }
0x1f: {  	s6 =	sadd.s32 $0x0, s16;
	[sflag:s20] =	ssyncadd.s32 $0xFFFFFF80  }
0x20: {  	[tilespmem:s21], [sflag:$0x3] =	stream.linear.gather [hbm4b:s6+s2], $0x80, $0x38;
	[tilespmem:$0x8200] =	vst v63  }
0x21: {  	_ =	swait.ge [sflag:s20], $0x80  }
0x22: {  	[sflag:s20] =	ssyncset.done $0x0  }
0x23: {  	[sflag:s20] =	ssyncadd.s32 $0xFFFFFF80  }
0x24: {  	[tilespmem:s22], [sflag:$0x1] =	stream.indirect.gather [hbm4b:s3+s21], $0x50, s2, s21, $0xb8;
	[tilespmem:$0x8200] =	vst v63  }
0x25: {  	_ = 	snop  }
0x26: {  	[tilespmem:s23], [sflag:$0x1] =	stream.indirect.gather [hbm4b:s4+s21], $0x30, s21, s21, $0xb8;
	[tilespmem:$0x8200] =	vst v63  }
0x27: {  	s7 =	sadd.s32 $0x0, s19  }
0x28: {  	[tilespmem:s24], [sflag:$0x3] =	stream.linear.gather [hbm4b:s7+s2], $0x80, $0x38;
	[tilespmem:$0x8200] =	vst v63  }
0x29: {  	_ =	swait.ge [sflag:s20], $0x80  }
0x2a: {  	[sflag:s20] =	ssyncset.done $0x0  }
0x2b: {  	s8 =	sadd.s32 $0x0, s18;
	[sflag:s20] =	ssyncadd.s32 $0xFFFFFF80  }
0x2c: {  	[tilespmem:s25], [sflag:$0x3] =	stream.linear.gather [hbm4b:s8+s2], $0x80, $0x38;
	[tilespmem:$0x8200] =	vst v63  }
0x2d: {  	_ =	swait.ge [sflag:s20], $0x80  }
0x2e: {  	[sflag:s20] =	ssyncset.done $0x0  }
0x2f: {  	[sflag:s20] =	ssyncadd.s32 $0xFFFFFF80  }
0x30: {  	[tilespmem:s26], [sflag:$0x2] =	stream.indirect.gather [hbm4b:s3+s21], $0x50, s24, s21, $0xb8;
	[tilespmem:$0x8200] =	vst v63  }
0x31: {  	_ = 	snop  }
0x32: {  	[tilespmem:s28], [sflag:$0x2] =	stream.indirect.gather [hbm4b:s4+s21], $0x30, s25, s21, $0xb8;
	[tilespmem:$0x8200] =	vst v63  }
0x33: {  	_ =	swait.ge [sflag:s29], $0x2800  }
0x34: {  	[sflag:s29] =	ssyncset.done $0x0  }
0x35: {  	[sflag:s29] =	ssyncadd.s32 $0xFFFFD800  }
0x36: {  	_ =	swait.ge [sflag:s29], $0x1800  }
0x37: {  	[sflag:s29] =	ssyncset.done $0x0  }
0x38: {  	[sflag:s29] =	ssyncadd.s32 $0xFFFFE800  }
0x39: {  	[hbm4b:s15+s2] =	stream.linear.scatter [tilespmem:s22], [sflag:$0x3], $0x2800, $0x38;
	[tilespmem:$0x8200] =	vst v63  }
0x3a: {  	_ =	swait.ge [sflag:s20], $0x2800  }
0x3b: {  	[sflag:s20] =	ssyncset.done $0x0  }
0x3c: {  	[sflag:s20] =	ssyncadd.s32 $0xFFFFD800  }
0x3d: {  	[hbm4b:s14+s2] =	stream.linear.scatter [tilespmem:s23], [sflag:$0x3], $0x1800, $0x38;
	[tilespmem:$0x8200] =	vst v63  }
0x3e: {  	_ =	swait.ge [sflag:s20], $0x1800  }
0x3f: {  	[sflag:s20] =	ssyncset.done $0x0  }
0x40: {  	[sflag:s20] =	ssyncadd.s32 $0xFFFFE800  }
0x41: {  	_ =	swait.ge [sflag:s30], $0x2800  }
0x42: {  	[sflag:s30] =	ssyncset.done $0x0  }
0x43: {  	[sflag:s30] =	ssyncadd.s32 $0xFFFFD800  }
0x44: {  	_ =	swait.ge [sflag:s30], $0x1800  }
0x45: {  	[sflag:s30] =	ssyncset.done $0x0  }
0x46: {  	s9 =	sadd.s32 $0x500, s15;
	[sflag:s30] =	ssyncadd.s32 $0xFFFFE800  }
0x47: {  	[hbm4b:s9+s2] =	stream.linear.scatter [tilespmem:s26], [sflag:$0x3], $0x2800, $0x38;
	[tilespmem:$0x8200] =	vst v63  }
0x48: {  	_ =	swait.ge [sflag:s20], $0x2800  }
0x49: {  	[sflag:s20] =	ssyncset.done $0x0  }
0x4a: {  	s10 =	sadd.s32 $0x300, s14;
	[sflag:s20] =	ssyncadd.s32 $0xFFFFD800  }
0x4b: {  	[hbm4b:s10+s2] =	stream.linear.scatter [tilespmem:s28], [sflag:$0x3], $0x1800, $0x38;
	[tilespmem:$0x8200] =	vst v63  }
0x4c: {  	s5 =	sadd.s32 $0xA00, s15;
	s1 =	sadd.s32 $0x600, s14;
	_ =	swait.ge [sflag:s20], $0x1800  }
0x4d: {  	s6 =	simm.s32 $0x20;
	s7 =	simm.s32 $0x40;
	[sflag:s20] =	ssyncset.done $0x0  }
.LBB2_2:
0x4e: {  	s9 =	sadd.s32 s6, s17  }
0x4f: {  	[sflag:s20] =	ssyncadd.s32 $0xFFFFE800;
	s10 =	smov.u32 s7;
	s8 =	sadd.s32 $0x20, s7  }
0x50: {  	[tilespmem:s2], [sflag:$0x3] =	stream.linear.gather [hbm4b:s9+s2], $0x80, $0x38;
	[tilespmem:$0x8200] =	vst v63  }
0x51: {  	p0 =	sne.s32 s7, $0xC00;
	_ =	swait.ge [sflag:s20], $0x80  }
0x52: {  	[sflag:s20] =	ssyncset.done $0x0  }
0x53: {  	s7 =	sadd.s32 s6, s16;
	[sflag:s20] =	ssyncadd.s32 $0xFFFFFF80  }
0x54: {  	[tilespmem:s21], [sflag:$0x3] =	stream.linear.gather [hbm4b:s7+s2], $0x80, $0x38;
	[tilespmem:$0x8200] =	vst v63  }
0x55: {  	_ =	swait.ge [sflag:s20], $0x80  }
0x56: {  	[sflag:s20] =	ssyncset.done $0x0  }
0x57: {  	[sflag:s20] =	ssyncadd.s32 $0xFFFFFF80  }
0x58: {  	[tilespmem:s22], [sflag:$0x1] =	stream.indirect.gather [hbm4b:s3+s21], $0x50, s2, s21, $0xb8;
	[tilespmem:$0x8200] =	vst v63  }
0x59: {  	_ = 	snop  }
0x5a: {  	[tilespmem:s23], [sflag:$0x1] =	stream.indirect.gather [hbm4b:s4+s21], $0x30, s21, s21, $0xb8;
	[tilespmem:$0x8200] =	vst v63  }
0x5b: {  	s7 =	sadd.s32 s6, s19  }
0x5c: {  	[tilespmem:s24], [sflag:$0x3] =	stream.linear.gather [hbm4b:s7+s2], $0x80, $0x38;
	[tilespmem:$0x8200] =	vst v63  }
0x5d: {  	_ =	swait.ge [sflag:s20], $0x80  }
0x5e: {  	[sflag:s20] =	ssyncset.done $0x0  }
0x5f: {  	s7 =	sadd.s32 s6, s18;
	s6 =	smov.u32 s10;
	[sflag:s20] =	ssyncadd.s32 $0xFFFFFF80  }
0x60: {  	[tilespmem:s25], [sflag:$0x3] =	stream.linear.gather [hbm4b:s7+s2], $0x80, $0x38;
	[tilespmem:$0x8200] =	vst v63  }
0x61: {  	_ =	swait.ge [sflag:s20], $0x80  }
0x62: {  	[sflag:s20] =	ssyncset.done $0x0  }
0x63: {  	[sflag:s20] =	ssyncadd.s32 $0xFFFFFF80  }
0x64: {  	[tilespmem:s26], [sflag:$0x2] =	stream.indirect.gather [hbm4b:s3+s21], $0x50, s24, s21, $0xb8;
	[tilespmem:$0x8200] =	vst v63  }
0x65: {  	_ = 	snop  }
0x66: {  	[tilespmem:s28], [sflag:$0x2] =	stream.indirect.gather [hbm4b:s4+s21], $0x30, s25, s21, $0xb8;
	[tilespmem:$0x8200] =	vst v63  }
0x67: {  	_ =	swait.ge [sflag:s29], $0x2800  }
0x68: {  	[sflag:s29] =	ssyncset.done $0x0  }
0x69: {  	[sflag:s29] =	ssyncadd.s32 $0xFFFFD800  }
0x6a: {  	_ =	swait.ge [sflag:s29], $0x1800  }
0x6b: {  	[sflag:s29] =	ssyncset.done $0x0  }
0x6c: {  	[sflag:s29] =	ssyncadd.s32 $0xFFFFE800  }
0x6d: {  	[hbm4b:s5+s2] =	stream.linear.scatter [tilespmem:s22], [sflag:$0x3], $0x2800, $0x38;
	[tilespmem:$0x8200] =	vst v63  }
0x6e: {  	_ =	swait.ge [sflag:s20], $0x2800  }
0x6f: {  	[sflag:s20] =	ssyncset.done $0x0  }
0x70: {  	[sflag:s20] =	ssyncadd.s32 $0xFFFFD800  }
0x71: {  	[hbm4b:s1+s2] =	stream.linear.scatter [tilespmem:s23], [sflag:$0x3], $0x1800, $0x38;
	[tilespmem:$0x8200] =	vst v63  }
0x72: {  	_ =	swait.ge [sflag:s20], $0x1800  }
0x73: {  	[sflag:s20] =	ssyncset.done $0x0  }
0x74: {  	[sflag:s20] =	ssyncadd.s32 $0xFFFFE800  }
0x75: {  	_ =	swait.ge [sflag:s30], $0x2800  }
0x76: {  	[sflag:s30] =	ssyncset.done $0x0  }
0x77: {  	[sflag:s30] =	ssyncadd.s32 $0xFFFFD800  }
0x78: {  	_ =	swait.ge [sflag:s30], $0x1800  }
0x79: {  	[sflag:s30] =	ssyncset.done $0x0  }
0x7a: {  	s7 =	sadd.s32 $0x500, s5;
	[sflag:s30] =	ssyncadd.s32 $0xFFFFE800  }
0x7b: {  	[hbm4b:s7+s2] =	stream.linear.scatter [tilespmem:s26], [sflag:$0x3], $0x2800, $0x38;
	[tilespmem:$0x8200] =	vst v63  }
0x7c: {  	_ =	swait.ge [sflag:s20], $0x2800  }
.Ltmp0:
0x7d: {  	[sflag:s20] =	ssyncset.done $0x0;
	(pc) =	sbr.rel @p0 .LBB2_2-.Ltmp0, $4  }
0x7e: {  	s7 =	sadd.s32 $0x300, s1;
	[sflag:s20] =	ssyncadd.s32 $0xFFFFD800  }
0x7f: {  	[hbm4b:s7+s2] =	stream.linear.scatter [tilespmem:s28], [sflag:$0x3], $0x1800, $0x38;
	[tilespmem:$0x8200] =	vst v63  }
0x80: {  	s5 =	sadd.s32 $0xA00, s5;
	_ =	swait.ge [sflag:s20], $0x1800  }
0x81: {  	s1 =	sadd.s32 $0x600, s1;
	s7 =	smov.u32 s8;
	[sflag:s20] =	ssyncset.done $0x0  }
0x82: {  	s7 =	sadd.s32 s6, s17;
	[sflag:s20] =	ssyncadd.s32 $0xFFFFE800  }
0x83: {  	[tilespmem:s2], [sflag:$0x3] =	stream.linear.gather [hbm4b:s7+s2], $0x80, $0x38;
	[tilespmem:$0x8200] =	vst v63  }
0x84: {  	_ =	swait.ge [sflag:s20], $0x80  }
0x85: {  	[sflag:s20] =	ssyncset.done $0x0  }
0x86: {  	s9 =	sadd.s32 s6, s16;
	[sflag:s20] =	ssyncadd.s32 $0xFFFFFF80  }
0x87: {  	[tilespmem:s21], [sflag:$0x3] =	stream.linear.gather [hbm4b:s9+s2], $0x80, $0x38;
	[tilespmem:$0x8200] =	vst v63  }
0x88: {  	_ =	swait.ge [sflag:s20], $0x80  }
0x89: {  	[sflag:s20] =	ssyncset.done $0x0  }
0x8a: {  	[sflag:s20] =	ssyncadd.s32 $0xFFFFFF80  }
0x8b: {  	[tilespmem:s22], [sflag:$0x1] =	stream.indirect.gather [hbm4b:s3+s21], $0x50, s2, s21, $0xb8;
	[tilespmem:$0x8200] =	vst v63  }
0x8c: {  	_ = 	snop  }
0x8d: {  	[tilespmem:s23], [sflag:$0x1] =	stream.indirect.gather [hbm4b:s4+s21], $0x30, s21, s21, $0xb8;
	[tilespmem:$0x8200] =	vst v63  }
0x8e: {  	s10 =	sadd.s32 s6, s19  }
0x8f: {  	[tilespmem:s24], [sflag:$0x3] =	stream.linear.gather [hbm4b:s10+s2], $0x80, $0x38;
	[tilespmem:$0x8200] =	vst v63  }
0x90: {  	_ =	swait.ge [sflag:s20], $0x80  }
0x91: {  	[sflag:s20] =	ssyncset.done $0x0  }
0x92: {  	s8 =	sadd.s32 s6, s18;
	[sflag:s20] =	ssyncadd.s32 $0xFFFFFF80  }
0x93: {  	[tilespmem:s25], [sflag:$0x3] =	stream.linear.gather [hbm4b:s8+s2], $0x80, $0x38;
	[tilespmem:$0x8200] =	vst v63  }
0x94: {  	_ =	swait.ge [sflag:s20], $0x80  }
0x95: {  	[sflag:s20] =	ssyncset.done $0x0  }
0x96: {  	[sflag:s20] =	ssyncadd.s32 $0xFFFFFF80  }
0x97: {  	[tilespmem:s26], [sflag:$0x2] =	stream.indirect.gather [hbm4b:s3+s21], $0x50, s24, s21, $0xb8;
	[tilespmem:$0x8200] =	vst v63  }
0x98: {  	_ = 	snop  }
0x99: {  	[tilespmem:s28], [sflag:$0x2] =	stream.indirect.gather [hbm4b:s4+s21], $0x30, s25, s21, $0xb8;
	[tilespmem:$0x8200] =	vst v63  }
0x9a: {  	_ =	swait.ge [sflag:s29], $0x2800  }
0x9b: {  	[sflag:s29] =	ssyncset.done $0x0  }
0x9c: {  	[sflag:s29] =	ssyncadd.s32 $0xFFFFD800  }
0x9d: {  	_ =	swait.ge [sflag:s29], $0x1800  }
0x9e: {  	[sflag:s29] =	ssyncset.done $0x0  }
0x9f: {  	[sflag:s29] =	ssyncadd.s32 $0xFFFFE800  }
0xa0: {  	[hbm4b:s5+s2] =	stream.linear.scatter [tilespmem:s22], [sflag:$0x3], $0x2800, $0x38;
	[tilespmem:$0x8200] =	vst v63  }
0xa1: {  	_ =	swait.ge [sflag:s20], $0x2800  }
0xa2: {  	[sflag:s20] =	ssyncset.done $0x0  }
0xa3: {  	[sflag:s20] =	ssyncadd.s32 $0xFFFFD800  }
0xa4: {  	[hbm4b:s1+s2] =	stream.linear.scatter [tilespmem:s23], [sflag:$0x3], $0x1800, $0x38;
	[tilespmem:$0x8200] =	vst v63  }
0xa5: {  	_ =	swait.ge [sflag:s20], $0x1800  }
0xa6: {  	[sflag:s20] =	ssyncset.done $0x0  }
0xa7: {  	[sflag:s20] =	ssyncadd.s32 $0xFFFFE800  }
0xa8: {  	_ =	swait.ge [sflag:s30], $0x2800  }
0xa9: {  	[sflag:s30] =	ssyncset.done $0x0  }
0xaa: {  	[sflag:s30] =	ssyncadd.s32 $0xFFFFD800  }
0xab: {  	_ =	swait.ge [sflag:s30], $0x1800  }
0xac: {  	[sflag:s30] =	ssyncset.done $0x0  }
0xad: {  	s9 =	sadd.s32 $0x500, s5;
	[sflag:s30] =	ssyncadd.s32 $0xFFFFE800  }
0xae: {  	[hbm4b:s9+s2] =	stream.linear.scatter [tilespmem:s26], [sflag:$0x3], $0x2800, $0x38;
	[tilespmem:$0x8200] =	vst v63  }
0xaf: {  	_ =	swait.ge [sflag:s20], $0x2800  }
0xb0: {  	[sflag:s20] =	ssyncset.done $0x0  }
0xb1: {  	s10 =	sadd.s32 $0x300, s1;
	[sflag:s20] =	ssyncadd.s32 $0xFFFFD800  }
0xb2: {  	[hbm4b:s10+s2] =	stream.linear.scatter [tilespmem:s28], [sflag:$0x3], $0x1800, $0x38;
	[tilespmem:$0x8200] =	vst v63  }
0xb3: {  	_ =	swait.ge [sflag:s20], $0x1800  }
0xb4: {  	[sflag:s20] =	ssyncset.done $0x0  }
0xb5: {  	s5 =	rddreg [dreg:$0x3];
	[sflag:s20] =	ssyncadd.s32 $0xFFFFE800  }
0xb6: {  	[tilespmem:s2], [sflag:$0x3] =	stream.linear.gather [hbm4b:s5+s2], $0x80, $0x38;
	[tilespmem:$0x8200] =	vst v63  }
0xb7: {  	_ =	swait.ge [sflag:s20], $0x80  }
0xb8: {  	[sflag:s20] =	ssyncset.done $0x0  }
0xb9: {  	s6 =	rddreg [dreg:$0x4];
	[sflag:s20] =	ssyncadd.s32 $0xFFFFFF80  }
0xba: {  	[tilespmem:s21], [sflag:$0x3] =	stream.linear.gather [hbm4b:s6+s2], $0x80, $0x38;
	[tilespmem:$0x8200] =	vst v63  }
0xbb: {  	_ =	swait.ge [sflag:s20], $0x80  }
0xbc: {  	[sflag:s20] =	ssyncset.done $0x0  }
0xbd: {  	[sflag:s20] =	ssyncadd.s32 $0xFFFFFF80  }
0xbe: {  	[tilespmem:s22], [sflag:$0x1] =	stream.indirect.gather [hbm4b:s3+s21], $0x50, s2, s21, $0xb8;
	[tilespmem:$0x8200] =	vst v63  }
0xbf: {  	_ = 	snop  }
0xc0: {  	[tilespmem:s23], [sflag:$0x2] =	stream.indirect.gather [hbm4b:s4+s21], $0x30, s21, s21, $0xb8;
	[tilespmem:$0x8200] =	vst v63  }
0xc1: {  	_ =	swait.ge [sflag:s29], $0x2800  }
0xc2: {  	[sflag:s29] =	ssyncset.done $0x0  }
0xc3: {  	[sflag:s29] =	ssyncadd.s32 $0xFFFFD800  }
0xc4: {  	_ =	swait.ge [sflag:s30], $0x1800  }
0xc5: {  	[sflag:s30] =	ssyncset.done $0x0  }
0xc6: {  	s7 =	rddreg [dreg:$0x5];
	[sflag:s30] =	ssyncadd.s32 $0xFFFFE800  }
0xc7: {  	[hbm4b:s7+s2] =	stream.linear.scatter [tilespmem:s22], [sflag:$0x3], $0x2800, $0x38;
	[tilespmem:$0x8200] =	vst v63  }
0xc8: {  	_ =	swait.ge [sflag:s20], $0x2800  }
0xc9: {  	[sflag:s20] =	ssyncset.done $0x0  }
0xca: {  	s8 =	rddreg [dreg:$0x6];
	[sflag:s20] =	ssyncadd.s32 $0xFFFFD800  }
0xcb: {  	[hbm4b:s8+s2] =	stream.linear.scatter [tilespmem:s23], [sflag:$0x3], $0x1800, $0x38;
	[tilespmem:$0x8200] =	vst v63  }
0xcc: {  	_ =	swait.ge [sflag:s20], $0x1800  }
0xcd: {  	[sflag:s20] =	ssyncset.done $0x0  }
0xce: {  	s9 =	rddreg [dreg:$0x7];
	[sflag:s20] =	ssyncadd.s32 $0xFFFFE800  }
0xcf: {  	[tilespmem:s2], [sflag:$0x3] =	stream.linear.gather [hbm4b:s9+s2], $0x28, $0x38;
	[tilespmem:$0x8200] =	vst v63  }
0xd0: {  	_ =	swait.ge [sflag:s20], $0x28  }
0xd1: {  	[sflag:s20] =	ssyncset.done $0x0  }
0xd2: {  	s10 =	rddreg [dreg:$0x8];
	[sflag:s20] =	ssyncadd.s32 $0xFFFFFFD8  }
0xd3: {  	[tilespmem:s21], [sflag:$0x3] =	stream.linear.gather [hbm4b:s10+s2], $0x28, $0x38;
	[tilespmem:$0x8200] =	vst v63  }
0xd4: {  	_ =	swait.ge [sflag:s20], $0x28  }
0xd5: {  	[sflag:s20] =	ssyncset.done $0x0  }
0xd6: {  	[sflag:s20] =	ssyncadd.s32 $0xFFFFFFD8  }
0xd7: {  	[tilespmem:s22], [sflag:$0x1] =	stream.indirect.gather [hbm4b:s3+s31], $0x50, s2, s31, $0xb8;
	[tilespmem:$0x8200] =	vst v63  }
0xd8: {  	_ = 	snop  }
0xd9: {  	[tilespmem:s23], [sflag:$0x2] =	stream.indirect.gather [hbm4b:s4+s31], $0x30, s21, s31, $0xb8;
	[tilespmem:$0x8200] =	vst v63  }
0xda: {  	_ =	swait.ge [sflag:s29], $0xC80  }
0xdb: {  	[sflag:s29] =	ssyncset.done $0x0  }
0xdc: {  	[sflag:s29] =	ssyncadd.s32 $0xFFFFF380  }
0xdd: {  	_ =	swait.ge [sflag:s30], $0x780  }
0xde: {  	[sflag:s30] =	ssyncset.done $0x0  }
0xdf: {  	[sflag:s30] =	ssyncadd.s32 $0xFFFFF880  }
0xe0: {  	[hbm4b:s11+s2] =	stream.linear.scatter [tilespmem:s22], [sflag:$0x3], $0xC80, $0x38;
	[tilespmem:$0x8200] =	vst v63  }
0xe1: {  	s0 =	sadd.s32 $0x1, s0;
	_ =	swait.ge [sflag:s20], $0xC80  }
0xe2: {  	p0 =	sne.s32 s0, s13;
	[sflag:s20] =	ssyncset.done $0x0  }
.Ltmp1:
0xe3: {  	[sflag:s20] =	ssyncadd.s32 $0xFFFFF380;
	(pc) =	sbr.rel @p0 .LBB2_1-.Ltmp1, $4  }
0xe4: {  	[hbm4b:s12+s2] =	stream.linear.scatter [tilespmem:s23], [sflag:$0x3], $0x780, $0x38;
	[tilespmem:$0x8200] =	vst v63  }
0xe5: {  	_ =	swait.ge [sflag:s20], $0x780  }
0xe6: {  	[sflag:s20] =	ssyncset.done $0x0  }
0xe7: {  	[sflag:s20] =	ssyncadd.s32 $0xFFFFF880  }
0xe8: {  	_ =	sfence.sel $0x180000  }
0xe9: {  	[bflag:$0x0] =	sbarrier.arrive $0xFFFF  }
0xea: {  	_ =	strace $0x90000047  }
0xeb: {  	s0 =	stileid.u32;
	[bflag:$0x2] =	sbarrier.arrive $0xFFFF  }
0xec: {  	p0 =	sne.s32 s0, $0x0;
	s0 =	rddreg [dreg:$0x2]  }
0xed: {  	s0 =	sadd.s32 @!p0 $0x100000, s0  }
0xee: {  	[sflag:s0] =	ssyncadd.tile.s32 @!p0 $0x1;
	_ =	shalt  }
.Lfunc_end2:
_tile_overlayer_lowered:
.L_overlay_start_2:
0xef: {  	(tag) =	ssettag $0x2  }
0xf0: {  	s0 =	rddreg [dreg:$0x0];
	s2 =	stileid.u32  }
0xf1: {  	s1 =	rddreg [dreg:$0x1];
	p0 =	sne.s32 s2, $0x0  }
0xf2: {  	s3 =	rddreg [dreg:$0x2];
	[bflag:$0x3] =	sbarrier.arrive $0xFFFF;
	s2 =	simm.s32 @!p0 $0x1C03  }
0xf3: {  	[timem:s3], [sflag:s2] =	dma.local @!p0 [hbm:s0], s1  }
0xf4: {  	s0 =	simm.s32 @!p0 $0x3  }
0xf5: {  	_ =	swait.ge @!p0 [sflag:s0], s1  }
0xf6: {  	s1 =	ssub.s32 @!p0 $0x0, s1;
	[sflag:s0] =	ssyncset.done @!p0 $0x0  }
0xf7: {  	[sflag:s0] =	ssyncadd.s32 @!p0 s1  }
0xf8: {  	[bflag:$0x3] =	sbarrier.arrive $0xFFFF  }
0xf9: {  	_ =	shalt  }

// kernel: kernel.14.cloned.1.call-start
scs
__scs_entry_jumppad:
0x0: {  	(pc) =	sbr.rel $0x88, $3  }
0x1: {  	(tag) =	ssettag $0x0;
	lr =	simm.s32 $0x1  }
0x2: {  	[smem:$0x3F97] =	sst lr;
	_ =	strace $0xD0000000  }
0x3: {  	_ = 	snop  }
0x4: {  	_ = 	snop  }
0x5: {  	_ = 	snop  }
0x6: {  	_ = 	snop  }
0x7: {  	_ = 	snop  }
__scs_overlays_trampoline_lowered:
0x8: {  	[smem:$0x3FA6] =	sst s0  }
0x9: {  	[smem:$0x3FA7] =	sst s1  }
0xa: {  	[smem:$0x3FA8] =	sst s2  }
0xb: {  	[smem:$0x3FA9] =	sst s3  }
0xc: {  	[smem:$0x3FAA] =	sst s4  }
0xd: {  	[smem:$0x3FAB] =	sst s5  }
0xe: {  	[smem:$0x3FAC] =	sst s6  }
0xf: {  	[smem:$0x3FAD] =	sst s7  }
0x10: {  	[smem:$0x3FAE] =	sst s8  }
0x11: {  	[smem:$0x3FAF] =	sst s9;
	s0 =	simm.s32 @!p0 $0x0  }
0x12: {  	s1 =	sld [smem:$0x3F95];
	s0 =	simm.s32 @p0 $0x1  }
0x13: {  	[smem:$0x3FB0] =	sst s0;
	s0 =	simm.s32 @!p1 $0x0  }
0x14: {  	s2 =	sld [smem:$0x3F94];
	s0 =	simm.s32 @p1 $0x1  }
0x15: {  	[smem:$0x3FB1] =	sst s0;
	s0 =	simm.s32 @!p2 $0x0  }
0x16: {  	s3 =	sld [smem:$0x3FDB];
	s0 =	simm.s32 @p2 $0x1  }
0x17: {  	s4 =	simm.s32 $0x1BF5;
	[smem:$0x3FB3] =	sst s0  }
0x18: {  	s0 =	sld [smem:$0x3F96];
	_ =	swait.ge [sflag:s4], $0x0  }
0x19: {  	s7 =	sld [smem:$0x3F97]  }
0x1a: {  	s8 =	sadd.s32 $0xFFFFE003, lr  }
0x1b: {  	s9 =	sadd.s32 $0xFFFFFEF7, lr;
	s5 =	simm.s32 $0xFFFFFFFF;
	p2 =	slt.u32 s8, $0xFFFFF086  }
0x1c: {  	p1 =	slt.u32 s9, $0xF7A;
	s5 =	simm.s32 @!p2 $0x0  }
0x1d: {  	s5 =	simm.s32 @p1 $0x1;
	p0 =	seq.s32 s7, s2  }
0x1e: {  	s7 =	smul.u32 @!p0 $0xF7A, s2;
	p2 =	seq.s32 @!p0 s5, $0x0  }
0x1f: {  	s9 =	smul.u32 $0xF7A, s1;
	s8 =	simm.s32 @!p0 $0x1BF5;
	p2 =	por !p2, p0  }
0x20: {  	[sflag:s8] =	ssyncset.s32 @!p0 $0xFFFFF086;
	s6 =	sadd.s32 @!p0 s3, s7;
	s7 =	simm.s32 @!p0 $0x108  }
0x21: {  	s3 =	sadd.s32 s3, s9;
	s6 =	sadd.s32 @!p0 $0x88, s6;
	s7 =	simm.s32 @p2 $0x1082  }
0x22: {  	[simem:s7], [sflag:s8] =	dma.local @!p0 [hbm:s6], $0xF7A  }
0x23: {  	s9 =	sor.u32 $0xD0000000, s2;
	s6 =	simm.s32 $0x108;
	_ =	swait.ge @!p0 [sflag:s8], $0x0  }
0x24: {  	s3 =	sadd.s32 $0x88, s3;
	s6 =	simm.s32 @!p1 $0x1082;
	[sflag:s4] =	ssyncset.s32 $0xFFFFF086  }
0x25: {  	[simem:s6], [sflag:s4] =	dma.local [hbm:s3], $0xF7A  }
0x26: {  	[smem:$0x3F97] =	sst s1;
	(tag) =	ssettag s2;
	_ =	strace s9  }
0x27: {  	s1 =	sld [smem:$0x3FA7]  }
0x28: {  	s2 =	sld [smem:$0x3FA8]  }
0x29: {  	s4 =	sld [smem:$0x3FAA]  }
0x2a: {  	p0 =	seq.s32 s5, $0x0;
	s5 =	sld [smem:$0x3FAB]  }
0x2b: {  	s6 =	sld [smem:$0x3FAC]  }
0x2c: {  	s7 =	sld [smem:$0x3FAD]  }
0x2d: {  	s3 =	simm.s32 $0x108;
	s8 =	sld [smem:$0x3FAE]  }
0x2e: {  	s3 =	simm.s32 @!p0 $0x1082;
	s9 =	sld [smem:$0x3FAF]  }
0x2f: {  	lr =	sadd.s32 s0, s3;
	s0 =	sld [smem:$0x3FA6]  }
0x30: {  	s3 =	sld [smem:$0x3FA9]  }
0x31: {  	[smem:$0x3FB2] =	sst s10  }
0x32: {  	s10 =	sld [smem:$0x3FB0];
	_ =	sdelay $0x3  }
0x33: {  	p0 =	seq.s32 s10, $0x1;
	s10 =	sld [smem:$0x3FB2];
	_ =	sdelay $0x3  }
0x34: {  	[smem:$0x3FB2] =	sst s10  }
0x35: {  	s10 =	sld [smem:$0x3FB1];
	_ =	sdelay $0x3  }
0x36: {  	p1 =	seq.s32 s10, $0x1;
	s10 =	sld [smem:$0x3FB2];
	_ =	sdelay $0x3  }
0x37: {  	[smem:$0x3FB2] =	sst s10  }
0x38: {  	s10 =	sld [smem:$0x3FB3]  }
0x39: {  	_ = 	snop;
	(pc) =	sbr.ind lr, $3  }
0x3a: {  	_ = 	snop  }
0x3b: {  	_ = 	snop  }
0x3c: {  	p2 =	seq.s32 s10, $0x1;
	s10 =	sld [smem:$0x3FB2]  }
0x3d: {  	_ =	shalt  }
0x3e: {  	_ =	shalt  }
0x3f: {  	_ =	shalt  }
0x40: {  	_ =	shalt  }
0x41: {  	_ =	shalt  }
0x42: {  	_ =	shalt  }
0x43: {  	_ =	shalt  }
0x44: {  	_ =	shalt  }
0x45: {  	_ =	shalt  }
0x46: {  	_ =	shalt  }
0x47: {  	_ =	shalt  }
0x48: {  	_ =	shalt  }
0x49: {  	_ =	shalt  }
0x4a: {  	_ =	shalt  }
0x4b: {  	_ =	shalt  }
0x4c: {  	_ =	shalt  }
0x4d: {  	_ =	shalt  }
0x4e: {  	_ =	shalt  }
0x4f: {  	_ =	shalt  }
0x50: {  	_ =	shalt  }
0x51: {  	_ =	shalt  }
0x52: {  	_ =	shalt  }
0x53: {  	_ =	shalt  }
0x54: {  	_ =	shalt  }
0x55: {  	_ =	shalt  }
0x56: {  	_ =	shalt  }
0x57: {  	_ =	shalt  }
0x58: {  	_ =	shalt  }
0x59: {  	_ =	shalt  }
0x5a: {  	_ =	shalt  }
0x5b: {  	_ =	shalt  }
0x5c: {  	_ =	shalt  }
0x5d: {  	_ =	shalt  }
0x5e: {  	_ =	shalt  }
0x5f: {  	_ =	shalt  }
0x60: {  	_ =	shalt  }
0x61: {  	_ =	shalt  }
0x62: {  	_ =	shalt  }
0x63: {  	_ =	shalt  }
0x64: {  	_ =	shalt  }
0x65: {  	_ =	shalt  }
0x66: {  	_ =	shalt  }
0x67: {  	_ =	shalt  }
0x68: {  	_ =	shalt  }
0x69: {  	_ =	shalt  }
0x6a: {  	_ =	shalt  }
0x6b: {  	_ =	shalt  }
0x6c: {  	_ =	shalt  }
0x6d: {  	_ =	shalt  }
0x6e: {  	_ =	shalt  }
0x6f: {  	_ =	shalt  }
0x70: {  	_ =	shalt  }
0x71: {  	_ =	shalt  }
0x72: {  	_ =	shalt  }
0x73: {  	_ =	shalt  }
0x74: {  	_ =	shalt  }
0x75: {  	_ =	shalt  }
0x76: {  	_ =	shalt  }
0x77: {  	_ =	shalt  }
0x78: {  	_ =	shalt  }
0x79: {  	_ =	shalt  }
0x7a: {  	_ =	shalt  }
0x7b: {  	_ =	shalt  }
0x7c: {  	_ =	shalt  }
0x7d: {  	_ =	shalt  }
0x7e: {  	_ =	shalt  }
0x7f: {  	_ =	shalt  }
0x80: {  	_ =	shalt  }
0x81: {  	_ =	shalt  }
0x82: {  	_ =	shalt  }
0x83: {  	_ =	shalt  }
0x84: {  	_ =	shalt  }
0x85: {  	_ =	shalt  }
0x86: {  	_ =	shalt  }
0x87: {  	_ =	shalt  }
.Lfunc_end0:
.L_simem_size_0:
called_computation.1_lowered:
.L_overlay_start_0:
0x88: {  	s2 =	sld [smem:$0x3FD9]  }
0x89: {  	s3 =	sld [smem:$0x3FFE];
	_ =	sdelay $0x1  }
0x8a: {  	s1 =	srdreg.scid  }
0x8b: {  	s0 =	sand.u32 $0x1, s1  }
0x8c: {  	s14 =	sshll.u32 s0, $0xA;
	s2 =	sadd.s32 s3, s2  }
0x8d: {  	s2 =	sadd.s32 s2, s14  }
0x8e: {  	[smem:$0x3FBE] =	sst s2  }
0x8f: {  	_ = 	snop  }
0x90: {  	s2 =	sld [smem:$0x3FD0];
	_ =	sdelay $0x2  }
0x91: {  	s15 =	simm.s32 $0xA;
	s4 =	simm.s32 $0x10  }
0x92: {  	[smem:s4], [sflag:s15] =	dma.local [hbm:s2], $0x1  }
0x93: {  	_ =	swait.eq [sflag:s15], $0x1  }
0x94: {  	[sflag:s15] =	ssyncset.done $0x0  }
0x95: {  	[sflag:s15] =	ssyncadd.s32 $0xFFFFFFFF  }
0x96: {  	s16 =	sld [smem:$0x11];
	(tm) =	ssettm $0x1  }
0x97: {  	s17 =	sld [smem:$0x3FFB];
	_ =	sdelay $0x3  }
0x98: {  	_ =	strace s17  }
0x99: {  	s3 =	sld [smem:$0x3FFC];
	_ =	sdelay $0x3  }
0x9a: {  	_ =	strace s3  }
0x9b: {  	s3 =	sld [smem:$0x3FFD];
	_ =	sdelay $0x3  }
0x9c: {  	_ =	strace s3  }
0x9d: {  	_ =	strace $0x8FFFFFFF  }
0x9e: {  	s18 =	sld [smem:$0x3FDB];
	_ =	sdelay $0x1  }
0x9f: {  	s19 =	simm.s32 $_scs_section_size  }
0xa0: {  	s5 =	simm.s32 $_size__tile_overlayer_lowered;
	s6 =	simm.s32 $_tile_overlayer_lowered  }
0xa1: {  	s22 =	simm.s32 $0x1BFF;
	s21 =	sshll.u32 s6, $0x1;
	s3 =	sadd.s32 s19, s18  }
0xa2: {  	s7 =	simm.s32 $0x0;
	s20 =	sshll.u32 s5, $0x1;
	s5 =	sadd.s32 s21, s3  }
0xa3: {  	[timem:s7], [sflag:s22] =	dma.local [hbm:s5], s20  }
0xa4: {  	_ =	swait.ge [sflag:s22], s20  }
0xa5: {  	s4 =	ssub.s32 $0x0, s20;
	[sflag:s22] =	ssyncset.done $0x0  }
0xa6: {  	[sflag:s22] =	ssyncadd.s32 s4;
	_ =	sdelay $0x1  }
0xa7: {  	s23 =	simm.s32 $0x1B8B  }
0xa8: {  	_ =	swait.ge [sflag:s23], $0x1  }
0xa9: {  	[sflag:s23] =	ssyncset.done $0x0  }
0xaa: {  	s25 =	simm.s32 $0x1B8E;
	s24 =	sld [smem:$0x3FFE];
	[sflag:s23] =	ssyncadd.s32 $0xFFFFFFFF  }
0xab: {  	s26 =	simm.s32 $execute0_lowered;
	[smem:$0x3FD2] =	sst s25  }
0xac: {  	s5 =	sshll.u32 s26, $0x1;
	_ =	strace $0x80000049;
	[dreg:$0x1] =	wrdreg $0xFFFFFFFF  }
0xad: {  	s28 =	simm.s32 $_size_execute0_lowered;
	s3 =	sadd.s32 s3, s5;
	[dreg:$0x0] =	wrdreg $0x0  }
0xae: {  	s5 =	sshll.u32 s28, $0x1;
	[dreg:$0x2] =	wrdreg s3  }
0xaf: {  	[dreg:$0x3] =	wrdreg s5  }
0xb0: {  	[dreg:$0x4] =	wrdreg $0xC0  }
0xb1: {  	_ =	task [dreg:s7], $0x5FFFF  }
0xb2: {  	[dreg:$0x1] =	wrdreg $0xFFFFFFFF  }
0xb3: {  	[dreg:$0x0] =	wrdreg $0x60  }
0xb4: {  	[dreg:$0x2] =	wrdreg s24  }
0xb5: {  	[dreg:$0x3] =	wrdreg s16  }
0xb6: {  	[dreg:$0x4] =	wrdreg $0x9  }
0xb7: {  	_ =	task.clear_ibuf [dreg:s7], $0x5FFFF;
	_ =	strace $0x90000049  }
0xb8: {  	s29 =	simm.s32 $0x9;
	_ =	strace $0x8000004B  }
0xb9: {  	_ =	swait.ge [sflag:s29], $0x1  }
0xba: {  	[sflag:s29] =	ssyncadd.s32 $0xFFFFFFFF  }
0xbb: {  	_ =	strace $0x9000004B  }
0xbc: {  	_ =	sfence  }
0xbd: {  	s30 =	sld [smem:$0x0];
	_ =	sdelay $0x2  }
0xbe: {  	s31 =	sshll.u32 s1, $0xD;
	s1 =	sshrl.u32 s1, $0x2  }
0xbf: {  	s3 =	sand.u32 $0x4000, s31;
	s1 =	sadd.s32 s1, s30  }
0xc0: {  	s0 =	sor.u32 s3, s0;
	s1 =	sshll.u32 s1, $0x11  }
0xc1: {  	s0 =	sor.u32 s1, s0  }
0xc2: {  	s0 =	sadd.s32 $0x8F2B, s0  }
0xc3: {  	[sflag:s0] =	ssyncadd.remote.s32 $0x1  }
0xc4: {  	_ =	sfence.sel $0xFFFF  }
0xc5: {  	[dreg:$0x0] =	wrdreg $0xFFFFFFFF;
	(pc) =	sbr.abs _section_cstart, $3  }
0xc6: {  	[dreg:$0x1] =	wrdreg $0xFFFFFFFF  }
0xc7: {  	_ =	task.clear_ibuf [dreg:s7], $0x2FFFF;
	_ =	strace $0x9FFFFFFF  }
0xc8: {  	(tm) =	ssettm $0x7FFFFFFF  }
0xc9: {  	_ =	shalt  }
tec
execute0_lowered:
.L_overlay_start_1:
0x0: {  	(tag) =	ssettag $0x1  }
0x1: {  	s1 =	stileid.u32  }
0x2: {  	p0 =	sgt.u32 s1, $0x8  }
.Ltmp0:
0x3: {  	_ = 	snop;
	(pc) =	sbr.rel @p0 .LBB2_11-.Ltmp0, $4  }
0x4: {  	s6 =	rddreg [dreg:$0x0]  }
0x5: {  	s2 =	rddreg [dreg:$0x1];
	s3 =	simm.s32 $0x0  }
0x6: {  	[smem:$0x7FF] =	sst s3  }
0x7: {  	s0 =	rddreg [dreg:$0x2];
	_ =	strace $0x8000004A  }
0x8: {  	s4 =	srdreg.scid;
	s29 =	sshll.u32 s1, $0x1  }
0x9: {  	s11 =	sadd.s32 $0xCB000, s6;
	s14 =	simm.s32 $0x2EE0;
	s15 =	simm.s32 $0x3E80  }
0xa: {  	s16 =	simm.s32 $0x4E20;
	s17 =	simm.s32 $0x1;
	s9 =	sand.u32 $0x1, s4  }
0xb: {  	s18 =	simm.s32 $0x5DC0;
	s19 =	simm.s32 $0x2;
	s5 =	sor.u32 s9, s29  }
0xc: {  	s20 =	simm.s32 $0x3;
	s21 =	simm.s32 $0x12110;
	s4 =	smul.u32 $0x186A00, s5  }
0xd: {  	s9 =	ssub.s32 $0x2, s9;
	s7 =	sshllo.u32 s5, $0x1;
	s8 =	smul.u32 $0x30D4, s5  }
0xe: {  	s22 =	simm.s32 $0x0;
	s30 =	sshrl.u32 s9, $0x1;
	s10 =	smul.u32 $0x186A, s7  }
0xf: {  	s5 =	sadd.s32 $0xE0D000, s6;
	s6 =	smul.u32 $0xC3500, s7;
	s13 =	ssub.s32 s9, s30  }
0x10: {  	s7 =	sadd.s32 s11, s8;
	s12 =	sshrl.u32 s4, $0x3;
	s8 =	sadd.s32 s11, s10  }
0x11: {  	s31 =	sshrl.u32 s6, $0x3;
	s10 =	sadd.s32 s5, s12;
	s11 =	smax.u32 s13, $0x1  }
0x12: {  	v0 =	vimm.f32 $0.0e+00;
	s12 =	simm.s32 $0xFA0;
	s13 =	simm.s32 $0x1F40;
	s9 =	sadd.s32 s5, s31  }
.LBB2_2:
0x13: {  	s23 =	simm.s32 $0x40;
	s24 =	simm.s32 $0x0  }
.LBB2_3:
0x14: {  	p0 =	sne.s32 s23, $0x61A40;
	[tilespmem:s24+$0x5DC0] =	vst v0;
	s24 =	smov.u32 s23;
	s23 =	sadd.s32 $0x40, s23  }
.Ltmp1:
0x15: {  	(pc) =	sbr.rel @p0 .LBB2_3-.Ltmp1, $2  }
0x16: {  	_ =	sdelay $0x2  }
0x17: {  	s24 =	sshra.s32 s24, $0x2  }
0x18: {  	[tilespmem:s24+$0x5DC0] =	vst v0;
	s23 =	simm.s32 $0x0  }
0x19: {  	[tilespmem:s23], [sflag:$0x1] =	stream.linear.gather [hbm4b:s2+s23], $0xFA0, $0x38;
	[tilespmem:$0x1E460] =	vst v63  }
0x1a: {  	_ = 	snop  }
0x1b: {  	[tilespmem:s12], [sflag:$0x1] =	stream.linear.gather [hbm4b:s10+s23], $0xFA0, $0x38;
	[tilespmem:$0x1E460] =	vst v63  }
0x1c: {  	_ = 	snop  }
0x1d: {  	[tilespmem:s13], [sflag:$0x1] =	stream.linear.gather [hbm4b:s9+s23], $0xFA0, $0x38;
	[tilespmem:$0x1E460] =	vst v63  }
.LBB2_5:
0x1e: {  	s24 =	smul.u32 $0x1F40, s23;
	_ =	sdelay $0x1  }
0x1f: {  	s25 =	sadd.s32 $0xFA0, s24  }
0x20: {  	s26 =	sshrl.u32 s25, $0x3  }
0x21: {  	s31 =	sadd.s32 s4, s25;
	s26 =	sadd.s32 s2, s26  }
0x22: {  	[tilespmem:s14], [sflag:$0x2] =	stream.linear.gather [hbm4b:s26+s3], $0xFA0, $0x38;
	[tilespmem:$0x1E460] =	vst v63  }
0x23: {  	s25 =	sadd.s32 s6, s25;
	s26 =	sshrl.u32 s31, $0x3  }
0x24: {  	s25 =	sshrl.u32 s25, $0x3;
	s26 =	sadd.s32 s5, s26  }
0x25: {  	[tilespmem:s15], [sflag:$0x2] =	stream.linear.gather [hbm4b:s26+s3], $0xFA0, $0x38;
	[tilespmem:$0x1E460] =	vst v63  }
0x26: {  	s25 =	sadd.s32 s5, s25  }
0x27: {  	[tilespmem:s16], [sflag:$0x2] =	stream.linear.gather [hbm4b:s25+s3], $0xFA0, $0x38;
	[tilespmem:$0x1E460] =	vst v63  }
0x28: {  	_ =	swait.ge [sflag:s17], $0xFA0  }
0x29: {  	[sflag:s17] =	ssyncset.done $0x0  }
0x2a: {  	[sflag:s17] =	ssyncadd.s32 $0xFFFFF060  }
0x2b: {  	_ =	swait.ge [sflag:s17], $0xFA0  }
0x2c: {  	[sflag:s17] =	ssyncset.done $0x0  }
0x2d: {  	[sflag:s17] =	ssyncadd.s32 $0xFFFFF060  }
0x2e: {  	_ =	swait.ge [sflag:s17], $0xFA0  }
0x2f: {  	s28 =	simm.s32 $0xFC0;
	s29 =	simm.s32 $0x1F60;
	[sflag:s17] =	ssyncset.done $0x0  }
0x30: {  	s26 =	simm.s32 $0x20;
	s25 =	simm.s32 $0xFFFFFFFC;
	[sflag:s17] =	ssyncadd.s32 $0xFFFFF060  }
.LBB2_6:
0x31: {  	v1 =	vld [tilespmem:s26+$0xFFFFFFE0];
	_ =	sdelay $0x2  }
0x32: {  	v2 =	vld [tilespmem:s28+$0xFFFFFFE0];
	_ =	sdelay $0x4  }
0x33: {  	[tilespmem:v1+s18+$0x0] =	vst.idx.add.f32.msk $0xffff, v2  }
0x34: {  	v1 =	vadd.s32 $0xC350, v1;
	v2 =	vld [tilespmem:s29+$0xFFFFFFE0];
	_ =	sdelay $0x4  }
0x35: {  	[tilespmem:v1+s18+$0x0] =	vst.idx.add.f32.msk $0xffff, v2  }
0x36: {  	v1 =	vld [tilespmem:s26+$0xFFFFFFF0];
	_ =	sdelay $0x2  }
0x37: {  	v2 =	vld [tilespmem:s28+$0xFFFFFFF0];
	_ =	sdelay $0x4  }
0x38: {  	[tilespmem:v1+s18+$0x0] =	vst.idx.add.f32.msk $0xffff, v2  }
0x39: {  	v1 =	vadd.s32 $0xC350, v1;
	v2 =	vld [tilespmem:s29+$0xFFFFFFF0];
	_ =	sdelay $0x4  }
0x3a: {  	[tilespmem:v1+s18+$0x0] =	vst.idx.add.f32.msk $0xffff, v2  }
0x3b: {  	v1 =	vld [tilespmem:s26+$0x0];
	_ =	sdelay $0x2  }
0x3c: {  	v2 =	vld [tilespmem:s28+$0x0];
	_ =	sdelay $0x4  }
0x3d: {  	[tilespmem:v1+s18+$0x0] =	vst.idx.add.f32.msk $0xffff, v2  }
0x3e: {  	v1 =	vadd.s32 $0xC350, v1;
	v2 =	vld [tilespmem:s29+$0x0];
	_ =	sdelay $0x4  }
0x3f: {  	[tilespmem:v1+s18+$0x0] =	vst.idx.add.f32.msk $0xffff, v2  }
0x40: {  	v1 =	vld [tilespmem:s26+$0x10];
	_ =	sdelay $0x2  }
0x41: {  	v2 =	vld [tilespmem:s28+$0x10];
	_ =	sdelay $0x4  }
0x42: {  	s25 =	sadd.s32 $0x4, s25;
	[tilespmem:v1+s18+$0x0] =	vst.idx.add.f32.msk $0xffff, v2  }
0x43: {  	p0 =	slt.u32 s25, $0xF4;
	v1 =	vadd.s32 $0xC350, v1;
	v2 =	vld [tilespmem:s29+$0x10]  }
.Ltmp2:
0x44: {  	_ = 	snop;
	(pc) =	sbr.rel @p0 .LBB2_6-.Ltmp2, $2  }
0x45: {  	_ =	sdelay $0x2  }
0x46: {  	s26 =	sadd.s32 $0x40, s26;
	s28 =	sadd.s32 $0x40, s28;
	s29 =	sadd.s32 $0x40, s29;
	[tilespmem:v1+s18+$0x0] =	vst.idx.add.f32.msk $0xffff, v2  }
0x47: {  	v1 =	vld [tilespmem:$0xF80];
	_ =	sdelay $0x2  }
0x48: {  	v2 =	vld [tilespmem:$0x1F20];
	_ =	sdelay $0x4  }
0x49: {  	[tilespmem:v1+s18+$0x0] =	vst.idx.add.f32.msk $0xffff, v2  }
0x4a: {  	v1 =	vadd.s32 $0xC350, v1;
	v2 =	vld [tilespmem:$0x2EC0];
	_ =	sdelay $0x4  }
0x4b: {  	[tilespmem:v1+s18+$0x0] =	vst.idx.add.f32.msk $0xffff, v2  }
0x4c: {  	v1 =	vld [tilespmem:$0xF90];
	_ =	sdelay $0x2  }
0x4d: {  	v2 =	vld [tilespmem:$0x1F30];
	_ =	sdelay $0x4  }
0x4e: {  	[tilespmem:v1+s18+$0x0] =	vst.idx.add.f32.msk $0xffff, v2  }
0x4f: {  	v1 =	vadd.s32 $0xC350, v1;
	v2 =	vld [tilespmem:$0x2ED0];
	_ =	sdelay $0x1  }
0x50: {  	p0 =	seq.s32 s23, $0x63  }
0x51: {  	s24 =	sadd.s32 @!p0 $0x1F40, s24  }
0x52: {  	s25 =	sshrl.u32 @!p0 s24, $0x3  }
0x53: {  	s26 =	simm.s32 @!p0 $0x0;
	s25 =	sadd.s32 @!p0 s2, s25;
	[tilespmem:v1+s18+$0x0] =	vst.idx.add.f32.msk $0xffff, v2  }
0x54: {  	[tilespmem:s26], [sflag:$0x1] =	stream.linear.gather @!p0 [hbm4b:s25+s26], $0xFA0, $0x38;
	[tilespmem:$0x1E460] =	vst v63  }
0x55: {  	s25 =	sadd.s32 @!p0 s4, s24  }
0x56: {  	s24 =	sadd.s32 @!p0 s6, s24;
	s25 =	sshrl.u32 @!p0 s25, $0x3  }
0x57: {  	s28 =	simm.s32 @!p0 $0xFA0;
	s24 =	sshrl.u32 @!p0 s24, $0x3;
	s25 =	sadd.s32 @!p0 s5, s25  }
0x58: {  	[tilespmem:s28], [sflag:$0x1] =	stream.linear.gather @!p0 [hbm4b:s25+s26], $0xFA0, $0x38;
	[tilespmem:$0x1E460] =	vst v63  }
0x59: {  	s24 =	sadd.s32 @!p0 s5, s24;
	s25 =	simm.s32 @!p0 $0x1F40  }
0x5a: {  	[tilespmem:s25], [sflag:$0x1] =	stream.linear.gather @!p0 [hbm4b:s24+s26], $0xFA0, $0x38;
	[tilespmem:$0x1E460] =	vst v63  }
0x5b: {  	_ =	swait.ge [sflag:s19], $0xFA0  }
0x5c: {  	[sflag:s19] =	ssyncset.done $0x0  }
0x5d: {  	[sflag:s19] =	ssyncadd.s32 $0xFFFFF060  }
0x5e: {  	_ =	swait.ge [sflag:s19], $0xFA0  }
0x5f: {  	[sflag:s19] =	ssyncset.done $0x0  }
0x60: {  	[sflag:s19] =	ssyncadd.s32 $0xFFFFF060  }
0x61: {  	_ =	swait.ge [sflag:s19], $0xFA0  }
0x62: {  	s28 =	simm.s32 $0x4E40;
	s24 =	simm.s32 $0xFFFFFFFC;
	[sflag:s19] =	ssyncset.done $0x0  }
0x63: {  	s25 =	simm.s32 $0x2F00;
	s26 =	simm.s32 $0x3EA0;
	[sflag:s19] =	ssyncadd.s32 $0xFFFFF060  }
.LBB2_8:
0x64: {  	v1 =	vld [tilespmem:s25+$0xFFFFFFE0];
	_ =	sdelay $0x2  }
0x65: {  	v2 =	vld [tilespmem:s26+$0xFFFFFFE0];
	_ =	sdelay $0x4  }
0x66: {  	[tilespmem:v1+s18+$0x0] =	vst.idx.add.f32.msk $0xffff, v2  }
0x67: {  	v1 =	vadd.s32 $0xC350, v1;
	v2 =	vld [tilespmem:s28+$0xFFFFFFE0];
	_ =	sdelay $0x4  }
0x68: {  	[tilespmem:v1+s18+$0x0] =	vst.idx.add.f32.msk $0xffff, v2  }
0x69: {  	v1 =	vld [tilespmem:s25+$0xFFFFFFF0];
	_ =	sdelay $0x2  }
0x6a: {  	v2 =	vld [tilespmem:s26+$0xFFFFFFF0];
	_ =	sdelay $0x4  }
0x6b: {  	[tilespmem:v1+s18+$0x0] =	vst.idx.add.f32.msk $0xffff, v2  }
0x6c: {  	v1 =	vadd.s32 $0xC350, v1;
	v2 =	vld [tilespmem:s28+$0xFFFFFFF0];
	_ =	sdelay $0x4  }
0x6d: {  	[tilespmem:v1+s18+$0x0] =	vst.idx.add.f32.msk $0xffff, v2  }
0x6e: {  	v1 =	vld [tilespmem:s25+$0x0];
	_ =	sdelay $0x2  }
0x6f: {  	v2 =	vld [tilespmem:s26+$0x0];
	_ =	sdelay $0x4  }
0x70: {  	[tilespmem:v1+s18+$0x0] =	vst.idx.add.f32.msk $0xffff, v2  }
0x71: {  	v1 =	vadd.s32 $0xC350, v1;
	v2 =	vld [tilespmem:s28+$0x0];
	_ =	sdelay $0x4  }
0x72: {  	[tilespmem:v1+s18+$0x0] =	vst.idx.add.f32.msk $0xffff, v2  }
0x73: {  	v1 =	vld [tilespmem:s25+$0x10];
	_ =	sdelay $0x2  }
0x74: {  	v2 =	vld [tilespmem:s26+$0x10];
	_ =	sdelay $0x4  }
0x75: {  	s24 =	sadd.s32 $0x4, s24;
	[tilespmem:v1+s18+$0x0] =	vst.idx.add.f32.msk $0xffff, v2  }
0x76: {  	p0 =	slt.u32 s24, $0xF4;
	v1 =	vadd.s32 $0xC350, v1;
	v2 =	vld [tilespmem:s28+$0x10]  }
.Ltmp3:
0x77: {  	_ = 	snop;
	(pc) =	sbr.rel @p0 .LBB2_8-.Ltmp3, $2  }
0x78: {  	_ =	sdelay $0x2  }
0x79: {  	s25 =	sadd.s32 $0x40, s25;
	s26 =	sadd.s32 $0x40, s26;
	s28 =	sadd.s32 $0x40, s28;
	[tilespmem:v1+s18+$0x0] =	vst.idx.add.f32.msk $0xffff, v2  }
0x7a: {  	v1 =	vld [tilespmem:$0x3E60];
	_ =	sdelay $0x2  }
0x7b: {  	v2 =	vld [tilespmem:$0x4E00];
	_ =	sdelay $0x4  }
0x7c: {  	[tilespmem:v1+s18+$0x0] =	vst.idx.add.f32.msk $0xffff, v2  }
0x7d: {  	v1 =	vadd.s32 $0xC350, v1;
	v2 =	vld [tilespmem:$0x5DA0];
	_ =	sdelay $0x4  }
0x7e: {  	[tilespmem:v1+s18+$0x0] =	vst.idx.add.f32.msk $0xffff, v2  }
0x7f: {  	v1 =	vld [tilespmem:$0x3E70];
	_ =	sdelay $0x2  }
0x80: {  	v2 =	vld [tilespmem:$0x4E10];
	_ =	sdelay $0x4  }
0x81: {  	s23 =	sadd.s32 $0x1, s23;
	[tilespmem:v1+s18+$0x0] =	vst.idx.add.f32.msk $0xffff, v2  }
0x82: {  	p0 =	sne.s32 s23, $0x64;
	v1 =	vadd.s32 $0xC350, v1;
	v2 =	vld [tilespmem:$0x5DB0]  }
.Ltmp4:
0x83: {  	_ = 	snop;
	(pc) =	sbr.rel @p0 .LBB2_5-.Ltmp4, $2  }
0x84: {  	_ =	sdelay $0x2  }
0x85: {  	[tilespmem:v1+s18+$0x0] =	vst.idx.add.f32.msk $0xffff, v2  }
0x86: {  	[hbm4b:s7+s3] =	stream.linear.scatter [tilespmem:s18], [sflag:$0x3], $0xC350, $0x38;
	[tilespmem:$0x1E460] =	vst v63  }
0x87: {  	s22 =	sadd.s32 $0x1, s22;
	_ =	swait.ge [sflag:s20], $0xC350  }
0x88: {  	p0 =	sne.s32 s22, s11;
	[sflag:s20] =	ssyncset.done $0x0  }
.Ltmp5:
0x89: {  	[sflag:s20] =	ssyncadd.s32 $0xFFFF3CB0;
	(pc) =	sbr.rel @p0 .LBB2_2-.Ltmp5, $4  }
0x8a: {  	[hbm4b:s8+s3] =	stream.linear.scatter [tilespmem:s21], [sflag:$0x3], $0xC350, $0x38;
	[tilespmem:$0x1E460] =	vst v63  }
0x8b: {  	_ =	swait.ge [sflag:s20], $0xC350  }
0x8c: {  	[sflag:s20] =	ssyncset.done $0x0  }
0x8d: {  	[sflag:s20] =	ssyncadd.s32 $0xFFFF3CB0  }
.LBB2_11:
0x8e: {  	_ =	sfence.sel $0x180000  }
0x8f: {  	[bflag:$0x0] =	sbarrier.arrive $0xFFFF  }
0x90: {  	p0 =	sne.s32 s1, $0x0;
	_ =	strace $0x9000004A  }
0x91: {  	s0 =	sadd.s32 @!p0 $0x100000, s0;
	[bflag:$0x2] =	sbarrier.arrive $0xFFFF  }
0x92: {  	[sflag:s0] =	ssyncadd.tile.s32 @!p0 $0x1;
	_ =	shalt  }
.Lfunc_end2:
_tile_overlayer_lowered:
.L_overlay_start_2:
0x93: {  	(tag) =	ssettag $0x2  }
0x94: {  	s0 =	rddreg [dreg:$0x0];
	s2 =	stileid.u32  }
0x95: {  	s1 =	rddreg [dreg:$0x1];
	p0 =	sne.s32 s2, $0x0  }
0x96: {  	s3 =	rddreg [dreg:$0x2];
	[bflag:$0x3] =	sbarrier.arrive $0xFFFF;
	s2 =	simm.s32 @!p0 $0x1C03  }
0x97: {  	[timem:s3], [sflag:s2] =	dma.local @!p0 [hbm:s0], s1  }
0x98: {  	s0 =	simm.s32 @!p0 $0x3  }
0x99: {  	_ =	swait.ge @!p0 [sflag:s0], s1  }
0x9a: {  	s1 =	ssub.s32 @!p0 $0x0, s1;
	[sflag:s0] =	ssyncset.done @!p0 $0x0  }
0x9b: {  	[sflag:s0] =	ssyncadd.s32 @!p0 s1  }
0x9c: {  	[bflag:$0x3] =	sbarrier.arrive $0xFFFF  }
0x9d: {  	_ =	shalt  }

// kernel: kernel.17.cloned.1.call-start
scs
__scs_entry_jumppad:
0x0: {  	(pc) =	sbr.rel $0x88, $3  }
0x1: {  	(tag) =	ssettag $0x0;
	lr =	simm.s32 $0x1  }
0x2: {  	[smem:$0x3F97] =	sst lr;
	_ =	strace $0xD0000000  }
0x3: {  	_ = 	snop  }
0x4: {  	_ = 	snop  }
0x5: {  	_ = 	snop  }
0x6: {  	_ = 	snop  }
0x7: {  	_ = 	snop  }
__scs_overlays_trampoline_lowered:
0x8: {  	[smem:$0x3FA6] =	sst s0  }
0x9: {  	[smem:$0x3FA7] =	sst s1  }
0xa: {  	[smem:$0x3FA8] =	sst s2  }
0xb: {  	[smem:$0x3FA9] =	sst s3  }
0xc: {  	[smem:$0x3FAA] =	sst s4  }
0xd: {  	[smem:$0x3FAB] =	sst s5  }
0xe: {  	[smem:$0x3FAC] =	sst s6  }
0xf: {  	[smem:$0x3FAD] =	sst s7  }
0x10: {  	[smem:$0x3FAE] =	sst s8  }
0x11: {  	[smem:$0x3FAF] =	sst s9;
	s0 =	simm.s32 @!p0 $0x0  }
0x12: {  	s1 =	sld [smem:$0x3F95];
	s0 =	simm.s32 @p0 $0x1  }
0x13: {  	[smem:$0x3FB0] =	sst s0;
	s0 =	simm.s32 @!p1 $0x0  }
0x14: {  	s2 =	sld [smem:$0x3F94];
	s0 =	simm.s32 @p1 $0x1  }
0x15: {  	[smem:$0x3FB1] =	sst s0;
	s0 =	simm.s32 @!p2 $0x0  }
0x16: {  	s3 =	sld [smem:$0x3FDB];
	s0 =	simm.s32 @p2 $0x1  }
0x17: {  	s4 =	simm.s32 $0x1BF5;
	[smem:$0x3FB3] =	sst s0  }
0x18: {  	s0 =	sld [smem:$0x3F96];
	_ =	swait.ge [sflag:s4], $0x0  }
0x19: {  	s7 =	sld [smem:$0x3F97]  }
0x1a: {  	s8 =	sadd.s32 $0xFFFFE003, lr  }
0x1b: {  	s9 =	sadd.s32 $0xFFFFFEF7, lr;
	s5 =	simm.s32 $0xFFFFFFFF;
	p2 =	slt.u32 s8, $0xFFFFF086  }
0x1c: {  	p1 =	slt.u32 s9, $0xF7A;
	s5 =	simm.s32 @!p2 $0x0  }
0x1d: {  	s5 =	simm.s32 @p1 $0x1;
	p0 =	seq.s32 s7, s2  }
0x1e: {  	s7 =	smul.u32 @!p0 $0xF7A, s2;
	p2 =	seq.s32 @!p0 s5, $0x0  }
0x1f: {  	s9 =	smul.u32 $0xF7A, s1;
	s8 =	simm.s32 @!p0 $0x1BF5;
	p2 =	por !p2, p0  }
0x20: {  	[sflag:s8] =	ssyncset.s32 @!p0 $0xFFFFF086;
	s6 =	sadd.s32 @!p0 s3, s7;
	s7 =	simm.s32 @!p0 $0x108  }
0x21: {  	s3 =	sadd.s32 s3, s9;
	s6 =	sadd.s32 @!p0 $0x88, s6;
	s7 =	simm.s32 @p2 $0x1082  }
0x22: {  	[simem:s7], [sflag:s8] =	dma.local @!p0 [hbm:s6], $0xF7A  }
0x23: {  	s9 =	sor.u32 $0xD0000000, s2;
	s6 =	simm.s32 $0x108;
	_ =	swait.ge @!p0 [sflag:s8], $0x0  }
0x24: {  	s3 =	sadd.s32 $0x88, s3;
	s6 =	simm.s32 @!p1 $0x1082;
	[sflag:s4] =	ssyncset.s32 $0xFFFFF086  }
0x25: {  	[simem:s6], [sflag:s4] =	dma.local [hbm:s3], $0xF7A  }
0x26: {  	[smem:$0x3F97] =	sst s1;
	(tag) =	ssettag s2;
	_ =	strace s9  }
0x27: {  	s1 =	sld [smem:$0x3FA7]  }
0x28: {  	s2 =	sld [smem:$0x3FA8]  }
0x29: {  	s4 =	sld [smem:$0x3FAA]  }
0x2a: {  	p0 =	seq.s32 s5, $0x0;
	s5 =	sld [smem:$0x3FAB]  }
0x2b: {  	s6 =	sld [smem:$0x3FAC]  }
0x2c: {  	s7 =	sld [smem:$0x3FAD]  }
0x2d: {  	s3 =	simm.s32 $0x108;
	s8 =	sld [smem:$0x3FAE]  }
0x2e: {  	s3 =	simm.s32 @!p0 $0x1082;
	s9 =	sld [smem:$0x3FAF]  }
0x2f: {  	lr =	sadd.s32 s0, s3;
	s0 =	sld [smem:$0x3FA6]  }
0x30: {  	s3 =	sld [smem:$0x3FA9]  }
0x31: {  	[smem:$0x3FB2] =	sst s10  }
0x32: {  	s10 =	sld [smem:$0x3FB0];
	_ =	sdelay $0x3  }
0x33: {  	p0 =	seq.s32 s10, $0x1;
	s10 =	sld [smem:$0x3FB2];
	_ =	sdelay $0x3  }
0x34: {  	[smem:$0x3FB2] =	sst s10  }
0x35: {  	s10 =	sld [smem:$0x3FB1];
	_ =	sdelay $0x3  }
0x36: {  	p1 =	seq.s32 s10, $0x1;
	s10 =	sld [smem:$0x3FB2];
	_ =	sdelay $0x3  }
0x37: {  	[smem:$0x3FB2] =	sst s10  }
0x38: {  	s10 =	sld [smem:$0x3FB3]  }
0x39: {  	_ = 	snop;
	(pc) =	sbr.ind lr, $3  }
0x3a: {  	_ = 	snop  }
0x3b: {  	_ = 	snop  }
0x3c: {  	p2 =	seq.s32 s10, $0x1;
	s10 =	sld [smem:$0x3FB2]  }
0x3d: {  	_ =	shalt  }
0x3e: {  	_ =	shalt  }
0x3f: {  	_ =	shalt  }
0x40: {  	_ =	shalt  }
0x41: {  	_ =	shalt  }
0x42: {  	_ =	shalt  }
0x43: {  	_ =	shalt  }
0x44: {  	_ =	shalt  }
0x45: {  	_ =	shalt  }
0x46: {  	_ =	shalt  }
0x47: {  	_ =	shalt  }
0x48: {  	_ =	shalt  }
0x49: {  	_ =	shalt  }
0x4a: {  	_ =	shalt  }
0x4b: {  	_ =	shalt  }
0x4c: {  	_ =	shalt  }
0x4d: {  	_ =	shalt  }
0x4e: {  	_ =	shalt  }
0x4f: {  	_ =	shalt  }
0x50: {  	_ =	shalt  }
0x51: {  	_ =	shalt  }
0x52: {  	_ =	shalt  }
0x53: {  	_ =	shalt  }
0x54: {  	_ =	shalt  }
0x55: {  	_ =	shalt  }
0x56: {  	_ =	shalt  }
0x57: {  	_ =	shalt  }
0x58: {  	_ =	shalt  }
0x59: {  	_ =	shalt  }
0x5a: {  	_ =	shalt  }
0x5b: {  	_ =	shalt  }
0x5c: {  	_ =	shalt  }
0x5d: {  	_ =	shalt  }
0x5e: {  	_ =	shalt  }
0x5f: {  	_ =	shalt  }
0x60: {  	_ =	shalt  }
0x61: {  	_ =	shalt  }
0x62: {  	_ =	shalt  }
0x63: {  	_ =	shalt  }
0x64: {  	_ =	shalt  }
0x65: {  	_ =	shalt  }
0x66: {  	_ =	shalt  }
0x67: {  	_ =	shalt  }
0x68: {  	_ =	shalt  }
0x69: {  	_ =	shalt  }
0x6a: {  	_ =	shalt  }
0x6b: {  	_ =	shalt  }
0x6c: {  	_ =	shalt  }
0x6d: {  	_ =	shalt  }
0x6e: {  	_ =	shalt  }
0x6f: {  	_ =	shalt  }
0x70: {  	_ =	shalt  }
0x71: {  	_ =	shalt  }
0x72: {  	_ =	shalt  }
0x73: {  	_ =	shalt  }
0x74: {  	_ =	shalt  }
0x75: {  	_ =	shalt  }
0x76: {  	_ =	shalt  }
0x77: {  	_ =	shalt  }
0x78: {  	_ =	shalt  }
0x79: {  	_ =	shalt  }
0x7a: {  	_ =	shalt  }
0x7b: {  	_ =	shalt  }
0x7c: {  	_ =	shalt  }
0x7d: {  	_ =	shalt  }
0x7e: {  	_ =	shalt  }
0x7f: {  	_ =	shalt  }
0x80: {  	_ =	shalt  }
0x81: {  	_ =	shalt  }
0x82: {  	_ =	shalt  }
0x83: {  	_ =	shalt  }
0x84: {  	_ =	shalt  }
0x85: {  	_ =	shalt  }
0x86: {  	_ =	shalt  }
0x87: {  	_ =	shalt  }
.Lfunc_end0:
.L_simem_size_0:
called_computation.2_lowered:
.L_overlay_start_0:
0x88: {  	s2 =	sld [smem:$0x3FD9]  }
0x89: {  	s3 =	sld [smem:$0x3FFE];
	_ =	sdelay $0x1  }
0x8a: {  	s1 =	srdreg.scid  }
0x8b: {  	s0 =	sand.u32 $0x1, s1  }
0x8c: {  	s14 =	sshll.u32 s0, $0xA;
	s2 =	sadd.s32 s3, s2  }
0x8d: {  	s2 =	sadd.s32 s2, s14  }
0x8e: {  	[smem:$0x3FBE] =	sst s2  }
0x8f: {  	_ = 	snop  }
0x90: {  	s2 =	sld [smem:$0x3FD0];
	_ =	sdelay $0x2  }
0x91: {  	s15 =	simm.s32 $0xA;
	s4 =	simm.s32 $0x10  }
0x92: {  	[smem:s4], [sflag:s15] =	dma.local [hbm:s2], $0x1  }
0x93: {  	_ =	swait.eq [sflag:s15], $0x1  }
0x94: {  	[sflag:s15] =	ssyncset.done $0x0  }
0x95: {  	s16 =	sld [smem:$0x10];
	[sflag:s15] =	ssyncadd.s32 $0xFFFFFFFF  }
0x96: {  	s17 =	sld [smem:$0x11];
	(tm) =	ssettm $0x1  }
0x97: {  	s18 =	sld [smem:$0x3FFB];
	_ =	sdelay $0x3  }
0x98: {  	_ =	strace s18  }
0x99: {  	s4 =	sld [smem:$0x3FFC];
	_ =	sdelay $0x3  }
0x9a: {  	_ =	strace s4  }
0x9b: {  	s4 =	sld [smem:$0x3FFD];
	_ =	sdelay $0x3  }
0x9c: {  	_ =	strace s4  }
0x9d: {  	_ =	strace $0x8FFFFFFF  }
0x9e: {  	s19 =	sld [smem:$0x3FDB];
	_ =	sdelay $0x1  }
0x9f: {  	s5 =	simm.s32 $_scs_section_size  }
0xa0: {  	s6 =	simm.s32 $_size__tile_overlayer_lowered;
	s7 =	simm.s32 $_tile_overlayer_lowered  }
0xa1: {  	s22 =	simm.s32 $0x1BFF;
	s21 =	sshll.u32 s7, $0x1;
	s4 =	sadd.s32 s5, s19  }
0xa2: {  	s8 =	simm.s32 $0x0;
	s20 =	sshll.u32 s6, $0x1;
	s6 =	sadd.s32 s21, s4  }
0xa3: {  	[timem:s8], [sflag:s22] =	dma.local [hbm:s6], s20  }
0xa4: {  	_ =	swait.ge [sflag:s22], s20  }
0xa5: {  	s5 =	ssub.s32 $0x0, s20;
	[sflag:s22] =	ssyncset.done $0x0  }
0xa6: {  	[sflag:s22] =	ssyncadd.s32 s5;
	_ =	sdelay $0x1  }
0xa7: {  	s23 =	simm.s32 $0x1B8B  }
0xa8: {  	_ =	swait.ge [sflag:s23], $0x1  }
0xa9: {  	[sflag:s23] =	ssyncset.done $0x0  }
0xaa: {  	s25 =	simm.s32 $0x1B8E;
	s24 =	sld [smem:$0x3FFE];
	[sflag:s23] =	ssyncadd.s32 $0xFFFFFFFF  }
0xab: {  	s26 =	simm.s32 $execute0_lowered;
	[smem:$0x3FD2] =	sst s25  }
0xac: {  	s6 =	sshll.u32 s26, $0x1;
	_ =	strace $0x8000004C;
	[dreg:$0x1] =	wrdreg $0xFFFFFFFF  }
0xad: {  	s28 =	simm.s32 $_size_execute0_lowered;
	s4 =	sadd.s32 s4, s6;
	[dreg:$0x0] =	wrdreg $0x0  }
0xae: {  	s6 =	sshll.u32 s28, $0x1;
	[dreg:$0x2] =	wrdreg s4  }
0xaf: {  	[dreg:$0x3] =	wrdreg s6  }
0xb0: {  	[dreg:$0x4] =	wrdreg $0xC0  }
0xb1: {  	_ =	task [dreg:s8], $0x5FFFF  }
0xb2: {  	[dreg:$0x1] =	wrdreg $0xFFFFFFFF  }
0xb3: {  	[dreg:$0x0] =	wrdreg $0x60  }
0xb4: {  	[dreg:$0x2] =	wrdreg s24  }
0xb5: {  	[dreg:$0x3] =	wrdreg s16  }
0xb6: {  	[dreg:$0x4] =	wrdreg s17  }
0xb7: {  	[dreg:$0x5] =	wrdreg $0x9  }
0xb8: {  	_ =	task.clear_ibuf [dreg:s8], $0x6FFFF;
	_ =	strace $0x9000004C  }
0xb9: {  	s29 =	simm.s32 $0x9;
	_ =	strace $0x8000004E  }
0xba: {  	_ =	swait.ge [sflag:s29], $0x1  }
0xbb: {  	[sflag:s29] =	ssyncadd.s32 $0xFFFFFFFF  }
0xbc: {  	_ =	strace $0x9000004E  }
0xbd: {  	_ =	sfence  }
0xbe: {  	s30 =	sld [smem:$0x0];
	_ =	sdelay $0x2  }
0xbf: {  	s31 =	sshll.u32 s1, $0xD;
	s1 =	sshrl.u32 s1, $0x2  }
0xc0: {  	s3 =	sand.u32 $0x4000, s31;
	s1 =	sadd.s32 s1, s30  }
0xc1: {  	s0 =	sor.u32 s3, s0;
	s1 =	sshll.u32 s1, $0x11  }
0xc2: {  	s0 =	sor.u32 s1, s0  }
0xc3: {  	s0 =	sadd.s32 $0x8F2B, s0  }
0xc4: {  	[sflag:s0] =	ssyncadd.remote.s32 $0x1  }
0xc5: {  	_ =	sfence.sel $0xFFFF  }
0xc6: {  	[dreg:$0x0] =	wrdreg $0xFFFFFFFF;
	(pc) =	sbr.abs _section_cstart, $3  }
0xc7: {  	[dreg:$0x1] =	wrdreg $0xFFFFFFFF  }
0xc8: {  	_ =	task.clear_ibuf [dreg:s8], $0x2FFFF;
	_ =	strace $0x9FFFFFFF  }
0xc9: {  	(tm) =	ssettm $0x7FFFFFFF  }
tec
execute0_lowered:
.L_overlay_start_1:
0x0: {  	(tag) =	ssettag $0x1  }
0x1: {  	s0 =	rddreg [dreg:$0x0]  }
0x2: {  	s2 =	rddreg [dreg:$0x1];
	s1 =	srdreg.scid  }
0x3: {  	s13 =	stileid.u32;
	s5 =	rddreg [dreg:$0x2];
	s3 =	simm.s32 $0x0  }
0x4: {  	s28 =	simm.s32 $0x3180;
	s29 =	simm.s32 $0x3200;
	s14 =	smul.u32 $0x30D40, s13  }
0x5: {  	s30 =	simm.s32 $0x5200;
	s31 =	simm.s32 $0x1;
	s16 =	smul.u32 $0xC350, s13  }
0x6: {  	s1 =	sand.u32 $0x1, s1;
	s4 =	sshll.u32 s13, $0x1;
	s21 =	smul.u32 $0x61A80, s13  }
0x7: {  	[smem:$0x7FF] =	sst s3;
	s7 =	sadd.s32 $0x145200, s0;
	s17 =	smul.u32 $0x61A8, s1  }
0x8: {  	s10 =	sadd.s32 $0x3D8E00, s0;
	s4 =	sor.u32 s1, s4;
	s19 =	smul.u32 $0x186A0, s1  }
0x9: {  	_ =	strace $0x8000004D;
	s8 =	ssub.s32 $0x2, s1;
	s6 =	smul.u32 $0x61A8, s4  }
0xa: {  	s1 =	smul.u32 $0x30D40, s1;
	s4 =	sadd.s32 $0x7600, s0;
	s11 =	sshrl.u32 s8, $0x1  }
0xb: {  	s0 =	sadd.s32 $0x9F3600, s0;
	s8 =	ssub.s32 s8, s11;
	s9 =	sadd.s32 $0x6100, s6  }
0xc: {  	s6 =	sadd.s32 $0x6180, s6;
	s18 =	smax.u32 s8, $0x1;
	s12 =	sshrl.u32 s9, $0x3  }
0xd: {  	s25 =	sshll.u32 s9, $0x3;
	[dreg:$0xc] =	wrdreg s18;
	s23 =	sadd.s32 s7, s12  }
0xe: {  	s9 =	sshll.u32 s9, $0x2;
	s24 =	sadd.s32 s5, s12;
	[dreg:$0x4] =	wrdreg s23  }
0xf: {  	s26 =	sshrl.u32 s6, $0x3;
	s11 =	sadd.s32 s10, s25;
	[dreg:$0x5] =	wrdreg s24  }
0x10: {  	s15 =	sshll.u32 s6, $0x3;
	s9 =	sadd.s32 s0, s9;
	[dreg:$0x6] =	wrdreg s11  }
0x11: {  	s6 =	sshll.u32 s6, $0x2;
	s12 =	sadd.s32 s7, s26;
	[dreg:$0x7] =	wrdreg s9  }
0x12: {  	s20 =	sadd.s32 s14, s0;
	s6 =	sadd.s32 s0, s6;
	[dreg:$0x8] =	wrdreg s12  }
0x13: {  	s14 =	sadd.s32 s19, s20;
	s11 =	sadd.s32 s5, s26;
	[dreg:$0xb] =	wrdreg s6  }
0x14: {  	s23 =	sadd.s32 s21, s10;
	[dreg:$0x9] =	wrdreg s11;
	s11 =	sadd.s32 s10, s15  }
0x15: {  	s15 =	sadd.s32 s1, s23;
	[dreg:$0xa] =	wrdreg s11;
	s11 =	sadd.s32 s17, s16  }
0x16: {  	s23 =	simm.s32 $0x80;
	s22 =	sadd.s32 $0x80, s11;
	s24 =	sshrl.u32 s11, $0x3  }
0x17: {  	s1 =	simm.s32 $0x2;
	s6 =	sshrl.u32 s22, $0x3;
	s16 =	sadd.s32 s24, s5  }
0x18: {  	s17 =	sadd.s32 s24, s7;
	s22 =	simm.s32 $0x3;
	s24 =	simm.s32 $0x100  }
0x19: {  	s25 =	sshll.u32 s6, $0x5;
	s26 =	sshll.u32 s6, $0x6;
	s20 =	sadd.s32 s6, s5  }
0x1a: {  	s21 =	sadd.s32 s6, s7;
	s5 =	simm.s32 $0x0;
	s18 =	sadd.s32 s25, s0  }
0x1b: {  	s19 =	sadd.s32 s26, s10;
	s25 =	simm.s32 $0x2100;
	s26 =	simm.s32 $0x3100  }
.LBB2_1:
0x1c: {  	s6 =	sadd.s32 $0x0, s17  }
0x1d: {  	[tilespmem:s3], [sflag:$0x3] =	stream.linear.gather [hbm4b:s6+s3], $0x80, $0x38;
	[tilespmem:$0x6200] =	vst v63  }
0x1e: {  	_ =	swait.ge [sflag:s22], $0x80  }
0x1f: {  	[sflag:s22] =	ssyncset.done $0x0  }
0x20: {  	s11 =	sadd.s32 $0x0, s16;
	[sflag:s22] =	ssyncadd.s32 $0xFFFFFF80  }
0x21: {  	[tilespmem:s23], [sflag:$0x3] =	stream.linear.gather [hbm4b:s11+s3], $0x80, $0x38;
	[tilespmem:$0x6200] =	vst v63  }
0x22: {  	_ =	swait.ge [sflag:s22], $0x80  }
0x23: {  	[sflag:s22] =	ssyncset.done $0x0  }
0x24: {  	[sflag:s22] =	ssyncadd.s32 $0xFFFFFF80  }
0x25: {  	[tilespmem:s24], [sflag:$0x1] =	stream.indirect.gather [hbm4b:s4+s23], $0x40, s3, s23, $0xb8;
	[tilespmem:$0x6200] =	vst v63  }
0x26: {  	_ = 	snop  }
0x27: {  	[tilespmem:s25], [sflag:$0x1] =	stream.indirect.gather [hbm4b:s2+s23], $0x20, s23, s23, $0xb8;
	[tilespmem:$0x6200] =	vst v63  }
0x28: {  	s12 =	sadd.s32 $0x0, s21  }
0x29: {  	[tilespmem:s26], [sflag:$0x3] =	stream.linear.gather [hbm4b:s12+s3], $0x80, $0x38;
	[tilespmem:$0x6200] =	vst v63  }
0x2a: {  	_ =	swait.ge [sflag:s22], $0x80  }
0x2b: {  	[sflag:s22] =	ssyncset.done $0x0  }
0x2c: {  	s13 =	sadd.s32 $0x0, s20;
	[sflag:s22] =	ssyncadd.s32 $0xFFFFFF80  }
0x2d: {  	[tilespmem:s28], [sflag:$0x3] =	stream.linear.gather [hbm4b:s13+s3], $0x80, $0x38;
	[tilespmem:$0x6200] =	vst v63  }
0x2e: {  	_ =	swait.ge [sflag:s22], $0x80  }
0x2f: {  	[sflag:s22] =	ssyncset.done $0x0  }
0x30: {  	[sflag:s22] =	ssyncadd.s32 $0xFFFFFF80  }
0x31: {  	[tilespmem:s29], [sflag:$0x2] =	stream.indirect.gather [hbm4b:s4+s23], $0x40, s26, s23, $0xb8;
	[tilespmem:$0x6200] =	vst v63  }
0x32: {  	_ = 	snop  }
0x33: {  	[tilespmem:s30], [sflag:$0x2] =	stream.indirect.gather [hbm4b:s2+s23], $0x20, s28, s23, $0xb8;
	[tilespmem:$0x6200] =	vst v63  }
0x34: {  	_ =	swait.ge [sflag:s31], $0x2000  }
0x35: {  	[sflag:s31] =	ssyncset.done $0x0  }
0x36: {  	[sflag:s31] =	ssyncadd.s32 $0xFFFFE000  }
0x37: {  	_ =	swait.ge [sflag:s31], $0x1000  }
0x38: {  	[sflag:s31] =	ssyncset.done $0x0  }
0x39: {  	[sflag:s31] =	ssyncadd.s32 $0xFFFFF000  }
0x3a: {  	[hbm4b:s15+s3] =	stream.linear.scatter [tilespmem:s24], [sflag:$0x3], $0x2000, $0x38;
	[tilespmem:$0x6200] =	vst v63  }
0x3b: {  	_ =	swait.ge [sflag:s22], $0x2000  }
0x3c: {  	[sflag:s22] =	ssyncset.done $0x0  }
0x3d: {  	[sflag:s22] =	ssyncadd.s32 $0xFFFFE000  }
0x3e: {  	[hbm4b:s14+s3] =	stream.linear.scatter [tilespmem:s25], [sflag:$0x3], $0x1000, $0x38;
	[tilespmem:$0x6200] =	vst v63  }
0x3f: {  	_ =	swait.ge [sflag:s22], $0x1000  }
0x40: {  	[sflag:s22] =	ssyncset.done $0x0  }
0x41: {  	[sflag:s22] =	ssyncadd.s32 $0xFFFFF000  }
0x42: {  	_ =	swait.ge [sflag:s1], $0x2000  }
0x43: {  	[sflag:s1] =	ssyncset.done $0x0  }
0x44: {  	[sflag:s1] =	ssyncadd.s32 $0xFFFFE000  }
0x45: {  	_ =	swait.ge [sflag:s1], $0x1000  }
0x46: {  	[sflag:s1] =	ssyncset.done $0x0  }
0x47: {  	[sflag:s1] =	ssyncadd.s32 $0xFFFFF000  }
0x48: {  	[hbm4b:s19+s3] =	stream.linear.scatter [tilespmem:s29], [sflag:$0x3], $0x2000, $0x38;
	[tilespmem:$0x6200] =	vst v63  }
0x49: {  	_ =	swait.ge [sflag:s22], $0x2000  }
0x4a: {  	[sflag:s22] =	ssyncset.done $0x0  }
0x4b: {  	s10 =	simm.s32 $0x20;
	s7 =	sadd.s32 $0x800, s19;
	[sflag:s22] =	ssyncadd.s32 $0xFFFFE000  }
0x4c: {  	[hbm4b:s18+s3] =	stream.linear.scatter [tilespmem:s30], [sflag:$0x3], $0x1000, $0x38;
	[tilespmem:$0x6200] =	vst v63  }
0x4d: {  	s8 =	sadd.s32 $0x400, s14;
	s9 =	sadd.s32 $0x800, s15;
	_ =	swait.ge [sflag:s22], $0x1000  }
0x4e: {  	s6 =	sadd.s32 $0x400, s18;
	s11 =	simm.s32 $0x40;
	[sflag:s22] =	ssyncset.done $0x0  }
.LBB2_2:
0x4f: {  	s13 =	sadd.s32 s10, s17  }
0x50: {  	[sflag:s22] =	ssyncadd.s32 $0xFFFFF000;
	s0 =	smov.u32 s11;
	s12 =	sadd.s32 $0x20, s11  }
0x51: {  	[tilespmem:s3], [sflag:$0x3] =	stream.linear.gather [hbm4b:s13+s3], $0x80, $0x38;
	[tilespmem:$0x6200] =	vst v63  }
0x52: {  	p0 =	sne.s32 s11, $0xC00;
	_ =	swait.ge [sflag:s22], $0x80  }
0x53: {  	[sflag:s22] =	ssyncset.done $0x0  }
0x54: {  	s11 =	sadd.s32 s10, s16;
	[sflag:s22] =	ssyncadd.s32 $0xFFFFFF80  }
0x55: {  	[tilespmem:s23], [sflag:$0x3] =	stream.linear.gather [hbm4b:s11+s3], $0x80, $0x38;
	[tilespmem:$0x6200] =	vst v63  }
0x56: {  	_ =	swait.ge [sflag:s22], $0x80  }
0x57: {  	[sflag:s22] =	ssyncset.done $0x0  }
0x58: {  	[sflag:s22] =	ssyncadd.s32 $0xFFFFFF80  }
0x59: {  	[tilespmem:s24], [sflag:$0x1] =	stream.indirect.gather [hbm4b:s4+s23], $0x40, s3, s23, $0xb8;
	[tilespmem:$0x6200] =	vst v63  }
0x5a: {  	_ = 	snop  }
0x5b: {  	[tilespmem:s25], [sflag:$0x1] =	stream.indirect.gather [hbm4b:s2+s23], $0x20, s23, s23, $0xb8;
	[tilespmem:$0x6200] =	vst v63  }
0x5c: {  	s11 =	sadd.s32 s10, s21  }
0x5d: {  	[tilespmem:s26], [sflag:$0x3] =	stream.linear.gather [hbm4b:s11+s3], $0x80, $0x38;
	[tilespmem:$0x6200] =	vst v63  }
0x5e: {  	_ =	swait.ge [sflag:s22], $0x80  }
0x5f: {  	[sflag:s22] =	ssyncset.done $0x0  }
0x60: {  	s11 =	sadd.s32 s10, s20;
	s10 =	smov.u32 s0;
	[sflag:s22] =	ssyncadd.s32 $0xFFFFFF80  }
0x61: {  	[tilespmem:s28], [sflag:$0x3] =	stream.linear.gather [hbm4b:s11+s3], $0x80, $0x38;
	[tilespmem:$0x6200] =	vst v63  }
0x62: {  	_ =	swait.ge [sflag:s22], $0x80  }
0x63: {  	[sflag:s22] =	ssyncset.done $0x0  }
0x64: {  	[sflag:s22] =	ssyncadd.s32 $0xFFFFFF80  }
0x65: {  	[tilespmem:s29], [sflag:$0x2] =	stream.indirect.gather [hbm4b:s4+s23], $0x40, s26, s23, $0xb8;
	[tilespmem:$0x6200] =	vst v63  }
0x66: {  	_ = 	snop  }
0x67: {  	[tilespmem:s30], [sflag:$0x2] =	stream.indirect.gather [hbm4b:s2+s23], $0x20, s28, s23, $0xb8;
	[tilespmem:$0x6200] =	vst v63  }
0x68: {  	_ =	swait.ge [sflag:s31], $0x2000  }
0x69: {  	[sflag:s31] =	ssyncset.done $0x0  }
0x6a: {  	[sflag:s31] =	ssyncadd.s32 $0xFFFFE000  }
0x6b: {  	_ =	swait.ge [sflag:s31], $0x1000  }
0x6c: {  	[sflag:s31] =	ssyncset.done $0x0  }
0x6d: {  	[sflag:s31] =	ssyncadd.s32 $0xFFFFF000  }
0x6e: {  	[hbm4b:s9+s3] =	stream.linear.scatter [tilespmem:s24], [sflag:$0x3], $0x2000, $0x38;
	[tilespmem:$0x6200] =	vst v63  }
0x6f: {  	_ =	swait.ge [sflag:s22], $0x2000  }
0x70: {  	[sflag:s22] =	ssyncset.done $0x0  }
0x71: {  	[sflag:s22] =	ssyncadd.s32 $0xFFFFE000  }
0x72: {  	[hbm4b:s8+s3] =	stream.linear.scatter [tilespmem:s25], [sflag:$0x3], $0x1000, $0x38;
	[tilespmem:$0x6200] =	vst v63  }
0x73: {  	_ =	swait.ge [sflag:s22], $0x1000  }
0x74: {  	[sflag:s22] =	ssyncset.done $0x0  }
0x75: {  	[sflag:s22] =	ssyncadd.s32 $0xFFFFF000  }
0x76: {  	_ =	swait.ge [sflag:s1], $0x2000  }
0x77: {  	[sflag:s1] =	ssyncset.done $0x0  }
0x78: {  	[sflag:s1] =	ssyncadd.s32 $0xFFFFE000  }
0x79: {  	_ =	swait.ge [sflag:s1], $0x1000  }
0x7a: {  	[sflag:s1] =	ssyncset.done $0x0  }
0x7b: {  	[sflag:s1] =	ssyncadd.s32 $0xFFFFF000  }
0x7c: {  	[hbm4b:s7+s3] =	stream.linear.scatter [tilespmem:s29], [sflag:$0x3], $0x2000, $0x38;
	[tilespmem:$0x6200] =	vst v63  }
0x7d: {  	_ =	swait.ge [sflag:s22], $0x2000  }
.Ltmp0:
0x7e: {  	[sflag:s22] =	ssyncset.done $0x0;
	(pc) =	sbr.rel @p0 .LBB2_2-.Ltmp0, $4  }
0x7f: {  	s11 =	smov.u32 s12;
	[sflag:s22] =	ssyncadd.s32 $0xFFFFE000  }
0x80: {  	[hbm4b:s6+s3] =	stream.linear.scatter [tilespmem:s30], [sflag:$0x3], $0x1000, $0x38;
	[tilespmem:$0x6200] =	vst v63  }
0x81: {  	s7 =	sadd.s32 $0x800, s7;
	s6 =	sadd.s32 $0x400, s6;
	_ =	swait.ge [sflag:s22], $0x1000  }
0x82: {  	s9 =	sadd.s32 $0x800, s9;
	s8 =	sadd.s32 $0x400, s8;
	[sflag:s22] =	ssyncset.done $0x0  }
0x83: {  	s0 =	sadd.s32 s10, s17;
	[sflag:s22] =	ssyncadd.s32 $0xFFFFF000  }
0x84: {  	[tilespmem:s3], [sflag:$0x3] =	stream.linear.gather [hbm4b:s0+s3], $0x80, $0x38;
	[tilespmem:$0x6200] =	vst v63  }
0x85: {  	_ =	swait.ge [sflag:s22], $0x80  }
0x86: {  	[sflag:s22] =	ssyncset.done $0x0  }
0x87: {  	s12 =	sadd.s32 s10, s16;
	[sflag:s22] =	ssyncadd.s32 $0xFFFFFF80  }
0x88: {  	[tilespmem:s23], [sflag:$0x3] =	stream.linear.gather [hbm4b:s12+s3], $0x80, $0x38;
	[tilespmem:$0x6200] =	vst v63  }
0x89: {  	_ =	swait.ge [sflag:s22], $0x80  }
0x8a: {  	[sflag:s22] =	ssyncset.done $0x0  }
0x8b: {  	[sflag:s22] =	ssyncadd.s32 $0xFFFFFF80  }
0x8c: {  	[tilespmem:s24], [sflag:$0x1] =	stream.indirect.gather [hbm4b:s4+s23], $0x40, s3, s23, $0xb8;
	[tilespmem:$0x6200] =	vst v63  }
0x8d: {  	_ = 	snop  }
0x8e: {  	[tilespmem:s25], [sflag:$0x1] =	stream.indirect.gather [hbm4b:s2+s23], $0x20, s23, s23, $0xb8;
	[tilespmem:$0x6200] =	vst v63  }
0x8f: {  	s13 =	sadd.s32 s10, s21  }
0x90: {  	[tilespmem:s26], [sflag:$0x3] =	stream.linear.gather [hbm4b:s13+s3], $0x80, $0x38;
	[tilespmem:$0x6200] =	vst v63  }
0x91: {  	_ =	swait.ge [sflag:s22], $0x80  }
0x92: {  	[sflag:s22] =	ssyncset.done $0x0  }
0x93: {  	s11 =	sadd.s32 s10, s20;
	[sflag:s22] =	ssyncadd.s32 $0xFFFFFF80  }
0x94: {  	[tilespmem:s28], [sflag:$0x3] =	stream.linear.gather [hbm4b:s11+s3], $0x80, $0x38;
	[tilespmem:$0x6200] =	vst v63  }
0x95: {  	_ =	swait.ge [sflag:s22], $0x80  }
0x96: {  	[sflag:s22] =	ssyncset.done $0x0  }
0x97: {  	[sflag:s22] =	ssyncadd.s32 $0xFFFFFF80  }
0x98: {  	[tilespmem:s29], [sflag:$0x2] =	stream.indirect.gather [hbm4b:s4+s23], $0x40, s26, s23, $0xb8;
	[tilespmem:$0x6200] =	vst v63  }
0x99: {  	_ = 	snop  }
0x9a: {  	[tilespmem:s30], [sflag:$0x2] =	stream.indirect.gather [hbm4b:s2+s23], $0x20, s28, s23, $0xb8;
	[tilespmem:$0x6200] =	vst v63  }
0x9b: {  	_ =	swait.ge [sflag:s31], $0x2000  }
0x9c: {  	[sflag:s31] =	ssyncset.done $0x0  }
0x9d: {  	[sflag:s31] =	ssyncadd.s32 $0xFFFFE000  }
0x9e: {  	_ =	swait.ge [sflag:s31], $0x1000  }
0x9f: {  	[sflag:s31] =	ssyncset.done $0x0  }
0xa0: {  	[sflag:s31] =	ssyncadd.s32 $0xFFFFF000  }
0xa1: {  	[hbm4b:s9+s3] =	stream.linear.scatter [tilespmem:s24], [sflag:$0x3], $0x2000, $0x38;
	[tilespmem:$0x6200] =	vst v63  }
0xa2: {  	_ =	swait.ge [sflag:s22], $0x2000  }
0xa3: {  	[sflag:s22] =	ssyncset.done $0x0  }
0xa4: {  	[sflag:s22] =	ssyncadd.s32 $0xFFFFE000  }
0xa5: {  	[hbm4b:s8+s3] =	stream.linear.scatter [tilespmem:s25], [sflag:$0x3], $0x1000, $0x38;
	[tilespmem:$0x6200] =	vst v63  }
0xa6: {  	_ =	swait.ge [sflag:s22], $0x1000  }
0xa7: {  	[sflag:s22] =	ssyncset.done $0x0  }
0xa8: {  	[sflag:s22] =	ssyncadd.s32 $0xFFFFF000  }
0xa9: {  	_ =	swait.ge [sflag:s1], $0x2000  }
0xaa: {  	[sflag:s1] =	ssyncset.done $0x0  }
0xab: {  	[sflag:s1] =	ssyncadd.s32 $0xFFFFE000  }
0xac: {  	_ =	swait.ge [sflag:s1], $0x1000  }
0xad: {  	[sflag:s1] =	ssyncset.done $0x0  }
0xae: {  	[sflag:s1] =	ssyncadd.s32 $0xFFFFF000  }
0xaf: {  	[hbm4b:s7+s3] =	stream.linear.scatter [tilespmem:s29], [sflag:$0x3], $0x2000, $0x38;
	[tilespmem:$0x6200] =	vst v63  }
0xb0: {  	_ =	swait.ge [sflag:s22], $0x2000  }
0xb1: {  	[sflag:s22] =	ssyncset.done $0x0  }
0xb2: {  	[sflag:s22] =	ssyncadd.s32 $0xFFFFE000  }
0xb3: {  	[hbm4b:s6+s3] =	stream.linear.scatter [tilespmem:s30], [sflag:$0x3], $0x1000, $0x38;
	[tilespmem:$0x6200] =	vst v63  }
0xb4: {  	_ =	swait.ge [sflag:s22], $0x1000  }
0xb5: {  	[sflag:s22] =	ssyncset.done $0x0  }
0xb6: {  	s12 =	rddreg [dreg:$0x4];
	[sflag:s22] =	ssyncadd.s32 $0xFFFFF000  }
0xb7: {  	[tilespmem:s3], [sflag:$0x3] =	stream.linear.gather [hbm4b:s12+s3], $0x80, $0x38;
	[tilespmem:$0x6200] =	vst v63  }
0xb8: {  	_ =	swait.ge [sflag:s22], $0x80  }
0xb9: {  	[sflag:s22] =	ssyncset.done $0x0  }
0xba: {  	s13 =	rddreg [dreg:$0x5];
	[sflag:s22] =	ssyncadd.s32 $0xFFFFFF80  }
0xbb: {  	[tilespmem:s23], [sflag:$0x3] =	stream.linear.gather [hbm4b:s13+s3], $0x80, $0x38;
	[tilespmem:$0x6200] =	vst v63  }
0xbc: {  	_ =	swait.ge [sflag:s22], $0x80  }
0xbd: {  	[sflag:s22] =	ssyncset.done $0x0  }
0xbe: {  	[sflag:s22] =	ssyncadd.s32 $0xFFFFFF80  }
0xbf: {  	[tilespmem:s24], [sflag:$0x1] =	stream.indirect.gather [hbm4b:s4+s23], $0x40, s3, s23, $0xb8;
	[tilespmem:$0x6200] =	vst v63  }
0xc0: {  	_ = 	snop  }
0xc1: {  	[tilespmem:s25], [sflag:$0x2] =	stream.indirect.gather [hbm4b:s2+s23], $0x20, s23, s23, $0xb8;
	[tilespmem:$0x6200] =	vst v63  }
0xc2: {  	_ =	swait.ge [sflag:s31], $0x2000  }
0xc3: {  	[sflag:s31] =	ssyncset.done $0x0  }
0xc4: {  	[sflag:s31] =	ssyncadd.s32 $0xFFFFE000  }
0xc5: {  	_ =	swait.ge [sflag:s1], $0x1000  }
0xc6: {  	[sflag:s1] =	ssyncset.done $0x0  }
0xc7: {  	s6 =	rddreg [dreg:$0x6];
	[sflag:s1] =	ssyncadd.s32 $0xFFFFF000  }
0xc8: {  	[hbm4b:s6+s3] =	stream.linear.scatter [tilespmem:s24], [sflag:$0x3], $0x2000, $0x38;
	[tilespmem:$0x6200] =	vst v63  }
0xc9: {  	_ =	swait.ge [sflag:s22], $0x2000  }
0xca: {  	[sflag:s22] =	ssyncset.done $0x0  }
0xcb: {  	s7 =	rddreg [dreg:$0x7];
	[sflag:s22] =	ssyncadd.s32 $0xFFFFE000  }
0xcc: {  	[hbm4b:s7+s3] =	stream.linear.scatter [tilespmem:s25], [sflag:$0x3], $0x1000, $0x38;
	[tilespmem:$0x6200] =	vst v63  }
0xcd: {  	_ =	swait.ge [sflag:s22], $0x1000  }
0xce: {  	[sflag:s22] =	ssyncset.done $0x0  }
0xcf: {  	s8 =	rddreg [dreg:$0x8];
	[sflag:s22] =	ssyncadd.s32 $0xFFFFF000  }
0xd0: {  	[tilespmem:s3], [sflag:$0x3] =	stream.linear.gather [hbm4b:s8+s3], $0x28, $0x38;
	[tilespmem:$0x6200] =	vst v63  }
0xd1: {  	_ =	swait.ge [sflag:s22], $0x28  }
0xd2: {  	[sflag:s22] =	ssyncset.done $0x0  }
0xd3: {  	s9 =	rddreg [dreg:$0x9];
	[sflag:s22] =	ssyncadd.s32 $0xFFFFFFD8  }
0xd4: {  	[tilespmem:s23], [sflag:$0x3] =	stream.linear.gather [hbm4b:s9+s3], $0x28, $0x38;
	[tilespmem:$0x6200] =	vst v63  }
0xd5: {  	_ =	swait.ge [sflag:s22], $0x28  }
0xd6: {  	[sflag:s22] =	ssyncset.done $0x0  }
0xd7: {  	s10 =	simm.s32 $0x28;
	[sflag:s22] =	ssyncadd.s32 $0xFFFFFFD8  }
0xd8: {  	[tilespmem:s24], [sflag:$0x1] =	stream.indirect.gather [hbm4b:s4+s10], $0x40, s3, s10, $0xb8;
	[tilespmem:$0x6200] =	vst v63  }
0xd9: {  	_ = 	snop  }
0xda: {  	[tilespmem:s25], [sflag:$0x2] =	stream.indirect.gather [hbm4b:s2+s10], $0x20, s23, s10, $0xb8;
	[tilespmem:$0x6200] =	vst v63  }
0xdb: {  	_ =	swait.ge [sflag:s31], $0xA00  }
0xdc: {  	[sflag:s31] =	ssyncset.done $0x0  }
0xdd: {  	[sflag:s31] =	ssyncadd.s32 $0xFFFFF600  }
0xde: {  	_ =	swait.ge [sflag:s1], $0x500  }
0xdf: {  	[sflag:s1] =	ssyncset.done $0x0  }
0xe0: {  	s11 =	rddreg [dreg:$0xa];
	[sflag:s1] =	ssyncadd.s32 $0xFFFFFB00  }
0xe1: {  	[hbm4b:s11+s3] =	stream.linear.scatter [tilespmem:s24], [sflag:$0x3], $0xA00, $0x38;
	[tilespmem:$0x6200] =	vst v63  }
0xe2: {  	_ =	swait.ge [sflag:s22], $0xA00  }
0xe3: {  	[sflag:s22] =	ssyncset.done $0x0  }
0xe4: {  	s12 =	rddreg [dreg:$0xb];
	[sflag:s22] =	ssyncadd.s32 $0xFFFFF600  }
0xe5: {  	[hbm4b:s12+s3] =	stream.linear.scatter [tilespmem:s25], [sflag:$0x3], $0x500, $0x38;
	[tilespmem:$0x6200] =	vst v63  }
0xe6: {  	_ =	swait.ge [sflag:s22], $0x500  }
0xe7: {  	s5 =	sadd.s32 $0x1, s5;
	s13 =	rddreg [dreg:$0xc]  }
0xe8: {  	p0 =	sne.s32 s5, s13  }
.Ltmp1:
0xe9: {  	_ = 	snop;
	(pc) =	sbr.rel @p0 .LBB2_1-.Ltmp1, $3  }
0xea: {  	_ =	sdelay $0x1  }
0xeb: {  	[sflag:s22] =	ssyncset.done $0x0  }
0xec: {  	[sflag:s22] =	ssyncadd.s32 $0xFFFFFB00  }
0xed: {  	_ =	sfence.sel $0x180000  }
0xee: {  	[bflag:$0x0] =	sbarrier.arrive $0xFFFF  }
0xef: {  	_ =	strace $0x9000004D  }
0xf0: {  	s0 =	stileid.u32;
	[bflag:$0x2] =	sbarrier.arrive $0xFFFF  }
0xf1: {  	p0 =	sne.s32 s0, $0x0;
	s0 =	rddreg [dreg:$0x3]  }
0xf2: {  	s0 =	sadd.s32 @!p0 $0x100000, s0  }
0xf3: {  	[sflag:s0] =	ssyncadd.tile.s32 @!p0 $0x1;
	_ =	shalt  }
.Lfunc_end2:
_tile_overlayer_lowered:
.L_overlay_start_2:
0xf4: {  	(tag) =	ssettag $0x2  }
0xf5: {  	s0 =	rddreg [dreg:$0x0];
	s2 =	stileid.u32  }
0xf6: {  	s1 =	rddreg [dreg:$0x1];
	p0 =	sne.s32 s2, $0x0  }
0xf7: {  	s3 =	rddreg [dreg:$0x2];
	[bflag:$0x3] =	sbarrier.arrive $0xFFFF;
	s2 =	simm.s32 @!p0 $0x1C03  }
0xf8: {  	[timem:s3], [sflag:s2] =	dma.local @!p0 [hbm:s0], s1  }
0xf9: {  	s0 =	simm.s32 @!p0 $0x3  }
0xfa: {  	_ =	swait.ge @!p0 [sflag:s0], s1  }
0xfb: {  	s1 =	ssub.s32 @!p0 $0x0, s1;
	[sflag:s0] =	ssyncset.done @!p0 $0x0  }
0xfc: {  	[sflag:s0] =	ssyncadd.s32 @!p0 s1  }
0xfd: {  	[bflag:$0x3] =	sbarrier.arrive $0xFFFF  }
0xfe: {  	_ =	shalt  }

// kernel: kernel.20.cloned.1.call-start
scs
__scs_entry_jumppad:
0x0: {  	(pc) =	sbr.rel $0x88, $3  }
0x1: {  	(tag) =	ssettag $0x0;
	lr =	simm.s32 $0x1  }
0x2: {  	[smem:$0x3F97] =	sst lr;
	_ =	strace $0xD0000000  }
0x3: {  	_ = 	snop  }
0x4: {  	_ = 	snop  }
0x5: {  	_ = 	snop  }
0x6: {  	_ = 	snop  }
0x7: {  	_ = 	snop  }
__scs_overlays_trampoline_lowered:
0x8: {  	[smem:$0x3FA6] =	sst s0  }
0x9: {  	[smem:$0x3FA7] =	sst s1  }
0xa: {  	[smem:$0x3FA8] =	sst s2  }
0xb: {  	[smem:$0x3FA9] =	sst s3  }
0xc: {  	[smem:$0x3FAA] =	sst s4  }
0xd: {  	[smem:$0x3FAB] =	sst s5  }
0xe: {  	[smem:$0x3FAC] =	sst s6  }
0xf: {  	[smem:$0x3FAD] =	sst s7  }
0x10: {  	[smem:$0x3FAE] =	sst s8  }
0x11: {  	[smem:$0x3FAF] =	sst s9;
	s0 =	simm.s32 @!p0 $0x0  }
0x12: {  	s1 =	sld [smem:$0x3F95];
	s0 =	simm.s32 @p0 $0x1  }
0x13: {  	[smem:$0x3FB0] =	sst s0;
	s0 =	simm.s32 @!p1 $0x0  }
0x14: {  	s2 =	sld [smem:$0x3F94];
	s0 =	simm.s32 @p1 $0x1  }
0x15: {  	[smem:$0x3FB1] =	sst s0;
	s0 =	simm.s32 @!p2 $0x0  }
0x16: {  	s3 =	sld [smem:$0x3FDB];
	s0 =	simm.s32 @p2 $0x1  }
0x17: {  	s4 =	simm.s32 $0x1BF5;
	[smem:$0x3FB3] =	sst s0  }
0x18: {  	s0 =	sld [smem:$0x3F96];
	_ =	swait.ge [sflag:s4], $0x0  }
0x19: {  	s7 =	sld [smem:$0x3F97]  }
0x1a: {  	s8 =	sadd.s32 $0xFFFFE003, lr  }
0x1b: {  	s9 =	sadd.s32 $0xFFFFFEF7, lr;
	s5 =	simm.s32 $0xFFFFFFFF;
	p2 =	slt.u32 s8, $0xFFFFF086  }
0x1c: {  	p1 =	slt.u32 s9, $0xF7A;
	s5 =	simm.s32 @!p2 $0x0  }
0x1d: {  	s5 =	simm.s32 @p1 $0x1;
	p0 =	seq.s32 s7, s2  }
0x1e: {  	s7 =	smul.u32 @!p0 $0xF7A, s2;
	p2 =	seq.s32 @!p0 s5, $0x0  }
0x1f: {  	s9 =	smul.u32 $0xF7A, s1;
	s8 =	simm.s32 @!p0 $0x1BF5;
	p2 =	por !p2, p0  }
0x20: {  	[sflag:s8] =	ssyncset.s32 @!p0 $0xFFFFF086;
	s6 =	sadd.s32 @!p0 s3, s7;
	s7 =	simm.s32 @!p0 $0x108  }
0x21: {  	s3 =	sadd.s32 s3, s9;
	s6 =	sadd.s32 @!p0 $0x88, s6;
	s7 =	simm.s32 @p2 $0x1082  }
0x22: {  	[simem:s7], [sflag:s8] =	dma.local @!p0 [hbm:s6], $0xF7A  }
0x23: {  	s9 =	sor.u32 $0xD0000000, s2;
	s6 =	simm.s32 $0x108;
	_ =	swait.ge @!p0 [sflag:s8], $0x0  }
0x24: {  	s3 =	sadd.s32 $0x88, s3;
	s6 =	simm.s32 @!p1 $0x1082;
	[sflag:s4] =	ssyncset.s32 $0xFFFFF086  }
0x25: {  	[simem:s6], [sflag:s4] =	dma.local [hbm:s3], $0xF7A  }
0x26: {  	[smem:$0x3F97] =	sst s1;
	(tag) =	ssettag s2;
	_ =	strace s9  }
0x27: {  	s1 =	sld [smem:$0x3FA7]  }
0x28: {  	s2 =	sld [smem:$0x3FA8]  }
0x29: {  	s4 =	sld [smem:$0x3FAA]  }
0x2a: {  	p0 =	seq.s32 s5, $0x0;
	s5 =	sld [smem:$0x3FAB]  }
0x2b: {  	s6 =	sld [smem:$0x3FAC]  }
0x2c: {  	s7 =	sld [smem:$0x3FAD]  }
0x2d: {  	s3 =	simm.s32 $0x108;
	s8 =	sld [smem:$0x3FAE]  }
0x2e: {  	s3 =	simm.s32 @!p0 $0x1082;
	s9 =	sld [smem:$0x3FAF]  }
0x2f: {  	lr =	sadd.s32 s0, s3;
	s0 =	sld [smem:$0x3FA6]  }
0x30: {  	s3 =	sld [smem:$0x3FA9]  }
0x31: {  	[smem:$0x3FB2] =	sst s10  }
0x32: {  	s10 =	sld [smem:$0x3FB0];
	_ =	sdelay $0x3  }
0x33: {  	p0 =	seq.s32 s10, $0x1;
	s10 =	sld [smem:$0x3FB2];
	_ =	sdelay $0x3  }
0x34: {  	[smem:$0x3FB2] =	sst s10  }
0x35: {  	s10 =	sld [smem:$0x3FB1];
	_ =	sdelay $0x3  }
0x36: {  	p1 =	seq.s32 s10, $0x1;
	s10 =	sld [smem:$0x3FB2];
	_ =	sdelay $0x3  }
0x37: {  	[smem:$0x3FB2] =	sst s10  }
0x38: {  	s10 =	sld [smem:$0x3FB3]  }
0x39: {  	_ = 	snop;
	(pc) =	sbr.ind lr, $3  }
0x3a: {  	_ = 	snop  }
0x3b: {  	_ = 	snop  }
0x3c: {  	p2 =	seq.s32 s10, $0x1;
	s10 =	sld [smem:$0x3FB2]  }
0x3d: {  	_ =	shalt  }
0x3e: {  	_ =	shalt  }
0x3f: {  	_ =	shalt  }
0x40: {  	_ =	shalt  }
0x41: {  	_ =	shalt  }
0x42: {  	_ =	shalt  }
0x43: {  	_ =	shalt  }
0x44: {  	_ =	shalt  }
0x45: {  	_ =	shalt  }
0x46: {  	_ =	shalt  }
0x47: {  	_ =	shalt  }
0x48: {  	_ =	shalt  }
0x49: {  	_ =	shalt  }
0x4a: {  	_ =	shalt  }
0x4b: {  	_ =	shalt  }
0x4c: {  	_ =	shalt  }
0x4d: {  	_ =	shalt  }
0x4e: {  	_ =	shalt  }
0x4f: {  	_ =	shalt  }
0x50: {  	_ =	shalt  }
0x51: {  	_ =	shalt  }
0x52: {  	_ =	shalt  }
0x53: {  	_ =	shalt  }
0x54: {  	_ =	shalt  }
0x55: {  	_ =	shalt  }
0x56: {  	_ =	shalt  }
0x57: {  	_ =	shalt  }
0x58: {  	_ =	shalt  }
0x59: {  	_ =	shalt  }
0x5a: {  	_ =	shalt  }
0x5b: {  	_ =	shalt  }
0x5c: {  	_ =	shalt  }
0x5d: {  	_ =	shalt  }
0x5e: {  	_ =	shalt  }
0x5f: {  	_ =	shalt  }
0x60: {  	_ =	shalt  }
0x61: {  	_ =	shalt  }
0x62: {  	_ =	shalt  }
0x63: {  	_ =	shalt  }
0x64: {  	_ =	shalt  }
0x65: {  	_ =	shalt  }
0x66: {  	_ =	shalt  }
0x67: {  	_ =	shalt  }
0x68: {  	_ =	shalt  }
0x69: {  	_ =	shalt  }
0x6a: {  	_ =	shalt  }
0x6b: {  	_ =	shalt  }
0x6c: {  	_ =	shalt  }
0x6d: {  	_ =	shalt  }
0x6e: {  	_ =	shalt  }
0x6f: {  	_ =	shalt  }
0x70: {  	_ =	shalt  }
0x71: {  	_ =	shalt  }
0x72: {  	_ =	shalt  }
0x73: {  	_ =	shalt  }
0x74: {  	_ =	shalt  }
0x75: {  	_ =	shalt  }
0x76: {  	_ =	shalt  }
0x77: {  	_ =	shalt  }
0x78: {  	_ =	shalt  }
0x79: {  	_ =	shalt  }
0x7a: {  	_ =	shalt  }
0x7b: {  	_ =	shalt  }
0x7c: {  	_ =	shalt  }
0x7d: {  	_ =	shalt  }
0x7e: {  	_ =	shalt  }
0x7f: {  	_ =	shalt  }
0x80: {  	_ =	shalt  }
0x81: {  	_ =	shalt  }
0x82: {  	_ =	shalt  }
0x83: {  	_ =	shalt  }
0x84: {  	_ =	shalt  }
0x85: {  	_ =	shalt  }
0x86: {  	_ =	shalt  }
0x87: {  	_ =	shalt  }
.Lfunc_end0:
.L_simem_size_0:
called_computation.3_lowered:
.L_overlay_start_0:
0x88: {  	s2 =	sld [smem:$0x3FD9]  }
0x89: {  	s3 =	sld [smem:$0x3FFE];
	_ =	sdelay $0x1  }
0x8a: {  	s1 =	srdreg.scid  }
0x8b: {  	s0 =	sand.u32 $0x1, s1  }
0x8c: {  	s14 =	sshll.u32 s0, $0xA;
	s2 =	sadd.s32 s3, s2  }
0x8d: {  	s2 =	sadd.s32 s2, s14  }
0x8e: {  	[smem:$0x3FBE] =	sst s2  }
0x8f: {  	_ = 	snop  }
0x90: {  	s2 =	sld [smem:$0x3FD0];
	_ =	sdelay $0x2  }
0x91: {  	s15 =	simm.s32 $0xA;
	s4 =	simm.s32 $0x10  }
0x92: {  	[smem:s4], [sflag:s15] =	dma.local [hbm:s2], $0x1  }
0x93: {  	_ =	swait.eq [sflag:s15], $0x1  }
0x94: {  	[sflag:s15] =	ssyncset.done $0x0  }
0x95: {  	[sflag:s15] =	ssyncadd.s32 $0xFFFFFFFF  }
0x96: {  	s16 =	sld [smem:$0x11];
	(tm) =	ssettm $0x1  }
0x97: {  	s17 =	sld [smem:$0x3FFB];
	_ =	sdelay $0x3  }
0x98: {  	_ =	strace s17  }
0x99: {  	s3 =	sld [smem:$0x3FFC];
	_ =	sdelay $0x3  }
0x9a: {  	_ =	strace s3  }
0x9b: {  	s3 =	sld [smem:$0x3FFD];
	_ =	sdelay $0x3  }
0x9c: {  	_ =	strace s3  }
0x9d: {  	_ =	strace $0x8FFFFFFF  }
0x9e: {  	s18 =	sld [smem:$0x3FDB];
	_ =	sdelay $0x1  }
0x9f: {  	s19 =	simm.s32 $_scs_section_size  }
0xa0: {  	s5 =	simm.s32 $_size__tile_overlayer_lowered;
	s6 =	simm.s32 $_tile_overlayer_lowered  }
0xa1: {  	s22 =	simm.s32 $0x1BFF;
	s21 =	sshll.u32 s6, $0x1;
	s3 =	sadd.s32 s19, s18  }
0xa2: {  	s7 =	simm.s32 $0x0;
	s20 =	sshll.u32 s5, $0x1;
	s5 =	sadd.s32 s21, s3  }
0xa3: {  	[timem:s7], [sflag:s22] =	dma.local [hbm:s5], s20  }
0xa4: {  	_ =	swait.ge [sflag:s22], s20  }
0xa5: {  	s4 =	ssub.s32 $0x0, s20;
	[sflag:s22] =	ssyncset.done $0x0  }
0xa6: {  	[sflag:s22] =	ssyncadd.s32 s4;
	_ =	sdelay $0x1  }
0xa7: {  	s23 =	simm.s32 $0x1B8B  }
0xa8: {  	_ =	swait.ge [sflag:s23], $0x1  }
0xa9: {  	[sflag:s23] =	ssyncset.done $0x0  }
0xaa: {  	s25 =	simm.s32 $0x1B8E;
	s24 =	sld [smem:$0x3FFE];
	[sflag:s23] =	ssyncadd.s32 $0xFFFFFFFF  }
0xab: {  	s26 =	simm.s32 $execute0_lowered;
	[smem:$0x3FD2] =	sst s25  }
0xac: {  	s5 =	sshll.u32 s26, $0x1;
	_ =	strace $0x8000004F;
	[dreg:$0x1] =	wrdreg $0xFFFFFFFF  }
0xad: {  	s28 =	simm.s32 $_size_execute0_lowered;
	s3 =	sadd.s32 s3, s5;
	[dreg:$0x0] =	wrdreg $0x0  }
0xae: {  	s5 =	sshll.u32 s28, $0x1;
	[dreg:$0x2] =	wrdreg s3  }
0xaf: {  	[dreg:$0x3] =	wrdreg s5  }
0xb0: {  	[dreg:$0x4] =	wrdreg $0xC0  }
0xb1: {  	_ =	task [dreg:s7], $0x5FFFF  }
0xb2: {  	[dreg:$0x1] =	wrdreg $0xFFFFFFFF  }
0xb3: {  	[dreg:$0x0] =	wrdreg $0x60  }
0xb4: {  	[dreg:$0x2] =	wrdreg s24  }
0xb5: {  	[dreg:$0x3] =	wrdreg s16  }
0xb6: {  	[dreg:$0x4] =	wrdreg $0x9  }
0xb7: {  	_ =	task.clear_ibuf [dreg:s7], $0x5FFFF;
	_ =	strace $0x9000004F  }
0xb8: {  	s29 =	simm.s32 $0x9;
	_ =	strace $0x80000051  }
0xb9: {  	_ =	swait.ge [sflag:s29], $0x1  }
0xba: {  	[sflag:s29] =	ssyncadd.s32 $0xFFFFFFFF  }
0xbb: {  	_ =	strace $0x90000051  }
0xbc: {  	_ =	sfence  }
0xbd: {  	s30 =	sld [smem:$0x0];
	_ =	sdelay $0x2  }
0xbe: {  	s31 =	sshll.u32 s1, $0xD;
	s1 =	sshrl.u32 s1, $0x2  }
0xbf: {  	s3 =	sand.u32 $0x4000, s31;
	s1 =	sadd.s32 s1, s30  }
0xc0: {  	s0 =	sor.u32 s3, s0;
	s1 =	sshll.u32 s1, $0x11  }
0xc1: {  	s0 =	sor.u32 s1, s0  }
0xc2: {  	s0 =	sadd.s32 $0x8F2B, s0  }
0xc3: {  	[sflag:s0] =	ssyncadd.remote.s32 $0x1  }
0xc4: {  	_ =	sfence.sel $0xFFFF  }
0xc5: {  	[dreg:$0x0] =	wrdreg $0xFFFFFFFF;
	(pc) =	sbr.abs _section_cstart, $3  }
0xc6: {  	[dreg:$0x1] =	wrdreg $0xFFFFFFFF  }
0xc7: {  	_ =	task.clear_ibuf [dreg:s7], $0x2FFFF;
	_ =	strace $0x9FFFFFFF  }
0xc8: {  	(tm) =	ssettm $0x7FFFFFFF  }
0xc9: {  	_ =	shalt  }
tec
execute0_lowered:
.L_overlay_start_1:
0x0: {  	(tag) =	ssettag $0x1  }
0x1: {  	s1 =	stileid.u32  }
0x2: {  	p0 =	sgt.u32 s1, $0x8  }
.Ltmp0:
0x3: {  	_ = 	snop;
	(pc) =	sbr.rel @p0 .LBB2_11-.Ltmp0, $4  }
0x4: {  	s6 =	rddreg [dreg:$0x0]  }
0x5: {  	s2 =	rddreg [dreg:$0x1];
	s3 =	simm.s32 $0x0  }
0x6: {  	[smem:$0x7FF] =	sst s3  }
0x7: {  	s0 =	rddreg [dreg:$0x2];
	_ =	strace $0x80000050  }
0x8: {  	s4 =	srdreg.scid;
	s29 =	sshll.u32 s1, $0x1  }
0x9: {  	s11 =	sadd.s32 $0x18EC00, s6;
	s14 =	simm.s32 $0x2EE0;
	s15 =	simm.s32 $0x3E80  }
0xa: {  	s16 =	simm.s32 $0x4E20;
	s17 =	simm.s32 $0x1;
	s9 =	sand.u32 $0x1, s4  }
0xb: {  	s18 =	simm.s32 $0x5DC0;
	s19 =	simm.s32 $0x2;
	s5 =	sor.u32 s9, s29  }
0xc: {  	s20 =	simm.s32 $0x3;
	s21 =	simm.s32 $0x12110;
	s4 =	smul.u32 $0x186A00, s5  }
0xd: {  	s9 =	ssub.s32 $0x2, s9;
	s7 =	sshllo.u32 s5, $0x1;
	s8 =	smul.u32 $0x30D4, s5  }
0xe: {  	s22 =	simm.s32 $0x0;
	s30 =	sshrl.u32 s9, $0x1;
	s10 =	smul.u32 $0x186A, s7  }
0xf: {  	s5 =	sadd.s32 $0xD00A00, s6;
	s6 =	smul.u32 $0xC3500, s7;
	s13 =	ssub.s32 s9, s30  }
0x10: {  	s7 =	sadd.s32 s11, s8;
	s12 =	sshrl.u32 s4, $0x3;
	s8 =	sadd.s32 s11, s10  }
0x11: {  	s31 =	sshrl.u32 s6, $0x3;
	s10 =	sadd.s32 s5, s12;
	s11 =	smax.u32 s13, $0x1  }
0x12: {  	v0 =	vimm.f32 $0.0e+00;
	s12 =	simm.s32 $0xFA0;
	s13 =	simm.s32 $0x1F40;
	s9 =	sadd.s32 s5, s31  }
.LBB2_2:
0x13: {  	s23 =	simm.s32 $0x40;
	s24 =	simm.s32 $0x0  }
.LBB2_3:
0x14: {  	p0 =	sne.s32 s23, $0x61A40;
	[tilespmem:s24+$0x5DC0] =	vst v0;
	s24 =	smov.u32 s23;
	s23 =	sadd.s32 $0x40, s23  }
.Ltmp1:
0x15: {  	(pc) =	sbr.rel @p0 .LBB2_3-.Ltmp1, $2  }
0x16: {  	_ =	sdelay $0x2  }
0x17: {  	s24 =	sshra.s32 s24, $0x2  }
0x18: {  	[tilespmem:s24+$0x5DC0] =	vst v0;
	s23 =	simm.s32 $0x0  }
0x19: {  	[tilespmem:s23], [sflag:$0x1] =	stream.linear.gather [hbm4b:s2+s23], $0xFA0, $0x38;
	[tilespmem:$0x1E460] =	vst v63  }
0x1a: {  	_ = 	snop  }
0x1b: {  	[tilespmem:s12], [sflag:$0x1] =	stream.linear.gather [hbm4b:s10+s23], $0xFA0, $0x38;
	[tilespmem:$0x1E460] =	vst v63  }
0x1c: {  	_ = 	snop  }
0x1d: {  	[tilespmem:s13], [sflag:$0x1] =	stream.linear.gather [hbm4b:s9+s23], $0xFA0, $0x38;
	[tilespmem:$0x1E460] =	vst v63  }
.LBB2_5:
0x1e: {  	s24 =	smul.u32 $0x1F40, s23;
	_ =	sdelay $0x1  }
0x1f: {  	s25 =	sadd.s32 $0xFA0, s24  }
0x20: {  	s26 =	sshrl.u32 s25, $0x3  }
0x21: {  	s31 =	sadd.s32 s4, s25;
	s26 =	sadd.s32 s2, s26  }
0x22: {  	[tilespmem:s14], [sflag:$0x2] =	stream.linear.gather [hbm4b:s26+s3], $0xFA0, $0x38;
	[tilespmem:$0x1E460] =	vst v63  }
0x23: {  	s25 =	sadd.s32 s6, s25;
	s26 =	sshrl.u32 s31, $0x3  }
0x24: {  	s25 =	sshrl.u32 s25, $0x3;
	s26 =	sadd.s32 s5, s26  }
0x25: {  	[tilespmem:s15], [sflag:$0x2] =	stream.linear.gather [hbm4b:s26+s3], $0xFA0, $0x38;
	[tilespmem:$0x1E460] =	vst v63  }
0x26: {  	s25 =	sadd.s32 s5, s25  }
0x27: {  	[tilespmem:s16], [sflag:$0x2] =	stream.linear.gather [hbm4b:s25+s3], $0xFA0, $0x38;
	[tilespmem:$0x1E460] =	vst v63  }
0x28: {  	_ =	swait.ge [sflag:s17], $0xFA0  }
0x29: {  	[sflag:s17] =	ssyncset.done $0x0  }
0x2a: {  	[sflag:s17] =	ssyncadd.s32 $0xFFFFF060  }
0x2b: {  	_ =	swait.ge [sflag:s17], $0xFA0  }
0x2c: {  	[sflag:s17] =	ssyncset.done $0x0  }
0x2d: {  	[sflag:s17] =	ssyncadd.s32 $0xFFFFF060  }
0x2e: {  	_ =	swait.ge [sflag:s17], $0xFA0  }
0x2f: {  	s28 =	simm.s32 $0xFC0;
	s29 =	simm.s32 $0x1F60;
	[sflag:s17] =	ssyncset.done $0x0  }
0x30: {  	s26 =	simm.s32 $0x20;
	s25 =	simm.s32 $0xFFFFFFFC;
	[sflag:s17] =	ssyncadd.s32 $0xFFFFF060  }
.LBB2_6:
0x31: {  	v1 =	vld [tilespmem:s26+$0xFFFFFFE0];
	_ =	sdelay $0x2  }
0x32: {  	v2 =	vld [tilespmem:s28+$0xFFFFFFE0];
	_ =	sdelay $0x4  }
0x33: {  	[tilespmem:v1+s18+$0x0] =	vst.idx.add.f32.msk $0xffff, v2  }
0x34: {  	v1 =	vadd.s32 $0xC350, v1;
	v2 =	vld [tilespmem:s29+$0xFFFFFFE0];
	_ =	sdelay $0x4  }
0x35: {  	[tilespmem:v1+s18+$0x0] =	vst.idx.add.f32.msk $0xffff, v2  }
0x36: {  	v1 =	vld [tilespmem:s26+$0xFFFFFFF0];
	_ =	sdelay $0x2  }
0x37: {  	v2 =	vld [tilespmem:s28+$0xFFFFFFF0];
	_ =	sdelay $0x4  }
0x38: {  	[tilespmem:v1+s18+$0x0] =	vst.idx.add.f32.msk $0xffff, v2  }
0x39: {  	v1 =	vadd.s32 $0xC350, v1;
	v2 =	vld [tilespmem:s29+$0xFFFFFFF0];
	_ =	sdelay $0x4  }
0x3a: {  	[tilespmem:v1+s18+$0x0] =	vst.idx.add.f32.msk $0xffff, v2  }
0x3b: {  	v1 =	vld [tilespmem:s26+$0x0];
	_ =	sdelay $0x2  }
0x3c: {  	v2 =	vld [tilespmem:s28+$0x0];
	_ =	sdelay $0x4  }
0x3d: {  	[tilespmem:v1+s18+$0x0] =	vst.idx.add.f32.msk $0xffff, v2  }
0x3e: {  	v1 =	vadd.s32 $0xC350, v1;
	v2 =	vld [tilespmem:s29+$0x0];
	_ =	sdelay $0x4  }
0x3f: {  	[tilespmem:v1+s18+$0x0] =	vst.idx.add.f32.msk $0xffff, v2  }
0x40: {  	v1 =	vld [tilespmem:s26+$0x10];
	_ =	sdelay $0x2  }
0x41: {  	v2 =	vld [tilespmem:s28+$0x10];
	_ =	sdelay $0x4  }
0x42: {  	s25 =	sadd.s32 $0x4, s25;
	[tilespmem:v1+s18+$0x0] =	vst.idx.add.f32.msk $0xffff, v2  }
0x43: {  	p0 =	slt.u32 s25, $0xF4;
	v1 =	vadd.s32 $0xC350, v1;
	v2 =	vld [tilespmem:s29+$0x10]  }
.Ltmp2:
0x44: {  	_ = 	snop;
	(pc) =	sbr.rel @p0 .LBB2_6-.Ltmp2, $2  }
0x45: {  	_ =	sdelay $0x2  }
0x46: {  	s26 =	sadd.s32 $0x40, s26;
	s28 =	sadd.s32 $0x40, s28;
	s29 =	sadd.s32 $0x40, s29;
	[tilespmem:v1+s18+$0x0] =	vst.idx.add.f32.msk $0xffff, v2  }
0x47: {  	v1 =	vld [tilespmem:$0xF80];
	_ =	sdelay $0x2  }
0x48: {  	v2 =	vld [tilespmem:$0x1F20];
	_ =	sdelay $0x4  }
0x49: {  	[tilespmem:v1+s18+$0x0] =	vst.idx.add.f32.msk $0xffff, v2  }
0x4a: {  	v1 =	vadd.s32 $0xC350, v1;
	v2 =	vld [tilespmem:$0x2EC0];
	_ =	sdelay $0x4  }
0x4b: {  	[tilespmem:v1+s18+$0x0] =	vst.idx.add.f32.msk $0xffff, v2  }
0x4c: {  	v1 =	vld [tilespmem:$0xF90];
	_ =	sdelay $0x2  }
0x4d: {  	v2 =	vld [tilespmem:$0x1F30];
	_ =	sdelay $0x4  }
0x4e: {  	[tilespmem:v1+s18+$0x0] =	vst.idx.add.f32.msk $0xffff, v2  }
0x4f: {  	v1 =	vadd.s32 $0xC350, v1;
	v2 =	vld [tilespmem:$0x2ED0];
	_ =	sdelay $0x1  }
0x50: {  	p0 =	seq.s32 s23, $0x63  }
0x51: {  	s24 =	sadd.s32 @!p0 $0x1F40, s24  }
0x52: {  	s25 =	sshrl.u32 @!p0 s24, $0x3  }
0x53: {  	s26 =	simm.s32 @!p0 $0x0;
	s25 =	sadd.s32 @!p0 s2, s25;
	[tilespmem:v1+s18+$0x0] =	vst.idx.add.f32.msk $0xffff, v2  }
0x54: {  	[tilespmem:s26], [sflag:$0x1] =	stream.linear.gather @!p0 [hbm4b:s25+s26], $0xFA0, $0x38;
	[tilespmem:$0x1E460] =	vst v63  }
0x55: {  	s25 =	sadd.s32 @!p0 s4, s24  }
0x56: {  	s24 =	sadd.s32 @!p0 s6, s24;
	s25 =	sshrl.u32 @!p0 s25, $0x3  }
0x57: {  	s28 =	simm.s32 @!p0 $0xFA0;
	s24 =	sshrl.u32 @!p0 s24, $0x3;
	s25 =	sadd.s32 @!p0 s5, s25  }
0x58: {  	[tilespmem:s28], [sflag:$0x1] =	stream.linear.gather @!p0 [hbm4b:s25+s26], $0xFA0, $0x38;
	[tilespmem:$0x1E460] =	vst v63  }
0x59: {  	s24 =	sadd.s32 @!p0 s5, s24;
	s25 =	simm.s32 @!p0 $0x1F40  }
0x5a: {  	[tilespmem:s25], [sflag:$0x1] =	stream.linear.gather @!p0 [hbm4b:s24+s26], $0xFA0, $0x38;
	[tilespmem:$0x1E460] =	vst v63  }
0x5b: {  	_ =	swait.ge [sflag:s19], $0xFA0  }
0x5c: {  	[sflag:s19] =	ssyncset.done $0x0  }
0x5d: {  	[sflag:s19] =	ssyncadd.s32 $0xFFFFF060  }
0x5e: {  	_ =	swait.ge [sflag:s19], $0xFA0  }
0x5f: {  	[sflag:s19] =	ssyncset.done $0x0  }
0x60: {  	[sflag:s19] =	ssyncadd.s32 $0xFFFFF060  }
0x61: {  	_ =	swait.ge [sflag:s19], $0xFA0  }
0x62: {  	s28 =	simm.s32 $0x4E40;
	s24 =	simm.s32 $0xFFFFFFFC;
	[sflag:s19] =	ssyncset.done $0x0  }
0x63: {  	s25 =	simm.s32 $0x2F00;
	s26 =	simm.s32 $0x3EA0;
	[sflag:s19] =	ssyncadd.s32 $0xFFFFF060  }
.LBB2_8:
0x64: {  	v1 =	vld [tilespmem:s25+$0xFFFFFFE0];
	_ =	sdelay $0x2  }
0x65: {  	v2 =	vld [tilespmem:s26+$0xFFFFFFE0];
	_ =	sdelay $0x4  }
0x66: {  	[tilespmem:v1+s18+$0x0] =	vst.idx.add.f32.msk $0xffff, v2  }
0x67: {  	v1 =	vadd.s32 $0xC350, v1;
	v2 =	vld [tilespmem:s28+$0xFFFFFFE0];
	_ =	sdelay $0x4  }
0x68: {  	[tilespmem:v1+s18+$0x0] =	vst.idx.add.f32.msk $0xffff, v2  }
0x69: {  	v1 =	vld [tilespmem:s25+$0xFFFFFFF0];
	_ =	sdelay $0x2  }
0x6a: {  	v2 =	vld [tilespmem:s26+$0xFFFFFFF0];
	_ =	sdelay $0x4  }
0x6b: {  	[tilespmem:v1+s18+$0x0] =	vst.idx.add.f32.msk $0xffff, v2  }
0x6c: {  	v1 =	vadd.s32 $0xC350, v1;
	v2 =	vld [tilespmem:s28+$0xFFFFFFF0];
	_ =	sdelay $0x4  }
0x6d: {  	[tilespmem:v1+s18+$0x0] =	vst.idx.add.f32.msk $0xffff, v2  }
0x6e: {  	v1 =	vld [tilespmem:s25+$0x0];
	_ =	sdelay $0x2  }
0x6f: {  	v2 =	vld [tilespmem:s26+$0x0];
	_ =	sdelay $0x4  }
0x70: {  	[tilespmem:v1+s18+$0x0] =	vst.idx.add.f32.msk $0xffff, v2  }
0x71: {  	v1 =	vadd.s32 $0xC350, v1;
	v2 =	vld [tilespmem:s28+$0x0];
	_ =	sdelay $0x4  }
0x72: {  	[tilespmem:v1+s18+$0x0] =	vst.idx.add.f32.msk $0xffff, v2  }
0x73: {  	v1 =	vld [tilespmem:s25+$0x10];
	_ =	sdelay $0x2  }
0x74: {  	v2 =	vld [tilespmem:s26+$0x10];
	_ =	sdelay $0x4  }
0x75: {  	s24 =	sadd.s32 $0x4, s24;
	[tilespmem:v1+s18+$0x0] =	vst.idx.add.f32.msk $0xffff, v2  }
0x76: {  	p0 =	slt.u32 s24, $0xF4;
	v1 =	vadd.s32 $0xC350, v1;
	v2 =	vld [tilespmem:s28+$0x10]  }
.Ltmp3:
0x77: {  	_ = 	snop;
	(pc) =	sbr.rel @p0 .LBB2_8-.Ltmp3, $2  }
0x78: {  	_ =	sdelay $0x2  }
0x79: {  	s25 =	sadd.s32 $0x40, s25;
	s26 =	sadd.s32 $0x40, s26;
	s28 =	sadd.s32 $0x40, s28;
	[tilespmem:v1+s18+$0x0] =	vst.idx.add.f32.msk $0xffff, v2  }
0x7a: {  	v1 =	vld [tilespmem:$0x3E60];
	_ =	sdelay $0x2  }
0x7b: {  	v2 =	vld [tilespmem:$0x4E00];
	_ =	sdelay $0x4  }
0x7c: {  	[tilespmem:v1+s18+$0x0] =	vst.idx.add.f32.msk $0xffff, v2  }
0x7d: {  	v1 =	vadd.s32 $0xC350, v1;
	v2 =	vld [tilespmem:$0x5DA0];
	_ =	sdelay $0x4  }
0x7e: {  	[tilespmem:v1+s18+$0x0] =	vst.idx.add.f32.msk $0xffff, v2  }
0x7f: {  	v1 =	vld [tilespmem:$0x3E70];
	_ =	sdelay $0x2  }
0x80: {  	v2 =	vld [tilespmem:$0x4E10];
	_ =	sdelay $0x4  }
0x81: {  	s23 =	sadd.s32 $0x1, s23;
	[tilespmem:v1+s18+$0x0] =	vst.idx.add.f32.msk $0xffff, v2  }
0x82: {  	p0 =	sne.s32 s23, $0x64;
	v1 =	vadd.s32 $0xC350, v1;
	v2 =	vld [tilespmem:$0x5DB0]  }
.Ltmp4:
0x83: {  	_ = 	snop;
	(pc) =	sbr.rel @p0 .LBB2_5-.Ltmp4, $2  }
0x84: {  	_ =	sdelay $0x2  }
0x85: {  	[tilespmem:v1+s18+$0x0] =	vst.idx.add.f32.msk $0xffff, v2  }
0x86: {  	[hbm4b:s7+s3] =	stream.linear.scatter [tilespmem:s18], [sflag:$0x3], $0xC350, $0x38;
	[tilespmem:$0x1E460] =	vst v63  }
0x87: {  	s22 =	sadd.s32 $0x1, s22;
	_ =	swait.ge [sflag:s20], $0xC350  }
0x88: {  	p0 =	sne.s32 s22, s11;
	[sflag:s20] =	ssyncset.done $0x0  }
.Ltmp5:
0x89: {  	[sflag:s20] =	ssyncadd.s32 $0xFFFF3CB0;
	(pc) =	sbr.rel @p0 .LBB2_2-.Ltmp5, $4  }
0x8a: {  	[hbm4b:s8+s3] =	stream.linear.scatter [tilespmem:s21], [sflag:$0x3], $0xC350, $0x38;
	[tilespmem:$0x1E460] =	vst v63  }
0x8b: {  	_ =	swait.ge [sflag:s20], $0xC350  }
0x8c: {  	[sflag:s20] =	ssyncset.done $0x0  }
0x8d: {  	[sflag:s20] =	ssyncadd.s32 $0xFFFF3CB0  }
.LBB2_11:
0x8e: {  	_ =	sfence.sel $0x180000  }
0x8f: {  	[bflag:$0x0] =	sbarrier.arrive $0xFFFF  }
0x90: {  	p0 =	sne.s32 s1, $0x0;
	_ =	strace $0x90000050  }
0x91: {  	s0 =	sadd.s32 @!p0 $0x100000, s0;
	[bflag:$0x2] =	sbarrier.arrive $0xFFFF  }
0x92: {  	[sflag:s0] =	ssyncadd.tile.s32 @!p0 $0x1;
	_ =	shalt  }
.Lfunc_end2:
_tile_overlayer_lowered:
.L_overlay_start_2:
0x93: {  	(tag) =	ssettag $0x2  }
0x94: {  	s0 =	rddreg [dreg:$0x0];
	s2 =	stileid.u32  }
0x95: {  	s1 =	rddreg [dreg:$0x1];
	p0 =	sne.s32 s2, $0x0  }
0x96: {  	s3 =	rddreg [dreg:$0x2];
	[bflag:$0x3] =	sbarrier.arrive $0xFFFF;
	s2 =	simm.s32 @!p0 $0x1C03  }
0x97: {  	[timem:s3], [sflag:s2] =	dma.local @!p0 [hbm:s0], s1  }
0x98: {  	s0 =	simm.s32 @!p0 $0x3  }
0x99: {  	_ =	swait.ge @!p0 [sflag:s0], s1  }
0x9a: {  	s1 =	ssub.s32 @!p0 $0x0, s1;
	[sflag:s0] =	ssyncset.done @!p0 $0x0  }
0x9b: {  	[sflag:s0] =	ssyncadd.s32 @!p0 s1  }
0x9c: {  	[bflag:$0x3] =	sbarrier.arrive $0xFFFF  }
0x9d: {  	_ =	shalt  }

</sc_bundles>
